<compile_context>
chip_gen: v7x
topology: tpu7x:2x2x1
jax: 0.10.2.dev20260603
libtpu: 0.0.44.dev20260713+nightly
codegen_flags: <defaults>
</compile_context>

<pallas_src>
import functools

import jax
import jax.numpy as jnp
import numpy as np
from jax import lax
from jax.experimental import pallas as pl
from jax.experimental.pallas import tpu as pltpu
from jax.experimental.pallas import tpu_sc as plsc

N = 10000
E = 320000
IN_DIM = 128
EMB_DIM = 64
HID_DIM = 128
DROW = 208
BETA_POS = 0.1
BETA_NEG = -0.1
SCALE = float(np.sqrt(IN_DIM))

NC = 2
NS = 16
LANES = 16

EPT = E // NS
EB = 32
NBLK = EPT // EB
NGRP = EB // LANES
RSTRIDE = 624
RSPAN = 640

F32 = jnp.float32
I32 = jnp.int32


def _tables_body(h_ref, emb_ref, wqt_ref, bq_ref, wkt_ref, bk_ref, wt_ref,
                 b_ref, u_ref, u_out_ref, v_out_ref, hp_out_ref):
    x = h_ref[...]
    emb = emb_ref[...]
    wqt = wqt_ref[0]
    wkt = wkt_ref[0]
    wt = wt_ref[0]
    u = u_ref[0]
    q = jnp.dot(x, wqt, preferred_element_type=F32) + bq_ref[0]
    k = jnp.dot(x, wkt, preferred_element_type=F32) + bk_ref[0]
    p = jnp.sum(emb * u, axis=1, keepdims=True)
    pad = jnp.zeros((x.shape[0], DROW - IN_DIM - EMB_DIM - 1), dtype=F32)
    u_out_ref[...] = jnp.concatenate([q, emb, p, pad], axis=1)
    v_out_ref[...] = jnp.concatenate([k, emb, p, pad], axis=1)
    hp_out_ref[...] = jnp.dot(x, wt, preferred_element_type=F32) + b_ref[0]


def _build_tables(h, emb, wqt_s, bq_s, wkt_s, bk_s, wt_s, b_s, u_s):
    RB = 1000
    grid = (2, N // RB)
    return pl.pallas_call(
        _tables_body,
        grid=grid,
        in_specs=[
            pl.BlockSpec((RB, IN_DIM), lambda t, i: (i, 0)),
            pl.BlockSpec((RB, EMB_DIM), lambda t, i: (i, 0)),
            pl.BlockSpec((1, IN_DIM, IN_DIM), lambda t, i: (t, 0, 0)),
            pl.BlockSpec((1, 1, IN_DIM), lambda t, i: (t, 0, 0)),
            pl.BlockSpec((1, IN_DIM, IN_DIM), lambda t, i: (t, 0, 0)),
            pl.BlockSpec((1, 1, IN_DIM), lambda t, i: (t, 0, 0)),
            pl.BlockSpec((1, IN_DIM, HID_DIM), lambda t, i: (t, 0, 0)),
            pl.BlockSpec((1, 1, HID_DIM), lambda t, i: (t, 0, 0)),
            pl.BlockSpec((1, 1, EMB_DIM), lambda t, i: (t, 0, 0)),
        ],
        out_specs=[
            pl.BlockSpec((RB, DROW), lambda t, i: (t * (N // RB) + i, 0)),
            pl.BlockSpec((RB, DROW), lambda t, i: (t * (N // RB) + i, 0)),
            pl.BlockSpec((RB, HID_DIM), lambda t, i: (t * (N // RB) + i, 0)),
        ],
        out_shape=[
            jax.ShapeDtypeStruct((2 * N, DROW), F32),
            jax.ShapeDtypeStruct((2 * N, DROW), F32),
            jax.ShapeDtypeStruct((2 * N, HID_DIM), F32),
        ],
    )(h, emb, wqt_s, bq_s, wkt_s, bk_s, wt_s, b_s, u_s)


def _iota16():
    return lax.broadcasted_iota(I32, (LANES,), 0)


def _sc_body(edges_ref, u_tab_ref, v_tab_ref, hp_ref, zeros_ref, msgs_ref,
             urows, vrows, prow, scores_v, src_raw, dst_raw, src_b, dst_b,
             mb_v, splat_tmp, acc_sh, maxbuf, sumbuf, sem_u, sem_v, sem_p):
    c = lax.axis_index("c")
    s = lax.axis_index("s")
    c_n = c * N
    beta = jnp.where(c == 0, BETA_POS, BETA_NEG).astype(F32)
    edge_base = c * (2 * E) + s * EPT

    pltpu.sync_copy(zeros_ref.at[pl.ds(s * RSTRIDE, RSPAN), :],
                    acc_sh.at[pl.ds(s * RSTRIDE, RSPAN), :])

    iota = _iota16()

    def stage_indices(b, bias_dst):
        base = edge_base + b * EB
        pltpu.sync_copy(edges_ref.at[pl.ds(base, EB)], src_raw)
        pltpu.sync_copy(edges_ref.at[pl.ds(base + E, EB)], dst_raw)
        for k in range(EB // LANES):
            sl = pl.ds(k * LANES, LANES)
            src_b[sl] = src_raw[sl] + c_n
            if bias_dst:
                dst_b[sl] = dst_raw[sl] + c_n

    @pl.loop(0, NBLK)
    def _pass1(b):
        stage_indices(b, bias_dst=True)
        cp_u = pltpu.async_copy(u_tab_ref.at[src_b], urows, sem_u)
        cp_v = pltpu.async_copy(v_tab_ref.at[dst_b], vrows, sem_v)
        cp_u.wait()
        cp_v.wait()

        @pl.loop(0, NGRP)
        def _grp(g):
            rows = iota + g * LANES
            qk0 = jnp.zeros((LANES,), F32)
            qk1 = jnp.zeros((LANES,), F32)
            qk2 = jnp.zeros((LANES,), F32)
            qk3 = jnp.zeros((LANES,), F32)
            for f in range(0, IN_DIM, 4):
                for j in range(4):
                    col = jnp.full((LANES,), f + j, I32)
                    qv = plsc.load_gather(urows, [rows, col])
                    kv = plsc.load_gather(vrows, [rows, col])
                    if j == 0:
                        qk0 = qk0 + qv * kv
                    elif j == 1:
                        qk1 = qk1 + qv * kv
                    elif j == 2:
                        qk2 = qk2 + qv * kv
                    else:
                        qk3 = qk3 + qv * kv
            qk = (qk0 + qk1) + (qk2 + qk3)
            e20 = jnp.zeros((LANES,), F32)
            e21 = jnp.zeros((LANES,), F32)
            for f in range(0, EMB_DIM, 2):
                for j in range(2):
                    col = jnp.full((LANES,), IN_DIM + f + j, I32)
                    ev = plsc.load_gather(urows, [rows, col])
                    fv = plsc.load_gather(vrows, [rows, col])
                    dv = fv - ev
                    if j == 0:
                        e20 = e20 + dv * dv
                    else:
                        e21 = e21 + dv * dv
            e2 = e20 + e21
            colp = jnp.full((LANES,), IN_DIM + EMB_DIM, I32)
            pu = plsc.load_gather(urows, [rows, colp])
            pv = plsc.load_gather(vrows, [rows, colp])
            asym = pv - pu
            e2c = jnp.maximum(e2, 1e-30)
            yi = jnp.full((LANES,), 0x5F3759DF, I32) - (
                plsc.bitcast(e2c, I32) >> 1)
            y = plsc.bitcast(yi, F32)
            half = 0.5 * e2c
            for _ in range(3):
                y = y * (1.5 - half * y * y)
            euclid = e2c * y
            d = euclid + beta * asym
            sc = jnp.exp(-d) * qk / SCALE
            scores_v[pl.ds(b * EB + g * LANES, LANES)] = sc

    neg_inf = jnp.full((LANES,), -3.0e38, F32)

    @pl.loop(0, EPT // LANES, init_carry=neg_inf)
    def _lmax(i, mv):
        return jnp.maximum(mv, scores_v[pl.ds(i * LANES, LANES)])

    lmax = jnp.max(_lmax)
    splat_tmp[0, :] = jnp.full((LANES,), lmax, F32)
    pltpu.sync_copy(splat_tmp, maxbuf.at[pl.ds(s, 1), :])
    plsc.subcore_barrier()
    pltpu.sync_copy(maxbuf, mb_v)
    gmax = neg_inf
    for r in range(NS):
        gmax = jnp.maximum(gmax, mb_v[r, :])

    zero16 = jnp.zeros((LANES,), F32)

    @pl.loop(0, EPT // LANES, init_carry=zero16)
    def _lsum(i, sv):
        return sv + jnp.exp(scores_v[pl.ds(i * LANES, LANES)] - gmax)

    lsum = jnp.sum(_lsum)
    splat_tmp[0, :] = jnp.full((LANES,), lsum, F32)
    pltpu.sync_copy(splat_tmp, sumbuf.at[pl.ds(s, 1), :])
    plsc.subcore_barrier()
    pltpu.sync_copy(sumbuf, mb_v)
    gsum = zero16
    for r in range(NS):
        gsum = gsum + mb_v[r, :]
    inv_sum = 1.0 / gsum

    @pl.loop(0, EPT // LANES)
    def _att(i):
        sl = pl.ds(i * LANES, LANES)
        scores_v[sl] = jnp.exp(scores_v[sl] - gmax) * inv_sum

    @pl.loop(0, NBLK)
    def _pass2(b):
        stage_indices(b, bias_dst=False)
        cp_p = pltpu.async_copy(hp_ref.at[src_b], prow, sem_p)
        cp_p.wait()

        @pl.loop(0, EB)
        def _edge(e):
            att = plsc.load_gather(scores_v, [jnp.full((LANES,), b * EB + e, I32)])
            row = jnp.full((LANES,), e, I32)
            for ch in range(HID_DIM // LANES):
                col = iota + ch * LANES
                v = plsc.load_gather(prow, [row, col])
                plsc.store_scatter(prow, [row, col], v * att)

        pltpu.sync_copy(prow, acc_sh.at[dst_raw], add=True)

    plsc.subcore_barrier()
    pltpu.sync_copy(acc_sh.at[pl.ds(s * RSTRIDE, RSPAN), :],
                    msgs_ref.at[pl.ds(c * N + s * RSTRIDE, RSPAN), :])


def _sc_stage(edges_flat, u_tab, v_tab, hp_tab, zeros):
    mesh = plsc.VectorSubcoreMesh(core_axis_name="c", subcore_axis_name="s",
                                  num_cores=NC, num_subcores=NS)
    f = pl.kernel(
        _sc_body,
        out_type=jax.ShapeDtypeStruct((2 * N, HID_DIM), F32),
        mesh=mesh,
        compiler_params=pltpu.CompilerParams(use_tc_tiling_on_sc=False,
                                             needs_layout_passes=False),
        scratch_types=[
            pltpu.VMEM((EB, DROW), F32),
            pltpu.VMEM((EB, DROW), F32),
            pltpu.VMEM((EB, HID_DIM), F32),
            pltpu.VMEM((EPT,), F32),
            pltpu.VMEM((EB,), I32),
            pltpu.VMEM((EB,), I32),
            pltpu.VMEM((EB,), I32),
            pltpu.VMEM((EB,), I32),
            pltpu.VMEM((NS, LANES), F32),
            pltpu.VMEM((1, LANES), F32),
            pltpu.VMEM_SHARED((N, HID_DIM), F32),
            pltpu.VMEM_SHARED((NS, LANES), F32),
            pltpu.VMEM_SHARED((NS, LANES), F32),
            pltpu.SemaphoreType.DMA,
            pltpu.SemaphoreType.DMA,
            pltpu.SemaphoreType.DMA,
        ],
    )
    return f(edges_flat, u_tab, v_tab, hp_tab, zeros)


def _combine_body(h_ref, m0_ref, m1_ref, wst_ref, bs_ref, out_ref):
    x = h_ref[...]
    self_msg = jnp.dot(x, wst_ref[...], preferred_element_type=F32) + bs_ref[...]
    out_ref[...] = jnp.maximum(m0_ref[...] + m1_ref[...] + self_msg, 0.0)


def _combine(h, msgs, wst, bs):
    RB = 1000
    return pl.pallas_call(
        _combine_body,
        grid=(N // RB,),
        in_specs=[
            pl.BlockSpec((RB, IN_DIM), lambda i: (i, 0)),
            pl.BlockSpec((RB, HID_DIM), lambda i: (i, 0)),
            pl.BlockSpec((RB, HID_DIM), lambda i: (N // RB + i, 0)),
            pl.BlockSpec((IN_DIM, HID_DIM), lambda i: (0, 0)),
            pl.BlockSpec((1, HID_DIM), lambda i: (0, 0)),
        ],
        out_specs=pl.BlockSpec((RB, HID_DIM), lambda i: (i, 0)),
        out_shape=jax.ShapeDtypeStruct((N, HID_DIM), F32),
    )(h, msgs, msgs, wst, bs)


def kernel(h, node_embeddings, pos_edge_index, neg_edge_index,
           Wq_pos, bq_pos, Wk_pos, bk_pos, u_pos,
           Wq_neg, bq_neg, Wk_neg, bk_neg, u_neg,
           W_pos, b_pos, W_neg, b_neg, W_self, b_self):
    pos = pos_edge_index.astype(I32)
    neg = neg_edge_index.astype(I32)
    edges_flat = jnp.concatenate([pos.reshape(-1), neg.reshape(-1)])

    wqt_s = jnp.stack([Wq_pos.T, Wq_neg.T])
    bq_s = jnp.stack([bq_pos, bq_neg])[:, None, :]
    wkt_s = jnp.stack([Wk_pos.T, Wk_neg.T])
    bk_s = jnp.stack([bk_pos, bk_neg])[:, None, :]
    wt_s = jnp.stack([W_pos.T, W_neg.T])
    b_s = jnp.stack([b_pos, b_neg])[:, None, :]
    u_s = jnp.stack([u_pos, u_neg])[:, None, :]

    u_tab, v_tab, hp_tab = _build_tables(h, node_embeddings, wqt_s, bq_s,
                                         wkt_s, bk_s, wt_s, b_s, u_s)
    zeros = jnp.zeros((N, HID_DIM), F32)
    msgs = _sc_stage(edges_flat, u_tab, v_tab, hp_tab, zeros)
    return _combine(h, msgs, W_self.T, b_self[None, :])

# --- scband reference (transcript-rebuilt; emitter-appended) ---
"""Pipeline reference for scband-asym-g-7155415515425 (READ-ONLY COPY).

The authoritative reference and input builder live on the scoring server;
editing this copy changes nothing except your own understanding.
"""

import jax, jax.numpy as jnp
import numpy as np

N = 10000
E = 320000
IN_DIM = 128
HID_DIM = 128
EMB_DIM = 64
BETA_POS = 0.1
BETA_NEG = -0.1


def setup_inputs(seed: int = 0) -> dict:
    key = jax.random.key(seed)
    ks = jax.random.split(key, 26)
    h = jax.random.normal(ks[0], (N, IN_DIM), dtype=jnp.float32)
    node_embeddings = jax.random.normal(ks[1], (N, EMB_DIM), dtype=jnp.float32)

    def make_edges(k1, k2):
        src = jax.random.randint(k1, (E,), 0, N)
        off = jax.random.randint(k2, (E,), 1, N)
        dst = (src + off) % N  # avoid self-loops (zero-norm diff)
        return jnp.stack([src, dst], axis=0).astype(jnp.int64)

    pos_edge_index = make_edges(ks[2], ks[3])
    neg_edge_index = make_edges(ks[4], ks[5])

    def lin_w(k, o, i):
        b = 1.0 / np.sqrt(i)
        return jax.random.uniform(k, (o, i), dtype=jnp.float32, minval=-b, maxval=b)

    def lin_b(k, o, i):
        b = 1.0 / np.sqrt(i)
        return jax.random.uniform(k, (o,), dtype=jnp.float32, minval=-b, maxval=b)

    return {
        "h": h,
        "node_embeddings": node_embeddings,
        "pos_edge_index": pos_edge_index,
        "neg_edge_index": neg_edge_index,
        "Wq_pos": lin_w(ks[6], IN_DIM, IN_DIM), "bq_pos": lin_b(ks[7], IN_DIM, IN_DIM),
        "Wk_pos": lin_w(ks[8], IN_DIM, IN_DIM), "bk_pos": lin_b(ks[9], IN_DIM, IN_DIM),
        "u_pos": jax.random.normal(ks[10], (EMB_DIM,), dtype=jnp.float32),
        "Wq_neg": lin_w(ks[11], IN_DIM, IN_DIM), "bq_neg": lin_b(ks[12], IN_DIM, IN_DIM),
        "Wk_neg": lin_w(ks[13], IN_DIM, IN_DIM), "bk_neg": lin_b(ks[14], IN_DIM, IN_DIM),
        "u_neg": jax.random.normal(ks[15], (EMB_DIM,), dtype=jnp.float32),
        "W_pos": lin_w(ks[16], HID_DIM, IN_DIM), "b_pos": lin_b(ks[17], HID_DIM, IN_DIM),
        "W_neg": lin_w(ks[18], HID_DIM, IN_DIM), "b_neg": lin_b(ks[19], HID_DIM, IN_DIM),
        "W_self": lin_w(ks[20], HID_DIM, IN_DIM), "b_self": lin_b(ks[21], HID_DIM, IN_DIM),
    }


def _finsler_attention(h, node_embeddings, edge_index, Wq, bq, Wk, bk, u, beta):
    src = edge_index[0]
    dst = edge_index[1]
    Q = h @ Wq.T + bq
    K = h @ Wk.T + bk
    diff = node_embeddings[dst] - node_embeddings[src]
    euclidean = jnp.sqrt(jnp.sum(diff * diff, axis=-1))
    asymmetric = diff @ u
    d_Fk = euclidean + beta * asymmetric
    f_d = jnp.exp(-d_Fk)
    scale = jnp.sqrt(jnp.asarray(IN_DIM, dtype=jnp.float32))
    scores = f_d * jnp.sum(Q[src] * K[dst], axis=-1) / scale
    # torch.softmax(score, dim=0) applied once over all edge scores
    return jax.nn.softmax(scores, axis=0)


def reference(h, node_embeddings, pos_edge_index, neg_edge_index,
              Wq_pos, bq_pos, Wk_pos, bk_pos, u_pos,
              Wq_neg, bq_neg, Wk_neg, bk_neg, u_neg,
              W_pos, b_pos, W_neg, b_neg, W_self, b_self):
    pos_att = _finsler_attention(h, node_embeddings, pos_edge_index,
                                 Wq_pos, bq_pos, Wk_pos, bk_pos, u_pos, BETA_POS)
    pos_src = pos_edge_index[0]
    pos_dst = pos_edge_index[1]
    pos_vals = pos_att[:, None] * (h[pos_src] @ W_pos.T + b_pos)
    pos_msg = jnp.zeros((N, HID_DIM), dtype=jnp.float32).at[pos_dst].add(pos_vals)

    neg_att = _finsler_attention(h, node_embeddings, neg_edge_index,
                                 Wq_neg, bq_neg, Wk_neg, bk_neg, u_neg, BETA_NEG)
    neg_src = neg_edge_index[0]
    neg_dst = neg_edge_index[1]
    neg_vals = neg_att[:, None] * (h[neg_src] @ W_neg.T + b_neg)
    neg_msg = jnp.zeros((N, HID_DIM), dtype=jnp.float32).at[neg_dst].add(neg_vals)

    self_msg = h @ W_self.T + b_self
    out = jax.nn.relu(pos_msg + neg_msg + self_msg)
    return out

if __name__ == "__main__":
    import jax
    _d = setup_inputs()
    print(jax.jit(kernel)(*tuple(_d.values())))

</pallas_src>

<mosaic_0001>
#map = affine_map<(d0, d1) -> (0)>
#map1 = affine_map<(d0, d1) -> (0, 0)>
module attributes {stable_mosaic.version = 14 : i64} {
  func.func @_sc_body(%arg0: i32, %arg1: i32, %arg2: memref<1280000xi32, #tpu.memory_space<hbm>>, %arg3: memref<20000x208xf32, #tpu.memory_space<hbm>>, %arg4: memref<20000x208xf32, #tpu.memory_space<hbm>>, %arg5: memref<20000x128xf32, #tpu.memory_space<hbm>>, %arg6: memref<10000x128xf32, #tpu.memory_space<hbm>>, %arg7: memref<20000x128xf32, #tpu.memory_space<hbm>>, %arg8: memref<32x208xf32, #tpu.memory_space<vmem>>, %arg9: memref<32x208xf32, #tpu.memory_space<vmem>>, %arg10: memref<32x128xf32, #tpu.memory_space<vmem>>, %arg11: memref<20000xf32, #tpu.memory_space<vmem>>, %arg12: memref<32xi32, #tpu.memory_space<vmem>>, %arg13: memref<32xi32, #tpu.memory_space<vmem>>, %arg14: memref<32xi32, #tpu.memory_space<vmem>>, %arg15: memref<32xi32, #tpu.memory_space<vmem>>, %arg16: memref<16x16xf32, #tpu.memory_space<vmem>>, %arg17: memref<1x16xf32, #tpu.memory_space<vmem>>, %arg18: memref<10000x128xf32, #tpu.memory_space<vmem_shared>>, %arg19: memref<16x16xf32, #tpu.memory_space<vmem_shared>>, %arg20: memref<16x16xf32, #tpu.memory_space<vmem_shared>>, %arg21: memref<!tpu.dma_semaphore, #tpu.memory_space<semaphore_mem>>, %arg22: memref<!tpu.dma_semaphore, #tpu.memory_space<semaphore_mem>>, %arg23: memref<!tpu.dma_semaphore, #tpu.memory_space<semaphore_mem>>) attributes {dimension_semantics = [#tpu.dimension_semantics<core_parallel>, #tpu.dimension_semantics<subcore_parallel>], iteration_bounds = array<i64: 2, 16>, scalar_prefetch = 0 : i64, scratch_operands = 16 : i64, tpu.core_type = #tpu.core_type<sc_vector_subcore>, window_params = [{transform_indices = #map}, {transform_indices = #map1}, {transform_indices = #map1}, {transform_indices = #map1}, {transform_indices = #map1}, {transform_indices = #map1}]} {
    %mul3A = arith.constant 10000 : i32
    %mul3A_0 = arith.muli %arg0, %mul3A : i32
    %eq3A = arith.constant 0 : i32
    %eq3A_1 = arith.cmpi eq, %arg0, %eq3A : i32
    %jit3A = arith.constant 1.000000e-01 : f32
    %jit3A_2 = arith.constant -1.000000e-01 : f32
    %select_n3A = arith.select %eq3A_1, %jit3A, %jit3A_2 : f32
    %mul3A_3 = arith.constant 640000 : i32
    %mul3A_4 = arith.muli %arg0, %mul3A_3 : i32
    %mul3A_5 = arith.constant 20000 : i32
    %mul3A_6 = arith.muli %arg1, %mul3A_5 : i32
    %add3A = arith.addi %mul3A_4, %mul3A_6 : i32
    %mul3A_7 = arith.constant 624 : i32
    %mul3A_8 = arith.muli %arg1, %mul3A_7 : i32
    %mul3A_9 = arith.constant 624 : i32
    %mul3A_10 = arith.muli %arg1, %mul3A_9 : i32
    "tpu.region"() ({
      %run_scoped3A = tpu.sem_alloc : memref<!tpu.dma_semaphore, #tpu.memory_space<semaphore_mem>>
      %dma_start3A = arith.constant 0 : i32
      %dma_start3A_224 = tpu.memref_slice %arg18[%mul3A_10, %dma_start3A] : memref<10000x128xf32, #tpu.memory_space<vmem_shared>> -> memref<640x128xf32, #tpu.memory_space<vmem_shared>>
      %dma_start3A_225 = arith.constant 0 : i32
      %dma_start3A_226 = tpu.memref_slice %arg6[%mul3A_8, %dma_start3A_225] : memref<10000x128xf32, #tpu.memory_space<hbm>> -> memref<640x128xf32, #tpu.memory_space<hbm>>
      tpu.enqueue_dma source(%dma_start3A_226 : memref<640x128xf32, #tpu.memory_space<hbm>>) target(%dma_start3A_224 : memref<640x128xf32, #tpu.memory_space<vmem_shared>>) target_semaphore(%run_scoped3A : memref<!tpu.dma_semaphore, #tpu.memory_space<semaphore_mem>>)
      %dma_wait3A = arith.constant 0 : i32
      %dma_wait3A_227 = tpu.memref_slice %arg18[%mul3A_10, %dma_wait3A] : memref<10000x128xf32, #tpu.memory_space<vmem_shared>> -> memref<640x128xf32, #tpu.memory_space<vmem_shared>>
      %dma_wait3A_228 = arith.constant 0 : i32
      %dma_wait3A_229 = tpu.memref_slice %arg6[%mul3A_8, %dma_wait3A_228] : memref<10000x128xf32, #tpu.memory_space<hbm>> -> memref<640x128xf32, #tpu.memory_space<hbm>>
      tpu.wait_dma2 semaphore(%run_scoped3A : memref<!tpu.dma_semaphore, #tpu.memory_space<semaphore_mem>>) src(%dma_wait3A_229 : memref<640x128xf32, #tpu.memory_space<hbm>>) dst(%dma_wait3A_227 : memref<640x128xf32, #tpu.memory_space<vmem_shared>>)
      tpu.yield
    }) : () -> ()
    %iota3A = tpu.iota {dimensions = array<i32: 0>} : vector<16xi32>
    %scan3A = arith.constant 0 : i32
    %scan3A_11 = arith.constant 625 : i32
    %scan3A_12 = arith.addi %scan3A, %scan3A_11 : i32
    %scan3A_13 = arith.constant 1 : i32
    scf.for %scan3A_224 = %scan3A to %scan3A_12 step %scan3A_13  : i32 {
      %mul3A_225 = arith.constant 1 : i32
      %mul3A_226 = arith.muli %scan3A_224, %mul3A_225 : i32
      %add3A_227 = arith.constant 0 : i32
      %add3A_228 = arith.addi %add3A_227, %mul3A_226 : i32
      %mul3A_229 = arith.constant 32 : i32
      %mul3A_230 = arith.muli %add3A_228, %mul3A_229 : i32
      %add3A_231 = arith.addi %add3A, %mul3A_230 : i32
      "tpu.region"() ({
        %run_scoped3A = tpu.sem_alloc : memref<!tpu.dma_semaphore, #tpu.memory_space<semaphore_mem>>
        %dma_start3A_273 = tpu.memref_slice %arg2[%add3A_231] : memref<1280000xi32, #tpu.memory_space<hbm>> -> memref<32xi32, #tpu.memory_space<hbm>>
        %dma_start3A_274 = tpu.memref_slice %arg2[%add3A_231] : memref<1280000xi32, #tpu.memory_space<hbm>> -> memref<32xi32, #tpu.memory_space<hbm>>
        tpu.enqueue_dma source(%dma_start3A_274 : memref<32xi32, #tpu.memory_space<hbm>>) target(%arg12 : memref<32xi32, #tpu.memory_space<vmem>>) target_semaphore(%run_scoped3A : memref<!tpu.dma_semaphore, #tpu.memory_space<semaphore_mem>>)
        %dma_wait3A_275 = tpu.memref_slice %arg2[%add3A_231] : memref<1280000xi32, #tpu.memory_space<hbm>> -> memref<32xi32, #tpu.memory_space<hbm>>
        %dma_wait3A_276 = tpu.memref_slice %arg2[%add3A_231] : memref<1280000xi32, #tpu.memory_space<hbm>> -> memref<32xi32, #tpu.memory_space<hbm>>
        tpu.wait_dma2 semaphore(%run_scoped3A : memref<!tpu.dma_semaphore, #tpu.memory_space<semaphore_mem>>) src(%dma_wait3A_276 : memref<32xi32, #tpu.memory_space<hbm>>) dst(%arg12 : memref<32xi32, #tpu.memory_space<vmem>>)
        tpu.yield
      }) : () -> ()
      %add3A_232 = arith.constant 320000 : i32
      %add3A_233 = arith.addi %add3A_231, %add3A_232 : i32
      "tpu.region"() ({
        %run_scoped3A = tpu.sem_alloc : memref<!tpu.dma_semaphore, #tpu.memory_space<semaphore_mem>>
        %dma_start3A_273 = tpu.memref_slice %arg2[%add3A_233] : memref<1280000xi32, #tpu.memory_space<hbm>> -> memref<32xi32, #tpu.memory_space<hbm>>
        %dma_start3A_274 = tpu.memref_slice %arg2[%add3A_233] : memref<1280000xi32, #tpu.memory_space<hbm>> -> memref<32xi32, #tpu.memory_space<hbm>>
        tpu.enqueue_dma source(%dma_start3A_274 : memref<32xi32, #tpu.memory_space<hbm>>) target(%arg13 : memref<32xi32, #tpu.memory_space<vmem>>) target_semaphore(%run_scoped3A : memref<!tpu.dma_semaphore, #tpu.memory_space<semaphore_mem>>)
        %dma_wait3A_275 = tpu.memref_slice %arg2[%add3A_233] : memref<1280000xi32, #tpu.memory_space<hbm>> -> memref<32xi32, #tpu.memory_space<hbm>>
        %dma_wait3A_276 = tpu.memref_slice %arg2[%add3A_233] : memref<1280000xi32, #tpu.memory_space<hbm>> -> memref<32xi32, #tpu.memory_space<hbm>>
        tpu.wait_dma2 semaphore(%run_scoped3A : memref<!tpu.dma_semaphore, #tpu.memory_space<semaphore_mem>>) src(%dma_wait3A_276 : memref<32xi32, #tpu.memory_space<hbm>>) dst(%arg13 : memref<32xi32, #tpu.memory_space<vmem>>)
        tpu.yield
      }) : () -> ()
      %get3A_234 = arith.constant 0 : index
      %get3A_235 = tpu.vector_load %arg12[%get3A_234] {strides = array<i32>} : memref<32xi32, #tpu.memory_space<vmem>>, vector<16xi32>,
      %add3A_236 = vector.broadcast %mul3A_0 : i32 to vector<16xi32>
      %add3A_237 = arith.addi %get3A_235, %add3A_236 : vector<16xi32>
      %swap3A_238 = arith.constant 0 : index
      %swap3A_239 = tpu.vector_load %arg14[%swap3A_238] {strides = array<i32>} : memref<32xi32, #tpu.memory_space<vmem>>, vector<16xi32>,
      tpu.vector_store %arg14[%swap3A_238], %add3A_237 {strides = array<i32>} : memref<32xi32, #tpu.memory_space<vmem>>, vector<16xi32>,
      %get3A_240 = arith.constant 0 : index
      %get3A_241 = tpu.vector_load %arg13[%get3A_240] {strides = array<i32>} : memref<32xi32, #tpu.memory_space<vmem>>, vector<16xi32>,
      %add3A_242 = vector.broadcast %mul3A_0 : i32 to vector<16xi32>
      %add3A_243 = arith.addi %get3A_241, %add3A_242 : vector<16xi32>
      %swap3A_244 = arith.constant 0 : index
      %swap3A_245 = tpu.vector_load %arg15[%swap3A_244] {strides = array<i32>} : memref<32xi32, #tpu.memory_space<vmem>>, vector<16xi32>,
      tpu.vector_store %arg15[%swap3A_244], %add3A_243 {strides = array<i32>} : memref<32xi32, #tpu.memory_space<vmem>>, vector<16xi32>,
      %get3A_246 = arith.constant 16 : index
      %get3A_247 = tpu.vector_load %arg12[%get3A_246] {strides = array<i32>} : memref<32xi32, #tpu.memory_space<vmem>>, vector<16xi32>,
      %add3A_248 = vector.broadcast %mul3A_0 : i32 to vector<16xi32>
      %add3A_249 = arith.addi %get3A_247, %add3A_248 : vector<16xi32>
      %swap3A_250 = arith.constant 16 : index
      %swap3A_251 = tpu.vector_load %arg14[%swap3A_250] {strides = array<i32>} : memref<32xi32, #tpu.memory_space<vmem>>, vector<16xi32>,
      tpu.vector_store %arg14[%swap3A_250], %add3A_249 {strides = array<i32>} : memref<32xi32, #tpu.memory_space<vmem>>, vector<16xi32>,
      %get3A_252 = arith.constant 16 : index
      %get3A_253 = tpu.vector_load %arg13[%get3A_252] {strides = array<i32>} : memref<32xi32, #tpu.memory_space<vmem>>, vector<16xi32>,
      %add3A_254 = vector.broadcast %mul3A_0 : i32 to vector<16xi32>
      %add3A_255 = arith.addi %get3A_253, %add3A_254 : vector<16xi32>
      %swap3A_256 = arith.constant 16 : index
      %swap3A_257 = tpu.vector_load %arg15[%swap3A_256] {strides = array<i32>} : memref<32xi32, #tpu.memory_space<vmem>>, vector<16xi32>,
      tpu.vector_store %arg15[%swap3A_256], %add3A_255 {strides = array<i32>} : memref<32xi32, #tpu.memory_space<vmem>>, vector<16xi32>,
      %dma_start3A = arith.constant 0 : i32
      %dma_start3A_258 = arith.constant 0 : i32
      %dma_start3A_259 = tpu.memref_slice %arg3[%dma_start3A, %dma_start3A_258] : memref<20000x208xf32, #tpu.memory_space<hbm>> -> memref<20000x208xf32, #tpu.memory_space<hbm>>
      tpu.enqueue_indirect_dma source(%dma_start3A_259 : memref<20000x208xf32, #tpu.memory_space<hbm>>) target(%arg8 : memref<32x208xf32, #tpu.memory_space<vmem>>) offsets(%arg14 : memref<32xi32, #tpu.memory_space<vmem>>) semaphore(%arg21 : memref<!tpu.dma_semaphore, #tpu.memory_space<semaphore_mem>>)
      %dma_start3A_260 = arith.constant 0 : i32
      %dma_start3A_261 = arith.constant 0 : i32
      %dma_start3A_262 = tpu.memref_slice %arg4[%dma_start3A_260, %dma_start3A_261] : memref<20000x208xf32, #tpu.memory_space<hbm>> -> memref<20000x208xf32, #tpu.memory_space<hbm>>
      tpu.enqueue_indirect_dma source(%dma_start3A_262 : memref<20000x208xf32, #tpu.memory_space<hbm>>) target(%arg9 : memref<32x208xf32, #tpu.memory_space<vmem>>) offsets(%arg15 : memref<32xi32, #tpu.memory_space<vmem>>) semaphore(%arg22 : memref<!tpu.dma_semaphore, #tpu.memory_space<semaphore_mem>>)
      %dma_wait3A = arith.constant 0 : i32
      %dma_wait3A_263 = arith.constant 0 : i32
      %dma_wait3A_264 = tpu.memref_slice %arg3[%dma_wait3A, %dma_wait3A_263] : memref<20000x208xf32, #tpu.memory_space<hbm>> -> memref<20000x208xf32, #tpu.memory_space<hbm>>
      tpu.wait_indirect_dma semaphore(%arg21 : memref<!tpu.dma_semaphore, #tpu.memory_space<semaphore_mem>>) src(%dma_wait3A_264 : memref<20000x208xf32, #tpu.memory_space<hbm>>) dst(%arg8 : memref<32x208xf32, #tpu.memory_space<vmem>>)
      %dma_wait3A_265 = arith.constant 0 : i32
      %dma_wait3A_266 = arith.constant 0 : i32
      %dma_wait3A_267 = tpu.memref_slice %arg4[%dma_wait3A_265, %dma_wait3A_266] : memref<20000x208xf32, #tpu.memory_space<hbm>> -> memref<20000x208xf32, #tpu.memory_space<hbm>>
      tpu.wait_indirect_dma semaphore(%arg22 : memref<!tpu.dma_semaphore, #tpu.memory_space<semaphore_mem>>) src(%dma_wait3A_267 : memref<20000x208xf32, #tpu.memory_space<hbm>>) dst(%arg9 : memref<32x208xf32, #tpu.memory_space<vmem>>)
      %scan3A_268 = arith.constant 0 : i32
      %scan3A_269 = arith.constant 2 : i32
      %scan3A_270 = arith.addi %scan3A_268, %scan3A_269 : i32
      %scan3A_271 = arith.constant 1 : i32
      scf.for %scan3A_273 = %scan3A_268 to %scan3A_270 step %scan3A_271  : i32 {
        %mul3A_274 = arith.constant 1 : i32
        %mul3A_275 = arith.muli %scan3A_273, %mul3A_274 : i32
        %add3A_276 = arith.constant 0 : i32
        %add3A_277 = arith.addi %add3A_276, %mul3A_275 : i32
        %mul3A_278 = arith.constant 16 : i32
        %mul3A_279 = arith.muli %add3A_277, %mul3A_278 : i32
        %add3A_280 = vector.broadcast %mul3A_279 : i32 to vector<16xi32>
        %add3A_281 = arith.addi %iota3A, %add3A_280 : vector<16xi32>
        %broadcast_in_dim3A_282 = arith.constant 0.000000e+00 : f32
        %broadcast_in_dim3A_283 = vector.broadcast %broadcast_in_dim3A_282 : f32 to vector<16xf32>
        %broadcast_in_dim3A_284 = arith.constant 0.000000e+00 : f32
        %broadcast_in_dim3A_285 = vector.broadcast %broadcast_in_dim3A_284 : f32 to vector<16xf32>
        %broadcast_in_dim3A_286 = arith.constant 0.000000e+00 : f32
        %broadcast_in_dim3A_287 = vector.broadcast %broadcast_in_dim3A_286 : f32 to vector<16xf32>
        %broadcast_in_dim3A_288 = arith.constant 0.000000e+00 : f32
        %broadcast_in_dim3A_289 = vector.broadcast %broadcast_in_dim3A_288 : f32 to vector<16xf32>
        %broadcast_in_dim3A_290 = arith.constant 0 : i32
        %broadcast_in_dim3A_291 = vector.broadcast %broadcast_in_dim3A_290 : i32 to vector<16xi32>
        %gather3A = tpu.vector_load_idx %arg8[%add3A_281, %broadcast_in_dim3A_291] : memref<32x208xf32, #tpu.memory_space<vmem>>[vector<16xi32>, vector<16xi32>], vector<16xf32>,
        %gather3A_292 = tpu.vector_load_idx %arg9[%add3A_281, %broadcast_in_dim3A_291] : memref<32x208xf32, #tpu.memory_space<vmem>>[vector<16xi32>, vector<16xi32>], vector<16xf32>,
        %mul3A_293 = arith.mulf %gather3A, %gather3A_292 : vector<16xf32>
        %add3A_294 = arith.addf %broadcast_in_dim3A_283, %mul3A_293 : vector<16xf32>
        %broadcast_in_dim3A_295 = arith.constant 1 : i32
        %broadcast_in_dim3A_296 = vector.broadcast %broadcast_in_dim3A_295 : i32 to vector<16xi32>
        %gather3A_297 = tpu.vector_load_idx %arg8[%add3A_281, %broadcast_in_dim3A_296] : memref<32x208xf32, #tpu.memory_space<vmem>>[vector<16xi32>, vector<16xi32>], vector<16xf32>,
        %gather3A_298 = tpu.vector_load_idx %arg9[%add3A_281, %broadcast_in_dim3A_296] : memref<32x208xf32, #tpu.memory_space<vmem>>[vector<16xi32>, vector<16xi32>], vector<16xf32>,
        %mul3A_299 = arith.mulf %gather3A_297, %gather3A_298 : vector<16xf32>
        %add3A_300 = arith.addf %broadcast_in_dim3A_285, %mul3A_299 : vector<16xf32>
        %broadcast_in_dim3A_301 = arith.constant 2 : i32
        %broadcast_in_dim3A_302 = vector.broadcast %broadcast_in_dim3A_301 : i32 to vector<16xi32>
        %gather3A_303 = tpu.vector_load_idx %arg8[%add3A_281, %broadcast_in_dim3A_302] : memref<32x208xf32, #tpu.memory_space<vmem>>[vector<16xi32>, vector<16xi32>], vector<16xf32>,
        %gather3A_304 = tpu.vector_load_idx %arg9[%add3A_281, %broadcast_in_dim3A_302] : memref<32x208xf32, #tpu.memory_space<vmem>>[vector<16xi32>, vector<16xi32>], vector<16xf32>,
        %mul3A_305 = arith.mulf %gather3A_303, %gather3A_304 : vector<16xf32>
        %add3A_306 = arith.addf %broadcast_in_dim3A_287, %mul3A_305 : vector<16xf32>
        %broadcast_in_dim3A_307 = arith.constant 3 : i32
        %broadcast_in_dim3A_308 = vector.broadcast %broadcast_in_dim3A_307 : i32 to vector<16xi32>
        %gather3A_309 = tpu.vector_load_idx %arg8[%add3A_281, %broadcast_in_dim3A_308] : memref<32x208xf32, #tpu.memory_space<vmem>>[vector<16xi32>, vector<16xi32>], vector<16xf32>,
        %gather3A_310 = tpu.vector_load_idx %arg9[%add3A_281, %broadcast_in_dim3A_308] : memref<32x208xf32, #tpu.memory_space<vmem>>[vector<16xi32>, vector<16xi32>], vector<16xf32>,
        %mul3A_311 = arith.mulf %gather3A_309, %gather3A_310 : vector<16xf32>
        %add3A_312 = arith.addf %broadcast_in_dim3A_289, %mul3A_311 : vector<16xf32>
        %broadcast_in_dim3A_313 = arith.constant 4 : i32
        %broadcast_in_dim3A_314 = vector.broadcast %broadcast_in_dim3A_313 : i32 to vector<16xi32>
        %gather3A_315 = tpu.vector_load_idx %arg8[%add3A_281, %broadcast_in_dim3A_314] : memref<32x208xf32, #tpu.memory_space<vmem>>[vector<16xi32>, vector<16xi32>], vector<16xf32>,
        %gather3A_316 = tpu.vector_load_idx %arg9[%add3A_281, %broadcast_in_dim3A_314] : memref<32x208xf32, #tpu.memory_space<vmem>>[vector<16xi32>, vector<16xi32>], vector<16xf32>,
        %mul3A_317 = arith.mulf %gather3A_315, %gather3A_316 : vector<16xf32>
        %add3A_318 = arith.addf %add3A_294, %mul3A_317 : vector<16xf32>
        %broadcast_in_dim3A_319 = arith.constant 5 : i32
        %broadcast_in_dim3A_320 = vector.broadcast %broadcast_in_dim3A_319 : i32 to vector<16xi32>
        %gather3A_321 = tpu.vector_load_idx %arg8[%add3A_281, %broadcast_in_dim3A_320] : memref<32x208xf32, #tpu.memory_space<vmem>>[vector<16xi32>, vector<16xi32>], vector<16xf32>,
        %gather3A_322 = tpu.vector_load_idx %arg9[%add3A_281, %broadcast_in_dim3A_320] : memref<32x208xf32, #tpu.memory_space<vmem>>[vector<16xi32>, vector<16xi32>], vector<16xf32>,
        %mul3A_323 = arith.mulf %gather3A_321, %gather3A_322 : vector<16xf32>
        %add3A_324 = arith.addf %add3A_300, %mul3A_323 : vector<16xf32>
        %broadcast_in_dim3A_325 = arith.constant 6 : i32
        %broadcast_in_dim3A_326 = vector.broadcast %broadcast_in_dim3A_325 : i32 to vector<16xi32>
        %gather3A_327 = tpu.vector_load_idx %arg8[%add3A_281, %broadcast_in_dim3A_326] : memref<32x208xf32, #tpu.memory_space<vmem>>[vector<16xi32>, vector<16xi32>], vector<16xf32>,
        %gather3A_328 = tpu.vector_load_idx %arg9[%add3A_281, %broadcast_in_dim3A_326] : memref<32x208xf32, #tpu.memory_space<vmem>>[vector<16xi32>, vector<16xi32>], vector<16xf32>,
        %mul3A_329 = arith.mulf %gather3A_327, %gather3A_328 : vector<16xf32>
        %add3A_330 = arith.addf %add3A_306, %mul3A_329 : vector<16xf32>
        %broadcast_in_dim3A_331 = arith.constant 7 : i32
        %broadcast_in_dim3A_332 = vector.broadcast %broadcast_in_dim3A_331 : i32 to vector<16xi32>
        %gather3A_333 = tpu.vector_load_idx %arg8[%add3A_281, %broadcast_in_dim3A_332] : memref<32x208xf32, #tpu.memory_space<vmem>>[vector<16xi32>, vector<16xi32>], vector<16xf32>,
        %gather3A_334 = tpu.vector_load_idx %arg9[%add3A_281, %broadcast_in_dim3A_332] : memref<32x208xf32, #tpu.memory_space<vmem>>[vector<16xi32>, vector<16xi32>], vector<16xf32>,
        %mul3A_335 = arith.mulf %gather3A_333, %gather3A_334 : vector<16xf32>
        %add3A_336 = arith.addf %add3A_312, %mul3A_335 : vector<16xf32>
        %broadcast_in_dim3A_337 = arith.constant 8 : i32
        %broadcast_in_dim3A_338 = vector.broadcast %broadcast_in_dim3A_337 : i32 to vector<16xi32>
        %gather3A_339 = tpu.vector_load_idx %arg8[%add3A_281, %broadcast_in_dim3A_338] : memref<32x208xf32, #tpu.memory_space<vmem>>[vector<16xi32>, vector<16xi32>], vector<16xf32>,
        %gather3A_340 = tpu.vector_load_idx %arg9[%add3A_281, %broadcast_in_dim3A_338] : memref<32x208xf32, #tpu.memory_space<vmem>>[vector<16xi32>, vector<16xi32>], vector<16xf32>,
        %mul3A_341 = arith.mulf %gather3A_339, %gather3A_340 : vector<16xf32>
        %add3A_342 = arith.addf %add3A_318, %mul3A_341 : vector<16xf32>
        %broadcast_in_dim3A_343 = arith.constant 9 : i32
        %broadcast_in_dim3A_344 = vector.broadcast %broadcast_in_dim3A_343 : i32 to vector<16xi32>
        %gather3A_345 = tpu.vector_load_idx %arg8[%add3A_281, %broadcast_in_dim3A_344] : memref<32x208xf32, #tpu.memory_space<vmem>>[vector<16xi32>, vector<16xi32>], vector<16xf32>,
        %gather3A_346 = tpu.vector_load_idx %arg9[%add3A_281, %broadcast_in_dim3A_344] : memref<32x208xf32, #tpu.memory_space<vmem>>[vector<16xi32>, vector<16xi32>], vector<16xf32>,
        %mul3A_347 = arith.mulf %gather3A_345, %gather3A_346 : vector<16xf32>
        %add3A_348 = arith.addf %add3A_324, %mul3A_347 : vector<16xf32>
        %broadcast_in_dim3A_349 = arith.constant 10 : i32
        %broadcast_in_dim3A_350 = vector.broadcast %broadcast_in_dim3A_349 : i32 to vector<16xi32>
        %gather3A_351 = tpu.vector_load_idx %arg8[%add3A_281, %broadcast_in_dim3A_350] : memref<32x208xf32, #tpu.memory_space<vmem>>[vector<16xi32>, vector<16xi32>], vector<16xf32>,
        %gather3A_352 = tpu.vector_load_idx %arg9[%add3A_281, %broadcast_in_dim3A_350] : memref<32x208xf32, #tpu.memory_space<vmem>>[vector<16xi32>, vector<16xi32>], vector<16xf32>,
        %mul3A_353 = arith.mulf %gather3A_351, %gather3A_352 : vector<16xf32>
        %add3A_354 = arith.addf %add3A_330, %mul3A_353 : vector<16xf32>
        %broadcast_in_dim3A_355 = arith.constant 11 : i32
        %broadcast_in_dim3A_356 = vector.broadcast %broadcast_in_dim3A_355 : i32 to vector<16xi32>
        %gather3A_357 = tpu.vector_load_idx %arg8[%add3A_281, %broadcast_in_dim3A_356] : memref<32x208xf32, #tpu.memory_space<vmem>>[vector<16xi32>, vector<16xi32>], vector<16xf32>,
        %gather3A_358 = tpu.vector_load_idx %arg9[%add3A_281, %broadcast_in_dim3A_356] : memref<32x208xf32, #tpu.memory_space<vmem>>[vector<16xi32>, vector<16xi32>], vector<16xf32>,
        %mul3A_359 = arith.mulf %gather3A_357, %gather3A_358 : vector<16xf32>
        %add3A_360 = arith.addf %add3A_336, %mul3A_359 : vector<16xf32>
        %broadcast_in_dim3A_361 = arith.constant 12 : i32
        %broadcast_in_dim3A_362 = vector.broadcast %broadcast_in_dim3A_361 : i32 to vector<16xi32>
        %gather3A_363 = tpu.vector_load_idx %arg8[%add3A_281, %broadcast_in_dim3A_362] : memref<32x208xf32, #tpu.memory_space<vmem>>[vector<16xi32>, vector<16xi32>], vector<16xf32>,
        %gather3A_364 = tpu.vector_load_idx %arg9[%add3A_281, %broadcast_in_dim3A_362] : memref<32x208xf32, #tpu.memory_space<vmem>>[vector<16xi32>, vector<16xi32>], vector<16xf32>,
        %mul3A_365 = arith.mulf %gather3A_363, %gather3A_364 : vector<16xf32>
        %add3A_366 = arith.addf %add3A_342, %mul3A_365 : vector<16xf32>
        %broadcast_in_dim3A_367 = arith.constant 13 : i32
        %broadcast_in_dim3A_368 = vector.broadcast %broadcast_in_dim3A_367 : i32 to vector<16xi32>
        %gather3A_369 = tpu.vector_load_idx %arg8[%add3A_281, %broadcast_in_dim3A_368] : memref<32x208xf32, #tpu.memory_space<vmem>>[vector<16xi32>, vector<16xi32>], vector<16xf32>,
        %gather3A_370 = tpu.vector_load_idx %arg9[%add3A_281, %broadcast_in_dim3A_368] : memref<32x208xf32, #tpu.memory_space<vmem>>[vector<16xi32>, vector<16xi32>], vector<16xf32>,
        %mul3A_371 = arith.mulf %gather3A_369, %gather3A_370 : vector<16xf32>
        %add3A_372 = arith.addf %add3A_348, %mul3A_371 : vector<16xf32>
        %broadcast_in_dim3A_373 = arith.constant 14 : i32
        %broadcast_in_dim3A_374 = vector.broadcast %broadcast_in_dim3A_373 : i32 to vector<16xi32>
        %gather3A_375 = tpu.vector_load_idx %arg8[%add3A_281, %broadcast_in_dim3A_374] : memref<32x208xf32, #tpu.memory_space<vmem>>[vector<16xi32>, vector<16xi32>], vector<16xf32>,
        %gather3A_376 = tpu.vector_load_idx %arg9[%add3A_281, %broadcast_in_dim3A_374] : memref<32x208xf32, #tpu.memory_space<vmem>>[vector<16xi32>, vector<16xi32>], vector<16xf32>,
        %mul3A_377 = arith.mulf %gather3A_375, %gather3A_376 : vector<16xf32>
        %add3A_378 = arith.addf %add3A_354, %mul3A_377 : vector<16xf32>
        %broadcast_in_dim3A_379 = arith.constant 15 : i32
        %broadcast_in_dim3A_380 = vector.broadcast %broadcast_in_dim3A_379 : i32 to vector<16xi32>
        %gather3A_381 = tpu.vector_load_idx %arg8[%add3A_281, %broadcast_in_dim3A_380] : memref<32x208xf32, #tpu.memory_space<vmem>>[vector<16xi32>, vector<16xi32>], vector<16xf32>,
        %gather3A_382 = tpu.vector_load_idx %arg9[%add3A_281, %broadcast_in_dim3A_380] : memref<32x208xf32, #tpu.memory_space<vmem>>[vector<16xi32>, vector<16xi32>], vector<16xf32>,
        %mul3A_383 = arith.mulf %gather3A_381, %gather3A_382 : vector<16xf32>
        %add3A_384 = arith.addf %add3A_360, %mul3A_383 : vector<16xf32>
        %broadcast_in_dim3A_385 = arith.constant 16 : i32
        %broadcast_in_dim3A_386 = vector.broadcast %broadcast_in_dim3A_385 : i32 to vector<16xi32>
        %gather3A_387 = tpu.vector_load_idx %arg8[%add3A_281, %broadcast_in_dim3A_386] : memref<32x208xf32, #tpu.memory_space<vmem>>[vector<16xi32>, vector<16xi32>], vector<16xf32>,
        %gather3A_388 = tpu.vector_load_idx %arg9[%add3A_281, %broadcast_in_dim3A_386] : memref<32x208xf32, #tpu.memory_space<vmem>>[vector<16xi32>, vector<16xi32>], vector<16xf32>,
        %mul3A_389 = arith.mulf %gather3A_387, %gather3A_388 : vector<16xf32>
        %add3A_390 = arith.addf %add3A_366, %mul3A_389 : vector<16xf32>
        %broadcast_in_dim3A_391 = arith.constant 17 : i32
        %broadcast_in_dim3A_392 = vector.broadcast %broadcast_in_dim3A_391 : i32 to vector<16xi32>
        %gather3A_393 = tpu.vector_load_idx %arg8[%add3A_281, %broadcast_in_dim3A_392] : memref<32x208xf32, #tpu.memory_space<vmem>>[vector<16xi32>, vector<16xi32>], vector<16xf32>,
        %gather3A_394 = tpu.vector_load_idx %arg9[%add3A_281, %broadcast_in_dim3A_392] : memref<32x208xf32, #tpu.memory_space<vmem>>[vector<16xi32>, vector<16xi32>], vector<16xf32>,
        %mul3A_395 = arith.mulf %gather3A_393, %gather3A_394 : vector<16xf32>
        %add3A_396 = arith.addf %add3A_372, %mul3A_395 : vector<16xf32>
        %broadcast_in_dim3A_397 = arith.constant 18 : i32
        %broadcast_in_dim3A_398 = vector.broadcast %broadcast_in_dim3A_397 : i32 to vector<16xi32>
        %gather3A_399 = tpu.vector_load_idx %arg8[%add3A_281, %broadcast_in_dim3A_398] : memref<32x208xf32, #tpu.memory_space<vmem>>[vector<16xi32>, vector<16xi32>], vector<16xf32>,
        %gather3A_400 = tpu.vector_load_idx %arg9[%add3A_281, %broadcast_in_dim3A_398] : memref<32x208xf32, #tpu.memory_space<vmem>>[vector<16xi32>, vector<16xi32>], vector<16xf32>,
        %mul3A_401 = arith.mulf %gather3A_399, %gather3A_400 : vector<16xf32>
        %add3A_402 = arith.addf %add3A_378, %mul3A_401 : vector<16xf32>
        %broadcast_in_dim3A_403 = arith.constant 19 : i32
        %broadcast_in_dim3A_404 = vector.broadcast %broadcast_in_dim3A_403 : i32 to vector<16xi32>
        %gather3A_405 = tpu.vector_load_idx %arg8[%add3A_281, %broadcast_in_dim3A_404] : memref<32x208xf32, #tpu.memory_space<vmem>>[vector<16xi32>, vector<16xi32>], vector<16xf32>,
        %gather3A_406 = tpu.vector_load_idx %arg9[%add3A_281, %broadcast_in_dim3A_404] : memref<32x208xf32, #tpu.memory_space<vmem>>[vector<16xi32>, vector<16xi32>], vector<16xf32>,
        %mul3A_407 = arith.mulf %gather3A_405, %gather3A_406 : vector<16xf32>
        %add3A_408 = arith.addf %add3A_384, %mul3A_407 : vector<16xf32>
        %broadcast_in_dim3A_409 = arith.constant 20 : i32
        %broadcast_in_dim3A_410 = vector.broadcast %broadcast_in_dim3A_409 : i32 to vector<16xi32>
        %gather3A_411 = tpu.vector_load_idx %arg8[%add3A_281, %broadcast_in_dim3A_410] : memref<32x208xf32, #tpu.memory_space<vmem>>[vector<16xi32>, vector<16xi32>], vector<16xf32>,
        %gather3A_412 = tpu.vector_load_idx %arg9[%add3A_281, %broadcast_in_dim3A_410] : memref<32x208xf32, #tpu.memory_space<vmem>>[vector<16xi32>, vector<16xi32>], vector<16xf32>,
        %mul3A_413 = arith.mulf %gather3A_411, %gather3A_412 : vector<16xf32>
        %add3A_414 = arith.addf %add3A_390, %mul3A_413 : vector<16xf32>
        %broadcast_in_dim3A_415 = arith.constant 21 : i32
        %broadcast_in_dim3A_416 = vector.broadcast %broadcast_in_dim3A_415 : i32 to vector<16xi32>
        %gather3A_417 = tpu.vector_load_idx %arg8[%add3A_281, %broadcast_in_dim3A_416] : memref<32x208xf32, #tpu.memory_space<vmem>>[vector<16xi32>, vector<16xi32>], vector<16xf32>,
        %gather3A_418 = tpu.vector_load_idx %arg9[%add3A_281, %broadcast_in_dim3A_416] : memref<32x208xf32, #tpu.memory_space<vmem>>[vector<16xi32>, vector<16xi32>], vector<16xf32>,
        %mul3A_419 = arith.mulf %gather3A_417, %gather3A_418 : vector<16xf32>
        %add3A_420 = arith.addf %add3A_396, %mul3A_419 : vector<16xf32>
        %broadcast_in_dim3A_421 = arith.constant 22 : i32
        %broadcast_in_dim3A_422 = vector.broadcast %broadcast_in_dim3A_421 : i32 to vector<16xi32>
        %gather3A_423 = tpu.vector_load_idx %arg8[%add3A_281, %broadcast_in_dim3A_422] : memref<32x208xf32, #tpu.memory_space<vmem>>[vector<16xi32>, vector<16xi32>], vector<16xf32>,
        %gather3A_424 = tpu.vector_load_idx %arg9[%add3A_281, %broadcast_in_dim3A_422] : memref<32x208xf32, #tpu.memory_space<vmem>>[vector<16xi32>, vector<16xi32>], vector<16xf32>,
        %mul3A_425 = arith.mulf %gather3A_423, %gather3A_424 : vector<16xf32>
        %add3A_426 = arith.addf %add3A_402, %mul3A_425 : vector<16xf32>
        %broadcast_in_dim3A_427 = arith.constant 23 : i32
        %broadcast_in_dim3A_428 = vector.broadcast %broadcast_in_dim3A_427 : i32 to vector<16xi32>
        %gather3A_429 = tpu.vector_load_idx %arg8[%add3A_281, %broadcast_in_dim3A_428] : memref<32x208xf32, #tpu.memory_space<vmem>>[vector<16xi32>, vector<16xi32>], vector<16xf32>,
        %gather3A_430 = tpu.vector_load_idx %arg9[%add3A_281, %broadcast_in_dim3A_428] : memref<32x208xf32, #tpu.memory_space<vmem>>[vector<16xi32>, vector<16xi32>], vector<16xf32>,
        %mul3A_431 = arith.mulf %gather3A_429, %gather3A_430 : vector<16xf32>
        %add3A_432 = arith.addf %add3A_408, %mul3A_431 : vector<16xf32>
        %broadcast_in_dim3A_433 = arith.constant 24 : i32
        %broadcast_in_dim3A_434 = vector.broadcast %broadcast_in_dim3A_433 : i32 to vector<16xi32>
        %gather3A_435 = tpu.vector_load_idx %arg8[%add3A_281, %broadcast_in_dim3A_434] : memref<32x208xf32, #tpu.memory_space<vmem>>[vector<16xi32>, vector<16xi32>], vector<16xf32>,
        %gather3A_436 = tpu.vector_load_idx %arg9[%add3A_281, %broadcast_in_dim3A_434] : memref<32x208xf32, #tpu.memory_space<vmem>>[vector<16xi32>, vector<16xi32>], vector<16xf32>,
        %mul3A_437 = arith.mulf %gather3A_435, %gather3A_436 : vector<16xf32>
        %add3A_438 = arith.addf %add3A_414, %mul3A_437 : vector<16xf32>
        %broadcast_in_dim3A_439 = arith.constant 25 : i32
        %broadcast_in_dim3A_440 = vector.broadcast %broadcast_in_dim3A_439 : i32 to vector<16xi32>
        %gather3A_441 = tpu.vector_load_idx %arg8[%add3A_281, %broadcast_in_dim3A_440] : memref<32x208xf32, #tpu.memory_space<vmem>>[vector<16xi32>, vector<16xi32>], vector<16xf32>,
        %gather3A_442 = tpu.vector_load_idx %arg9[%add3A_281, %broadcast_in_dim3A_440] : memref<32x208xf32, #tpu.memory_space<vmem>>[vector<16xi32>, vector<16xi32>], vector<16xf32>,
        %mul3A_443 = arith.mulf %gather3A_441, %gather3A_442 : vector<16xf32>
        %add3A_444 = arith.addf %add3A_420, %mul3A_443 : vector<16xf32>
        %broadcast_in_dim3A_445 = arith.constant 26 : i32
        %broadcast_in_dim3A_446 = vector.broadcast %broadcast_in_dim3A_445 : i32 to vector<16xi32>
        %gather3A_447 = tpu.vector_load_idx %arg8[%add3A_281, %broadcast_in_dim3A_446] : memref<32x208xf32, #tpu.memory_space<vmem>>[vector<16xi32>, vector<16xi32>], vector<16xf32>,
        %gather3A_448 = tpu.vector_load_idx %arg9[%add3A_281, %broadcast_in_dim3A_446] : memref<32x208xf32, #tpu.memory_space<vmem>>[vector<16xi32>, vector<16xi32>], vector<16xf32>,
        %mul3A_449 = arith.mulf %gather3A_447, %gather3A_448 : vector<16xf32>
        %add3A_450 = arith.addf %add3A_426, %mul3A_449 : vector<16xf32>
        %broadcast_in_dim3A_451 = arith.constant 27 : i32
        %broadcast_in_dim3A_452 = vector.broadcast %broadcast_in_dim3A_451 : i32 to vector<16xi32>
        %gather3A_453 = tpu.vector_load_idx %arg8[%add3A_281, %broadcast_in_dim3A_452] : memref<32x208xf32, #tpu.memory_space<vmem>>[vector<16xi32>, vector<16xi32>], vector<16xf32>,
        %gather3A_454 = tpu.vector_load_idx %arg9[%add3A_281, %broadcast_in_dim3A_452] : memref<32x208xf32, #tpu.memory_space<vmem>>[vector<16xi32>, vector<16xi32>], vector<16xf32>,
        %mul3A_455 = arith.mulf %gather3A_453, %gather3A_454 : vector<16xf32>
        %add3A_456 = arith.addf %add3A_432, %mul3A_455 : vector<16xf32>
        %broadcast_in_dim3A_457 = arith.constant 28 : i32
        %broadcast_in_dim3A_458 = vector.broadcast %broadcast_in_dim3A_457 : i32 to vector<16xi32>
        %gather3A_459 = tpu.vector_load_idx %arg8[%add3A_281, %broadcast_in_dim3A_458] : memref<32x208xf32, #tpu.memory_space<vmem>>[vector<16xi32>, vector<16xi32>], vector<16xf32>,
        %gather3A_460 = tpu.vector_load_idx %arg9[%add3A_281, %broadcast_in_dim3A_458] : memref<32x208xf32, #tpu.memory_space<vmem>>[vector<16xi32>, vector<16xi32>], vector<16xf32>,
        %mul3A_461 = arith.mulf %gather3A_459, %gather3A_460 : vector<16xf32>
        %add3A_462 = arith.addf %add3A_438, %mul3A_461 : vector<16xf32>
        %broadcast_in_dim3A_463 = arith.constant 29 : i32
        %broadcast_in_dim3A_464 = vector.broadcast %broadcast_in_dim3A_463 : i32 to vector<16xi32>
        %gather3A_465 = tpu.vector_load_idx %arg8[%add3A_281, %broadcast_in_dim3A_464] : memref<32x208xf32, #tpu.memory_space<vmem>>[vector<16xi32>, vector<16xi32>], vector<16xf32>,
        %gather3A_466 = tpu.vector_load_idx %arg9[%add3A_281, %broadcast_in_dim3A_464] : memref<32x208xf32, #tpu.memory_space<vmem>>[vector<16xi32>, vector<16xi32>], vector<16xf32>,
        %mul3A_467 = arith.mulf %gather3A_465, %gather3A_466 : vector<16xf32>
        %add3A_468 = arith.addf %add3A_444, %mul3A_467 : vector<16xf32>
        %broadcast_in_dim3A_469 = arith.constant 30 : i32
        %broadcast_in_dim3A_470 = vector.broadcast %broadcast_in_dim3A_469 : i32 to vector<16xi32>
        %gather3A_471 = tpu.vector_load_idx %arg8[%add3A_281, %broadcast_in_dim3A_470] : memref<32x208xf32, #tpu.memory_space<vmem>>[vector<16xi32>, vector<16xi32>], vector<16xf32>,
        %gather3A_472 = tpu.vector_load_idx %arg9[%add3A_281, %broadcast_in_dim3A_470] : memref<32x208xf32, #tpu.memory_space<vmem>>[vector<16xi32>, vector<16xi32>], vector<16xf32>,
        %mul3A_473 = arith.mulf %gather3A_471, %gather3A_472 : vector<16xf32>
        %add3A_474 = arith.addf %add3A_450, %mul3A_473 : vector<16xf32>
        %broadcast_in_dim3A_475 = arith.constant 31 : i32
        %broadcast_in_dim3A_476 = vector.broadcast %broadcast_in_dim3A_475 : i32 to vector<16xi32>
        %gather3A_477 = tpu.vector_load_idx %arg8[%add3A_281, %broadcast_in_dim3A_476] : memref<32x208xf32, #tpu.memory_space<vmem>>[vector<16xi32>, vector<16xi32>], vector<16xf32>,
        %gather3A_478 = tpu.vector_load_idx %arg9[%add3A_281, %broadcast_in_dim3A_476] : memref<32x208xf32, #tpu.memory_space<vmem>>[vector<16xi32>, vector<16xi32>], vector<16xf32>,
        %mul3A_479 = arith.mulf %gather3A_477, %gather3A_478 : vector<16xf32>
        %add3A_480 = arith.addf %add3A_456, %mul3A_479 : vector<16xf32>
        %broadcast_in_dim3A_481 = arith.constant 32 : i32
        %broadcast_in_dim3A_482 = vector.broadcast %broadcast_in_dim3A_481 : i32 to vector<16xi32>
        %gather3A_483 = tpu.vector_load_idx %arg8[%add3A_281, %broadcast_in_dim3A_482] : memref<32x208xf32, #tpu.memory_space<vmem>>[vector<16xi32>, vector<16xi32>], vector<16xf32>,
        %gather3A_484 = tpu.vector_load_idx %arg9[%add3A_281, %broadcast_in_dim3A_482] : memref<32x208xf32, #tpu.memory_space<vmem>>[vector<16xi32>, vector<16xi32>], vector<16xf32>,
        %mul3A_485 = arith.mulf %gather3A_483, %gather3A_484 : vector<16xf32>
        %add3A_486 = arith.addf %add3A_462, %mul3A_485 : vector<16xf32>
        %broadcast_in_dim3A_487 = arith.constant 33 : i32
        %broadcast_in_dim3A_488 = vector.broadcast %broadcast_in_dim3A_487 : i32 to vector<16xi32>
        %gather3A_489 = tpu.vector_load_idx %arg8[%add3A_281, %broadcast_in_dim3A_488] : memref<32x208xf32, #tpu.memory_space<vmem>>[vector<16xi32>, vector<16xi32>], vector<16xf32>,
        %gather3A_490 = tpu.vector_load_idx %arg9[%add3A_281, %broadcast_in_dim3A_488] : memref<32x208xf32, #tpu.memory_space<vmem>>[vector<16xi32>, vector<16xi32>], vector<16xf32>,
        %mul3A_491 = arith.mulf %gather3A_489, %gather3A_490 : vector<16xf32>
        %add3A_492 = arith.addf %add3A_468, %mul3A_491 : vector<16xf32>
        %broadcast_in_dim3A_493 = arith.constant 34 : i32
        %broadcast_in_dim3A_494 = vector.broadcast %broadcast_in_dim3A_493 : i32 to vector<16xi32>
        %gather3A_495 = tpu.vector_load_idx %arg8[%add3A_281, %broadcast_in_dim3A_494] : memref<32x208xf32, #tpu.memory_space<vmem>>[vector<16xi32>, vector<16xi32>], vector<16xf32>,
        %gather3A_496 = tpu.vector_load_idx %arg9[%add3A_281, %broadcast_in_dim3A_494] : memref<32x208xf32, #tpu.memory_space<vmem>>[vector<16xi32>, vector<16xi32>], vector<16xf32>,
        %mul3A_497 = arith.mulf %gather3A_495, %gather3A_496 : vector<16xf32>
        %add3A_498 = arith.addf %add3A_474, %mul3A_497 : vector<16xf32>
        %broadcast_in_dim3A_499 = arith.constant 35 : i32
        %broadcast_in_dim3A_500 = vector.broadcast %broadcast_in_dim3A_499 : i32 to vector<16xi32>
        %gather3A_501 = tpu.vector_load_idx %arg8[%add3A_281, %broadcast_in_dim3A_500] : memref<32x208xf32, #tpu.memory_space<vmem>>[vector<16xi32>, vector<16xi32>], vector<16xf32>,
        %gather3A_502 = tpu.vector_load_idx %arg9[%add3A_281, %broadcast_in_dim3A_500] : memref<32x208xf32, #tpu.memory_space<vmem>>[vector<16xi32>, vector<16xi32>], vector<16xf32>,
        %mul3A_503 = arith.mulf %gather3A_501, %gather3A_502 : vector<16xf32>
        %add3A_504 = arith.addf %add3A_480, %mul3A_503 : vector<16xf32>
        %broadcast_in_dim3A_505 = arith.constant 36 : i32
        %broadcast_in_dim3A_506 = vector.broadcast %broadcast_in_dim3A_505 : i32 to vector<16xi32>
        %gather3A_507 = tpu.vector_load_idx %arg8[%add3A_281, %broadcast_in_dim3A_506] : memref<32x208xf32, #tpu.memory_space<vmem>>[vector<16xi32>, vector<16xi32>], vector<16xf32>,
        %gather3A_508 = tpu.vector_load_idx %arg9[%add3A_281, %broadcast_in_dim3A_506] : memref<32x208xf32, #tpu.memory_space<vmem>>[vector<16xi32>, vector<16xi32>], vector<16xf32>,
        %mul3A_509 = arith.mulf %gather3A_507, %gather3A_508 : vector<16xf32>
        %add3A_510 = arith.addf %add3A_486, %mul3A_509 : vector<16xf32>
        %broadcast_in_dim3A_511 = arith.constant 37 : i32
        %broadcast_in_dim3A_512 = vector.broadcast %broadcast_in_dim3A_511 : i32 to vector<16xi32>
        %gather3A_513 = tpu.vector_load_idx %arg8[%add3A_281, %broadcast_in_dim3A_512] : memref<32x208xf32, #tpu.memory_space<vmem>>[vector<16xi32>, vector<16xi32>], vector<16xf32>,
        %gather3A_514 = tpu.vector_load_idx %arg9[%add3A_281, %broadcast_in_dim3A_512] : memref<32x208xf32, #tpu.memory_space<vmem>>[vector<16xi32>, vector<16xi32>], vector<16xf32>,
        %mul3A_515 = arith.mulf %gather3A_513, %gather3A_514 : vector<16xf32>
        %add3A_516 = arith.addf %add3A_492, %mul3A_515 : vector<16xf32>
        %broadcast_in_dim3A_517 = arith.constant 38 : i32
        %broadcast_in_dim3A_518 = vector.broadcast %broadcast_in_dim3A_517 : i32 to vector<16xi32>
        %gather3A_519 = tpu.vector_load_idx %arg8[%add3A_281, %broadcast_in_dim3A_518] : memref<32x208xf32, #tpu.memory_space<vmem>>[vector<16xi32>, vector<16xi32>], vector<16xf32>,
        %gather3A_520 = tpu.vector_load_idx %arg9[%add3A_281, %broadcast_in_dim3A_518] : memref<32x208xf32, #tpu.memory_space<vmem>>[vector<16xi32>, vector<16xi32>], vector<16xf32>,
        %mul3A_521 = arith.mulf %gather3A_519, %gather3A_520 : vector<16xf32>
        %add3A_522 = arith.addf %add3A_498, %mul3A_521 : vector<16xf32>
        %broadcast_in_dim3A_523 = arith.constant 39 : i32
        %broadcast_in_dim3A_524 = vector.broadcast %broadcast_in_dim3A_523 : i32 to vector<16xi32>
        %gather3A_525 = tpu.vector_load_idx %arg8[%add3A_281, %broadcast_in_dim3A_524] : memref<32x208xf32, #tpu.memory_space<vmem>>[vector<16xi32>, vector<16xi32>], vector<16xf32>,
        %gather3A_526 = tpu.vector_load_idx %arg9[%add3A_281, %broadcast_in_dim3A_524] : memref<32x208xf32, #tpu.memory_space<vmem>>[vector<16xi32>, vector<16xi32>], vector<16xf32>,
        %mul3A_527 = arith.mulf %gather3A_525, %gather3A_526 : vector<16xf32>
        %add3A_528 = arith.addf %add3A_504, %mul3A_527 : vector<16xf32>
        %broadcast_in_dim3A_529 = arith.constant 40 : i32
        %broadcast_in_dim3A_530 = vector.broadcast %broadcast_in_dim3A_529 : i32 to vector<16xi32>
        %gather3A_531 = tpu.vector_load_idx %arg8[%add3A_281, %broadcast_in_dim3A_530] : memref<32x208xf32, #tpu.memory_space<vmem>>[vector<16xi32>, vector<16xi32>], vector<16xf32>,
        %gather3A_532 = tpu.vector_load_idx %arg9[%add3A_281, %broadcast_in_dim3A_530] : memref<32x208xf32, #tpu.memory_space<vmem>>[vector<16xi32>, vector<16xi32>], vector<16xf32>,
        %mul3A_533 = arith.mulf %gather3A_531, %gather3A_532 : vector<16xf32>
        %add3A_534 = arith.addf %add3A_510, %mul3A_533 : vector<16xf32>
        %broadcast_in_dim3A_535 = arith.constant 41 : i32
        %broadcast_in_dim3A_536 = vector.broadcast %broadcast_in_dim3A_535 : i32 to vector<16xi32>
        %gather3A_537 = tpu.vector_load_idx %arg8[%add3A_281, %broadcast_in_dim3A_536] : memref<32x208xf32, #tpu.memory_space<vmem>>[vector<16xi32>, vector<16xi32>], vector<16xf32>,
        %gather3A_538 = tpu.vector_load_idx %arg9[%add3A_281, %broadcast_in_dim3A_536] : memref<32x208xf32, #tpu.memory_space<vmem>>[vector<16xi32>, vector<16xi32>], vector<16xf32>,
        %mul3A_539 = arith.mulf %gather3A_537, %gather3A_538 : vector<16xf32>
        %add3A_540 = arith.addf %add3A_516, %mul3A_539 : vector<16xf32>
        %broadcast_in_dim3A_541 = arith.constant 42 : i32
        %broadcast_in_dim3A_542 = vector.broadcast %broadcast_in_dim3A_541 : i32 to vector<16xi32>
        %gather3A_543 = tpu.vector_load_idx %arg8[%add3A_281, %broadcast_in_dim3A_542] : memref<32x208xf32, #tpu.memory_space<vmem>>[vector<16xi32>, vector<16xi32>], vector<16xf32>,
        %gather3A_544 = tpu.vector_load_idx %arg9[%add3A_281, %broadcast_in_dim3A_542] : memref<32x208xf32, #tpu.memory_space<vmem>>[vector<16xi32>, vector<16xi32>], vector<16xf32>,
        %mul3A_545 = arith.mulf %gather3A_543, %gather3A_544 : vector<16xf32>
        %add3A_546 = arith.addf %add3A_522, %mul3A_545 : vector<16xf32>
        %broadcast_in_dim3A_547 = arith.constant 43 : i32
        %broadcast_in_dim3A_548 = vector.broadcast %broadcast_in_dim3A_547 : i32 to vector<16xi32>
        %gather3A_549 = tpu.vector_load_idx %arg8[%add3A_281, %broadcast_in_dim3A_548] : memref<32x208xf32, #tpu.memory_space<vmem>>[vector<16xi32>, vector<16xi32>], vector<16xf32>,
        %gather3A_550 = tpu.vector_load_idx %arg9[%add3A_281, %broadcast_in_dim3A_548] : memref<32x208xf32, #tpu.memory_space<vmem>>[vector<16xi32>, vector<16xi32>], vector<16xf32>,
        %mul3A_551 = arith.mulf %gather3A_549, %gather3A_550 : vector<16xf32>
        %add3A_552 = arith.addf %add3A_528, %mul3A_551 : vector<16xf32>
        %broadcast_in_dim3A_553 = arith.constant 44 : i32
        %broadcast_in_dim3A_554 = vector.broadcast %broadcast_in_dim3A_553 : i32 to vector<16xi32>
        %gather3A_555 = tpu.vector_load_idx %arg8[%add3A_281, %broadcast_in_dim3A_554] : memref<32x208xf32, #tpu.memory_space<vmem>>[vector<16xi32>, vector<16xi32>], vector<16xf32>,
        %gather3A_556 = tpu.vector_load_idx %arg9[%add3A_281, %broadcast_in_dim3A_554] : memref<32x208xf32, #tpu.memory_space<vmem>>[vector<16xi32>, vector<16xi32>], vector<16xf32>,
        %mul3A_557 = arith.mulf %gather3A_555, %gather3A_556 : vector<16xf32>
        %add3A_558 = arith.addf %add3A_534, %mul3A_557 : vector<16xf32>
        %broadcast_in_dim3A_559 = arith.constant 45 : i32
        %broadcast_in_dim3A_560 = vector.broadcast %broadcast_in_dim3A_559 : i32 to vector<16xi32>
        %gather3A_561 = tpu.vector_load_idx %arg8[%add3A_281, %broadcast_in_dim3A_560] : memref<32x208xf32, #tpu.memory_space<vmem>>[vector<16xi32>, vector<16xi32>], vector<16xf32>,
        %gather3A_562 = tpu.vector_load_idx %arg9[%add3A_281, %broadcast_in_dim3A_560] : memref<32x208xf32, #tpu.memory_space<vmem>>[vector<16xi32>, vector<16xi32>], vector<16xf32>,
        %mul3A_563 = arith.mulf %gather3A_561, %gather3A_562 : vector<16xf32>
        %add3A_564 = arith.addf %add3A_540, %mul3A_563 : vector<16xf32>
        %broadcast_in_dim3A_565 = arith.constant 46 : i32
        %broadcast_in_dim3A_566 = vector.broadcast %broadcast_in_dim3A_565 : i32 to vector<16xi32>
        %gather3A_567 = tpu.vector_load_idx %arg8[%add3A_281, %broadcast_in_dim3A_566] : memref<32x208xf32, #tpu.memory_space<vmem>>[vector<16xi32>, vector<16xi32>], vector<16xf32>,
        %gather3A_568 = tpu.vector_load_idx %arg9[%add3A_281, %broadcast_in_dim3A_566] : memref<32x208xf32, #tpu.memory_space<vmem>>[vector<16xi32>, vector<16xi32>], vector<16xf32>,
        %mul3A_569 = arith.mulf %gather3A_567, %gather3A_568 : vector<16xf32>
        %add3A_570 = arith.addf %add3A_546, %mul3A_569 : vector<16xf32>
        %broadcast_in_dim3A_571 = arith.constant 47 : i32
        %broadcast_in_dim3A_572 = vector.broadcast %broadcast_in_dim3A_571 : i32 to vector<16xi32>
        %gather3A_573 = tpu.vector_load_idx %arg8[%add3A_281, %broadcast_in_dim3A_572] : memref<32x208xf32, #tpu.memory_space<vmem>>[vector<16xi32>, vector<16xi32>], vector<16xf32>,
        %gather3A_574 = tpu.vector_load_idx %arg9[%add3A_281, %broadcast_in_dim3A_572] : memref<32x208xf32, #tpu.memory_space<vmem>>[vector<16xi32>, vector<16xi32>], vector<16xf32>,
        %mul3A_575 = arith.mulf %gather3A_573, %gather3A_574 : vector<16xf32>
        %add3A_576 = arith.addf %add3A_552, %mul3A_575 : vector<16xf32>
        %broadcast_in_dim3A_577 = arith.constant 48 : i32
        %broadcast_in_dim3A_578 = vector.broadcast %broadcast_in_dim3A_577 : i32 to vector<16xi32>
        %gather3A_579 = tpu.vector_load_idx %arg8[%add3A_281, %broadcast_in_dim3A_578] : memref<32x208xf32, #tpu.memory_space<vmem>>[vector<16xi32>, vector<16xi32>], vector<16xf32>,
        %gather3A_580 = tpu.vector_load_idx %arg9[%add3A_281, %broadcast_in_dim3A_578] : memref<32x208xf32, #tpu.memory_space<vmem>>[vector<16xi32>, vector<16xi32>], vector<16xf32>,
        %mul3A_581 = arith.mulf %gather3A_579, %gather3A_580 : vector<16xf32>
        %add3A_582 = arith.addf %add3A_558, %mul3A_581 : vector<16xf32>
        %broadcast_in_dim3A_583 = arith.constant 49 : i32
        %broadcast_in_dim3A_584 = vector.broadcast %broadcast_in_dim3A_583 : i32 to vector<16xi32>
        %gather3A_585 = tpu.vector_load_idx %arg8[%add3A_281, %broadcast_in_dim3A_584] : memref<32x208xf32, #tpu.memory_space<vmem>>[vector<16xi32>, vector<16xi32>], vector<16xf32>,
        %gather3A_586 = tpu.vector_load_idx %arg9[%add3A_281, %broadcast_in_dim3A_584] : memref<32x208xf32, #tpu.memory_space<vmem>>[vector<16xi32>, vector<16xi32>], vector<16xf32>,
        %mul3A_587 = arith.mulf %gather3A_585, %gather3A_586 : vector<16xf32>
        %add3A_588 = arith.addf %add3A_564, %mul3A_587 : vector<16xf32>
        %broadcast_in_dim3A_589 = arith.constant 50 : i32
        %broadcast_in_dim3A_590 = vector.broadcast %broadcast_in_dim3A_589 : i32 to vector<16xi32>
        %gather3A_591 = tpu.vector_load_idx %arg8[%add3A_281, %broadcast_in_dim3A_590] : memref<32x208xf32, #tpu.memory_space<vmem>>[vector<16xi32>, vector<16xi32>], vector<16xf32>,
        %gather3A_592 = tpu.vector_load_idx %arg9[%add3A_281, %broadcast_in_dim3A_590] : memref<32x208xf32, #tpu.memory_space<vmem>>[vector<16xi32>, vector<16xi32>], vector<16xf32>,
        %mul3A_593 = arith.mulf %gather3A_591, %gather3A_592 : vector<16xf32>
        %add3A_594 = arith.addf %add3A_570, %mul3A_593 : vector<16xf32>
        %broadcast_in_dim3A_595 = arith.constant 51 : i32
        %broadcast_in_dim3A_596 = vector.broadcast %broadcast_in_dim3A_595 : i32 to vector<16xi32>
        %gather3A_597 = tpu.vector_load_idx %arg8[%add3A_281, %broadcast_in_dim3A_596] : memref<32x208xf32, #tpu.memory_space<vmem>>[vector<16xi32>, vector<16xi32>], vector<16xf32>,
        %gather3A_598 = tpu.vector_load_idx %arg9[%add3A_281, %broadcast_in_dim3A_596] : memref<32x208xf32, #tpu.memory_space<vmem>>[vector<16xi32>, vector<16xi32>], vector<16xf32>,
        %mul3A_599 = arith.mulf %gather3A_597, %gather3A_598 : vector<16xf32>
        %add3A_600 = arith.addf %add3A_576, %mul3A_599 : vector<16xf32>
        %broadcast_in_dim3A_601 = arith.constant 52 : i32
        %broadcast_in_dim3A_602 = vector.broadcast %broadcast_in_dim3A_601 : i32 to vector<16xi32>
        %gather3A_603 = tpu.vector_load_idx %arg8[%add3A_281, %broadcast_in_dim3A_602] : memref<32x208xf32, #tpu.memory_space<vmem>>[vector<16xi32>, vector<16xi32>], vector<16xf32>,
        %gather3A_604 = tpu.vector_load_idx %arg9[%add3A_281, %broadcast_in_dim3A_602] : memref<32x208xf32, #tpu.memory_space<vmem>>[vector<16xi32>, vector<16xi32>], vector<16xf32>,
        %mul3A_605 = arith.mulf %gather3A_603, %gather3A_604 : vector<16xf32>
        %add3A_606 = arith.addf %add3A_582, %mul3A_605 : vector<16xf32>
        %broadcast_in_dim3A_607 = arith.constant 53 : i32
        %broadcast_in_dim3A_608 = vector.broadcast %broadcast_in_dim3A_607 : i32 to vector<16xi32>
        %gather3A_609 = tpu.vector_load_idx %arg8[%add3A_281, %broadcast_in_dim3A_608] : memref<32x208xf32, #tpu.memory_space<vmem>>[vector<16xi32>, vector<16xi32>], vector<16xf32>,
        %gather3A_610 = tpu.vector_load_idx %arg9[%add3A_281, %broadcast_in_dim3A_608] : memref<32x208xf32, #tpu.memory_space<vmem>>[vector<16xi32>, vector<16xi32>], vector<16xf32>,
        %mul3A_611 = arith.mulf %gather3A_609, %gather3A_610 : vector<16xf32>
        %add3A_612 = arith.addf %add3A_588, %mul3A_611 : vector<16xf32>
        %broadcast_in_dim3A_613 = arith.constant 54 : i32
        %broadcast_in_dim3A_614 = vector.broadcast %broadcast_in_dim3A_613 : i32 to vector<16xi32>
        %gather3A_615 = tpu.vector_load_idx %arg8[%add3A_281, %broadcast_in_dim3A_614] : memref<32x208xf32, #tpu.memory_space<vmem>>[vector<16xi32>, vector<16xi32>], vector<16xf32>,
        %gather3A_616 = tpu.vector_load_idx %arg9[%add3A_281, %broadcast_in_dim3A_614] : memref<32x208xf32, #tpu.memory_space<vmem>>[vector<16xi32>, vector<16xi32>], vector<16xf32>,
        %mul3A_617 = arith.mulf %gather3A_615, %gather3A_616 : vector<16xf32>
        %add3A_618 = arith.addf %add3A_594, %mul3A_617 : vector<16xf32>
        %broadcast_in_dim3A_619 = arith.constant 55 : i32
        %broadcast_in_dim3A_620 = vector.broadcast %broadcast_in_dim3A_619 : i32 to vector<16xi32>
        %gather3A_621 = tpu.vector_load_idx %arg8[%add3A_281, %broadcast_in_dim3A_620] : memref<32x208xf32, #tpu.memory_space<vmem>>[vector<16xi32>, vector<16xi32>], vector<16xf32>,
        %gather3A_622 = tpu.vector_load_idx %arg9[%add3A_281, %broadcast_in_dim3A_620] : memref<32x208xf32, #tpu.memory_space<vmem>>[vector<16xi32>, vector<16xi32>], vector<16xf32>,
        %mul3A_623 = arith.mulf %gather3A_621, %gather3A_622 : vector<16xf32>
        %add3A_624 = arith.addf %add3A_600, %mul3A_623 : vector<16xf32>
        %broadcast_in_dim3A_625 = arith.constant 56 : i32
        %broadcast_in_dim3A_626 = vector.broadcast %broadcast_in_dim3A_625 : i32 to vector<16xi32>
        %gather3A_627 = tpu.vector_load_idx %arg8[%add3A_281, %broadcast_in_dim3A_626] : memref<32x208xf32, #tpu.memory_space<vmem>>[vector<16xi32>, vector<16xi32>], vector<16xf32>,
        %gather3A_628 = tpu.vector_load_idx %arg9[%add3A_281, %broadcast_in_dim3A_626] : memref<32x208xf32, #tpu.memory_space<vmem>>[vector<16xi32>, vector<16xi32>], vector<16xf32>,
        %mul3A_629 = arith.mulf %gather3A_627, %gather3A_628 : vector<16xf32>
        %add3A_630 = arith.addf %add3A_606, %mul3A_629 : vector<16xf32>
        %broadcast_in_dim3A_631 = arith.constant 57 : i32
        %broadcast_in_dim3A_632 = vector.broadcast %broadcast_in_dim3A_631 : i32 to vector<16xi32>
        %gather3A_633 = tpu.vector_load_idx %arg8[%add3A_281, %broadcast_in_dim3A_632] : memref<32x208xf32, #tpu.memory_space<vmem>>[vector<16xi32>, vector<16xi32>], vector<16xf32>,
        %gather3A_634 = tpu.vector_load_idx %arg9[%add3A_281, %broadcast_in_dim3A_632] : memref<32x208xf32, #tpu.memory_space<vmem>>[vector<16xi32>, vector<16xi32>], vector<16xf32>,
        %mul3A_635 = arith.mulf %gather3A_633, %gather3A_634 : vector<16xf32>
        %add3A_636 = arith.addf %add3A_612, %mul3A_635 : vector<16xf32>
        %broadcast_in_dim3A_637 = arith.constant 58 : i32
        %broadcast_in_dim3A_638 = vector.broadcast %broadcast_in_dim3A_637 : i32 to vector<16xi32>
        %gather3A_639 = tpu.vector_load_idx %arg8[%add3A_281, %broadcast_in_dim3A_638] : memref<32x208xf32, #tpu.memory_space<vmem>>[vector<16xi32>, vector<16xi32>], vector<16xf32>,
        %gather3A_640 = tpu.vector_load_idx %arg9[%add3A_281, %broadcast_in_dim3A_638] : memref<32x208xf32, #tpu.memory_space<vmem>>[vector<16xi32>, vector<16xi32>], vector<16xf32>,
        %mul3A_641 = arith.mulf %gather3A_639, %gather3A_640 : vector<16xf32>
        %add3A_642 = arith.addf %add3A_618, %mul3A_641 : vector<16xf32>
        %broadcast_in_dim3A_643 = arith.constant 59 : i32
        %broadcast_in_dim3A_644 = vector.broadcast %broadcast_in_dim3A_643 : i32 to vector<16xi32>
        %gather3A_645 = tpu.vector_load_idx %arg8[%add3A_281, %broadcast_in_dim3A_644] : memref<32x208xf32, #tpu.memory_space<vmem>>[vector<16xi32>, vector<16xi32>], vector<16xf32>,
        %gather3A_646 = tpu.vector_load_idx %arg9[%add3A_281, %broadcast_in_dim3A_644] : memref<32x208xf32, #tpu.memory_space<vmem>>[vector<16xi32>, vector<16xi32>], vector<16xf32>,
        %mul3A_647 = arith.mulf %gather3A_645, %gather3A_646 : vector<16xf32>
        %add3A_648 = arith.addf %add3A_624, %mul3A_647 : vector<16xf32>
        %broadcast_in_dim3A_649 = arith.constant 60 : i32
        %broadcast_in_dim3A_650 = vector.broadcast %broadcast_in_dim3A_649 : i32 to vector<16xi32>
        %gather3A_651 = tpu.vector_load_idx %arg8[%add3A_281, %broadcast_in_dim3A_650] : memref<32x208xf32, #tpu.memory_space<vmem>>[vector<16xi32>, vector<16xi32>], vector<16xf32>,
        %gather3A_652 = tpu.vector_load_idx %arg9[%add3A_281, %broadcast_in_dim3A_650] : memref<32x208xf32, #tpu.memory_space<vmem>>[vector<16xi32>, vector<16xi32>], vector<16xf32>,
        %mul3A_653 = arith.mulf %gather3A_651, %gather3A_652 : vector<16xf32>
        %add3A_654 = arith.addf %add3A_630, %mul3A_653 : vector<16xf32>
        %broadcast_in_dim3A_655 = arith.constant 61 : i32
        %broadcast_in_dim3A_656 = vector.broadcast %broadcast_in_dim3A_655 : i32 to vector<16xi32>
        %gather3A_657 = tpu.vector_load_idx %arg8[%add3A_281, %broadcast_in_dim3A_656] : memref<32x208xf32, #tpu.memory_space<vmem>>[vector<16xi32>, vector<16xi32>], vector<16xf32>,
        %gather3A_658 = tpu.vector_load_idx %arg9[%add3A_281, %broadcast_in_dim3A_656] : memref<32x208xf32, #tpu.memory_space<vmem>>[vector<16xi32>, vector<16xi32>], vector<16xf32>,
        %mul3A_659 = arith.mulf %gather3A_657, %gather3A_658 : vector<16xf32>
        %add3A_660 = arith.addf %add3A_636, %mul3A_659 : vector<16xf32>
        %broadcast_in_dim3A_661 = arith.constant 62 : i32
        %broadcast_in_dim3A_662 = vector.broadcast %broadcast_in_dim3A_661 : i32 to vector<16xi32>
        %gather3A_663 = tpu.vector_load_idx %arg8[%add3A_281, %broadcast_in_dim3A_662] : memref<32x208xf32, #tpu.memory_space<vmem>>[vector<16xi32>, vector<16xi32>], vector<16xf32>,
        %gather3A_664 = tpu.vector_load_idx %arg9[%add3A_281, %broadcast_in_dim3A_662] : memref<32x208xf32, #tpu.memory_space<vmem>>[vector<16xi32>, vector<16xi32>], vector<16xf32>,
        %mul3A_665 = arith.mulf %gather3A_663, %gather3A_664 : vector<16xf32>
        %add3A_666 = arith.addf %add3A_642, %mul3A_665 : vector<16xf32>
        %broadcast_in_dim3A_667 = arith.constant 63 : i32
        %broadcast_in_dim3A_668 = vector.broadcast %broadcast_in_dim3A_667 : i32 to vector<16xi32>
        %gather3A_669 = tpu.vector_load_idx %arg8[%add3A_281, %broadcast_in_dim3A_668] : memref<32x208xf32, #tpu.memory_space<vmem>>[vector<16xi32>, vector<16xi32>], vector<16xf32>,
        %gather3A_670 = tpu.vector_load_idx %arg9[%add3A_281, %broadcast_in_dim3A_668] : memref<32x208xf32, #tpu.memory_space<vmem>>[vector<16xi32>, vector<16xi32>], vector<16xf32>,
        %mul3A_671 = arith.mulf %gather3A_669, %gather3A_670 : vector<16xf32>
        %add3A_672 = arith.addf %add3A_648, %mul3A_671 : vector<16xf32>
        %broadcast_in_dim3A_673 = arith.constant 64 : i32
        %broadcast_in_dim3A_674 = vector.broadcast %broadcast_in_dim3A_673 : i32 to vector<16xi32>
        %gather3A_675 = tpu.vector_load_idx %arg8[%add3A_281, %broadcast_in_dim3A_674] : memref<32x208xf32, #tpu.memory_space<vmem>>[vector<16xi32>, vector<16xi32>], vector<16xf32>,
        %gather3A_676 = tpu.vector_load_idx %arg9[%add3A_281, %broadcast_in_dim3A_674] : memref<32x208xf32, #tpu.memory_space<vmem>>[vector<16xi32>, vector<16xi32>], vector<16xf32>,
        %mul3A_677 = arith.mulf %gather3A_675, %gather3A_676 : vector<16xf32>
        %add3A_678 = arith.addf %add3A_654, %mul3A_677 : vector<16xf32>
        %broadcast_in_dim3A_679 = arith.constant 65 : i32
        %broadcast_in_dim3A_680 = vector.broadcast %broadcast_in_dim3A_679 : i32 to vector<16xi32>
        %gather3A_681 = tpu.vector_load_idx %arg8[%add3A_281, %broadcast_in_dim3A_680] : memref<32x208xf32, #tpu.memory_space<vmem>>[vector<16xi32>, vector<16xi32>], vector<16xf32>,
        %gather3A_682 = tpu.vector_load_idx %arg9[%add3A_281, %broadcast_in_dim3A_680] : memref<32x208xf32, #tpu.memory_space<vmem>>[vector<16xi32>, vector<16xi32>], vector<16xf32>,
        %mul3A_683 = arith.mulf %gather3A_681, %gather3A_682 : vector<16xf32>
        %add3A_684 = arith.addf %add3A_660, %mul3A_683 : vector<16xf32>
        %broadcast_in_dim3A_685 = arith.constant 66 : i32
        %broadcast_in_dim3A_686 = vector.broadcast %broadcast_in_dim3A_685 : i32 to vector<16xi32>
        %gather3A_687 = tpu.vector_load_idx %arg8[%add3A_281, %broadcast_in_dim3A_686] : memref<32x208xf32, #tpu.memory_space<vmem>>[vector<16xi32>, vector<16xi32>], vector<16xf32>,
        %gather3A_688 = tpu.vector_load_idx %arg9[%add3A_281, %broadcast_in_dim3A_686] : memref<32x208xf32, #tpu.memory_space<vmem>>[vector<16xi32>, vector<16xi32>], vector<16xf32>,
        %mul3A_689 = arith.mulf %gather3A_687, %gather3A_688 : vector<16xf32>
        %add3A_690 = arith.addf %add3A_666, %mul3A_689 : vector<16xf32>
        %broadcast_in_dim3A_691 = arith.constant 67 : i32
        %broadcast_in_dim3A_692 = vector.broadcast %broadcast_in_dim3A_691 : i32 to vector<16xi32>
        %gather3A_693 = tpu.vector_load_idx %arg8[%add3A_281, %broadcast_in_dim3A_692] : memref<32x208xf32, #tpu.memory_space<vmem>>[vector<16xi32>, vector<16xi32>], vector<16xf32>,
        %gather3A_694 = tpu.vector_load_idx %arg9[%add3A_281, %broadcast_in_dim3A_692] : memref<32x208xf32, #tpu.memory_space<vmem>>[vector<16xi32>, vector<16xi32>], vector<16xf32>,
        %mul3A_695 = arith.mulf %gather3A_693, %gather3A_694 : vector<16xf32>
        %add3A_696 = arith.addf %add3A_672, %mul3A_695 : vector<16xf32>
        %broadcast_in_dim3A_697 = arith.constant 68 : i32
        %broadcast_in_dim3A_698 = vector.broadcast %broadcast_in_dim3A_697 : i32 to vector<16xi32>
        %gather3A_699 = tpu.vector_load_idx %arg8[%add3A_281, %broadcast_in_dim3A_698] : memref<32x208xf32, #tpu.memory_space<vmem>>[vector<16xi32>, vector<16xi32>], vector<16xf32>,
        %gather3A_700 = tpu.vector_load_idx %arg9[%add3A_281, %broadcast_in_dim3A_698] : memref<32x208xf32, #tpu.memory_space<vmem>>[vector<16xi32>, vector<16xi32>], vector<16xf32>,
        %mul3A_701 = arith.mulf %gather3A_699, %gather3A_700 : vector<16xf32>
        %add3A_702 = arith.addf %add3A_678, %mul3A_701 : vector<16xf32>
        %broadcast_in_dim3A_703 = arith.constant 69 : i32
        %broadcast_in_dim3A_704 = vector.broadcast %broadcast_in_dim3A_703 : i32 to vector<16xi32>
        %gather3A_705 = tpu.vector_load_idx %arg8[%add3A_281, %broadcast_in_dim3A_704] : memref<32x208xf32, #tpu.memory_space<vmem>>[vector<16xi32>, vector<16xi32>], vector<16xf32>,
        %gather3A_706 = tpu.vector_load_idx %arg9[%add3A_281, %broadcast_in_dim3A_704] : memref<32x208xf32, #tpu.memory_space<vmem>>[vector<16xi32>, vector<16xi32>], vector<16xf32>,
        %mul3A_707 = arith.mulf %gather3A_705, %gather3A_706 : vector<16xf32>
        %add3A_708 = arith.addf %add3A_684, %mul3A_707 : vector<16xf32>
        %broadcast_in_dim3A_709 = arith.constant 70 : i32
        %broadcast_in_dim3A_710 = vector.broadcast %broadcast_in_dim3A_709 : i32 to vector<16xi32>
        %gather3A_711 = tpu.vector_load_idx %arg8[%add3A_281, %broadcast_in_dim3A_710] : memref<32x208xf32, #tpu.memory_space<vmem>>[vector<16xi32>, vector<16xi32>], vector<16xf32>,
        %gather3A_712 = tpu.vector_load_idx %arg9[%add3A_281, %broadcast_in_dim3A_710] : memref<32x208xf32, #tpu.memory_space<vmem>>[vector<16xi32>, vector<16xi32>], vector<16xf32>,
        %mul3A_713 = arith.mulf %gather3A_711, %gather3A_712 : vector<16xf32>
        %add3A_714 = arith.addf %add3A_690, %mul3A_713 : vector<16xf32>
        %broadcast_in_dim3A_715 = arith.constant 71 : i32
        %broadcast_in_dim3A_716 = vector.broadcast %broadcast_in_dim3A_715 : i32 to vector<16xi32>
        %gather3A_717 = tpu.vector_load_idx %arg8[%add3A_281, %broadcast_in_dim3A_716] : memref<32x208xf32, #tpu.memory_space<vmem>>[vector<16xi32>, vector<16xi32>], vector<16xf32>,
        %gather3A_718 = tpu.vector_load_idx %arg9[%add3A_281, %broadcast_in_dim3A_716] : memref<32x208xf32, #tpu.memory_space<vmem>>[vector<16xi32>, vector<16xi32>], vector<16xf32>,
        %mul3A_719 = arith.mulf %gather3A_717, %gather3A_718 : vector<16xf32>
        %add3A_720 = arith.addf %add3A_696, %mul3A_719 : vector<16xf32>
        %broadcast_in_dim3A_721 = arith.constant 72 : i32
        %broadcast_in_dim3A_722 = vector.broadcast %broadcast_in_dim3A_721 : i32 to vector<16xi32>
        %gather3A_723 = tpu.vector_load_idx %arg8[%add3A_281, %broadcast_in_dim3A_722] : memref<32x208xf32, #tpu.memory_space<vmem>>[vector<16xi32>, vector<16xi32>], vector<16xf32>,
        %gather3A_724 = tpu.vector_load_idx %arg9[%add3A_281, %broadcast_in_dim3A_722] : memref<32x208xf32, #tpu.memory_space<vmem>>[vector<16xi32>, vector<16xi32>], vector<16xf32>,
        %mul3A_725 = arith.mulf %gather3A_723, %gather3A_724 : vector<16xf32>
        %add3A_726 = arith.addf %add3A_702, %mul3A_725 : vector<16xf32>
        %broadcast_in_dim3A_727 = arith.constant 73 : i32
        %broadcast_in_dim3A_728 = vector.broadcast %broadcast_in_dim3A_727 : i32 to vector<16xi32>
        %gather3A_729 = tpu.vector_load_idx %arg8[%add3A_281, %broadcast_in_dim3A_728] : memref<32x208xf32, #tpu.memory_space<vmem>>[vector<16xi32>, vector<16xi32>], vector<16xf32>,
        %gather3A_730 = tpu.vector_load_idx %arg9[%add3A_281, %broadcast_in_dim3A_728] : memref<32x208xf32, #tpu.memory_space<vmem>>[vector<16xi32>, vector<16xi32>], vector<16xf32>,
        %mul3A_731 = arith.mulf %gather3A_729, %gather3A_730 : vector<16xf32>
        %add3A_732 = arith.addf %add3A_708, %mul3A_731 : vector<16xf32>
        %broadcast_in_dim3A_733 = arith.constant 74 : i32
        %broadcast_in_dim3A_734 = vector.broadcast %broadcast_in_dim3A_733 : i32 to vector<16xi32>
        %gather3A_735 = tpu.vector_load_idx %arg8[%add3A_281, %broadcast_in_dim3A_734] : memref<32x208xf32, #tpu.memory_space<vmem>>[vector<16xi32>, vector<16xi32>], vector<16xf32>,
        %gather3A_736 = tpu.vector_load_idx %arg9[%add3A_281, %broadcast_in_dim3A_734] : memref<32x208xf32, #tpu.memory_space<vmem>>[vector<16xi32>, vector<16xi32>], vector<16xf32>,
        %mul3A_737 = arith.mulf %gather3A_735, %gather3A_736 : vector<16xf32>
        %add3A_738 = arith.addf %add3A_714, %mul3A_737 : vector<16xf32>
        %broadcast_in_dim3A_739 = arith.constant 75 : i32
        %broadcast_in_dim3A_740 = vector.broadcast %broadcast_in_dim3A_739 : i32 to vector<16xi32>
        %gather3A_741 = tpu.vector_load_idx %arg8[%add3A_281, %broadcast_in_dim3A_740] : memref<32x208xf32, #tpu.memory_space<vmem>>[vector<16xi32>, vector<16xi32>], vector<16xf32>,
        %gather3A_742 = tpu.vector_load_idx %arg9[%add3A_281, %broadcast_in_dim3A_740] : memref<32x208xf32, #tpu.memory_space<vmem>>[vector<16xi32>, vector<16xi32>], vector<16xf32>,
        %mul3A_743 = arith.mulf %gather3A_741, %gather3A_742 : vector<16xf32>
        %add3A_744 = arith.addf %add3A_720, %mul3A_743 : vector<16xf32>
        %broadcast_in_dim3A_745 = arith.constant 76 : i32
        %broadcast_in_dim3A_746 = vector.broadcast %broadcast_in_dim3A_745 : i32 to vector<16xi32>
        %gather3A_747 = tpu.vector_load_idx %arg8[%add3A_281, %broadcast_in_dim3A_746] : memref<32x208xf32, #tpu.memory_space<vmem>>[vector<16xi32>, vector<16xi32>], vector<16xf32>,
        %gather3A_748 = tpu.vector_load_idx %arg9[%add3A_281, %broadcast_in_dim3A_746] : memref<32x208xf32, #tpu.memory_space<vmem>>[vector<16xi32>, vector<16xi32>], vector<16xf32>,
        %mul3A_749 = arith.mulf %gather3A_747, %gather3A_748 : vector<16xf32>
        %add3A_750 = arith.addf %add3A_726, %mul3A_749 : vector<16xf32>
        %broadcast_in_dim3A_751 = arith.constant 77 : i32
        %broadcast_in_dim3A_752 = vector.broadcast %broadcast_in_dim3A_751 : i32 to vector<16xi32>
        %gather3A_753 = tpu.vector_load_idx %arg8[%add3A_281, %broadcast_in_dim3A_752] : memref<32x208xf32, #tpu.memory_space<vmem>>[vector<16xi32>, vector<16xi32>], vector<16xf32>,
        %gather3A_754 = tpu.vector_load_idx %arg9[%add3A_281, %broadcast_in_dim3A_752] : memref<32x208xf32, #tpu.memory_space<vmem>>[vector<16xi32>, vector<16xi32>], vector<16xf32>,
        %mul3A_755 = arith.mulf %gather3A_753, %gather3A_754 : vector<16xf32>
        %add3A_756 = arith.addf %add3A_732, %mul3A_755 : vector<16xf32>
        %broadcast_in_dim3A_757 = arith.constant 78 : i32
        %broadcast_in_dim3A_758 = vector.broadcast %broadcast_in_dim3A_757 : i32 to vector<16xi32>
        %gather3A_759 = tpu.vector_load_idx %arg8[%add3A_281, %broadcast_in_dim3A_758] : memref<32x208xf32, #tpu.memory_space<vmem>>[vector<16xi32>, vector<16xi32>], vector<16xf32>,
        %gather3A_760 = tpu.vector_load_idx %arg9[%add3A_281, %broadcast_in_dim3A_758] : memref<32x208xf32, #tpu.memory_space<vmem>>[vector<16xi32>, vector<16xi32>], vector<16xf32>,
        %mul3A_761 = arith.mulf %gather3A_759, %gather3A_760 : vector<16xf32>
        %add3A_762 = arith.addf %add3A_738, %mul3A_761 : vector<16xf32>
        %broadcast_in_dim3A_763 = arith.constant 79 : i32
        %broadcast_in_dim3A_764 = vector.broadcast %broadcast_in_dim3A_763 : i32 to vector<16xi32>
        %gather3A_765 = tpu.vector_load_idx %arg8[%add3A_281, %broadcast_in_dim3A_764] : memref<32x208xf32, #tpu.memory_space<vmem>>[vector<16xi32>, vector<16xi32>], vector<16xf32>,
        %gather3A_766 = tpu.vector_load_idx %arg9[%add3A_281, %broadcast_in_dim3A_764] : memref<32x208xf32, #tpu.memory_space<vmem>>[vector<16xi32>, vector<16xi32>], vector<16xf32>,
        %mul3A_767 = arith.mulf %gather3A_765, %gather3A_766 : vector<16xf32>
        %add3A_768 = arith.addf %add3A_744, %mul3A_767 : vector<16xf32>
        %broadcast_in_dim3A_769 = arith.constant 80 : i32
        %broadcast_in_dim3A_770 = vector.broadcast %broadcast_in_dim3A_769 : i32 to vector<16xi32>
        %gather3A_771 = tpu.vector_load_idx %arg8[%add3A_281, %broadcast_in_dim3A_770] : memref<32x208xf32, #tpu.memory_space<vmem>>[vector<16xi32>, vector<16xi32>], vector<16xf32>,
        %gather3A_772 = tpu.vector_load_idx %arg9[%add3A_281, %broadcast_in_dim3A_770] : memref<32x208xf32, #tpu.memory_space<vmem>>[vector<16xi32>, vector<16xi32>], vector<16xf32>,
        %mul3A_773 = arith.mulf %gather3A_771, %gather3A_772 : vector<16xf32>
        %add3A_774 = arith.addf %add3A_750, %mul3A_773 : vector<16xf32>
        %broadcast_in_dim3A_775 = arith.constant 81 : i32
        %broadcast_in_dim3A_776 = vector.broadcast %broadcast_in_dim3A_775 : i32 to vector<16xi32>
        %gather3A_777 = tpu.vector_load_idx %arg8[%add3A_281, %broadcast_in_dim3A_776] : memref<32x208xf32, #tpu.memory_space<vmem>>[vector<16xi32>, vector<16xi32>], vector<16xf32>,
        %gather3A_778 = tpu.vector_load_idx %arg9[%add3A_281, %broadcast_in_dim3A_776] : memref<32x208xf32, #tpu.memory_space<vmem>>[vector<16xi32>, vector<16xi32>], vector<16xf32>,
        %mul3A_779 = arith.mulf %gather3A_777, %gather3A_778 : vector<16xf32>
        %add3A_780 = arith.addf %add3A_756, %mul3A_779 : vector<16xf32>
        %broadcast_in_dim3A_781 = arith.constant 82 : i32
        %broadcast_in_dim3A_782 = vector.broadcast %broadcast_in_dim3A_781 : i32 to vector<16xi32>
        %gather3A_783 = tpu.vector_load_idx %arg8[%add3A_281, %broadcast_in_dim3A_782] : memref<32x208xf32, #tpu.memory_space<vmem>>[vector<16xi32>, vector<16xi32>], vector<16xf32>,
        %gather3A_784 = tpu.vector_load_idx %arg9[%add3A_281, %broadcast_in_dim3A_782] : memref<32x208xf32, #tpu.memory_space<vmem>>[vector<16xi32>, vector<16xi32>], vector<16xf32>,
        %mul3A_785 = arith.mulf %gather3A_783, %gather3A_784 : vector<16xf32>
        %add3A_786 = arith.addf %add3A_762, %mul3A_785 : vector<16xf32>
        %broadcast_in_dim3A_787 = arith.constant 83 : i32
        %broadcast_in_dim3A_788 = vector.broadcast %broadcast_in_dim3A_787 : i32 to vector<16xi32>
        %gather3A_789 = tpu.vector_load_idx %arg8[%add3A_281, %broadcast_in_dim3A_788] : memref<32x208xf32, #tpu.memory_space<vmem>>[vector<16xi32>, vector<16xi32>], vector<16xf32>,
        %gather3A_790 = tpu.vector_load_idx %arg9[%add3A_281, %broadcast_in_dim3A_788] : memref<32x208xf32, #tpu.memory_space<vmem>>[vector<16xi32>, vector<16xi32>], vector<16xf32>,
        %mul3A_791 = arith.mulf %gather3A_789, %gather3A_790 : vector<16xf32>
        %add3A_792 = arith.addf %add3A_768, %mul3A_791 : vector<16xf32>
        %broadcast_in_dim3A_793 = arith.constant 84 : i32
        %broadcast_in_dim3A_794 = vector.broadcast %broadcast_in_dim3A_793 : i32 to vector<16xi32>
        %gather3A_795 = tpu.vector_load_idx %arg8[%add3A_281, %broadcast_in_dim3A_794] : memref<32x208xf32, #tpu.memory_space<vmem>>[vector<16xi32>, vector<16xi32>], vector<16xf32>,
        %gather3A_796 = tpu.vector_load_idx %arg9[%add3A_281, %broadcast_in_dim3A_794] : memref<32x208xf32, #tpu.memory_space<vmem>>[vector<16xi32>, vector<16xi32>], vector<16xf32>,
        %mul3A_797 = arith.mulf %gather3A_795, %gather3A_796 : vector<16xf32>
        %add3A_798 = arith.addf %add3A_774, %mul3A_797 : vector<16xf32>
        %broadcast_in_dim3A_799 = arith.constant 85 : i32
        %broadcast_in_dim3A_800 = vector.broadcast %broadcast_in_dim3A_799 : i32 to vector<16xi32>
        %gather3A_801 = tpu.vector_load_idx %arg8[%add3A_281, %broadcast_in_dim3A_800] : memref<32x208xf32, #tpu.memory_space<vmem>>[vector<16xi32>, vector<16xi32>], vector<16xf32>,
        %gather3A_802 = tpu.vector_load_idx %arg9[%add3A_281, %broadcast_in_dim3A_800] : memref<32x208xf32, #tpu.memory_space<vmem>>[vector<16xi32>, vector<16xi32>], vector<16xf32>,
        %mul3A_803 = arith.mulf %gather3A_801, %gather3A_802 : vector<16xf32>
        %add3A_804 = arith.addf %add3A_780, %mul3A_803 : vector<16xf32>
        %broadcast_in_dim3A_805 = arith.constant 86 : i32
        %broadcast_in_dim3A_806 = vector.broadcast %broadcast_in_dim3A_805 : i32 to vector<16xi32>
        %gather3A_807 = tpu.vector_load_idx %arg8[%add3A_281, %broadcast_in_dim3A_806] : memref<32x208xf32, #tpu.memory_space<vmem>>[vector<16xi32>, vector<16xi32>], vector<16xf32>,
        %gather3A_808 = tpu.vector_load_idx %arg9[%add3A_281, %broadcast_in_dim3A_806] : memref<32x208xf32, #tpu.memory_space<vmem>>[vector<16xi32>, vector<16xi32>], vector<16xf32>,
        %mul3A_809 = arith.mulf %gather3A_807, %gather3A_808 : vector<16xf32>
        %add3A_810 = arith.addf %add3A_786, %mul3A_809 : vector<16xf32>
        %broadcast_in_dim3A_811 = arith.constant 87 : i32
        %broadcast_in_dim3A_812 = vector.broadcast %broadcast_in_dim3A_811 : i32 to vector<16xi32>
        %gather3A_813 = tpu.vector_load_idx %arg8[%add3A_281, %broadcast_in_dim3A_812] : memref<32x208xf32, #tpu.memory_space<vmem>>[vector<16xi32>, vector<16xi32>], vector<16xf32>,
        %gather3A_814 = tpu.vector_load_idx %arg9[%add3A_281, %broadcast_in_dim3A_812] : memref<32x208xf32, #tpu.memory_space<vmem>>[vector<16xi32>, vector<16xi32>], vector<16xf32>,
        %mul3A_815 = arith.mulf %gather3A_813, %gather3A_814 : vector<16xf32>
        %add3A_816 = arith.addf %add3A_792, %mul3A_815 : vector<16xf32>
        %broadcast_in_dim3A_817 = arith.constant 88 : i32
        %broadcast_in_dim3A_818 = vector.broadcast %broadcast_in_dim3A_817 : i32 to vector<16xi32>
        %gather3A_819 = tpu.vector_load_idx %arg8[%add3A_281, %broadcast_in_dim3A_818] : memref<32x208xf32, #tpu.memory_space<vmem>>[vector<16xi32>, vector<16xi32>], vector<16xf32>,
        %gather3A_820 = tpu.vector_load_idx %arg9[%add3A_281, %broadcast_in_dim3A_818] : memref<32x208xf32, #tpu.memory_space<vmem>>[vector<16xi32>, vector<16xi32>], vector<16xf32>,
        %mul3A_821 = arith.mulf %gather3A_819, %gather3A_820 : vector<16xf32>
        %add3A_822 = arith.addf %add3A_798, %mul3A_821 : vector<16xf32>
        %broadcast_in_dim3A_823 = arith.constant 89 : i32
        %broadcast_in_dim3A_824 = vector.broadcast %broadcast_in_dim3A_823 : i32 to vector<16xi32>
        %gather3A_825 = tpu.vector_load_idx %arg8[%add3A_281, %broadcast_in_dim3A_824] : memref<32x208xf32, #tpu.memory_space<vmem>>[vector<16xi32>, vector<16xi32>], vector<16xf32>,
        %gather3A_826 = tpu.vector_load_idx %arg9[%add3A_281, %broadcast_in_dim3A_824] : memref<32x208xf32, #tpu.memory_space<vmem>>[vector<16xi32>, vector<16xi32>], vector<16xf32>,
        %mul3A_827 = arith.mulf %gather3A_825, %gather3A_826 : vector<16xf32>
        %add3A_828 = arith.addf %add3A_804, %mul3A_827 : vector<16xf32>
        %broadcast_in_dim3A_829 = arith.constant 90 : i32
        %broadcast_in_dim3A_830 = vector.broadcast %broadcast_in_dim3A_829 : i32 to vector<16xi32>
        %gather3A_831 = tpu.vector_load_idx %arg8[%add3A_281, %broadcast_in_dim3A_830] : memref<32x208xf32, #tpu.memory_space<vmem>>[vector<16xi32>, vector<16xi32>], vector<16xf32>,
        %gather3A_832 = tpu.vector_load_idx %arg9[%add3A_281, %broadcast_in_dim3A_830] : memref<32x208xf32, #tpu.memory_space<vmem>>[vector<16xi32>, vector<16xi32>], vector<16xf32>,
        %mul3A_833 = arith.mulf %gather3A_831, %gather3A_832 : vector<16xf32>
        %add3A_834 = arith.addf %add3A_810, %mul3A_833 : vector<16xf32>
        %broadcast_in_dim3A_835 = arith.constant 91 : i32
        %broadcast_in_dim3A_836 = vector.broadcast %broadcast_in_dim3A_835 : i32 to vector<16xi32>
        %gather3A_837 = tpu.vector_load_idx %arg8[%add3A_281, %broadcast_in_dim3A_836] : memref<32x208xf32, #tpu.memory_space<vmem>>[vector<16xi32>, vector<16xi32>], vector<16xf32>,
        %gather3A_838 = tpu.vector_load_idx %arg9[%add3A_281, %broadcast_in_dim3A_836] : memref<32x208xf32, #tpu.memory_space<vmem>>[vector<16xi32>, vector<16xi32>], vector<16xf32>,
        %mul3A_839 = arith.mulf %gather3A_837, %gather3A_838 : vector<16xf32>
        %add3A_840 = arith.addf %add3A_816, %mul3A_839 : vector<16xf32>
        %broadcast_in_dim3A_841 = arith.constant 92 : i32
        %broadcast_in_dim3A_842 = vector.broadcast %broadcast_in_dim3A_841 : i32 to vector<16xi32>
        %gather3A_843 = tpu.vector_load_idx %arg8[%add3A_281, %broadcast_in_dim3A_842] : memref<32x208xf32, #tpu.memory_space<vmem>>[vector<16xi32>, vector<16xi32>], vector<16xf32>,
        %gather3A_844 = tpu.vector_load_idx %arg9[%add3A_281, %broadcast_in_dim3A_842] : memref<32x208xf32, #tpu.memory_space<vmem>>[vector<16xi32>, vector<16xi32>], vector<16xf32>,
        %mul3A_845 = arith.mulf %gather3A_843, %gather3A_844 : vector<16xf32>
        %add3A_846 = arith.addf %add3A_822, %mul3A_845 : vector<16xf32>
        %broadcast_in_dim3A_847 = arith.constant 93 : i32
        %broadcast_in_dim3A_848 = vector.broadcast %broadcast_in_dim3A_847 : i32 to vector<16xi32>
        %gather3A_849 = tpu.vector_load_idx %arg8[%add3A_281, %broadcast_in_dim3A_848] : memref<32x208xf32, #tpu.memory_space<vmem>>[vector<16xi32>, vector<16xi32>], vector<16xf32>,
        %gather3A_850 = tpu.vector_load_idx %arg9[%add3A_281, %broadcast_in_dim3A_848] : memref<32x208xf32, #tpu.memory_space<vmem>>[vector<16xi32>, vector<16xi32>], vector<16xf32>,
        %mul3A_851 = arith.mulf %gather3A_849, %gather3A_850 : vector<16xf32>
        %add3A_852 = arith.addf %add3A_828, %mul3A_851 : vector<16xf32>
        %broadcast_in_dim3A_853 = arith.constant 94 : i32
        %broadcast_in_dim3A_854 = vector.broadcast %broadcast_in_dim3A_853 : i32 to vector<16xi32>
        %gather3A_855 = tpu.vector_load_idx %arg8[%add3A_281, %broadcast_in_dim3A_854] : memref<32x208xf32, #tpu.memory_space<vmem>>[vector<16xi32>, vector<16xi32>], vector<16xf32>,
        %gather3A_856 = tpu.vector_load_idx %arg9[%add3A_281, %broadcast_in_dim3A_854] : memref<32x208xf32, #tpu.memory_space<vmem>>[vector<16xi32>, vector<16xi32>], vector<16xf32>,
        %mul3A_857 = arith.mulf %gather3A_855, %gather3A_856 : vector<16xf32>
        %add3A_858 = arith.addf %add3A_834, %mul3A_857 : vector<16xf32>
        %broadcast_in_dim3A_859 = arith.constant 95 : i32
        %broadcast_in_dim3A_860 = vector.broadcast %broadcast_in_dim3A_859 : i32 to vector<16xi32>
        %gather3A_861 = tpu.vector_load_idx %arg8[%add3A_281, %broadcast_in_dim3A_860] : memref<32x208xf32, #tpu.memory_space<vmem>>[vector<16xi32>, vector<16xi32>], vector<16xf32>,
        %gather3A_862 = tpu.vector_load_idx %arg9[%add3A_281, %broadcast_in_dim3A_860] : memref<32x208xf32, #tpu.memory_space<vmem>>[vector<16xi32>, vector<16xi32>], vector<16xf32>,
        %mul3A_863 = arith.mulf %gather3A_861, %gather3A_862 : vector<16xf32>
        %add3A_864 = arith.addf %add3A_840, %mul3A_863 : vector<16xf32>
        %broadcast_in_dim3A_865 = arith.constant 96 : i32
        %broadcast_in_dim3A_866 = vector.broadcast %broadcast_in_dim3A_865 : i32 to vector<16xi32>
        %gather3A_867 = tpu.vector_load_idx %arg8[%add3A_281, %broadcast_in_dim3A_866] : memref<32x208xf32, #tpu.memory_space<vmem>>[vector<16xi32>, vector<16xi32>], vector<16xf32>,
        %gather3A_868 = tpu.vector_load_idx %arg9[%add3A_281, %broadcast_in_dim3A_866] : memref<32x208xf32, #tpu.memory_space<vmem>>[vector<16xi32>, vector<16xi32>], vector<16xf32>,
        %mul3A_869 = arith.mulf %gather3A_867, %gather3A_868 : vector<16xf32>
        %add3A_870 = arith.addf %add3A_846, %mul3A_869 : vector<16xf32>
        %broadcast_in_dim3A_871 = arith.constant 97 : i32
        %broadcast_in_dim3A_872 = vector.broadcast %broadcast_in_dim3A_871 : i32 to vector<16xi32>
        %gather3A_873 = tpu.vector_load_idx %arg8[%add3A_281, %broadcast_in_dim3A_872] : memref<32x208xf32, #tpu.memory_space<vmem>>[vector<16xi32>, vector<16xi32>], vector<16xf32>,
        %gather3A_874 = tpu.vector_load_idx %arg9[%add3A_281, %broadcast_in_dim3A_872] : memref<32x208xf32, #tpu.memory_space<vmem>>[vector<16xi32>, vector<16xi32>], vector<16xf32>,
        %mul3A_875 = arith.mulf %gather3A_873, %gather3A_874 : vector<16xf32>
        %add3A_876 = arith.addf %add3A_852, %mul3A_875 : vector<16xf32>
        %broadcast_in_dim3A_877 = arith.constant 98 : i32
        %broadcast_in_dim3A_878 = vector.broadcast %broadcast_in_dim3A_877 : i32 to vector<16xi32>
        %gather3A_879 = tpu.vector_load_idx %arg8[%add3A_281, %broadcast_in_dim3A_878] : memref<32x208xf32, #tpu.memory_space<vmem>>[vector<16xi32>, vector<16xi32>], vector<16xf32>,
        %gather3A_880 = tpu.vector_load_idx %arg9[%add3A_281, %broadcast_in_dim3A_878] : memref<32x208xf32, #tpu.memory_space<vmem>>[vector<16xi32>, vector<16xi32>], vector<16xf32>,
        %mul3A_881 = arith.mulf %gather3A_879, %gather3A_880 : vector<16xf32>
        %add3A_882 = arith.addf %add3A_858, %mul3A_881 : vector<16xf32>
        %broadcast_in_dim3A_883 = arith.constant 99 : i32
        %broadcast_in_dim3A_884 = vector.broadcast %broadcast_in_dim3A_883 : i32 to vector<16xi32>
        %gather3A_885 = tpu.vector_load_idx %arg8[%add3A_281, %broadcast_in_dim3A_884] : memref<32x208xf32, #tpu.memory_space<vmem>>[vector<16xi32>, vector<16xi32>], vector<16xf32>,
        %gather3A_886 = tpu.vector_load_idx %arg9[%add3A_281, %broadcast_in_dim3A_884] : memref<32x208xf32, #tpu.memory_space<vmem>>[vector<16xi32>, vector<16xi32>], vector<16xf32>,
        %mul3A_887 = arith.mulf %gather3A_885, %gather3A_886 : vector<16xf32>
        %add3A_888 = arith.addf %add3A_864, %mul3A_887 : vector<16xf32>
        %broadcast_in_dim3A_889 = arith.constant 100 : i32
        %broadcast_in_dim3A_890 = vector.broadcast %broadcast_in_dim3A_889 : i32 to vector<16xi32>
        %gather3A_891 = tpu.vector_load_idx %arg8[%add3A_281, %broadcast_in_dim3A_890] : memref<32x208xf32, #tpu.memory_space<vmem>>[vector<16xi32>, vector<16xi32>], vector<16xf32>,
        %gather3A_892 = tpu.vector_load_idx %arg9[%add3A_281, %broadcast_in_dim3A_890] : memref<32x208xf32, #tpu.memory_space<vmem>>[vector<16xi32>, vector<16xi32>], vector<16xf32>,
        %mul3A_893 = arith.mulf %gather3A_891, %gather3A_892 : vector<16xf32>
        %add3A_894 = arith.addf %add3A_870, %mul3A_893 : vector<16xf32>
        %broadcast_in_dim3A_895 = arith.constant 101 : i32
        %broadcast_in_dim3A_896 = vector.broadcast %broadcast_in_dim3A_895 : i32 to vector<16xi32>
        %gather3A_897 = tpu.vector_load_idx %arg8[%add3A_281, %broadcast_in_dim3A_896] : memref<32x208xf32, #tpu.memory_space<vmem>>[vector<16xi32>, vector<16xi32>], vector<16xf32>,
        %gather3A_898 = tpu.vector_load_idx %arg9[%add3A_281, %broadcast_in_dim3A_896] : memref<32x208xf32, #tpu.memory_space<vmem>>[vector<16xi32>, vector<16xi32>], vector<16xf32>,
        %mul3A_899 = arith.mulf %gather3A_897, %gather3A_898 : vector<16xf32>
        %add3A_900 = arith.addf %add3A_876, %mul3A_899 : vector<16xf32>
        %broadcast_in_dim3A_901 = arith.constant 102 : i32
        %broadcast_in_dim3A_902 = vector.broadcast %broadcast_in_dim3A_901 : i32 to vector<16xi32>
        %gather3A_903 = tpu.vector_load_idx %arg8[%add3A_281, %broadcast_in_dim3A_902] : memref<32x208xf32, #tpu.memory_space<vmem>>[vector<16xi32>, vector<16xi32>], vector<16xf32>,
        %gather3A_904 = tpu.vector_load_idx %arg9[%add3A_281, %broadcast_in_dim3A_902] : memref<32x208xf32, #tpu.memory_space<vmem>>[vector<16xi32>, vector<16xi32>], vector<16xf32>,
        %mul3A_905 = arith.mulf %gather3A_903, %gather3A_904 : vector<16xf32>
        %add3A_906 = arith.addf %add3A_882, %mul3A_905 : vector<16xf32>
        %broadcast_in_dim3A_907 = arith.constant 103 : i32
        %broadcast_in_dim3A_908 = vector.broadcast %broadcast_in_dim3A_907 : i32 to vector<16xi32>
        %gather3A_909 = tpu.vector_load_idx %arg8[%add3A_281, %broadcast_in_dim3A_908] : memref<32x208xf32, #tpu.memory_space<vmem>>[vector<16xi32>, vector<16xi32>], vector<16xf32>,
        %gather3A_910 = tpu.vector_load_idx %arg9[%add3A_281, %broadcast_in_dim3A_908] : memref<32x208xf32, #tpu.memory_space<vmem>>[vector<16xi32>, vector<16xi32>], vector<16xf32>,
        %mul3A_911 = arith.mulf %gather3A_909, %gather3A_910 : vector<16xf32>
        %add3A_912 = arith.addf %add3A_888, %mul3A_911 : vector<16xf32>
        %broadcast_in_dim3A_913 = arith.constant 104 : i32
        %broadcast_in_dim3A_914 = vector.broadcast %broadcast_in_dim3A_913 : i32 to vector<16xi32>
        %gather3A_915 = tpu.vector_load_idx %arg8[%add3A_281, %broadcast_in_dim3A_914] : memref<32x208xf32, #tpu.memory_space<vmem>>[vector<16xi32>, vector<16xi32>], vector<16xf32>,
        %gather3A_916 = tpu.vector_load_idx %arg9[%add3A_281, %broadcast_in_dim3A_914] : memref<32x208xf32, #tpu.memory_space<vmem>>[vector<16xi32>, vector<16xi32>], vector<16xf32>,
        %mul3A_917 = arith.mulf %gather3A_915, %gather3A_916 : vector<16xf32>
        %add3A_918 = arith.addf %add3A_894, %mul3A_917 : vector<16xf32>
        %broadcast_in_dim3A_919 = arith.constant 105 : i32
        %broadcast_in_dim3A_920 = vector.broadcast %broadcast_in_dim3A_919 : i32 to vector<16xi32>
        %gather3A_921 = tpu.vector_load_idx %arg8[%add3A_281, %broadcast_in_dim3A_920] : memref<32x208xf32, #tpu.memory_space<vmem>>[vector<16xi32>, vector<16xi32>], vector<16xf32>,
        %gather3A_922 = tpu.vector_load_idx %arg9[%add3A_281, %broadcast_in_dim3A_920] : memref<32x208xf32, #tpu.memory_space<vmem>>[vector<16xi32>, vector<16xi32>], vector<16xf32>,
        %mul3A_923 = arith.mulf %gather3A_921, %gather3A_922 : vector<16xf32>
        %add3A_924 = arith.addf %add3A_900, %mul3A_923 : vector<16xf32>
        %broadcast_in_dim3A_925 = arith.constant 106 : i32
        %broadcast_in_dim3A_926 = vector.broadcast %broadcast_in_dim3A_925 : i32 to vector<16xi32>
        %gather3A_927 = tpu.vector_load_idx %arg8[%add3A_281, %broadcast_in_dim3A_926] : memref<32x208xf32, #tpu.memory_space<vmem>>[vector<16xi32>, vector<16xi32>], vector<16xf32>,
        %gather3A_928 = tpu.vector_load_idx %arg9[%add3A_281, %broadcast_in_dim3A_926] : memref<32x208xf32, #tpu.memory_space<vmem>>[vector<16xi32>, vector<16xi32>], vector<16xf32>,
        %mul3A_929 = arith.mulf %gather3A_927, %gather3A_928 : vector<16xf32>
        %add3A_930 = arith.addf %add3A_906, %mul3A_929 : vector<16xf32>
        %broadcast_in_dim3A_931 = arith.constant 107 : i32
        %broadcast_in_dim3A_932 = vector.broadcast %broadcast_in_dim3A_931 : i32 to vector<16xi32>
        %gather3A_933 = tpu.vector_load_idx %arg8[%add3A_281, %broadcast_in_dim3A_932] : memref<32x208xf32, #tpu.memory_space<vmem>>[vector<16xi32>, vector<16xi32>], vector<16xf32>,
        %gather3A_934 = tpu.vector_load_idx %arg9[%add3A_281, %broadcast_in_dim3A_932] : memref<32x208xf32, #tpu.memory_space<vmem>>[vector<16xi32>, vector<16xi32>], vector<16xf32>,
        %mul3A_935 = arith.mulf %gather3A_933, %gather3A_934 : vector<16xf32>
        %add3A_936 = arith.addf %add3A_912, %mul3A_935 : vector<16xf32>
        %broadcast_in_dim3A_937 = arith.constant 108 : i32
        %broadcast_in_dim3A_938 = vector.broadcast %broadcast_in_dim3A_937 : i32 to vector<16xi32>
        %gather3A_939 = tpu.vector_load_idx %arg8[%add3A_281, %broadcast_in_dim3A_938] : memref<32x208xf32, #tpu.memory_space<vmem>>[vector<16xi32>, vector<16xi32>], vector<16xf32>,
        %gather3A_940 = tpu.vector_load_idx %arg9[%add3A_281, %broadcast_in_dim3A_938] : memref<32x208xf32, #tpu.memory_space<vmem>>[vector<16xi32>, vector<16xi32>], vector<16xf32>,
        %mul3A_941 = arith.mulf %gather3A_939, %gather3A_940 : vector<16xf32>
        %add3A_942 = arith.addf %add3A_918, %mul3A_941 : vector<16xf32>
        %broadcast_in_dim3A_943 = arith.constant 109 : i32
        %broadcast_in_dim3A_944 = vector.broadcast %broadcast_in_dim3A_943 : i32 to vector<16xi32>
        %gather3A_945 = tpu.vector_load_idx %arg8[%add3A_281, %broadcast_in_dim3A_944] : memref<32x208xf32, #tpu.memory_space<vmem>>[vector<16xi32>, vector<16xi32>], vector<16xf32>,
        %gather3A_946 = tpu.vector_load_idx %arg9[%add3A_281, %broadcast_in_dim3A_944] : memref<32x208xf32, #tpu.memory_space<vmem>>[vector<16xi32>, vector<16xi32>], vector<16xf32>,
        %mul3A_947 = arith.mulf %gather3A_945, %gather3A_946 : vector<16xf32>
        %add3A_948 = arith.addf %add3A_924, %mul3A_947 : vector<16xf32>
        %broadcast_in_dim3A_949 = arith.constant 110 : i32
        %broadcast_in_dim3A_950 = vector.broadcast %broadcast_in_dim3A_949 : i32 to vector<16xi32>
        %gather3A_951 = tpu.vector_load_idx %arg8[%add3A_281, %broadcast_in_dim3A_950] : memref<32x208xf32, #tpu.memory_space<vmem>>[vector<16xi32>, vector<16xi32>], vector<16xf32>,
        %gather3A_952 = tpu.vector_load_idx %arg9[%add3A_281, %broadcast_in_dim3A_950] : memref<32x208xf32, #tpu.memory_space<vmem>>[vector<16xi32>, vector<16xi32>], vector<16xf32>,
        %mul3A_953 = arith.mulf %gather3A_951, %gather3A_952 : vector<16xf32>
        %add3A_954 = arith.addf %add3A_930, %mul3A_953 : vector<16xf32>
        %broadcast_in_dim3A_955 = arith.constant 111 : i32
        %broadcast_in_dim3A_956 = vector.broadcast %broadcast_in_dim3A_955 : i32 to vector<16xi32>
        %gather3A_957 = tpu.vector_load_idx %arg8[%add3A_281, %broadcast_in_dim3A_956] : memref<32x208xf32, #tpu.memory_space<vmem>>[vector<16xi32>, vector<16xi32>], vector<16xf32>,
        %gather3A_958 = tpu.vector_load_idx %arg9[%add3A_281, %broadcast_in_dim3A_956] : memref<32x208xf32, #tpu.memory_space<vmem>>[vector<16xi32>, vector<16xi32>], vector<16xf32>,
        %mul3A_959 = arith.mulf %gather3A_957, %gather3A_958 : vector<16xf32>
        %add3A_960 = arith.addf %add3A_936, %mul3A_959 : vector<16xf32>
        %broadcast_in_dim3A_961 = arith.constant 112 : i32
        %broadcast_in_dim3A_962 = vector.broadcast %broadcast_in_dim3A_961 : i32 to vector<16xi32>
        %gather3A_963 = tpu.vector_load_idx %arg8[%add3A_281, %broadcast_in_dim3A_962] : memref<32x208xf32, #tpu.memory_space<vmem>>[vector<16xi32>, vector<16xi32>], vector<16xf32>,
        %gather3A_964 = tpu.vector_load_idx %arg9[%add3A_281, %broadcast_in_dim3A_962] : memref<32x208xf32, #tpu.memory_space<vmem>>[vector<16xi32>, vector<16xi32>], vector<16xf32>,
        %mul3A_965 = arith.mulf %gather3A_963, %gather3A_964 : vector<16xf32>
        %add3A_966 = arith.addf %add3A_942, %mul3A_965 : vector<16xf32>
        %broadcast_in_dim3A_967 = arith.constant 113 : i32
        %broadcast_in_dim3A_968 = vector.broadcast %broadcast_in_dim3A_967 : i32 to vector<16xi32>
        %gather3A_969 = tpu.vector_load_idx %arg8[%add3A_281, %broadcast_in_dim3A_968] : memref<32x208xf32, #tpu.memory_space<vmem>>[vector<16xi32>, vector<16xi32>], vector<16xf32>,
        %gather3A_970 = tpu.vector_load_idx %arg9[%add3A_281, %broadcast_in_dim3A_968] : memref<32x208xf32, #tpu.memory_space<vmem>>[vector<16xi32>, vector<16xi32>], vector<16xf32>,
        %mul3A_971 = arith.mulf %gather3A_969, %gather3A_970 : vector<16xf32>
        %add3A_972 = arith.addf %add3A_948, %mul3A_971 : vector<16xf32>
        %broadcast_in_dim3A_973 = arith.constant 114 : i32
        %broadcast_in_dim3A_974 = vector.broadcast %broadcast_in_dim3A_973 : i32 to vector<16xi32>
        %gather3A_975 = tpu.vector_load_idx %arg8[%add3A_281, %broadcast_in_dim3A_974] : memref<32x208xf32, #tpu.memory_space<vmem>>[vector<16xi32>, vector<16xi32>], vector<16xf32>,
        %gather3A_976 = tpu.vector_load_idx %arg9[%add3A_281, %broadcast_in_dim3A_974] : memref<32x208xf32, #tpu.memory_space<vmem>>[vector<16xi32>, vector<16xi32>], vector<16xf32>,
        %mul3A_977 = arith.mulf %gather3A_975, %gather3A_976 : vector<16xf32>
        %add3A_978 = arith.addf %add3A_954, %mul3A_977 : vector<16xf32>
        %broadcast_in_dim3A_979 = arith.constant 115 : i32
        %broadcast_in_dim3A_980 = vector.broadcast %broadcast_in_dim3A_979 : i32 to vector<16xi32>
        %gather3A_981 = tpu.vector_load_idx %arg8[%add3A_281, %broadcast_in_dim3A_980] : memref<32x208xf32, #tpu.memory_space<vmem>>[vector<16xi32>, vector<16xi32>], vector<16xf32>,
        %gather3A_982 = tpu.vector_load_idx %arg9[%add3A_281, %broadcast_in_dim3A_980] : memref<32x208xf32, #tpu.memory_space<vmem>>[vector<16xi32>, vector<16xi32>], vector<16xf32>,
        %mul3A_983 = arith.mulf %gather3A_981, %gather3A_982 : vector<16xf32>
        %add3A_984 = arith.addf %add3A_960, %mul3A_983 : vector<16xf32>
        %broadcast_in_dim3A_985 = arith.constant 116 : i32
        %broadcast_in_dim3A_986 = vector.broadcast %broadcast_in_dim3A_985 : i32 to vector<16xi32>
        %gather3A_987 = tpu.vector_load_idx %arg8[%add3A_281, %broadcast_in_dim3A_986] : memref<32x208xf32, #tpu.memory_space<vmem>>[vector<16xi32>, vector<16xi32>], vector<16xf32>,
        %gather3A_988 = tpu.vector_load_idx %arg9[%add3A_281, %broadcast_in_dim3A_986] : memref<32x208xf32, #tpu.memory_space<vmem>>[vector<16xi32>, vector<16xi32>], vector<16xf32>,
        %mul3A_989 = arith.mulf %gather3A_987, %gather3A_988 : vector<16xf32>
        %add3A_990 = arith.addf %add3A_966, %mul3A_989 : vector<16xf32>
        %broadcast_in_dim3A_991 = arith.constant 117 : i32
        %broadcast_in_dim3A_992 = vector.broadcast %broadcast_in_dim3A_991 : i32 to vector<16xi32>
        %gather3A_993 = tpu.vector_load_idx %arg8[%add3A_281, %broadcast_in_dim3A_992] : memref<32x208xf32, #tpu.memory_space<vmem>>[vector<16xi32>, vector<16xi32>], vector<16xf32>,
        %gather3A_994 = tpu.vector_load_idx %arg9[%add3A_281, %broadcast_in_dim3A_992] : memref<32x208xf32, #tpu.memory_space<vmem>>[vector<16xi32>, vector<16xi32>], vector<16xf32>,
        %mul3A_995 = arith.mulf %gather3A_993, %gather3A_994 : vector<16xf32>
        %add3A_996 = arith.addf %add3A_972, %mul3A_995 : vector<16xf32>
        %broadcast_in_dim3A_997 = arith.constant 118 : i32
        %broadcast_in_dim3A_998 = vector.broadcast %broadcast_in_dim3A_997 : i32 to vector<16xi32>
        %gather3A_999 = tpu.vector_load_idx %arg8[%add3A_281, %broadcast_in_dim3A_998] : memref<32x208xf32, #tpu.memory_space<vmem>>[vector<16xi32>, vector<16xi32>], vector<16xf32>,
        %gather3A_1000 = tpu.vector_load_idx %arg9[%add3A_281, %broadcast_in_dim3A_998] : memref<32x208xf32, #tpu.memory_space<vmem>>[vector<16xi32>, vector<16xi32>], vector<16xf32>,
        %mul3A_1001 = arith.mulf %gather3A_999, %gather3A_1000 : vector<16xf32>
        %add3A_1002 = arith.addf %add3A_978, %mul3A_1001 : vector<16xf32>
        %broadcast_in_dim3A_1003 = arith.constant 119 : i32
        %broadcast_in_dim3A_1004 = vector.broadcast %broadcast_in_dim3A_1003 : i32 to vector<16xi32>
        %gather3A_1005 = tpu.vector_load_idx %arg8[%add3A_281, %broadcast_in_dim3A_1004] : memref<32x208xf32, #tpu.memory_space<vmem>>[vector<16xi32>, vector<16xi32>], vector<16xf32>,
        %gather3A_1006 = tpu.vector_load_idx %arg9[%add3A_281, %broadcast_in_dim3A_1004] : memref<32x208xf32, #tpu.memory_space<vmem>>[vector<16xi32>, vector<16xi32>], vector<16xf32>,
        %mul3A_1007 = arith.mulf %gather3A_1005, %gather3A_1006 : vector<16xf32>
        %add3A_1008 = arith.addf %add3A_984, %mul3A_1007 : vector<16xf32>
        %broadcast_in_dim3A_1009 = arith.constant 120 : i32
        %broadcast_in_dim3A_1010 = vector.broadcast %broadcast_in_dim3A_1009 : i32 to vector<16xi32>
        %gather3A_1011 = tpu.vector_load_idx %arg8[%add3A_281, %broadcast_in_dim3A_1010] : memref<32x208xf32, #tpu.memory_space<vmem>>[vector<16xi32>, vector<16xi32>], vector<16xf32>,
        %gather3A_1012 = tpu.vector_load_idx %arg9[%add3A_281, %broadcast_in_dim3A_1010] : memref<32x208xf32, #tpu.memory_space<vmem>>[vector<16xi32>, vector<16xi32>], vector<16xf32>,
        %mul3A_1013 = arith.mulf %gather3A_1011, %gather3A_1012 : vector<16xf32>
        %add3A_1014 = arith.addf %add3A_990, %mul3A_1013 : vector<16xf32>
        %broadcast_in_dim3A_1015 = arith.constant 121 : i32
        %broadcast_in_dim3A_1016 = vector.broadcast %broadcast_in_dim3A_1015 : i32 to vector<16xi32>
        %gather3A_1017 = tpu.vector_load_idx %arg8[%add3A_281, %broadcast_in_dim3A_1016] : memref<32x208xf32, #tpu.memory_space<vmem>>[vector<16xi32>, vector<16xi32>], vector<16xf32>,
        %gather3A_1018 = tpu.vector_load_idx %arg9[%add3A_281, %broadcast_in_dim3A_1016] : memref<32x208xf32, #tpu.memory_space<vmem>>[vector<16xi32>, vector<16xi32>], vector<16xf32>,
        %mul3A_1019 = arith.mulf %gather3A_1017, %gather3A_1018 : vector<16xf32>
        %add3A_1020 = arith.addf %add3A_996, %mul3A_1019 : vector<16xf32>
        %broadcast_in_dim3A_1021 = arith.constant 122 : i32
        %broadcast_in_dim3A_1022 = vector.broadcast %broadcast_in_dim3A_1021 : i32 to vector<16xi32>
        %gather3A_1023 = tpu.vector_load_idx %arg8[%add3A_281, %broadcast_in_dim3A_1022] : memref<32x208xf32, #tpu.memory_space<vmem>>[vector<16xi32>, vector<16xi32>], vector<16xf32>,
        %gather3A_1024 = tpu.vector_load_idx %arg9[%add3A_281, %broadcast_in_dim3A_1022] : memref<32x208xf32, #tpu.memory_space<vmem>>[vector<16xi32>, vector<16xi32>], vector<16xf32>,
        %mul3A_1025 = arith.mulf %gather3A_1023, %gather3A_1024 : vector<16xf32>
        %add3A_1026 = arith.addf %add3A_1002, %mul3A_1025 : vector<16xf32>
        %broadcast_in_dim3A_1027 = arith.constant 123 : i32
        %broadcast_in_dim3A_1028 = vector.broadcast %broadcast_in_dim3A_1027 : i32 to vector<16xi32>
        %gather3A_1029 = tpu.vector_load_idx %arg8[%add3A_281, %broadcast_in_dim3A_1028] : memref<32x208xf32, #tpu.memory_space<vmem>>[vector<16xi32>, vector<16xi32>], vector<16xf32>,
        %gather3A_1030 = tpu.vector_load_idx %arg9[%add3A_281, %broadcast_in_dim3A_1028] : memref<32x208xf32, #tpu.memory_space<vmem>>[vector<16xi32>, vector<16xi32>], vector<16xf32>,
        %mul3A_1031 = arith.mulf %gather3A_1029, %gather3A_1030 : vector<16xf32>
        %add3A_1032 = arith.addf %add3A_1008, %mul3A_1031 : vector<16xf32>
        %broadcast_in_dim3A_1033 = arith.constant 124 : i32
        %broadcast_in_dim3A_1034 = vector.broadcast %broadcast_in_dim3A_1033 : i32 to vector<16xi32>
        %gather3A_1035 = tpu.vector_load_idx %arg8[%add3A_281, %broadcast_in_dim3A_1034] : memref<32x208xf32, #tpu.memory_space<vmem>>[vector<16xi32>, vector<16xi32>], vector<16xf32>,
        %gather3A_1036 = tpu.vector_load_idx %arg9[%add3A_281, %broadcast_in_dim3A_1034] : memref<32x208xf32, #tpu.memory_space<vmem>>[vector<16xi32>, vector<16xi32>], vector<16xf32>,
        %mul3A_1037 = arith.mulf %gather3A_1035, %gather3A_1036 : vector<16xf32>
        %add3A_1038 = arith.addf %add3A_1014, %mul3A_1037 : vector<16xf32>
        %broadcast_in_dim3A_1039 = arith.constant 125 : i32
        %broadcast_in_dim3A_1040 = vector.broadcast %broadcast_in_dim3A_1039 : i32 to vector<16xi32>
        %gather3A_1041 = tpu.vector_load_idx %arg8[%add3A_281, %broadcast_in_dim3A_1040] : memref<32x208xf32, #tpu.memory_space<vmem>>[vector<16xi32>, vector<16xi32>], vector<16xf32>,
        %gather3A_1042 = tpu.vector_load_idx %arg9[%add3A_281, %broadcast_in_dim3A_1040] : memref<32x208xf32, #tpu.memory_space<vmem>>[vector<16xi32>, vector<16xi32>], vector<16xf32>,
        %mul3A_1043 = arith.mulf %gather3A_1041, %gather3A_1042 : vector<16xf32>
        %add3A_1044 = arith.addf %add3A_1020, %mul3A_1043 : vector<16xf32>
        %broadcast_in_dim3A_1045 = arith.constant 126 : i32
        %broadcast_in_dim3A_1046 = vector.broadcast %broadcast_in_dim3A_1045 : i32 to vector<16xi32>
        %gather3A_1047 = tpu.vector_load_idx %arg8[%add3A_281, %broadcast_in_dim3A_1046] : memref<32x208xf32, #tpu.memory_space<vmem>>[vector<16xi32>, vector<16xi32>], vector<16xf32>,
        %gather3A_1048 = tpu.vector_load_idx %arg9[%add3A_281, %broadcast_in_dim3A_1046] : memref<32x208xf32, #tpu.memory_space<vmem>>[vector<16xi32>, vector<16xi32>], vector<16xf32>,
        %mul3A_1049 = arith.mulf %gather3A_1047, %gather3A_1048 : vector<16xf32>
        %add3A_1050 = arith.addf %add3A_1026, %mul3A_1049 : vector<16xf32>
        %broadcast_in_dim3A_1051 = arith.constant 127 : i32
        %broadcast_in_dim3A_1052 = vector.broadcast %broadcast_in_dim3A_1051 : i32 to vector<16xi32>
        %gather3A_1053 = tpu.vector_load_idx %arg8[%add3A_281, %broadcast_in_dim3A_1052] : memref<32x208xf32, #tpu.memory_space<vmem>>[vector<16xi32>, vector<16xi32>], vector<16xf32>,
        %gather3A_1054 = tpu.vector_load_idx %arg9[%add3A_281, %broadcast_in_dim3A_1052] : memref<32x208xf32, #tpu.memory_space<vmem>>[vector<16xi32>, vector<16xi32>], vector<16xf32>,
        %mul3A_1055 = arith.mulf %gather3A_1053, %gather3A_1054 : vector<16xf32>
        %add3A_1056 = arith.addf %add3A_1032, %mul3A_1055 : vector<16xf32>
        %add3A_1057 = arith.addf %add3A_1038, %add3A_1044 : vector<16xf32>
        %add3A_1058 = arith.addf %add3A_1050, %add3A_1056 : vector<16xf32>
        %add3A_1059 = arith.addf %add3A_1057, %add3A_1058 : vector<16xf32>
        %broadcast_in_dim3A_1060 = arith.constant 0.000000e+00 : f32
        %broadcast_in_dim3A_1061 = vector.broadcast %broadcast_in_dim3A_1060 : f32 to vector<16xf32>
        %broadcast_in_dim3A_1062 = arith.constant 0.000000e+00 : f32
        %broadcast_in_dim3A_1063 = vector.broadcast %broadcast_in_dim3A_1062 : f32 to vector<16xf32>
        %broadcast_in_dim3A_1064 = arith.constant 128 : i32
        %broadcast_in_dim3A_1065 = vector.broadcast %broadcast_in_dim3A_1064 : i32 to vector<16xi32>
        %gather3A_1066 = tpu.vector_load_idx %arg8[%add3A_281, %broadcast_in_dim3A_1065] : memref<32x208xf32, #tpu.memory_space<vmem>>[vector<16xi32>, vector<16xi32>], vector<16xf32>,
        %gather3A_1067 = tpu.vector_load_idx %arg9[%add3A_281, %broadcast_in_dim3A_1065] : memref<32x208xf32, #tpu.memory_space<vmem>>[vector<16xi32>, vector<16xi32>], vector<16xf32>,
        %sub3A = arith.subf %gather3A_1067, %gather3A_1066 : vector<16xf32>
        %mul3A_1068 = arith.mulf %sub3A, %sub3A : vector<16xf32>
        %add3A_1069 = arith.addf %broadcast_in_dim3A_1061, %mul3A_1068 : vector<16xf32>
        %broadcast_in_dim3A_1070 = arith.constant 129 : i32
        %broadcast_in_dim3A_1071 = vector.broadcast %broadcast_in_dim3A_1070 : i32 to vector<16xi32>
        %gather3A_1072 = tpu.vector_load_idx %arg8[%add3A_281, %broadcast_in_dim3A_1071] : memref<32x208xf32, #tpu.memory_space<vmem>>[vector<16xi32>, vector<16xi32>], vector<16xf32>,
        %gather3A_1073 = tpu.vector_load_idx %arg9[%add3A_281, %broadcast_in_dim3A_1071] : memref<32x208xf32, #tpu.memory_space<vmem>>[vector<16xi32>, vector<16xi32>], vector<16xf32>,
        %sub3A_1074 = arith.subf %gather3A_1073, %gather3A_1072 : vector<16xf32>
        %mul3A_1075 = arith.mulf %sub3A_1074, %sub3A_1074 : vector<16xf32>
        %add3A_1076 = arith.addf %broadcast_in_dim3A_1063, %mul3A_1075 : vector<16xf32>
        %broadcast_in_dim3A_1077 = arith.constant 130 : i32
        %broadcast_in_dim3A_1078 = vector.broadcast %broadcast_in_dim3A_1077 : i32 to vector<16xi32>
        %gather3A_1079 = tpu.vector_load_idx %arg8[%add3A_281, %broadcast_in_dim3A_1078] : memref<32x208xf32, #tpu.memory_space<vmem>>[vector<16xi32>, vector<16xi32>], vector<16xf32>,
        %gather3A_1080 = tpu.vector_load_idx %arg9[%add3A_281, %broadcast_in_dim3A_1078] : memref<32x208xf32, #tpu.memory_space<vmem>>[vector<16xi32>, vector<16xi32>], vector<16xf32>,
        %sub3A_1081 = arith.subf %gather3A_1080, %gather3A_1079 : vector<16xf32>
        %mul3A_1082 = arith.mulf %sub3A_1081, %sub3A_1081 : vector<16xf32>
        %add3A_1083 = arith.addf %add3A_1069, %mul3A_1082 : vector<16xf32>
        %broadcast_in_dim3A_1084 = arith.constant 131 : i32
        %broadcast_in_dim3A_1085 = vector.broadcast %broadcast_in_dim3A_1084 : i32 to vector<16xi32>
        %gather3A_1086 = tpu.vector_load_idx %arg8[%add3A_281, %broadcast_in_dim3A_1085] : memref<32x208xf32, #tpu.memory_space<vmem>>[vector<16xi32>, vector<16xi32>], vector<16xf32>,
        %gather3A_1087 = tpu.vector_load_idx %arg9[%add3A_281, %broadcast_in_dim3A_1085] : memref<32x208xf32, #tpu.memory_space<vmem>>[vector<16xi32>, vector<16xi32>], vector<16xf32>,
        %sub3A_1088 = arith.subf %gather3A_1087, %gather3A_1086 : vector<16xf32>
        %mul3A_1089 = arith.mulf %sub3A_1088, %sub3A_1088 : vector<16xf32>
        %add3A_1090 = arith.addf %add3A_1076, %mul3A_1089 : vector<16xf32>
        %broadcast_in_dim3A_1091 = arith.constant 132 : i32
        %broadcast_in_dim3A_1092 = vector.broadcast %broadcast_in_dim3A_1091 : i32 to vector<16xi32>
        %gather3A_1093 = tpu.vector_load_idx %arg8[%add3A_281, %broadcast_in_dim3A_1092] : memref<32x208xf32, #tpu.memory_space<vmem>>[vector<16xi32>, vector<16xi32>], vector<16xf32>,
        %gather3A_1094 = tpu.vector_load_idx %arg9[%add3A_281, %broadcast_in_dim3A_1092] : memref<32x208xf32, #tpu.memory_space<vmem>>[vector<16xi32>, vector<16xi32>], vector<16xf32>,
        %sub3A_1095 = arith.subf %gather3A_1094, %gather3A_1093 : vector<16xf32>
        %mul3A_1096 = arith.mulf %sub3A_1095, %sub3A_1095 : vector<16xf32>
        %add3A_1097 = arith.addf %add3A_1083, %mul3A_1096 : vector<16xf32>
        %broadcast_in_dim3A_1098 = arith.constant 133 : i32
        %broadcast_in_dim3A_1099 = vector.broadcast %broadcast_in_dim3A_1098 : i32 to vector<16xi32>
        %gather3A_1100 = tpu.vector_load_idx %arg8[%add3A_281, %broadcast_in_dim3A_1099] : memref<32x208xf32, #tpu.memory_space<vmem>>[vector<16xi32>, vector<16xi32>], vector<16xf32>,
        %gather3A_1101 = tpu.vector_load_idx %arg9[%add3A_281, %broadcast_in_dim3A_1099] : memref<32x208xf32, #tpu.memory_space<vmem>>[vector<16xi32>, vector<16xi32>], vector<16xf32>,
        %sub3A_1102 = arith.subf %gather3A_1101, %gather3A_1100 : vector<16xf32>
        %mul3A_1103 = arith.mulf %sub3A_1102, %sub3A_1102 : vector<16xf32>
        %add3A_1104 = arith.addf %add3A_1090, %mul3A_1103 : vector<16xf32>
        %broadcast_in_dim3A_1105 = arith.constant 134 : i32
        %broadcast_in_dim3A_1106 = vector.broadcast %broadcast_in_dim3A_1105 : i32 to vector<16xi32>
        %gather3A_1107 = tpu.vector_load_idx %arg8[%add3A_281, %broadcast_in_dim3A_1106] : memref<32x208xf32, #tpu.memory_space<vmem>>[vector<16xi32>, vector<16xi32>], vector<16xf32>,
        %gather3A_1108 = tpu.vector_load_idx %arg9[%add3A_281, %broadcast_in_dim3A_1106] : memref<32x208xf32, #tpu.memory_space<vmem>>[vector<16xi32>, vector<16xi32>], vector<16xf32>,
        %sub3A_1109 = arith.subf %gather3A_1108, %gather3A_1107 : vector<16xf32>
        %mul3A_1110 = arith.mulf %sub3A_1109, %sub3A_1109 : vector<16xf32>
        %add3A_1111 = arith.addf %add3A_1097, %mul3A_1110 : vector<16xf32>
        %broadcast_in_dim3A_1112 = arith.constant 135 : i32
        %broadcast_in_dim3A_1113 = vector.broadcast %broadcast_in_dim3A_1112 : i32 to vector<16xi32>
        %gather3A_1114 = tpu.vector_load_idx %arg8[%add3A_281, %broadcast_in_dim3A_1113] : memref<32x208xf32, #tpu.memory_space<vmem>>[vector<16xi32>, vector<16xi32>], vector<16xf32>,
        %gather3A_1115 = tpu.vector_load_idx %arg9[%add3A_281, %broadcast_in_dim3A_1113] : memref<32x208xf32, #tpu.memory_space<vmem>>[vector<16xi32>, vector<16xi32>], vector<16xf32>,
        %sub3A_1116 = arith.subf %gather3A_1115, %gather3A_1114 : vector<16xf32>
        %mul3A_1117 = arith.mulf %sub3A_1116, %sub3A_1116 : vector<16xf32>
        %add3A_1118 = arith.addf %add3A_1104, %mul3A_1117 : vector<16xf32>
        %broadcast_in_dim3A_1119 = arith.constant 136 : i32
        %broadcast_in_dim3A_1120 = vector.broadcast %broadcast_in_dim3A_1119 : i32 to vector<16xi32>
        %gather3A_1121 = tpu.vector_load_idx %arg8[%add3A_281, %broadcast_in_dim3A_1120] : memref<32x208xf32, #tpu.memory_space<vmem>>[vector<16xi32>, vector<16xi32>], vector<16xf32>,
        %gather3A_1122 = tpu.vector_load_idx %arg9[%add3A_281, %broadcast_in_dim3A_1120] : memref<32x208xf32, #tpu.memory_space<vmem>>[vector<16xi32>, vector<16xi32>], vector<16xf32>,
        %sub3A_1123 = arith.subf %gather3A_1122, %gather3A_1121 : vector<16xf32>
        %mul3A_1124 = arith.mulf %sub3A_1123, %sub3A_1123 : vector<16xf32>
        %add3A_1125 = arith.addf %add3A_1111, %mul3A_1124 : vector<16xf32>
        %broadcast_in_dim3A_1126 = arith.constant 137 : i32
        %broadcast_in_dim3A_1127 = vector.broadcast %broadcast_in_dim3A_1126 : i32 to vector<16xi32>
        %gather3A_1128 = tpu.vector_load_idx %arg8[%add3A_281, %broadcast_in_dim3A_1127] : memref<32x208xf32, #tpu.memory_space<vmem>>[vector<16xi32>, vector<16xi32>], vector<16xf32>,
        %gather3A_1129 = tpu.vector_load_idx %arg9[%add3A_281, %broadcast_in_dim3A_1127] : memref<32x208xf32, #tpu.memory_space<vmem>>[vector<16xi32>, vector<16xi32>], vector<16xf32>,
        %sub3A_1130 = arith.subf %gather3A_1129, %gather3A_1128 : vector<16xf32>
        %mul3A_1131 = arith.mulf %sub3A_1130, %sub3A_1130 : vector<16xf32>
        %add3A_1132 = arith.addf %add3A_1118, %mul3A_1131 : vector<16xf32>
        %broadcast_in_dim3A_1133 = arith.constant 138 : i32
        %broadcast_in_dim3A_1134 = vector.broadcast %broadcast_in_dim3A_1133 : i32 to vector<16xi32>
        %gather3A_1135 = tpu.vector_load_idx %arg8[%add3A_281, %broadcast_in_dim3A_1134] : memref<32x208xf32, #tpu.memory_space<vmem>>[vector<16xi32>, vector<16xi32>], vector<16xf32>,
        %gather3A_1136 = tpu.vector_load_idx %arg9[%add3A_281, %broadcast_in_dim3A_1134] : memref<32x208xf32, #tpu.memory_space<vmem>>[vector<16xi32>, vector<16xi32>], vector<16xf32>,
        %sub3A_1137 = arith.subf %gather3A_1136, %gather3A_1135 : vector<16xf32>
        %mul3A_1138 = arith.mulf %sub3A_1137, %sub3A_1137 : vector<16xf32>
        %add3A_1139 = arith.addf %add3A_1125, %mul3A_1138 : vector<16xf32>
        %broadcast_in_dim3A_1140 = arith.constant 139 : i32
        %broadcast_in_dim3A_1141 = vector.broadcast %broadcast_in_dim3A_1140 : i32 to vector<16xi32>
        %gather3A_1142 = tpu.vector_load_idx %arg8[%add3A_281, %broadcast_in_dim3A_1141] : memref<32x208xf32, #tpu.memory_space<vmem>>[vector<16xi32>, vector<16xi32>], vector<16xf32>,
        %gather3A_1143 = tpu.vector_load_idx %arg9[%add3A_281, %broadcast_in_dim3A_1141] : memref<32x208xf32, #tpu.memory_space<vmem>>[vector<16xi32>, vector<16xi32>], vector<16xf32>,
        %sub3A_1144 = arith.subf %gather3A_1143, %gather3A_1142 : vector<16xf32>
        %mul3A_1145 = arith.mulf %sub3A_1144, %sub3A_1144 : vector<16xf32>
        %add3A_1146 = arith.addf %add3A_1132, %mul3A_1145 : vector<16xf32>
        %broadcast_in_dim3A_1147 = arith.constant 140 : i32
        %broadcast_in_dim3A_1148 = vector.broadcast %broadcast_in_dim3A_1147 : i32 to vector<16xi32>
        %gather3A_1149 = tpu.vector_load_idx %arg8[%add3A_281, %broadcast_in_dim3A_1148] : memref<32x208xf32, #tpu.memory_space<vmem>>[vector<16xi32>, vector<16xi32>], vector<16xf32>,
        %gather3A_1150 = tpu.vector_load_idx %arg9[%add3A_281, %broadcast_in_dim3A_1148] : memref<32x208xf32, #tpu.memory_space<vmem>>[vector<16xi32>, vector<16xi32>], vector<16xf32>,
        %sub3A_1151 = arith.subf %gather3A_1150, %gather3A_1149 : vector<16xf32>
        %mul3A_1152 = arith.mulf %sub3A_1151, %sub3A_1151 : vector<16xf32>
        %add3A_1153 = arith.addf %add3A_1139, %mul3A_1152 : vector<16xf32>
        %broadcast_in_dim3A_1154 = arith.constant 141 : i32
        %broadcast_in_dim3A_1155 = vector.broadcast %broadcast_in_dim3A_1154 : i32 to vector<16xi32>
        %gather3A_1156 = tpu.vector_load_idx %arg8[%add3A_281, %broadcast_in_dim3A_1155] : memref<32x208xf32, #tpu.memory_space<vmem>>[vector<16xi32>, vector<16xi32>], vector<16xf32>,
        %gather3A_1157 = tpu.vector_load_idx %arg9[%add3A_281, %broadcast_in_dim3A_1155] : memref<32x208xf32, #tpu.memory_space<vmem>>[vector<16xi32>, vector<16xi32>], vector<16xf32>,
        %sub3A_1158 = arith.subf %gather3A_1157, %gather3A_1156 : vector<16xf32>
        %mul3A_1159 = arith.mulf %sub3A_1158, %sub3A_1158 : vector<16xf32>
        %add3A_1160 = arith.addf %add3A_1146, %mul3A_1159 : vector<16xf32>
        %broadcast_in_dim3A_1161 = arith.constant 142 : i32
        %broadcast_in_dim3A_1162 = vector.broadcast %broadcast_in_dim3A_1161 : i32 to vector<16xi32>
        %gather3A_1163 = tpu.vector_load_idx %arg8[%add3A_281, %broadcast_in_dim3A_1162] : memref<32x208xf32, #tpu.memory_space<vmem>>[vector<16xi32>, vector<16xi32>], vector<16xf32>,
        %gather3A_1164 = tpu.vector_load_idx %arg9[%add3A_281, %broadcast_in_dim3A_1162] : memref<32x208xf32, #tpu.memory_space<vmem>>[vector<16xi32>, vector<16xi32>], vector<16xf32>,
        %sub3A_1165 = arith.subf %gather3A_1164, %gather3A_1163 : vector<16xf32>
        %mul3A_1166 = arith.mulf %sub3A_1165, %sub3A_1165 : vector<16xf32>
        %add3A_1167 = arith.addf %add3A_1153, %mul3A_1166 : vector<16xf32>
        %broadcast_in_dim3A_1168 = arith.constant 143 : i32
        %broadcast_in_dim3A_1169 = vector.broadcast %broadcast_in_dim3A_1168 : i32 to vector<16xi32>
        %gather3A_1170 = tpu.vector_load_idx %arg8[%add3A_281, %broadcast_in_dim3A_1169] : memref<32x208xf32, #tpu.memory_space<vmem>>[vector<16xi32>, vector<16xi32>], vector<16xf32>,
        %gather3A_1171 = tpu.vector_load_idx %arg9[%add3A_281, %broadcast_in_dim3A_1169] : memref<32x208xf32, #tpu.memory_space<vmem>>[vector<16xi32>, vector<16xi32>], vector<16xf32>,
        %sub3A_1172 = arith.subf %gather3A_1171, %gather3A_1170 : vector<16xf32>
        %mul3A_1173 = arith.mulf %sub3A_1172, %sub3A_1172 : vector<16xf32>
        %add3A_1174 = arith.addf %add3A_1160, %mul3A_1173 : vector<16xf32>
        %broadcast_in_dim3A_1175 = arith.constant 144 : i32
        %broadcast_in_dim3A_1176 = vector.broadcast %broadcast_in_dim3A_1175 : i32 to vector<16xi32>
        %gather3A_1177 = tpu.vector_load_idx %arg8[%add3A_281, %broadcast_in_dim3A_1176] : memref<32x208xf32, #tpu.memory_space<vmem>>[vector<16xi32>, vector<16xi32>], vector<16xf32>,
        %gather3A_1178 = tpu.vector_load_idx %arg9[%add3A_281, %broadcast_in_dim3A_1176] : memref<32x208xf32, #tpu.memory_space<vmem>>[vector<16xi32>, vector<16xi32>], vector<16xf32>,
        %sub3A_1179 = arith.subf %gather3A_1178, %gather3A_1177 : vector<16xf32>
        %mul3A_1180 = arith.mulf %sub3A_1179, %sub3A_1179 : vector<16xf32>
        %add3A_1181 = arith.addf %add3A_1167, %mul3A_1180 : vector<16xf32>
        %broadcast_in_dim3A_1182 = arith.constant 145 : i32
        %broadcast_in_dim3A_1183 = vector.broadcast %broadcast_in_dim3A_1182 : i32 to vector<16xi32>
        %gather3A_1184 = tpu.vector_load_idx %arg8[%add3A_281, %broadcast_in_dim3A_1183] : memref<32x208xf32, #tpu.memory_space<vmem>>[vector<16xi32>, vector<16xi32>], vector<16xf32>,
        %gather3A_1185 = tpu.vector_load_idx %arg9[%add3A_281, %broadcast_in_dim3A_1183] : memref<32x208xf32, #tpu.memory_space<vmem>>[vector<16xi32>, vector<16xi32>], vector<16xf32>,
        %sub3A_1186 = arith.subf %gather3A_1185, %gather3A_1184 : vector<16xf32>
        %mul3A_1187 = arith.mulf %sub3A_1186, %sub3A_1186 : vector<16xf32>
        %add3A_1188 = arith.addf %add3A_1174, %mul3A_1187 : vector<16xf32>
        %broadcast_in_dim3A_1189 = arith.constant 146 : i32
        %broadcast_in_dim3A_1190 = vector.broadcast %broadcast_in_dim3A_1189 : i32 to vector<16xi32>
        %gather3A_1191 = tpu.vector_load_idx %arg8[%add3A_281, %broadcast_in_dim3A_1190] : memref<32x208xf32, #tpu.memory_space<vmem>>[vector<16xi32>, vector<16xi32>], vector<16xf32>,
        %gather3A_1192 = tpu.vector_load_idx %arg9[%add3A_281, %broadcast_in_dim3A_1190] : memref<32x208xf32, #tpu.memory_space<vmem>>[vector<16xi32>, vector<16xi32>], vector<16xf32>,
        %sub3A_1193 = arith.subf %gather3A_1192, %gather3A_1191 : vector<16xf32>
        %mul3A_1194 = arith.mulf %sub3A_1193, %sub3A_1193 : vector<16xf32>
        %add3A_1195 = arith.addf %add3A_1181, %mul3A_1194 : vector<16xf32>
        %broadcast_in_dim3A_1196 = arith.constant 147 : i32
        %broadcast_in_dim3A_1197 = vector.broadcast %broadcast_in_dim3A_1196 : i32 to vector<16xi32>
        %gather3A_1198 = tpu.vector_load_idx %arg8[%add3A_281, %broadcast_in_dim3A_1197] : memref<32x208xf32, #tpu.memory_space<vmem>>[vector<16xi32>, vector<16xi32>], vector<16xf32>,
        %gather3A_1199 = tpu.vector_load_idx %arg9[%add3A_281, %broadcast_in_dim3A_1197] : memref<32x208xf32, #tpu.memory_space<vmem>>[vector<16xi32>, vector<16xi32>], vector<16xf32>,
        %sub3A_1200 = arith.subf %gather3A_1199, %gather3A_1198 : vector<16xf32>
        %mul3A_1201 = arith.mulf %sub3A_1200, %sub3A_1200 : vector<16xf32>
        %add3A_1202 = arith.addf %add3A_1188, %mul3A_1201 : vector<16xf32>
        %broadcast_in_dim3A_1203 = arith.constant 148 : i32
        %broadcast_in_dim3A_1204 = vector.broadcast %broadcast_in_dim3A_1203 : i32 to vector<16xi32>
        %gather3A_1205 = tpu.vector_load_idx %arg8[%add3A_281, %broadcast_in_dim3A_1204] : memref<32x208xf32, #tpu.memory_space<vmem>>[vector<16xi32>, vector<16xi32>], vector<16xf32>,
        %gather3A_1206 = tpu.vector_load_idx %arg9[%add3A_281, %broadcast_in_dim3A_1204] : memref<32x208xf32, #tpu.memory_space<vmem>>[vector<16xi32>, vector<16xi32>], vector<16xf32>,
        %sub3A_1207 = arith.subf %gather3A_1206, %gather3A_1205 : vector<16xf32>
        %mul3A_1208 = arith.mulf %sub3A_1207, %sub3A_1207 : vector<16xf32>
        %add3A_1209 = arith.addf %add3A_1195, %mul3A_1208 : vector<16xf32>
        %broadcast_in_dim3A_1210 = arith.constant 149 : i32
        %broadcast_in_dim3A_1211 = vector.broadcast %broadcast_in_dim3A_1210 : i32 to vector<16xi32>
        %gather3A_1212 = tpu.vector_load_idx %arg8[%add3A_281, %broadcast_in_dim3A_1211] : memref<32x208xf32, #tpu.memory_space<vmem>>[vector<16xi32>, vector<16xi32>], vector<16xf32>,
        %gather3A_1213 = tpu.vector_load_idx %arg9[%add3A_281, %broadcast_in_dim3A_1211] : memref<32x208xf32, #tpu.memory_space<vmem>>[vector<16xi32>, vector<16xi32>], vector<16xf32>,
        %sub3A_1214 = arith.subf %gather3A_1213, %gather3A_1212 : vector<16xf32>
        %mul3A_1215 = arith.mulf %sub3A_1214, %sub3A_1214 : vector<16xf32>
        %add3A_1216 = arith.addf %add3A_1202, %mul3A_1215 : vector<16xf32>
        %broadcast_in_dim3A_1217 = arith.constant 150 : i32
        %broadcast_in_dim3A_1218 = vector.broadcast %broadcast_in_dim3A_1217 : i32 to vector<16xi32>
        %gather3A_1219 = tpu.vector_load_idx %arg8[%add3A_281, %broadcast_in_dim3A_1218] : memref<32x208xf32, #tpu.memory_space<vmem>>[vector<16xi32>, vector<16xi32>], vector<16xf32>,
        %gather3A_1220 = tpu.vector_load_idx %arg9[%add3A_281, %broadcast_in_dim3A_1218] : memref<32x208xf32, #tpu.memory_space<vmem>>[vector<16xi32>, vector<16xi32>], vector<16xf32>,
        %sub3A_1221 = arith.subf %gather3A_1220, %gather3A_1219 : vector<16xf32>
        %mul3A_1222 = arith.mulf %sub3A_1221, %sub3A_1221 : vector<16xf32>
        %add3A_1223 = arith.addf %add3A_1209, %mul3A_1222 : vector<16xf32>
        %broadcast_in_dim3A_1224 = arith.constant 151 : i32
        %broadcast_in_dim3A_1225 = vector.broadcast %broadcast_in_dim3A_1224 : i32 to vector<16xi32>
        %gather3A_1226 = tpu.vector_load_idx %arg8[%add3A_281, %broadcast_in_dim3A_1225] : memref<32x208xf32, #tpu.memory_space<vmem>>[vector<16xi32>, vector<16xi32>], vector<16xf32>,
        %gather3A_1227 = tpu.vector_load_idx %arg9[%add3A_281, %broadcast_in_dim3A_1225] : memref<32x208xf32, #tpu.memory_space<vmem>>[vector<16xi32>, vector<16xi32>], vector<16xf32>,
        %sub3A_1228 = arith.subf %gather3A_1227, %gather3A_1226 : vector<16xf32>
        %mul3A_1229 = arith.mulf %sub3A_1228, %sub3A_1228 : vector<16xf32>
        %add3A_1230 = arith.addf %add3A_1216, %mul3A_1229 : vector<16xf32>
        %broadcast_in_dim3A_1231 = arith.constant 152 : i32
        %broadcast_in_dim3A_1232 = vector.broadcast %broadcast_in_dim3A_1231 : i32 to vector<16xi32>
        %gather3A_1233 = tpu.vector_load_idx %arg8[%add3A_281, %broadcast_in_dim3A_1232] : memref<32x208xf32, #tpu.memory_space<vmem>>[vector<16xi32>, vector<16xi32>], vector<16xf32>,
        %gather3A_1234 = tpu.vector_load_idx %arg9[%add3A_281, %broadcast_in_dim3A_1232] : memref<32x208xf32, #tpu.memory_space<vmem>>[vector<16xi32>, vector<16xi32>], vector<16xf32>,
        %sub3A_1235 = arith.subf %gather3A_1234, %gather3A_1233 : vector<16xf32>
        %mul3A_1236 = arith.mulf %sub3A_1235, %sub3A_1235 : vector<16xf32>
        %add3A_1237 = arith.addf %add3A_1223, %mul3A_1236 : vector<16xf32>
        %broadcast_in_dim3A_1238 = arith.constant 153 : i32
        %broadcast_in_dim3A_1239 = vector.broadcast %broadcast_in_dim3A_1238 : i32 to vector<16xi32>
        %gather3A_1240 = tpu.vector_load_idx %arg8[%add3A_281, %broadcast_in_dim3A_1239] : memref<32x208xf32, #tpu.memory_space<vmem>>[vector<16xi32>, vector<16xi32>], vector<16xf32>,
        %gather3A_1241 = tpu.vector_load_idx %arg9[%add3A_281, %broadcast_in_dim3A_1239] : memref<32x208xf32, #tpu.memory_space<vmem>>[vector<16xi32>, vector<16xi32>], vector<16xf32>,
        %sub3A_1242 = arith.subf %gather3A_1241, %gather3A_1240 : vector<16xf32>
        %mul3A_1243 = arith.mulf %sub3A_1242, %sub3A_1242 : vector<16xf32>
        %add3A_1244 = arith.addf %add3A_1230, %mul3A_1243 : vector<16xf32>
        %broadcast_in_dim3A_1245 = arith.constant 154 : i32
        %broadcast_in_dim3A_1246 = vector.broadcast %broadcast_in_dim3A_1245 : i32 to vector<16xi32>
        %gather3A_1247 = tpu.vector_load_idx %arg8[%add3A_281, %broadcast_in_dim3A_1246] : memref<32x208xf32, #tpu.memory_space<vmem>>[vector<16xi32>, vector<16xi32>], vector<16xf32>,
        %gather3A_1248 = tpu.vector_load_idx %arg9[%add3A_281, %broadcast_in_dim3A_1246] : memref<32x208xf32, #tpu.memory_space<vmem>>[vector<16xi32>, vector<16xi32>], vector<16xf32>,
        %sub3A_1249 = arith.subf %gather3A_1248, %gather3A_1247 : vector<16xf32>
        %mul3A_1250 = arith.mulf %sub3A_1249, %sub3A_1249 : vector<16xf32>
        %add3A_1251 = arith.addf %add3A_1237, %mul3A_1250 : vector<16xf32>
        %broadcast_in_dim3A_1252 = arith.constant 155 : i32
        %broadcast_in_dim3A_1253 = vector.broadcast %broadcast_in_dim3A_1252 : i32 to vector<16xi32>
        %gather3A_1254 = tpu.vector_load_idx %arg8[%add3A_281, %broadcast_in_dim3A_1253] : memref<32x208xf32, #tpu.memory_space<vmem>>[vector<16xi32>, vector<16xi32>], vector<16xf32>,
        %gather3A_1255 = tpu.vector_load_idx %arg9[%add3A_281, %broadcast_in_dim3A_1253] : memref<32x208xf32, #tpu.memory_space<vmem>>[vector<16xi32>, vector<16xi32>], vector<16xf32>,
        %sub3A_1256 = arith.subf %gather3A_1255, %gather3A_1254 : vector<16xf32>
        %mul3A_1257 = arith.mulf %sub3A_1256, %sub3A_1256 : vector<16xf32>
        %add3A_1258 = arith.addf %add3A_1244, %mul3A_1257 : vector<16xf32>
        %broadcast_in_dim3A_1259 = arith.constant 156 : i32
        %broadcast_in_dim3A_1260 = vector.broadcast %broadcast_in_dim3A_1259 : i32 to vector<16xi32>
        %gather3A_1261 = tpu.vector_load_idx %arg8[%add3A_281, %broadcast_in_dim3A_1260] : memref<32x208xf32, #tpu.memory_space<vmem>>[vector<16xi32>, vector<16xi32>], vector<16xf32>,
        %gather3A_1262 = tpu.vector_load_idx %arg9[%add3A_281, %broadcast_in_dim3A_1260] : memref<32x208xf32, #tpu.memory_space<vmem>>[vector<16xi32>, vector<16xi32>], vector<16xf32>,
        %sub3A_1263 = arith.subf %gather3A_1262, %gather3A_1261 : vector<16xf32>
        %mul3A_1264 = arith.mulf %sub3A_1263, %sub3A_1263 : vector<16xf32>
        %add3A_1265 = arith.addf %add3A_1251, %mul3A_1264 : vector<16xf32>
        %broadcast_in_dim3A_1266 = arith.constant 157 : i32
        %broadcast_in_dim3A_1267 = vector.broadcast %broadcast_in_dim3A_1266 : i32 to vector<16xi32>
        %gather3A_1268 = tpu.vector_load_idx %arg8[%add3A_281, %broadcast_in_dim3A_1267] : memref<32x208xf32, #tpu.memory_space<vmem>>[vector<16xi32>, vector<16xi32>], vector<16xf32>,
        %gather3A_1269 = tpu.vector_load_idx %arg9[%add3A_281, %broadcast_in_dim3A_1267] : memref<32x208xf32, #tpu.memory_space<vmem>>[vector<16xi32>, vector<16xi32>], vector<16xf32>,
        %sub3A_1270 = arith.subf %gather3A_1269, %gather3A_1268 : vector<16xf32>
        %mul3A_1271 = arith.mulf %sub3A_1270, %sub3A_1270 : vector<16xf32>
        %add3A_1272 = arith.addf %add3A_1258, %mul3A_1271 : vector<16xf32>
        %broadcast_in_dim3A_1273 = arith.constant 158 : i32
        %broadcast_in_dim3A_1274 = vector.broadcast %broadcast_in_dim3A_1273 : i32 to vector<16xi32>
        %gather3A_1275 = tpu.vector_load_idx %arg8[%add3A_281, %broadcast_in_dim3A_1274] : memref<32x208xf32, #tpu.memory_space<vmem>>[vector<16xi32>, vector<16xi32>], vector<16xf32>,
        %gather3A_1276 = tpu.vector_load_idx %arg9[%add3A_281, %broadcast_in_dim3A_1274] : memref<32x208xf32, #tpu.memory_space<vmem>>[vector<16xi32>, vector<16xi32>], vector<16xf32>,
        %sub3A_1277 = arith.subf %gather3A_1276, %gather3A_1275 : vector<16xf32>
        %mul3A_1278 = arith.mulf %sub3A_1277, %sub3A_1277 : vector<16xf32>
        %add3A_1279 = arith.addf %add3A_1265, %mul3A_1278 : vector<16xf32>
        %broadcast_in_dim3A_1280 = arith.constant 159 : i32
        %broadcast_in_dim3A_1281 = vector.broadcast %broadcast_in_dim3A_1280 : i32 to vector<16xi32>
        %gather3A_1282 = tpu.vector_load_idx %arg8[%add3A_281, %broadcast_in_dim3A_1281] : memref<32x208xf32, #tpu.memory_space<vmem>>[vector<16xi32>, vector<16xi32>], vector<16xf32>,
        %gather3A_1283 = tpu.vector_load_idx %arg9[%add3A_281, %broadcast_in_dim3A_1281] : memref<32x208xf32, #tpu.memory_space<vmem>>[vector<16xi32>, vector<16xi32>], vector<16xf32>,
        %sub3A_1284 = arith.subf %gather3A_1283, %gather3A_1282 : vector<16xf32>
        %mul3A_1285 = arith.mulf %sub3A_1284, %sub3A_1284 : vector<16xf32>
        %add3A_1286 = arith.addf %add3A_1272, %mul3A_1285 : vector<16xf32>
        %broadcast_in_dim3A_1287 = arith.constant 160 : i32
        %broadcast_in_dim3A_1288 = vector.broadcast %broadcast_in_dim3A_1287 : i32 to vector<16xi32>
        %gather3A_1289 = tpu.vector_load_idx %arg8[%add3A_281, %broadcast_in_dim3A_1288] : memref<32x208xf32, #tpu.memory_space<vmem>>[vector<16xi32>, vector<16xi32>], vector<16xf32>,
        %gather3A_1290 = tpu.vector_load_idx %arg9[%add3A_281, %broadcast_in_dim3A_1288] : memref<32x208xf32, #tpu.memory_space<vmem>>[vector<16xi32>, vector<16xi32>], vector<16xf32>,
        %sub3A_1291 = arith.subf %gather3A_1290, %gather3A_1289 : vector<16xf32>
        %mul3A_1292 = arith.mulf %sub3A_1291, %sub3A_1291 : vector<16xf32>
        %add3A_1293 = arith.addf %add3A_1279, %mul3A_1292 : vector<16xf32>
        %broadcast_in_dim3A_1294 = arith.constant 161 : i32
        %broadcast_in_dim3A_1295 = vector.broadcast %broadcast_in_dim3A_1294 : i32 to vector<16xi32>
        %gather3A_1296 = tpu.vector_load_idx %arg8[%add3A_281, %broadcast_in_dim3A_1295] : memref<32x208xf32, #tpu.memory_space<vmem>>[vector<16xi32>, vector<16xi32>], vector<16xf32>,
        %gather3A_1297 = tpu.vector_load_idx %arg9[%add3A_281, %broadcast_in_dim3A_1295] : memref<32x208xf32, #tpu.memory_space<vmem>>[vector<16xi32>, vector<16xi32>], vector<16xf32>,
        %sub3A_1298 = arith.subf %gather3A_1297, %gather3A_1296 : vector<16xf32>
        %mul3A_1299 = arith.mulf %sub3A_1298, %sub3A_1298 : vector<16xf32>
        %add3A_1300 = arith.addf %add3A_1286, %mul3A_1299 : vector<16xf32>
        %broadcast_in_dim3A_1301 = arith.constant 162 : i32
        %broadcast_in_dim3A_1302 = vector.broadcast %broadcast_in_dim3A_1301 : i32 to vector<16xi32>
        %gather3A_1303 = tpu.vector_load_idx %arg8[%add3A_281, %broadcast_in_dim3A_1302] : memref<32x208xf32, #tpu.memory_space<vmem>>[vector<16xi32>, vector<16xi32>], vector<16xf32>,
        %gather3A_1304 = tpu.vector_load_idx %arg9[%add3A_281, %broadcast_in_dim3A_1302] : memref<32x208xf32, #tpu.memory_space<vmem>>[vector<16xi32>, vector<16xi32>], vector<16xf32>,
        %sub3A_1305 = arith.subf %gather3A_1304, %gather3A_1303 : vector<16xf32>
        %mul3A_1306 = arith.mulf %sub3A_1305, %sub3A_1305 : vector<16xf32>
        %add3A_1307 = arith.addf %add3A_1293, %mul3A_1306 : vector<16xf32>
        %broadcast_in_dim3A_1308 = arith.constant 163 : i32
        %broadcast_in_dim3A_1309 = vector.broadcast %broadcast_in_dim3A_1308 : i32 to vector<16xi32>
        %gather3A_1310 = tpu.vector_load_idx %arg8[%add3A_281, %broadcast_in_dim3A_1309] : memref<32x208xf32, #tpu.memory_space<vmem>>[vector<16xi32>, vector<16xi32>], vector<16xf32>,
        %gather3A_1311 = tpu.vector_load_idx %arg9[%add3A_281, %broadcast_in_dim3A_1309] : memref<32x208xf32, #tpu.memory_space<vmem>>[vector<16xi32>, vector<16xi32>], vector<16xf32>,
        %sub3A_1312 = arith.subf %gather3A_1311, %gather3A_1310 : vector<16xf32>
        %mul3A_1313 = arith.mulf %sub3A_1312, %sub3A_1312 : vector<16xf32>
        %add3A_1314 = arith.addf %add3A_1300, %mul3A_1313 : vector<16xf32>
        %broadcast_in_dim3A_1315 = arith.constant 164 : i32
        %broadcast_in_dim3A_1316 = vector.broadcast %broadcast_in_dim3A_1315 : i32 to vector<16xi32>
        %gather3A_1317 = tpu.vector_load_idx %arg8[%add3A_281, %broadcast_in_dim3A_1316] : memref<32x208xf32, #tpu.memory_space<vmem>>[vector<16xi32>, vector<16xi32>], vector<16xf32>,
        %gather3A_1318 = tpu.vector_load_idx %arg9[%add3A_281, %broadcast_in_dim3A_1316] : memref<32x208xf32, #tpu.memory_space<vmem>>[vector<16xi32>, vector<16xi32>], vector<16xf32>,
        %sub3A_1319 = arith.subf %gather3A_1318, %gather3A_1317 : vector<16xf32>
        %mul3A_1320 = arith.mulf %sub3A_1319, %sub3A_1319 : vector<16xf32>
        %add3A_1321 = arith.addf %add3A_1307, %mul3A_1320 : vector<16xf32>
        %broadcast_in_dim3A_1322 = arith.constant 165 : i32
        %broadcast_in_dim3A_1323 = vector.broadcast %broadcast_in_dim3A_1322 : i32 to vector<16xi32>
        %gather3A_1324 = tpu.vector_load_idx %arg8[%add3A_281, %broadcast_in_dim3A_1323] : memref<32x208xf32, #tpu.memory_space<vmem>>[vector<16xi32>, vector<16xi32>], vector<16xf32>,
        %gather3A_1325 = tpu.vector_load_idx %arg9[%add3A_281, %broadcast_in_dim3A_1323] : memref<32x208xf32, #tpu.memory_space<vmem>>[vector<16xi32>, vector<16xi32>], vector<16xf32>,
        %sub3A_1326 = arith.subf %gather3A_1325, %gather3A_1324 : vector<16xf32>
        %mul3A_1327 = arith.mulf %sub3A_1326, %sub3A_1326 : vector<16xf32>
        %add3A_1328 = arith.addf %add3A_1314, %mul3A_1327 : vector<16xf32>
        %broadcast_in_dim3A_1329 = arith.constant 166 : i32
        %broadcast_in_dim3A_1330 = vector.broadcast %broadcast_in_dim3A_1329 : i32 to vector<16xi32>
        %gather3A_1331 = tpu.vector_load_idx %arg8[%add3A_281, %broadcast_in_dim3A_1330] : memref<32x208xf32, #tpu.memory_space<vmem>>[vector<16xi32>, vector<16xi32>], vector<16xf32>,
        %gather3A_1332 = tpu.vector_load_idx %arg9[%add3A_281, %broadcast_in_dim3A_1330] : memref<32x208xf32, #tpu.memory_space<vmem>>[vector<16xi32>, vector<16xi32>], vector<16xf32>,
        %sub3A_1333 = arith.subf %gather3A_1332, %gather3A_1331 : vector<16xf32>
        %mul3A_1334 = arith.mulf %sub3A_1333, %sub3A_1333 : vector<16xf32>
        %add3A_1335 = arith.addf %add3A_1321, %mul3A_1334 : vector<16xf32>
        %broadcast_in_dim3A_1336 = arith.constant 167 : i32
        %broadcast_in_dim3A_1337 = vector.broadcast %broadcast_in_dim3A_1336 : i32 to vector<16xi32>
        %gather3A_1338 = tpu.vector_load_idx %arg8[%add3A_281, %broadcast_in_dim3A_1337] : memref<32x208xf32, #tpu.memory_space<vmem>>[vector<16xi32>, vector<16xi32>], vector<16xf32>,
        %gather3A_1339 = tpu.vector_load_idx %arg9[%add3A_281, %broadcast_in_dim3A_1337] : memref<32x208xf32, #tpu.memory_space<vmem>>[vector<16xi32>, vector<16xi32>], vector<16xf32>,
        %sub3A_1340 = arith.subf %gather3A_1339, %gather3A_1338 : vector<16xf32>
        %mul3A_1341 = arith.mulf %sub3A_1340, %sub3A_1340 : vector<16xf32>
        %add3A_1342 = arith.addf %add3A_1328, %mul3A_1341 : vector<16xf32>
        %broadcast_in_dim3A_1343 = arith.constant 168 : i32
        %broadcast_in_dim3A_1344 = vector.broadcast %broadcast_in_dim3A_1343 : i32 to vector<16xi32>
        %gather3A_1345 = tpu.vector_load_idx %arg8[%add3A_281, %broadcast_in_dim3A_1344] : memref<32x208xf32, #tpu.memory_space<vmem>>[vector<16xi32>, vector<16xi32>], vector<16xf32>,
        %gather3A_1346 = tpu.vector_load_idx %arg9[%add3A_281, %broadcast_in_dim3A_1344] : memref<32x208xf32, #tpu.memory_space<vmem>>[vector<16xi32>, vector<16xi32>], vector<16xf32>,
        %sub3A_1347 = arith.subf %gather3A_1346, %gather3A_1345 : vector<16xf32>
        %mul3A_1348 = arith.mulf %sub3A_1347, %sub3A_1347 : vector<16xf32>
        %add3A_1349 = arith.addf %add3A_1335, %mul3A_1348 : vector<16xf32>
        %broadcast_in_dim3A_1350 = arith.constant 169 : i32
        %broadcast_in_dim3A_1351 = vector.broadcast %broadcast_in_dim3A_1350 : i32 to vector<16xi32>
        %gather3A_1352 = tpu.vector_load_idx %arg8[%add3A_281, %broadcast_in_dim3A_1351] : memref<32x208xf32, #tpu.memory_space<vmem>>[vector<16xi32>, vector<16xi32>], vector<16xf32>,
        %gather3A_1353 = tpu.vector_load_idx %arg9[%add3A_281, %broadcast_in_dim3A_1351] : memref<32x208xf32, #tpu.memory_space<vmem>>[vector<16xi32>, vector<16xi32>], vector<16xf32>,
        %sub3A_1354 = arith.subf %gather3A_1353, %gather3A_1352 : vector<16xf32>
        %mul3A_1355 = arith.mulf %sub3A_1354, %sub3A_1354 : vector<16xf32>
        %add3A_1356 = arith.addf %add3A_1342, %mul3A_1355 : vector<16xf32>
        %broadcast_in_dim3A_1357 = arith.constant 170 : i32
        %broadcast_in_dim3A_1358 = vector.broadcast %broadcast_in_dim3A_1357 : i32 to vector<16xi32>
        %gather3A_1359 = tpu.vector_load_idx %arg8[%add3A_281, %broadcast_in_dim3A_1358] : memref<32x208xf32, #tpu.memory_space<vmem>>[vector<16xi32>, vector<16xi32>], vector<16xf32>,
        %gather3A_1360 = tpu.vector_load_idx %arg9[%add3A_281, %broadcast_in_dim3A_1358] : memref<32x208xf32, #tpu.memory_space<vmem>>[vector<16xi32>, vector<16xi32>], vector<16xf32>,
        %sub3A_1361 = arith.subf %gather3A_1360, %gather3A_1359 : vector<16xf32>
        %mul3A_1362 = arith.mulf %sub3A_1361, %sub3A_1361 : vector<16xf32>
        %add3A_1363 = arith.addf %add3A_1349, %mul3A_1362 : vector<16xf32>
        %broadcast_in_dim3A_1364 = arith.constant 171 : i32
        %broadcast_in_dim3A_1365 = vector.broadcast %broadcast_in_dim3A_1364 : i32 to vector<16xi32>
        %gather3A_1366 = tpu.vector_load_idx %arg8[%add3A_281, %broadcast_in_dim3A_1365] : memref<32x208xf32, #tpu.memory_space<vmem>>[vector<16xi32>, vector<16xi32>], vector<16xf32>,
        %gather3A_1367 = tpu.vector_load_idx %arg9[%add3A_281, %broadcast_in_dim3A_1365] : memref<32x208xf32, #tpu.memory_space<vmem>>[vector<16xi32>, vector<16xi32>], vector<16xf32>,
        %sub3A_1368 = arith.subf %gather3A_1367, %gather3A_1366 : vector<16xf32>
        %mul3A_1369 = arith.mulf %sub3A_1368, %sub3A_1368 : vector<16xf32>
        %add3A_1370 = arith.addf %add3A_1356, %mul3A_1369 : vector<16xf32>
        %broadcast_in_dim3A_1371 = arith.constant 172 : i32
        %broadcast_in_dim3A_1372 = vector.broadcast %broadcast_in_dim3A_1371 : i32 to vector<16xi32>
        %gather3A_1373 = tpu.vector_load_idx %arg8[%add3A_281, %broadcast_in_dim3A_1372] : memref<32x208xf32, #tpu.memory_space<vmem>>[vector<16xi32>, vector<16xi32>], vector<16xf32>,
        %gather3A_1374 = tpu.vector_load_idx %arg9[%add3A_281, %broadcast_in_dim3A_1372] : memref<32x208xf32, #tpu.memory_space<vmem>>[vector<16xi32>, vector<16xi32>], vector<16xf32>,
        %sub3A_1375 = arith.subf %gather3A_1374, %gather3A_1373 : vector<16xf32>
        %mul3A_1376 = arith.mulf %sub3A_1375, %sub3A_1375 : vector<16xf32>
        %add3A_1377 = arith.addf %add3A_1363, %mul3A_1376 : vector<16xf32>
        %broadcast_in_dim3A_1378 = arith.constant 173 : i32
        %broadcast_in_dim3A_1379 = vector.broadcast %broadcast_in_dim3A_1378 : i32 to vector<16xi32>
        %gather3A_1380 = tpu.vector_load_idx %arg8[%add3A_281, %broadcast_in_dim3A_1379] : memref<32x208xf32, #tpu.memory_space<vmem>>[vector<16xi32>, vector<16xi32>], vector<16xf32>,
        %gather3A_1381 = tpu.vector_load_idx %arg9[%add3A_281, %broadcast_in_dim3A_1379] : memref<32x208xf32, #tpu.memory_space<vmem>>[vector<16xi32>, vector<16xi32>], vector<16xf32>,
        %sub3A_1382 = arith.subf %gather3A_1381, %gather3A_1380 : vector<16xf32>
        %mul3A_1383 = arith.mulf %sub3A_1382, %sub3A_1382 : vector<16xf32>
        %add3A_1384 = arith.addf %add3A_1370, %mul3A_1383 : vector<16xf32>
        %broadcast_in_dim3A_1385 = arith.constant 174 : i32
        %broadcast_in_dim3A_1386 = vector.broadcast %broadcast_in_dim3A_1385 : i32 to vector<16xi32>
        %gather3A_1387 = tpu.vector_load_idx %arg8[%add3A_281, %broadcast_in_dim3A_1386] : memref<32x208xf32, #tpu.memory_space<vmem>>[vector<16xi32>, vector<16xi32>], vector<16xf32>,
        %gather3A_1388 = tpu.vector_load_idx %arg9[%add3A_281, %broadcast_in_dim3A_1386] : memref<32x208xf32, #tpu.memory_space<vmem>>[vector<16xi32>, vector<16xi32>], vector<16xf32>,
        %sub3A_1389 = arith.subf %gather3A_1388, %gather3A_1387 : vector<16xf32>
        %mul3A_1390 = arith.mulf %sub3A_1389, %sub3A_1389 : vector<16xf32>
        %add3A_1391 = arith.addf %add3A_1377, %mul3A_1390 : vector<16xf32>
        %broadcast_in_dim3A_1392 = arith.constant 175 : i32
        %broadcast_in_dim3A_1393 = vector.broadcast %broadcast_in_dim3A_1392 : i32 to vector<16xi32>
        %gather3A_1394 = tpu.vector_load_idx %arg8[%add3A_281, %broadcast_in_dim3A_1393] : memref<32x208xf32, #tpu.memory_space<vmem>>[vector<16xi32>, vector<16xi32>], vector<16xf32>,
        %gather3A_1395 = tpu.vector_load_idx %arg9[%add3A_281, %broadcast_in_dim3A_1393] : memref<32x208xf32, #tpu.memory_space<vmem>>[vector<16xi32>, vector<16xi32>], vector<16xf32>,
        %sub3A_1396 = arith.subf %gather3A_1395, %gather3A_1394 : vector<16xf32>
        %mul3A_1397 = arith.mulf %sub3A_1396, %sub3A_1396 : vector<16xf32>
        %add3A_1398 = arith.addf %add3A_1384, %mul3A_1397 : vector<16xf32>
        %broadcast_in_dim3A_1399 = arith.constant 176 : i32
        %broadcast_in_dim3A_1400 = vector.broadcast %broadcast_in_dim3A_1399 : i32 to vector<16xi32>
        %gather3A_1401 = tpu.vector_load_idx %arg8[%add3A_281, %broadcast_in_dim3A_1400] : memref<32x208xf32, #tpu.memory_space<vmem>>[vector<16xi32>, vector<16xi32>], vector<16xf32>,
        %gather3A_1402 = tpu.vector_load_idx %arg9[%add3A_281, %broadcast_in_dim3A_1400] : memref<32x208xf32, #tpu.memory_space<vmem>>[vector<16xi32>, vector<16xi32>], vector<16xf32>,
        %sub3A_1403 = arith.subf %gather3A_1402, %gather3A_1401 : vector<16xf32>
        %mul3A_1404 = arith.mulf %sub3A_1403, %sub3A_1403 : vector<16xf32>
        %add3A_1405 = arith.addf %add3A_1391, %mul3A_1404 : vector<16xf32>
        %broadcast_in_dim3A_1406 = arith.constant 177 : i32
        %broadcast_in_dim3A_1407 = vector.broadcast %broadcast_in_dim3A_1406 : i32 to vector<16xi32>
        %gather3A_1408 = tpu.vector_load_idx %arg8[%add3A_281, %broadcast_in_dim3A_1407] : memref<32x208xf32, #tpu.memory_space<vmem>>[vector<16xi32>, vector<16xi32>], vector<16xf32>,
        %gather3A_1409 = tpu.vector_load_idx %arg9[%add3A_281, %broadcast_in_dim3A_1407] : memref<32x208xf32, #tpu.memory_space<vmem>>[vector<16xi32>, vector<16xi32>], vector<16xf32>,
        %sub3A_1410 = arith.subf %gather3A_1409, %gather3A_1408 : vector<16xf32>
        %mul3A_1411 = arith.mulf %sub3A_1410, %sub3A_1410 : vector<16xf32>
        %add3A_1412 = arith.addf %add3A_1398, %mul3A_1411 : vector<16xf32>
        %broadcast_in_dim3A_1413 = arith.constant 178 : i32
        %broadcast_in_dim3A_1414 = vector.broadcast %broadcast_in_dim3A_1413 : i32 to vector<16xi32>
        %gather3A_1415 = tpu.vector_load_idx %arg8[%add3A_281, %broadcast_in_dim3A_1414] : memref<32x208xf32, #tpu.memory_space<vmem>>[vector<16xi32>, vector<16xi32>], vector<16xf32>,
        %gather3A_1416 = tpu.vector_load_idx %arg9[%add3A_281, %broadcast_in_dim3A_1414] : memref<32x208xf32, #tpu.memory_space<vmem>>[vector<16xi32>, vector<16xi32>], vector<16xf32>,
        %sub3A_1417 = arith.subf %gather3A_1416, %gather3A_1415 : vector<16xf32>
        %mul3A_1418 = arith.mulf %sub3A_1417, %sub3A_1417 : vector<16xf32>
        %add3A_1419 = arith.addf %add3A_1405, %mul3A_1418 : vector<16xf32>
        %broadcast_in_dim3A_1420 = arith.constant 179 : i32
        %broadcast_in_dim3A_1421 = vector.broadcast %broadcast_in_dim3A_1420 : i32 to vector<16xi32>
        %gather3A_1422 = tpu.vector_load_idx %arg8[%add3A_281, %broadcast_in_dim3A_1421] : memref<32x208xf32, #tpu.memory_space<vmem>>[vector<16xi32>, vector<16xi32>], vector<16xf32>,
        %gather3A_1423 = tpu.vector_load_idx %arg9[%add3A_281, %broadcast_in_dim3A_1421] : memref<32x208xf32, #tpu.memory_space<vmem>>[vector<16xi32>, vector<16xi32>], vector<16xf32>,
        %sub3A_1424 = arith.subf %gather3A_1423, %gather3A_1422 : vector<16xf32>
        %mul3A_1425 = arith.mulf %sub3A_1424, %sub3A_1424 : vector<16xf32>
        %add3A_1426 = arith.addf %add3A_1412, %mul3A_1425 : vector<16xf32>
        %broadcast_in_dim3A_1427 = arith.constant 180 : i32
        %broadcast_in_dim3A_1428 = vector.broadcast %broadcast_in_dim3A_1427 : i32 to vector<16xi32>
        %gather3A_1429 = tpu.vector_load_idx %arg8[%add3A_281, %broadcast_in_dim3A_1428] : memref<32x208xf32, #tpu.memory_space<vmem>>[vector<16xi32>, vector<16xi32>], vector<16xf32>,
        %gather3A_1430 = tpu.vector_load_idx %arg9[%add3A_281, %broadcast_in_dim3A_1428] : memref<32x208xf32, #tpu.memory_space<vmem>>[vector<16xi32>, vector<16xi32>], vector<16xf32>,
        %sub3A_1431 = arith.subf %gather3A_1430, %gather3A_1429 : vector<16xf32>
        %mul3A_1432 = arith.mulf %sub3A_1431, %sub3A_1431 : vector<16xf32>
        %add3A_1433 = arith.addf %add3A_1419, %mul3A_1432 : vector<16xf32>
        %broadcast_in_dim3A_1434 = arith.constant 181 : i32
        %broadcast_in_dim3A_1435 = vector.broadcast %broadcast_in_dim3A_1434 : i32 to vector<16xi32>
        %gather3A_1436 = tpu.vector_load_idx %arg8[%add3A_281, %broadcast_in_dim3A_1435] : memref<32x208xf32, #tpu.memory_space<vmem>>[vector<16xi32>, vector<16xi32>], vector<16xf32>,
        %gather3A_1437 = tpu.vector_load_idx %arg9[%add3A_281, %broadcast_in_dim3A_1435] : memref<32x208xf32, #tpu.memory_space<vmem>>[vector<16xi32>, vector<16xi32>], vector<16xf32>,
        %sub3A_1438 = arith.subf %gather3A_1437, %gather3A_1436 : vector<16xf32>
        %mul3A_1439 = arith.mulf %sub3A_1438, %sub3A_1438 : vector<16xf32>
        %add3A_1440 = arith.addf %add3A_1426, %mul3A_1439 : vector<16xf32>
        %broadcast_in_dim3A_1441 = arith.constant 182 : i32
        %broadcast_in_dim3A_1442 = vector.broadcast %broadcast_in_dim3A_1441 : i32 to vector<16xi32>
        %gather3A_1443 = tpu.vector_load_idx %arg8[%add3A_281, %broadcast_in_dim3A_1442] : memref<32x208xf32, #tpu.memory_space<vmem>>[vector<16xi32>, vector<16xi32>], vector<16xf32>,
        %gather3A_1444 = tpu.vector_load_idx %arg9[%add3A_281, %broadcast_in_dim3A_1442] : memref<32x208xf32, #tpu.memory_space<vmem>>[vector<16xi32>, vector<16xi32>], vector<16xf32>,
        %sub3A_1445 = arith.subf %gather3A_1444, %gather3A_1443 : vector<16xf32>
        %mul3A_1446 = arith.mulf %sub3A_1445, %sub3A_1445 : vector<16xf32>
        %add3A_1447 = arith.addf %add3A_1433, %mul3A_1446 : vector<16xf32>
        %broadcast_in_dim3A_1448 = arith.constant 183 : i32
        %broadcast_in_dim3A_1449 = vector.broadcast %broadcast_in_dim3A_1448 : i32 to vector<16xi32>
        %gather3A_1450 = tpu.vector_load_idx %arg8[%add3A_281, %broadcast_in_dim3A_1449] : memref<32x208xf32, #tpu.memory_space<vmem>>[vector<16xi32>, vector<16xi32>], vector<16xf32>,
        %gather3A_1451 = tpu.vector_load_idx %arg9[%add3A_281, %broadcast_in_dim3A_1449] : memref<32x208xf32, #tpu.memory_space<vmem>>[vector<16xi32>, vector<16xi32>], vector<16xf32>,
        %sub3A_1452 = arith.subf %gather3A_1451, %gather3A_1450 : vector<16xf32>
        %mul3A_1453 = arith.mulf %sub3A_1452, %sub3A_1452 : vector<16xf32>
        %add3A_1454 = arith.addf %add3A_1440, %mul3A_1453 : vector<16xf32>
        %broadcast_in_dim3A_1455 = arith.constant 184 : i32
        %broadcast_in_dim3A_1456 = vector.broadcast %broadcast_in_dim3A_1455 : i32 to vector<16xi32>
        %gather3A_1457 = tpu.vector_load_idx %arg8[%add3A_281, %broadcast_in_dim3A_1456] : memref<32x208xf32, #tpu.memory_space<vmem>>[vector<16xi32>, vector<16xi32>], vector<16xf32>,
        %gather3A_1458 = tpu.vector_load_idx %arg9[%add3A_281, %broadcast_in_dim3A_1456] : memref<32x208xf32, #tpu.memory_space<vmem>>[vector<16xi32>, vector<16xi32>], vector<16xf32>,
        %sub3A_1459 = arith.subf %gather3A_1458, %gather3A_1457 : vector<16xf32>
        %mul3A_1460 = arith.mulf %sub3A_1459, %sub3A_1459 : vector<16xf32>
        %add3A_1461 = arith.addf %add3A_1447, %mul3A_1460 : vector<16xf32>
        %broadcast_in_dim3A_1462 = arith.constant 185 : i32
        %broadcast_in_dim3A_1463 = vector.broadcast %broadcast_in_dim3A_1462 : i32 to vector<16xi32>
        %gather3A_1464 = tpu.vector_load_idx %arg8[%add3A_281, %broadcast_in_dim3A_1463] : memref<32x208xf32, #tpu.memory_space<vmem>>[vector<16xi32>, vector<16xi32>], vector<16xf32>,
        %gather3A_1465 = tpu.vector_load_idx %arg9[%add3A_281, %broadcast_in_dim3A_1463] : memref<32x208xf32, #tpu.memory_space<vmem>>[vector<16xi32>, vector<16xi32>], vector<16xf32>,
        %sub3A_1466 = arith.subf %gather3A_1465, %gather3A_1464 : vector<16xf32>
        %mul3A_1467 = arith.mulf %sub3A_1466, %sub3A_1466 : vector<16xf32>
        %add3A_1468 = arith.addf %add3A_1454, %mul3A_1467 : vector<16xf32>
        %broadcast_in_dim3A_1469 = arith.constant 186 : i32
        %broadcast_in_dim3A_1470 = vector.broadcast %broadcast_in_dim3A_1469 : i32 to vector<16xi32>
        %gather3A_1471 = tpu.vector_load_idx %arg8[%add3A_281, %broadcast_in_dim3A_1470] : memref<32x208xf32, #tpu.memory_space<vmem>>[vector<16xi32>, vector<16xi32>], vector<16xf32>,
        %gather3A_1472 = tpu.vector_load_idx %arg9[%add3A_281, %broadcast_in_dim3A_1470] : memref<32x208xf32, #tpu.memory_space<vmem>>[vector<16xi32>, vector<16xi32>], vector<16xf32>,
        %sub3A_1473 = arith.subf %gather3A_1472, %gather3A_1471 : vector<16xf32>
        %mul3A_1474 = arith.mulf %sub3A_1473, %sub3A_1473 : vector<16xf32>
        %add3A_1475 = arith.addf %add3A_1461, %mul3A_1474 : vector<16xf32>
        %broadcast_in_dim3A_1476 = arith.constant 187 : i32
        %broadcast_in_dim3A_1477 = vector.broadcast %broadcast_in_dim3A_1476 : i32 to vector<16xi32>
        %gather3A_1478 = tpu.vector_load_idx %arg8[%add3A_281, %broadcast_in_dim3A_1477] : memref<32x208xf32, #tpu.memory_space<vmem>>[vector<16xi32>, vector<16xi32>], vector<16xf32>,
        %gather3A_1479 = tpu.vector_load_idx %arg9[%add3A_281, %broadcast_in_dim3A_1477] : memref<32x208xf32, #tpu.memory_space<vmem>>[vector<16xi32>, vector<16xi32>], vector<16xf32>,
        %sub3A_1480 = arith.subf %gather3A_1479, %gather3A_1478 : vector<16xf32>
        %mul3A_1481 = arith.mulf %sub3A_1480, %sub3A_1480 : vector<16xf32>
        %add3A_1482 = arith.addf %add3A_1468, %mul3A_1481 : vector<16xf32>
        %broadcast_in_dim3A_1483 = arith.constant 188 : i32
        %broadcast_in_dim3A_1484 = vector.broadcast %broadcast_in_dim3A_1483 : i32 to vector<16xi32>
        %gather3A_1485 = tpu.vector_load_idx %arg8[%add3A_281, %broadcast_in_dim3A_1484] : memref<32x208xf32, #tpu.memory_space<vmem>>[vector<16xi32>, vector<16xi32>], vector<16xf32>,
        %gather3A_1486 = tpu.vector_load_idx %arg9[%add3A_281, %broadcast_in_dim3A_1484] : memref<32x208xf32, #tpu.memory_space<vmem>>[vector<16xi32>, vector<16xi32>], vector<16xf32>,
        %sub3A_1487 = arith.subf %gather3A_1486, %gather3A_1485 : vector<16xf32>
        %mul3A_1488 = arith.mulf %sub3A_1487, %sub3A_1487 : vector<16xf32>
        %add3A_1489 = arith.addf %add3A_1475, %mul3A_1488 : vector<16xf32>
        %broadcast_in_dim3A_1490 = arith.constant 189 : i32
        %broadcast_in_dim3A_1491 = vector.broadcast %broadcast_in_dim3A_1490 : i32 to vector<16xi32>
        %gather3A_1492 = tpu.vector_load_idx %arg8[%add3A_281, %broadcast_in_dim3A_1491] : memref<32x208xf32, #tpu.memory_space<vmem>>[vector<16xi32>, vector<16xi32>], vector<16xf32>,
        %gather3A_1493 = tpu.vector_load_idx %arg9[%add3A_281, %broadcast_in_dim3A_1491] : memref<32x208xf32, #tpu.memory_space<vmem>>[vector<16xi32>, vector<16xi32>], vector<16xf32>,
        %sub3A_1494 = arith.subf %gather3A_1493, %gather3A_1492 : vector<16xf32>
        %mul3A_1495 = arith.mulf %sub3A_1494, %sub3A_1494 : vector<16xf32>
        %add3A_1496 = arith.addf %add3A_1482, %mul3A_1495 : vector<16xf32>
        %broadcast_in_dim3A_1497 = arith.constant 190 : i32
        %broadcast_in_dim3A_1498 = vector.broadcast %broadcast_in_dim3A_1497 : i32 to vector<16xi32>
        %gather3A_1499 = tpu.vector_load_idx %arg8[%add3A_281, %broadcast_in_dim3A_1498] : memref<32x208xf32, #tpu.memory_space<vmem>>[vector<16xi32>, vector<16xi32>], vector<16xf32>,
        %gather3A_1500 = tpu.vector_load_idx %arg9[%add3A_281, %broadcast_in_dim3A_1498] : memref<32x208xf32, #tpu.memory_space<vmem>>[vector<16xi32>, vector<16xi32>], vector<16xf32>,
        %sub3A_1501 = arith.subf %gather3A_1500, %gather3A_1499 : vector<16xf32>
        %mul3A_1502 = arith.mulf %sub3A_1501, %sub3A_1501 : vector<16xf32>
        %add3A_1503 = arith.addf %add3A_1489, %mul3A_1502 : vector<16xf32>
        %broadcast_in_dim3A_1504 = arith.constant 191 : i32
        %broadcast_in_dim3A_1505 = vector.broadcast %broadcast_in_dim3A_1504 : i32 to vector<16xi32>
        %gather3A_1506 = tpu.vector_load_idx %arg8[%add3A_281, %broadcast_in_dim3A_1505] : memref<32x208xf32, #tpu.memory_space<vmem>>[vector<16xi32>, vector<16xi32>], vector<16xf32>,
        %gather3A_1507 = tpu.vector_load_idx %arg9[%add3A_281, %broadcast_in_dim3A_1505] : memref<32x208xf32, #tpu.memory_space<vmem>>[vector<16xi32>, vector<16xi32>], vector<16xf32>,
        %sub3A_1508 = arith.subf %gather3A_1507, %gather3A_1506 : vector<16xf32>
        %mul3A_1509 = arith.mulf %sub3A_1508, %sub3A_1508 : vector<16xf32>
        %add3A_1510 = arith.addf %add3A_1496, %mul3A_1509 : vector<16xf32>
        %add3A_1511 = arith.addf %add3A_1503, %add3A_1510 : vector<16xf32>
        %broadcast_in_dim3A_1512 = arith.constant 192 : i32
        %broadcast_in_dim3A_1513 = vector.broadcast %broadcast_in_dim3A_1512 : i32 to vector<16xi32>
        %gather3A_1514 = tpu.vector_load_idx %arg8[%add3A_281, %broadcast_in_dim3A_1513] : memref<32x208xf32, #tpu.memory_space<vmem>>[vector<16xi32>, vector<16xi32>], vector<16xf32>,
        %gather3A_1515 = tpu.vector_load_idx %arg9[%add3A_281, %broadcast_in_dim3A_1513] : memref<32x208xf32, #tpu.memory_space<vmem>>[vector<16xi32>, vector<16xi32>], vector<16xf32>,
        %sub3A_1516 = arith.subf %gather3A_1515, %gather3A_1514 : vector<16xf32>
        %max3A_1517 = arith.constant 1.000000e-30 : f32
        %max3A_1518 = vector.broadcast %max3A_1517 : f32 to vector<16xf32>
        %max3A_1519 = arith.maximumf %add3A_1511, %max3A_1518 : vector<16xf32>
        %broadcast_in_dim3A_1520 = arith.constant 1597463007 : i32
        %broadcast_in_dim3A_1521 = vector.broadcast %broadcast_in_dim3A_1520 : i32 to vector<16xi32>
        %bitcast3A = vector.bitcast %max3A_1519 : vector<16xf32> to vector<16xi32>
        %shift_right_arithmetic3A = arith.constant 1 : i32
        %shift_right_arithmetic3A_1522 = vector.broadcast %shift_right_arithmetic3A : i32 to vector<16xi32>
        %shift_right_arithmetic3A_1523 = arith.shrsi %bitcast3A, %shift_right_arithmetic3A_1522 : vector<16xi32>
        %sub3A_1524 = arith.subi %broadcast_in_dim3A_1521, %shift_right_arithmetic3A_1523 : vector<16xi32>
        %bitcast3A_1525 = vector.bitcast %sub3A_1524 : vector<16xi32> to vector<16xf32>
        %mul3A_1526 = arith.constant 5.000000e-01 : f32
        %mul3A_1527 = vector.broadcast %mul3A_1526 : f32 to vector<16xf32>
        %mul3A_1528 = arith.mulf %mul3A_1527, %max3A_1519 : vector<16xf32>
        %mul3A_1529 = arith.mulf %mul3A_1528, %bitcast3A_1525 : vector<16xf32>
        %mul3A_1530 = arith.mulf %mul3A_1529, %bitcast3A_1525 : vector<16xf32>
        %sub3A_1531 = arith.constant 1.500000e+00 : f32
        %sub3A_1532 = vector.broadcast %sub3A_1531 : f32 to vector<16xf32>
        %sub3A_1533 = arith.subf %sub3A_1532, %mul3A_1530 : vector<16xf32>
        %mul3A_1534 = arith.mulf %bitcast3A_1525, %sub3A_1533 : vector<16xf32>
        %mul3A_1535 = arith.mulf %mul3A_1528, %mul3A_1534 : vector<16xf32>
        %mul3A_1536 = arith.mulf %mul3A_1535, %mul3A_1534 : vector<16xf32>
        %sub3A_1537 = arith.constant 1.500000e+00 : f32
        %sub3A_1538 = vector.broadcast %sub3A_1537 : f32 to vector<16xf32>
        %sub3A_1539 = arith.subf %sub3A_1538, %mul3A_1536 : vector<16xf32>
        %mul3A_1540 = arith.mulf %mul3A_1534, %sub3A_1539 : vector<16xf32>
        %mul3A_1541 = arith.mulf %mul3A_1528, %mul3A_1540 : vector<16xf32>
        %mul3A_1542 = arith.mulf %mul3A_1541, %mul3A_1540 : vector<16xf32>
        %sub3A_1543 = arith.constant 1.500000e+00 : f32
        %sub3A_1544 = vector.broadcast %sub3A_1543 : f32 to vector<16xf32>
        %sub3A_1545 = arith.subf %sub3A_1544, %mul3A_1542 : vector<16xf32>
        %mul3A_1546 = arith.mulf %mul3A_1540, %sub3A_1545 : vector<16xf32>
        %mul3A_1547 = arith.mulf %max3A_1519, %mul3A_1546 : vector<16xf32>
        %mul3A_1548 = vector.broadcast %select_n3A : f32 to vector<16xf32>
        %mul3A_1549 = arith.mulf %mul3A_1548, %sub3A_1516 : vector<16xf32>
        %add3A_1550 = arith.addf %mul3A_1547, %mul3A_1549 : vector<16xf32>
        %neg3A = arith.constant 0.000000e+00 : f32
        %neg3A_1551 = vector.broadcast %neg3A : f32 to vector<16xf32>
        %neg3A_1552 = arith.subf %neg3A_1551, %add3A_1550 : vector<16xf32>
        %exp3A = math.exp %neg3A_1552 : vector<16xf32>
        %mul3A_1553 = arith.mulf %exp3A, %add3A_1059 : vector<16xf32>
        %div3A_1554 = arith.constant 11.3137083 : f32
        %div3A_1555 = vector.broadcast %div3A_1554 : f32 to vector<16xf32>
        %div3A_1556 = arith.divf %mul3A_1553, %div3A_1555 : vector<16xf32>
        %mul3A_1557 = arith.constant 32 : i32
        %mul3A_1558 = arith.muli %add3A_228, %mul3A_1557 : i32
        %mul3A_1559 = arith.constant 16 : i32
        %mul3A_1560 = arith.muli %add3A_277, %mul3A_1559 : i32
        %add3A_1561 = arith.addi %mul3A_1558, %mul3A_1560 : i32
        %swap3A_1562 = arith.index_cast %add3A_1561 : i32 to index
        %swap3A_1563 = tpu.vector_load %arg11[%swap3A_1562] {strides = array<i32>} : memref<20000xf32, #tpu.memory_space<vmem>>, vector<16xf32>,
        tpu.vector_store %arg11[%swap3A_1562], %div3A_1556 {strides = array<i32>} : memref<20000xf32, #tpu.memory_space<vmem>>, vector<16xf32>,
      }
      %scan3A_272 = arith.constant 2 : i32
    }
    %scan3A_14 = arith.constant 625 : i32
    %broadcast_in_dim3A = arith.constant -3.000000e+38 : f32
    %broadcast_in_dim3A_15 = vector.broadcast %broadcast_in_dim3A : f32 to vector<16xf32>
    %scan3A_16 = arith.constant 0 : i32
    %scan3A_17 = arith.constant 1250 : i32
    %scan3A_18 = arith.addi %scan3A_16, %scan3A_17 : i32
    %scan3A_19 = arith.constant 1 : i32
    %scan3A_20 = scf.for %scan3A_224 = %scan3A_16 to %scan3A_18 step %scan3A_19 iter_args(%scan3A_225 = %broadcast_in_dim3A_15) -> (vector<16xf32>)  : i32 {
      %mul3A_226 = arith.constant 1 : i32
      %mul3A_227 = arith.muli %scan3A_224, %mul3A_226 : i32
      %add3A_228 = arith.constant 0 : i32
      %add3A_229 = arith.addi %add3A_228, %mul3A_227 : i32
      %mul3A_230 = arith.constant 16 : i32
      %mul3A_231 = arith.muli %add3A_229, %mul3A_230 : i32
      %get3A_232 = arith.index_cast %mul3A_231 : i32 to index
      %get3A_233 = tpu.vector_load %arg11[%get3A_232] {strides = array<i32>} : memref<20000xf32, #tpu.memory_space<vmem>>, vector<16xf32>,
      %max3A_234 = arith.maximumf %scan3A_225, %get3A_233 : vector<16xf32>
      scf.yield %max3A_234 : vector<16xf32>
    }
    %scan3A_21 = arith.constant 1250 : i32
    %reduce_max3A = arith.constant true
    %reduce_max3A_22 = vector.broadcast %reduce_max3A : i1 to vector<16xi1>
    %reduce_max3A_23 = tpu.scan <max>, %scan3A_20 masked %reduce_max3A_22 : vector<16xf32>, vector<16xi1> -> vector<16xf32>
    %reduce_max3A_24 = vector.extract %reduce_max3A_23[15] : f32 from vector<16xf32>
    %broadcast_in_dim3A_25 = vector.broadcast %reduce_max3A_24 : f32 to vector<16xf32>
    %swap3A = arith.constant 0 : i32
    %swap3A_26 = arith.index_cast %swap3A : i32 to index
    %swap3A_27 = arith.constant 0 : index
    %swap3A_28 = tpu.vector_load %arg17[%swap3A_26, %swap3A_27] {strides = array<i32>} : memref<1x16xf32, #tpu.memory_space<vmem>>, vector<16xf32>,
    tpu.vector_store %arg17[%swap3A_26, %swap3A_27], %broadcast_in_dim3A_25 {strides = array<i32>} : memref<1x16xf32, #tpu.memory_space<vmem>>, vector<16xf32>,
    "tpu.region"() ({
      %run_scoped3A = tpu.sem_alloc : memref<!tpu.dma_semaphore, #tpu.memory_space<semaphore_mem>>
      %dma_start3A = arith.constant 0 : i32
      %dma_start3A_224 = tpu.memref_slice %arg19[%arg1, %dma_start3A] : memref<16x16xf32, #tpu.memory_space<vmem_shared>> -> memref<1x16xf32, #tpu.memory_space<vmem_shared>>
      %dma_start3A_225 = arith.constant 0 : i32
      %dma_start3A_226 = tpu.memref_slice %arg19[%arg1, %dma_start3A_225] : memref<16x16xf32, #tpu.memory_space<vmem_shared>> -> memref<1x16xf32, #tpu.memory_space<vmem_shared>>
      tpu.enqueue_dma source(%arg17 : memref<1x16xf32, #tpu.memory_space<vmem>>) target(%dma_start3A_226 : memref<1x16xf32, #tpu.memory_space<vmem_shared>>) target_semaphore(%run_scoped3A : memref<!tpu.dma_semaphore, #tpu.memory_space<semaphore_mem>>)
      %dma_wait3A = arith.constant 0 : i32
      %dma_wait3A_227 = tpu.memref_slice %arg19[%arg1, %dma_wait3A] : memref<16x16xf32, #tpu.memory_space<vmem_shared>> -> memref<1x16xf32, #tpu.memory_space<vmem_shared>>
      %dma_wait3A_228 = arith.constant 0 : i32
      %dma_wait3A_229 = tpu.memref_slice %arg19[%arg1, %dma_wait3A_228] : memref<16x16xf32, #tpu.memory_space<vmem_shared>> -> memref<1x16xf32, #tpu.memory_space<vmem_shared>>
      tpu.wait_dma2 semaphore(%run_scoped3A : memref<!tpu.dma_semaphore, #tpu.memory_space<semaphore_mem>>) src(%arg17 : memref<1x16xf32, #tpu.memory_space<vmem>>) dst(%dma_wait3A_229 : memref<1x16xf32, #tpu.memory_space<vmem_shared>>)
      tpu.yield
    }) : () -> ()
    %barrier3A = arith.constant 0 : index
    tpu.barrier barrier_id(%barrier3A)
    "tpu.region"() ({
      %run_scoped3A = tpu.sem_alloc : memref<!tpu.dma_semaphore, #tpu.memory_space<semaphore_mem>>
      tpu.enqueue_dma source(%arg19 : memref<16x16xf32, #tpu.memory_space<vmem_shared>>) target(%arg16 : memref<16x16xf32, #tpu.memory_space<vmem>>) target_semaphore(%run_scoped3A : memref<!tpu.dma_semaphore, #tpu.memory_space<semaphore_mem>>)
      tpu.wait_dma2 semaphore(%run_scoped3A : memref<!tpu.dma_semaphore, #tpu.memory_space<semaphore_mem>>) src(%arg19 : memref<16x16xf32, #tpu.memory_space<vmem_shared>>) dst(%arg16 : memref<16x16xf32, #tpu.memory_space<vmem>>)
      tpu.yield
    }) : () -> ()
    %get3A = arith.constant 0 : i32
    %get3A_29 = arith.index_cast %get3A : i32 to index
    %get3A_30 = arith.constant 0 : index
    %get3A_31 = tpu.vector_load %arg16[%get3A_29, %get3A_30] {strides = array<i32>} : memref<16x16xf32, #tpu.memory_space<vmem>>, vector<16xf32>,
    %max3A = arith.maximumf %broadcast_in_dim3A_15, %get3A_31 : vector<16xf32>
    %get3A_32 = arith.constant 1 : i32
    %get3A_33 = arith.index_cast %get3A_32 : i32 to index
    %get3A_34 = arith.constant 0 : index
    %get3A_35 = tpu.vector_load %arg16[%get3A_33, %get3A_34] {strides = array<i32>} : memref<16x16xf32, #tpu.memory_space<vmem>>, vector<16xf32>,
    %max3A_36 = arith.maximumf %max3A, %get3A_35 : vector<16xf32>
    %get3A_37 = arith.constant 2 : i32
    %get3A_38 = arith.index_cast %get3A_37 : i32 to index
    %get3A_39 = arith.constant 0 : index
    %get3A_40 = tpu.vector_load %arg16[%get3A_38, %get3A_39] {strides = array<i32>} : memref<16x16xf32, #tpu.memory_space<vmem>>, vector<16xf32>,
    %max3A_41 = arith.maximumf %max3A_36, %get3A_40 : vector<16xf32>
    %get3A_42 = arith.constant 3 : i32
    %get3A_43 = arith.index_cast %get3A_42 : i32 to index
    %get3A_44 = arith.constant 0 : index
    %get3A_45 = tpu.vector_load %arg16[%get3A_43, %get3A_44] {strides = array<i32>} : memref<16x16xf32, #tpu.memory_space<vmem>>, vector<16xf32>,
    %max3A_46 = arith.maximumf %max3A_41, %get3A_45 : vector<16xf32>
    %get3A_47 = arith.constant 4 : i32
    %get3A_48 = arith.index_cast %get3A_47 : i32 to index
    %get3A_49 = arith.constant 0 : index
    %get3A_50 = tpu.vector_load %arg16[%get3A_48, %get3A_49] {strides = array<i32>} : memref<16x16xf32, #tpu.memory_space<vmem>>, vector<16xf32>,
    %max3A_51 = arith.maximumf %max3A_46, %get3A_50 : vector<16xf32>
    %get3A_52 = arith.constant 5 : i32
    %get3A_53 = arith.index_cast %get3A_52 : i32 to index
    %get3A_54 = arith.constant 0 : index
    %get3A_55 = tpu.vector_load %arg16[%get3A_53, %get3A_54] {strides = array<i32>} : memref<16x16xf32, #tpu.memory_space<vmem>>, vector<16xf32>,
    %max3A_56 = arith.maximumf %max3A_51, %get3A_55 : vector<16xf32>
    %get3A_57 = arith.constant 6 : i32
    %get3A_58 = arith.index_cast %get3A_57 : i32 to index
    %get3A_59 = arith.constant 0 : index
    %get3A_60 = tpu.vector_load %arg16[%get3A_58, %get3A_59] {strides = array<i32>} : memref<16x16xf32, #tpu.memory_space<vmem>>, vector<16xf32>,
    %max3A_61 = arith.maximumf %max3A_56, %get3A_60 : vector<16xf32>
    %get3A_62 = arith.constant 7 : i32
    %get3A_63 = arith.index_cast %get3A_62 : i32 to index
    %get3A_64 = arith.constant 0 : index
    %get3A_65 = tpu.vector_load %arg16[%get3A_63, %get3A_64] {strides = array<i32>} : memref<16x16xf32, #tpu.memory_space<vmem>>, vector<16xf32>,
    %max3A_66 = arith.maximumf %max3A_61, %get3A_65 : vector<16xf32>
    %get3A_67 = arith.constant 8 : i32
    %get3A_68 = arith.index_cast %get3A_67 : i32 to index
    %get3A_69 = arith.constant 0 : index
    %get3A_70 = tpu.vector_load %arg16[%get3A_68, %get3A_69] {strides = array<i32>} : memref<16x16xf32, #tpu.memory_space<vmem>>, vector<16xf32>,
    %max3A_71 = arith.maximumf %max3A_66, %get3A_70 : vector<16xf32>
    %get3A_72 = arith.constant 9 : i32
    %get3A_73 = arith.index_cast %get3A_72 : i32 to index
    %get3A_74 = arith.constant 0 : index
    %get3A_75 = tpu.vector_load %arg16[%get3A_73, %get3A_74] {strides = array<i32>} : memref<16x16xf32, #tpu.memory_space<vmem>>, vector<16xf32>,
    %max3A_76 = arith.maximumf %max3A_71, %get3A_75 : vector<16xf32>
    %get3A_77 = arith.constant 10 : i32
    %get3A_78 = arith.index_cast %get3A_77 : i32 to index
    %get3A_79 = arith.constant 0 : index
    %get3A_80 = tpu.vector_load %arg16[%get3A_78, %get3A_79] {strides = array<i32>} : memref<16x16xf32, #tpu.memory_space<vmem>>, vector<16xf32>,
    %max3A_81 = arith.maximumf %max3A_76, %get3A_80 : vector<16xf32>
    %get3A_82 = arith.constant 11 : i32
    %get3A_83 = arith.index_cast %get3A_82 : i32 to index
    %get3A_84 = arith.constant 0 : index
    %get3A_85 = tpu.vector_load %arg16[%get3A_83, %get3A_84] {strides = array<i32>} : memref<16x16xf32, #tpu.memory_space<vmem>>, vector<16xf32>,
    %max3A_86 = arith.maximumf %max3A_81, %get3A_85 : vector<16xf32>
    %get3A_87 = arith.constant 12 : i32
    %get3A_88 = arith.index_cast %get3A_87 : i32 to index
    %get3A_89 = arith.constant 0 : index
    %get3A_90 = tpu.vector_load %arg16[%get3A_88, %get3A_89] {strides = array<i32>} : memref<16x16xf32, #tpu.memory_space<vmem>>, vector<16xf32>,
    %max3A_91 = arith.maximumf %max3A_86, %get3A_90 : vector<16xf32>
    %get3A_92 = arith.constant 13 : i32
    %get3A_93 = arith.index_cast %get3A_92 : i32 to index
    %get3A_94 = arith.constant 0 : index
    %get3A_95 = tpu.vector_load %arg16[%get3A_93, %get3A_94] {strides = array<i32>} : memref<16x16xf32, #tpu.memory_space<vmem>>, vector<16xf32>,
    %max3A_96 = arith.maximumf %max3A_91, %get3A_95 : vector<16xf32>
    %get3A_97 = arith.constant 14 : i32
    %get3A_98 = arith.index_cast %get3A_97 : i32 to index
    %get3A_99 = arith.constant 0 : index
    %get3A_100 = tpu.vector_load %arg16[%get3A_98, %get3A_99] {strides = array<i32>} : memref<16x16xf32, #tpu.memory_space<vmem>>, vector<16xf32>,
    %max3A_101 = arith.maximumf %max3A_96, %get3A_100 : vector<16xf32>
    %get3A_102 = arith.constant 15 : i32
    %get3A_103 = arith.index_cast %get3A_102 : i32 to index
    %get3A_104 = arith.constant 0 : index
    %get3A_105 = tpu.vector_load %arg16[%get3A_103, %get3A_104] {strides = array<i32>} : memref<16x16xf32, #tpu.memory_space<vmem>>, vector<16xf32>,
    %max3A_106 = arith.maximumf %max3A_101, %get3A_105 : vector<16xf32>
    %broadcast_in_dim3A_107 = arith.constant 0.000000e+00 : f32
    %broadcast_in_dim3A_108 = vector.broadcast %broadcast_in_dim3A_107 : f32 to vector<16xf32>
    %scan3A_109 = arith.constant 0 : i32
    %scan3A_110 = arith.constant 1250 : i32
    %scan3A_111 = arith.addi %scan3A_109, %scan3A_110 : i32
    %scan3A_112 = arith.constant 1 : i32
    %scan3A_113 = scf.for %scan3A_224 = %scan3A_109 to %scan3A_111 step %scan3A_112 iter_args(%scan3A_225 = %broadcast_in_dim3A_108) -> (vector<16xf32>)  : i32 {
      %mul3A_226 = arith.constant 1 : i32
      %mul3A_227 = arith.muli %scan3A_224, %mul3A_226 : i32
      %add3A_228 = arith.constant 0 : i32
      %add3A_229 = arith.addi %add3A_228, %mul3A_227 : i32
      %mul3A_230 = arith.constant 16 : i32
      %mul3A_231 = arith.muli %add3A_229, %mul3A_230 : i32
      %get3A_232 = arith.index_cast %mul3A_231 : i32 to index
      %get3A_233 = tpu.vector_load %arg11[%get3A_232] {strides = array<i32>} : memref<20000xf32, #tpu.memory_space<vmem>>, vector<16xf32>,
      %sub3A = arith.subf %get3A_233, %max3A_106 : vector<16xf32>
      %exp3A = math.exp %sub3A : vector<16xf32>
      %add3A_234 = arith.addf %scan3A_225, %exp3A : vector<16xf32>
      scf.yield %add3A_234 : vector<16xf32>
    }
    %scan3A_114 = arith.constant 1250 : i32
    %reduce_sum3A = arith.constant true
    %reduce_sum3A_115 = vector.broadcast %reduce_sum3A : i1 to vector<16xi1>
    %reduce_sum3A_116 = tpu.scan <sum>, %scan3A_113 masked %reduce_sum3A_115 : vector<16xf32>, vector<16xi1> -> vector<16xf32>
    %reduce_sum3A_117 = vector.extract %reduce_sum3A_116[15] : f32 from vector<16xf32>
    %broadcast_in_dim3A_118 = vector.broadcast %reduce_sum3A_117 : f32 to vector<16xf32>
    %swap3A_119 = arith.constant 0 : i32
    %swap3A_120 = arith.index_cast %swap3A_119 : i32 to index
    %swap3A_121 = arith.constant 0 : index
    %swap3A_122 = tpu.vector_load %arg17[%swap3A_120, %swap3A_121] {strides = array<i32>} : memref<1x16xf32, #tpu.memory_space<vmem>>, vector<16xf32>,
    tpu.vector_store %arg17[%swap3A_120, %swap3A_121], %broadcast_in_dim3A_118 {strides = array<i32>} : memref<1x16xf32, #tpu.memory_space<vmem>>, vector<16xf32>,
    "tpu.region"() ({
      %run_scoped3A = tpu.sem_alloc : memref<!tpu.dma_semaphore, #tpu.memory_space<semaphore_mem>>
      %dma_start3A = arith.constant 0 : i32
      %dma_start3A_224 = tpu.memref_slice %arg20[%arg1, %dma_start3A] : memref<16x16xf32, #tpu.memory_space<vmem_shared>> -> memref<1x16xf32, #tpu.memory_space<vmem_shared>>
      %dma_start3A_225 = arith.constant 0 : i32
      %dma_start3A_226 = tpu.memref_slice %arg20[%arg1, %dma_start3A_225] : memref<16x16xf32, #tpu.memory_space<vmem_shared>> -> memref<1x16xf32, #tpu.memory_space<vmem_shared>>
      tpu.enqueue_dma source(%arg17 : memref<1x16xf32, #tpu.memory_space<vmem>>) target(%dma_start3A_226 : memref<1x16xf32, #tpu.memory_space<vmem_shared>>) target_semaphore(%run_scoped3A : memref<!tpu.dma_semaphore, #tpu.memory_space<semaphore_mem>>)
      %dma_wait3A = arith.constant 0 : i32
      %dma_wait3A_227 = tpu.memref_slice %arg20[%arg1, %dma_wait3A] : memref<16x16xf32, #tpu.memory_space<vmem_shared>> -> memref<1x16xf32, #tpu.memory_space<vmem_shared>>
      %dma_wait3A_228 = arith.constant 0 : i32
      %dma_wait3A_229 = tpu.memref_slice %arg20[%arg1, %dma_wait3A_228] : memref<16x16xf32, #tpu.memory_space<vmem_shared>> -> memref<1x16xf32, #tpu.memory_space<vmem_shared>>
      tpu.wait_dma2 semaphore(%run_scoped3A : memref<!tpu.dma_semaphore, #tpu.memory_space<semaphore_mem>>) src(%arg17 : memref<1x16xf32, #tpu.memory_space<vmem>>) dst(%dma_wait3A_229 : memref<1x16xf32, #tpu.memory_space<vmem_shared>>)
      tpu.yield
    }) : () -> ()
    %barrier3A_123 = arith.constant 0 : index
    tpu.barrier barrier_id(%barrier3A_123)
    "tpu.region"() ({
      %run_scoped3A = tpu.sem_alloc : memref<!tpu.dma_semaphore, #tpu.memory_space<semaphore_mem>>
      tpu.enqueue_dma source(%arg20 : memref<16x16xf32, #tpu.memory_space<vmem_shared>>) target(%arg16 : memref<16x16xf32, #tpu.memory_space<vmem>>) target_semaphore(%run_scoped3A : memref<!tpu.dma_semaphore, #tpu.memory_space<semaphore_mem>>)
      tpu.wait_dma2 semaphore(%run_scoped3A : memref<!tpu.dma_semaphore, #tpu.memory_space<semaphore_mem>>) src(%arg20 : memref<16x16xf32, #tpu.memory_space<vmem_shared>>) dst(%arg16 : memref<16x16xf32, #tpu.memory_space<vmem>>)
      tpu.yield
    }) : () -> ()
    %get3A_124 = arith.constant 0 : i32
    %get3A_125 = arith.index_cast %get3A_124 : i32 to index
    %get3A_126 = arith.constant 0 : index
    %get3A_127 = tpu.vector_load %arg16[%get3A_125, %get3A_126] {strides = array<i32>} : memref<16x16xf32, #tpu.memory_space<vmem>>, vector<16xf32>,
    %add3A_128 = arith.addf %broadcast_in_dim3A_108, %get3A_127 : vector<16xf32>
    %get3A_129 = arith.constant 1 : i32
    %get3A_130 = arith.index_cast %get3A_129 : i32 to index
    %get3A_131 = arith.constant 0 : index
    %get3A_132 = tpu.vector_load %arg16[%get3A_130, %get3A_131] {strides = array<i32>} : memref<16x16xf32, #tpu.memory_space<vmem>>, vector<16xf32>,
    %add3A_133 = arith.addf %add3A_128, %get3A_132 : vector<16xf32>
    %get3A_134 = arith.constant 2 : i32
    %get3A_135 = arith.index_cast %get3A_134 : i32 to index
    %get3A_136 = arith.constant 0 : index
    %get3A_137 = tpu.vector_load %arg16[%get3A_135, %get3A_136] {strides = array<i32>} : memref<16x16xf32, #tpu.memory_space<vmem>>, vector<16xf32>,
    %add3A_138 = arith.addf %add3A_133, %get3A_137 : vector<16xf32>
    %get3A_139 = arith.constant 3 : i32
    %get3A_140 = arith.index_cast %get3A_139 : i32 to index
    %get3A_141 = arith.constant 0 : index
    %get3A_142 = tpu.vector_load %arg16[%get3A_140, %get3A_141] {strides = array<i32>} : memref<16x16xf32, #tpu.memory_space<vmem>>, vector<16xf32>,
    %add3A_143 = arith.addf %add3A_138, %get3A_142 : vector<16xf32>
    %get3A_144 = arith.constant 4 : i32
    %get3A_145 = arith.index_cast %get3A_144 : i32 to index
    %get3A_146 = arith.constant 0 : index
    %get3A_147 = tpu.vector_load %arg16[%get3A_145, %get3A_146] {strides = array<i32>} : memref<16x16xf32, #tpu.memory_space<vmem>>, vector<16xf32>,
    %add3A_148 = arith.addf %add3A_143, %get3A_147 : vector<16xf32>
    %get3A_149 = arith.constant 5 : i32
    %get3A_150 = arith.index_cast %get3A_149 : i32 to index
    %get3A_151 = arith.constant 0 : index
    %get3A_152 = tpu.vector_load %arg16[%get3A_150, %get3A_151] {strides = array<i32>} : memref<16x16xf32, #tpu.memory_space<vmem>>, vector<16xf32>,
    %add3A_153 = arith.addf %add3A_148, %get3A_152 : vector<16xf32>
    %get3A_154 = arith.constant 6 : i32
    %get3A_155 = arith.index_cast %get3A_154 : i32 to index
    %get3A_156 = arith.constant 0 : index
    %get3A_157 = tpu.vector_load %arg16[%get3A_155, %get3A_156] {strides = array<i32>} : memref<16x16xf32, #tpu.memory_space<vmem>>, vector<16xf32>,
    %add3A_158 = arith.addf %add3A_153, %get3A_157 : vector<16xf32>
    %get3A_159 = arith.constant 7 : i32
    %get3A_160 = arith.index_cast %get3A_159 : i32 to index
    %get3A_161 = arith.constant 0 : index
    %get3A_162 = tpu.vector_load %arg16[%get3A_160, %get3A_161] {strides = array<i32>} : memref<16x16xf32, #tpu.memory_space<vmem>>, vector<16xf32>,
    %add3A_163 = arith.addf %add3A_158, %get3A_162 : vector<16xf32>
    %get3A_164 = arith.constant 8 : i32
    %get3A_165 = arith.index_cast %get3A_164 : i32 to index
    %get3A_166 = arith.constant 0 : index
    %get3A_167 = tpu.vector_load %arg16[%get3A_165, %get3A_166] {strides = array<i32>} : memref<16x16xf32, #tpu.memory_space<vmem>>, vector<16xf32>,
    %add3A_168 = arith.addf %add3A_163, %get3A_167 : vector<16xf32>
    %get3A_169 = arith.constant 9 : i32
    %get3A_170 = arith.index_cast %get3A_169 : i32 to index
    %get3A_171 = arith.constant 0 : index
    %get3A_172 = tpu.vector_load %arg16[%get3A_170, %get3A_171] {strides = array<i32>} : memref<16x16xf32, #tpu.memory_space<vmem>>, vector<16xf32>,
    %add3A_173 = arith.addf %add3A_168, %get3A_172 : vector<16xf32>
    %get3A_174 = arith.constant 10 : i32
    %get3A_175 = arith.index_cast %get3A_174 : i32 to index
    %get3A_176 = arith.constant 0 : index
    %get3A_177 = tpu.vector_load %arg16[%get3A_175, %get3A_176] {strides = array<i32>} : memref<16x16xf32, #tpu.memory_space<vmem>>, vector<16xf32>,
    %add3A_178 = arith.addf %add3A_173, %get3A_177 : vector<16xf32>
    %get3A_179 = arith.constant 11 : i32
    %get3A_180 = arith.index_cast %get3A_179 : i32 to index
    %get3A_181 = arith.constant 0 : index
    %get3A_182 = tpu.vector_load %arg16[%get3A_180, %get3A_181] {strides = array<i32>} : memref<16x16xf32, #tpu.memory_space<vmem>>, vector<16xf32>,
    %add3A_183 = arith.addf %add3A_178, %get3A_182 : vector<16xf32>
    %get3A_184 = arith.constant 12 : i32
    %get3A_185 = arith.index_cast %get3A_184 : i32 to index
    %get3A_186 = arith.constant 0 : index
    %get3A_187 = tpu.vector_load %arg16[%get3A_185, %get3A_186] {strides = array<i32>} : memref<16x16xf32, #tpu.memory_space<vmem>>, vector<16xf32>,
    %add3A_188 = arith.addf %add3A_183, %get3A_187 : vector<16xf32>
    %get3A_189 = arith.constant 13 : i32
    %get3A_190 = arith.index_cast %get3A_189 : i32 to index
    %get3A_191 = arith.constant 0 : index
    %get3A_192 = tpu.vector_load %arg16[%get3A_190, %get3A_191] {strides = array<i32>} : memref<16x16xf32, #tpu.memory_space<vmem>>, vector<16xf32>,
    %add3A_193 = arith.addf %add3A_188, %get3A_192 : vector<16xf32>
    %get3A_194 = arith.constant 14 : i32
    %get3A_195 = arith.index_cast %get3A_194 : i32 to index
    %get3A_196 = arith.constant 0 : index
    %get3A_197 = tpu.vector_load %arg16[%get3A_195, %get3A_196] {strides = array<i32>} : memref<16x16xf32, #tpu.memory_space<vmem>>, vector<16xf32>,
    %add3A_198 = arith.addf %add3A_193, %get3A_197 : vector<16xf32>
    %get3A_199 = arith.constant 15 : i32
    %get3A_200 = arith.index_cast %get3A_199 : i32 to index
    %get3A_201 = arith.constant 0 : index
    %get3A_202 = tpu.vector_load %arg16[%get3A_200, %get3A_201] {strides = array<i32>} : memref<16x16xf32, #tpu.memory_space<vmem>>, vector<16xf32>,
    %add3A_203 = arith.addf %add3A_198, %get3A_202 : vector<16xf32>
    %div3A = arith.constant 1.000000e+00 : f32
    %div3A_204 = vector.broadcast %div3A : f32 to vector<16xf32>
    %div3A_205 = arith.divf %div3A_204, %add3A_203 : vector<16xf32>
    %scan3A_206 = arith.constant 0 : i32
    %scan3A_207 = arith.constant 1250 : i32
    %scan3A_208 = arith.addi %scan3A_206, %scan3A_207 : i32
    %scan3A_209 = arith.constant 1 : i32
    scf.for %scan3A_224 = %scan3A_206 to %scan3A_208 step %scan3A_209  : i32 {
      %mul3A_225 = arith.constant 1 : i32
      %mul3A_226 = arith.muli %scan3A_224, %mul3A_225 : i32
      %add3A_227 = arith.constant 0 : i32
      %add3A_228 = arith.addi %add3A_227, %mul3A_226 : i32
      %mul3A_229 = arith.constant 16 : i32
      %mul3A_230 = arith.muli %add3A_228, %mul3A_229 : i32
      %get3A_231 = arith.index_cast %mul3A_230 : i32 to index
      %get3A_232 = tpu.vector_load %arg11[%get3A_231] {strides = array<i32>} : memref<20000xf32, #tpu.memory_space<vmem>>, vector<16xf32>,
      %sub3A = arith.subf %get3A_232, %max3A_106 : vector<16xf32>
      %exp3A = math.exp %sub3A : vector<16xf32>
      %mul3A_233 = arith.mulf %exp3A, %div3A_205 : vector<16xf32>
      %swap3A_234 = arith.index_cast %mul3A_230 : i32 to index
      %swap3A_235 = tpu.vector_load %arg11[%swap3A_234] {strides = array<i32>} : memref<20000xf32, #tpu.memory_space<vmem>>, vector<16xf32>,
      tpu.vector_store %arg11[%swap3A_234], %mul3A_233 {strides = array<i32>} : memref<20000xf32, #tpu.memory_space<vmem>>, vector<16xf32>,
    }
    %scan3A_210 = arith.constant 1250 : i32
    %scan3A_211 = arith.constant 0 : i32
    %scan3A_212 = arith.constant 625 : i32
    %scan3A_213 = arith.addi %scan3A_211, %scan3A_212 : i32
    %scan3A_214 = arith.constant 1 : i32
    scf.for %scan3A_224 = %scan3A_211 to %scan3A_213 step %scan3A_214  : i32 {
      %mul3A_225 = arith.constant 1 : i32
      %mul3A_226 = arith.muli %scan3A_224, %mul3A_225 : i32
      %add3A_227 = arith.constant 0 : i32
      %add3A_228 = arith.addi %add3A_227, %mul3A_226 : i32
      %mul3A_229 = arith.constant 32 : i32
      %mul3A_230 = arith.muli %add3A_228, %mul3A_229 : i32
      %add3A_231 = arith.addi %add3A, %mul3A_230 : i32
      "tpu.region"() ({
        %run_scoped3A = tpu.sem_alloc : memref<!tpu.dma_semaphore, #tpu.memory_space<semaphore_mem>>
        %dma_start3A_255 = tpu.memref_slice %arg2[%add3A_231] : memref<1280000xi32, #tpu.memory_space<hbm>> -> memref<32xi32, #tpu.memory_space<hbm>>
        %dma_start3A_256 = tpu.memref_slice %arg2[%add3A_231] : memref<1280000xi32, #tpu.memory_space<hbm>> -> memref<32xi32, #tpu.memory_space<hbm>>
        tpu.enqueue_dma source(%dma_start3A_256 : memref<32xi32, #tpu.memory_space<hbm>>) target(%arg12 : memref<32xi32, #tpu.memory_space<vmem>>) target_semaphore(%run_scoped3A : memref<!tpu.dma_semaphore, #tpu.memory_space<semaphore_mem>>)
        %dma_wait3A_257 = tpu.memref_slice %arg2[%add3A_231] : memref<1280000xi32, #tpu.memory_space<hbm>> -> memref<32xi32, #tpu.memory_space<hbm>>
        %dma_wait3A_258 = tpu.memref_slice %arg2[%add3A_231] : memref<1280000xi32, #tpu.memory_space<hbm>> -> memref<32xi32, #tpu.memory_space<hbm>>
        tpu.wait_dma2 semaphore(%run_scoped3A : memref<!tpu.dma_semaphore, #tpu.memory_space<semaphore_mem>>) src(%dma_wait3A_258 : memref<32xi32, #tpu.memory_space<hbm>>) dst(%arg12 : memref<32xi32, #tpu.memory_space<vmem>>)
        tpu.yield
      }) : () -> ()
      %add3A_232 = arith.constant 320000 : i32
      %add3A_233 = arith.addi %add3A_231, %add3A_232 : i32
      "tpu.region"() ({
        %run_scoped3A = tpu.sem_alloc : memref<!tpu.dma_semaphore, #tpu.memory_space<semaphore_mem>>
        %dma_start3A_255 = tpu.memref_slice %arg2[%add3A_233] : memref<1280000xi32, #tpu.memory_space<hbm>> -> memref<32xi32, #tpu.memory_space<hbm>>
        %dma_start3A_256 = tpu.memref_slice %arg2[%add3A_233] : memref<1280000xi32, #tpu.memory_space<hbm>> -> memref<32xi32, #tpu.memory_space<hbm>>
        tpu.enqueue_dma source(%dma_start3A_256 : memref<32xi32, #tpu.memory_space<hbm>>) target(%arg13 : memref<32xi32, #tpu.memory_space<vmem>>) target_semaphore(%run_scoped3A : memref<!tpu.dma_semaphore, #tpu.memory_space<semaphore_mem>>)
        %dma_wait3A_257 = tpu.memref_slice %arg2[%add3A_233] : memref<1280000xi32, #tpu.memory_space<hbm>> -> memref<32xi32, #tpu.memory_space<hbm>>
        %dma_wait3A_258 = tpu.memref_slice %arg2[%add3A_233] : memref<1280000xi32, #tpu.memory_space<hbm>> -> memref<32xi32, #tpu.memory_space<hbm>>
        tpu.wait_dma2 semaphore(%run_scoped3A : memref<!tpu.dma_semaphore, #tpu.memory_space<semaphore_mem>>) src(%dma_wait3A_258 : memref<32xi32, #tpu.memory_space<hbm>>) dst(%arg13 : memref<32xi32, #tpu.memory_space<vmem>>)
        tpu.yield
      }) : () -> ()
      %get3A_234 = arith.constant 0 : index
      %get3A_235 = tpu.vector_load %arg12[%get3A_234] {strides = array<i32>} : memref<32xi32, #tpu.memory_space<vmem>>, vector<16xi32>,
      %add3A_236 = vector.broadcast %mul3A_0 : i32 to vector<16xi32>
      %add3A_237 = arith.addi %get3A_235, %add3A_236 : vector<16xi32>
      %swap3A_238 = arith.constant 0 : index
      %swap3A_239 = tpu.vector_load %arg14[%swap3A_238] {strides = array<i32>} : memref<32xi32, #tpu.memory_space<vmem>>, vector<16xi32>,
      tpu.vector_store %arg14[%swap3A_238], %add3A_237 {strides = array<i32>} : memref<32xi32, #tpu.memory_space<vmem>>, vector<16xi32>,
      %get3A_240 = arith.constant 16 : index
      %get3A_241 = tpu.vector_load %arg12[%get3A_240] {strides = array<i32>} : memref<32xi32, #tpu.memory_space<vmem>>, vector<16xi32>,
      %add3A_242 = vector.broadcast %mul3A_0 : i32 to vector<16xi32>
      %add3A_243 = arith.addi %get3A_241, %add3A_242 : vector<16xi32>
      %swap3A_244 = arith.constant 16 : index
      %swap3A_245 = tpu.vector_load %arg14[%swap3A_244] {strides = array<i32>} : memref<32xi32, #tpu.memory_space<vmem>>, vector<16xi32>,
      tpu.vector_store %arg14[%swap3A_244], %add3A_243 {strides = array<i32>} : memref<32xi32, #tpu.memory_space<vmem>>, vector<16xi32>,
      %dma_start3A = arith.constant 0 : i32
      %dma_start3A_246 = arith.constant 0 : i32
      %dma_start3A_247 = tpu.memref_slice %arg5[%dma_start3A, %dma_start3A_246] : memref<20000x128xf32, #tpu.memory_space<hbm>> -> memref<20000x128xf32, #tpu.memory_space<hbm>>
      tpu.enqueue_indirect_dma source(%dma_start3A_247 : memref<20000x128xf32, #tpu.memory_space<hbm>>) target(%arg10 : memref<32x128xf32, #tpu.memory_space<vmem>>) offsets(%arg14 : memref<32xi32, #tpu.memory_space<vmem>>) semaphore(%arg23 : memref<!tpu.dma_semaphore, #tpu.memory_space<semaphore_mem>>)
      %dma_wait3A = arith.constant 0 : i32
      %dma_wait3A_248 = arith.constant 0 : i32
      %dma_wait3A_249 = tpu.memref_slice %arg5[%dma_wait3A, %dma_wait3A_248] : memref<20000x128xf32, #tpu.memory_space<hbm>> -> memref<20000x128xf32, #tpu.memory_space<hbm>>
      tpu.wait_indirect_dma semaphore(%arg23 : memref<!tpu.dma_semaphore, #tpu.memory_space<semaphore_mem>>) src(%dma_wait3A_249 : memref<20000x128xf32, #tpu.memory_space<hbm>>) dst(%arg10 : memref<32x128xf32, #tpu.memory_space<vmem>>)
      %scan3A_250 = arith.constant 0 : i32
      %scan3A_251 = arith.constant 32 : i32
      %scan3A_252 = arith.addi %scan3A_250, %scan3A_251 : i32
      %scan3A_253 = arith.constant 1 : i32
      scf.for %scan3A_255 = %scan3A_250 to %scan3A_252 step %scan3A_253  : i32 {
        %mul3A_256 = arith.constant 1 : i32
        %mul3A_257 = arith.muli %scan3A_255, %mul3A_256 : i32
        %add3A_258 = arith.constant 0 : i32
        %add3A_259 = arith.addi %add3A_258, %mul3A_257 : i32
        %mul3A_260 = arith.constant 32 : i32
        %mul3A_261 = arith.muli %add3A_228, %mul3A_260 : i32
        %add3A_262 = arith.addi %mul3A_261, %add3A_259 : i32
        %broadcast_in_dim3A_263 = vector.broadcast %add3A_262 : i32 to vector<16xi32>
        %gather3A = tpu.vector_load_idx %arg11[%broadcast_in_dim3A_263] : memref<20000xf32, #tpu.memory_space<vmem>>[vector<16xi32>], vector<16xf32>,
        %broadcast_in_dim3A_264 = vector.broadcast %add3A_259 : i32 to vector<16xi32>
        %add3A_265 = arith.constant 0 : i32
        %add3A_266 = vector.broadcast %add3A_265 : i32 to vector<16xi32>
        %add3A_267 = arith.addi %iota3A, %add3A_266 : vector<16xi32>
        %gather3A_268 = tpu.vector_load_idx %arg10[%broadcast_in_dim3A_264, %add3A_267] : memref<32x128xf32, #tpu.memory_space<vmem>>[vector<16xi32>, vector<16xi32>], vector<16xf32>,
        %mul3A_269 = arith.mulf %gather3A_268, %gather3A : vector<16xf32>
        tpu.vector_store_idx %arg10[%broadcast_in_dim3A_264, %add3A_267], %mul3A_269 : memref<32x128xf32, #tpu.memory_space<vmem>>[vector<16xi32>, vector<16xi32>], vector<16xf32>,
        %add3A_270 = arith.constant 16 : i32
        %add3A_271 = vector.broadcast %add3A_270 : i32 to vector<16xi32>
        %add3A_272 = arith.addi %iota3A, %add3A_271 : vector<16xi32>
        %gather3A_273 = tpu.vector_load_idx %arg10[%broadcast_in_dim3A_264, %add3A_272] : memref<32x128xf32, #tpu.memory_space<vmem>>[vector<16xi32>, vector<16xi32>], vector<16xf32>,
        %mul3A_274 = arith.mulf %gather3A_273, %gather3A : vector<16xf32>
        tpu.vector_store_idx %arg10[%broadcast_in_dim3A_264, %add3A_272], %mul3A_274 : memref<32x128xf32, #tpu.memory_space<vmem>>[vector<16xi32>, vector<16xi32>], vector<16xf32>,
        %add3A_275 = arith.constant 32 : i32
        %add3A_276 = vector.broadcast %add3A_275 : i32 to vector<16xi32>
        %add3A_277 = arith.addi %iota3A, %add3A_276 : vector<16xi32>
        %gather3A_278 = tpu.vector_load_idx %arg10[%broadcast_in_dim3A_264, %add3A_277] : memref<32x128xf32, #tpu.memory_space<vmem>>[vector<16xi32>, vector<16xi32>], vector<16xf32>,
        %mul3A_279 = arith.mulf %gather3A_278, %gather3A : vector<16xf32>
        tpu.vector_store_idx %arg10[%broadcast_in_dim3A_264, %add3A_277], %mul3A_279 : memref<32x128xf32, #tpu.memory_space<vmem>>[vector<16xi32>, vector<16xi32>], vector<16xf32>,
        %add3A_280 = arith.constant 48 : i32
        %add3A_281 = vector.broadcast %add3A_280 : i32 to vector<16xi32>
        %add3A_282 = arith.addi %iota3A, %add3A_281 : vector<16xi32>
        %gather3A_283 = tpu.vector_load_idx %arg10[%broadcast_in_dim3A_264, %add3A_282] : memref<32x128xf32, #tpu.memory_space<vmem>>[vector<16xi32>, vector<16xi32>], vector<16xf32>,
        %mul3A_284 = arith.mulf %gather3A_283, %gather3A : vector<16xf32>
        tpu.vector_store_idx %arg10[%broadcast_in_dim3A_264, %add3A_282], %mul3A_284 : memref<32x128xf32, #tpu.memory_space<vmem>>[vector<16xi32>, vector<16xi32>], vector<16xf32>,
        %add3A_285 = arith.constant 64 : i32
        %add3A_286 = vector.broadcast %add3A_285 : i32 to vector<16xi32>
        %add3A_287 = arith.addi %iota3A, %add3A_286 : vector<16xi32>
        %gather3A_288 = tpu.vector_load_idx %arg10[%broadcast_in_dim3A_264, %add3A_287] : memref<32x128xf32, #tpu.memory_space<vmem>>[vector<16xi32>, vector<16xi32>], vector<16xf32>,
        %mul3A_289 = arith.mulf %gather3A_288, %gather3A : vector<16xf32>
        tpu.vector_store_idx %arg10[%broadcast_in_dim3A_264, %add3A_287], %mul3A_289 : memref<32x128xf32, #tpu.memory_space<vmem>>[vector<16xi32>, vector<16xi32>], vector<16xf32>,
        %add3A_290 = arith.constant 80 : i32
        %add3A_291 = vector.broadcast %add3A_290 : i32 to vector<16xi32>
        %add3A_292 = arith.addi %iota3A, %add3A_291 : vector<16xi32>
        %gather3A_293 = tpu.vector_load_idx %arg10[%broadcast_in_dim3A_264, %add3A_292] : memref<32x128xf32, #tpu.memory_space<vmem>>[vector<16xi32>, vector<16xi32>], vector<16xf32>,
        %mul3A_294 = arith.mulf %gather3A_293, %gather3A : vector<16xf32>
        tpu.vector_store_idx %arg10[%broadcast_in_dim3A_264, %add3A_292], %mul3A_294 : memref<32x128xf32, #tpu.memory_space<vmem>>[vector<16xi32>, vector<16xi32>], vector<16xf32>,
        %add3A_295 = arith.constant 96 : i32
        %add3A_296 = vector.broadcast %add3A_295 : i32 to vector<16xi32>
        %add3A_297 = arith.addi %iota3A, %add3A_296 : vector<16xi32>
        %gather3A_298 = tpu.vector_load_idx %arg10[%broadcast_in_dim3A_264, %add3A_297] : memref<32x128xf32, #tpu.memory_space<vmem>>[vector<16xi32>, vector<16xi32>], vector<16xf32>,
        %mul3A_299 = arith.mulf %gather3A_298, %gather3A : vector<16xf32>
        tpu.vector_store_idx %arg10[%broadcast_in_dim3A_264, %add3A_297], %mul3A_299 : memref<32x128xf32, #tpu.memory_space<vmem>>[vector<16xi32>, vector<16xi32>], vector<16xf32>,
        %add3A_300 = arith.constant 112 : i32
        %add3A_301 = vector.broadcast %add3A_300 : i32 to vector<16xi32>
        %add3A_302 = arith.addi %iota3A, %add3A_301 : vector<16xi32>
        %gather3A_303 = tpu.vector_load_idx %arg10[%broadcast_in_dim3A_264, %add3A_302] : memref<32x128xf32, #tpu.memory_space<vmem>>[vector<16xi32>, vector<16xi32>], vector<16xf32>,
        %mul3A_304 = arith.mulf %gather3A_303, %gather3A : vector<16xf32>
        tpu.vector_store_idx %arg10[%broadcast_in_dim3A_264, %add3A_302], %mul3A_304 : memref<32x128xf32, #tpu.memory_space<vmem>>[vector<16xi32>, vector<16xi32>], vector<16xf32>,
      }
      %scan3A_254 = arith.constant 32 : i32
      "tpu.region"() ({
        %run_scoped3A = tpu.sem_alloc : memref<!tpu.dma_semaphore, #tpu.memory_space<semaphore_mem>>
        %dma_start3A_255 = arith.constant 0 : i32
        %dma_start3A_256 = arith.constant 0 : i32
        %dma_start3A_257 = tpu.memref_slice %arg18[%dma_start3A_255, %dma_start3A_256] : memref<10000x128xf32, #tpu.memory_space<vmem_shared>> -> memref<10000x128xf32, #tpu.memory_space<vmem_shared>>
        tpu.enqueue_indirect_dma source(%arg10 : memref<32x128xf32, #tpu.memory_space<vmem>>) target(%dma_start3A_257 : memref<10000x128xf32, #tpu.memory_space<vmem_shared>>) offsets(%arg13 : memref<32xi32, #tpu.memory_space<vmem>>) semaphore(%run_scoped3A : memref<!tpu.dma_semaphore, #tpu.memory_space<semaphore_mem>>) {add = true}
        %dma_wait3A_258 = arith.constant 0 : i32
        %dma_wait3A_259 = arith.constant 0 : i32
        %dma_wait3A_260 = tpu.memref_slice %arg18[%dma_wait3A_258, %dma_wait3A_259] : memref<10000x128xf32, #tpu.memory_space<vmem_shared>> -> memref<10000x128xf32, #tpu.memory_space<vmem_shared>>
        tpu.wait_indirect_dma semaphore(%run_scoped3A : memref<!tpu.dma_semaphore, #tpu.memory_space<semaphore_mem>>) src(%arg10 : memref<32x128xf32, #tpu.memory_space<vmem>>) dst(%dma_wait3A_260 : memref<10000x128xf32, #tpu.memory_space<vmem_shared>>)
        tpu.yield
      }) : () -> ()
    }
    %scan3A_215 = arith.constant 625 : i32
    %barrier3A_216 = arith.constant 0 : index
    tpu.barrier barrier_id(%barrier3A_216)
    %mul3A_217 = arith.constant 624 : i32
    %mul3A_218 = arith.muli %arg1, %mul3A_217 : i32
    %mul3A_219 = arith.constant 10000 : i32
    %mul3A_220 = arith.muli %arg0, %mul3A_219 : i32
    %mul3A_221 = arith.constant 624 : i32
    %mul3A_222 = arith.muli %arg1, %mul3A_221 : i32
    %add3A_223 = arith.addi %mul3A_220, %mul3A_222 : i32
    "tpu.region"() ({
      %run_scoped3A = tpu.sem_alloc : memref<!tpu.dma_semaphore, #tpu.memory_space<semaphore_mem>>
      %dma_start3A = arith.constant 0 : i32
      %dma_start3A_224 = tpu.memref_slice %arg7[%add3A_223, %dma_start3A] : memref<20000x128xf32, #tpu.memory_space<hbm>> -> memref<640x128xf32, #tpu.memory_space<hbm>>
      %dma_start3A_225 = arith.constant 0 : i32
      %dma_start3A_226 = tpu.memref_slice %arg18[%mul3A_218, %dma_start3A_225] : memref<10000x128xf32, #tpu.memory_space<vmem_shared>> -> memref<640x128xf32, #tpu.memory_space<vmem_shared>>
      tpu.enqueue_dma source(%dma_start3A_226 : memref<640x128xf32, #tpu.memory_space<vmem_shared>>) target(%dma_start3A_224 : memref<640x128xf32, #tpu.memory_space<hbm>>) target_semaphore(%run_scoped3A : memref<!tpu.dma_semaphore, #tpu.memory_space<semaphore_mem>>)
      %dma_wait3A = arith.constant 0 : i32
      %dma_wait3A_227 = tpu.memref_slice %arg7[%add3A_223, %dma_wait3A] : memref<20000x128xf32, #tpu.memory_space<hbm>> -> memref<640x128xf32, #tpu.memory_space<hbm>>
      %dma_wait3A_228 = arith.constant 0 : i32
      %dma_wait3A_229 = tpu.memref_slice %arg18[%mul3A_218, %dma_wait3A_228] : memref<10000x128xf32, #tpu.memory_space<vmem_shared>> -> memref<640x128xf32, #tpu.memory_space<vmem_shared>>
      tpu.wait_dma2 semaphore(%run_scoped3A : memref<!tpu.dma_semaphore, #tpu.memory_space<semaphore_mem>>) src(%dma_wait3A_229 : memref<640x128xf32, #tpu.memory_space<vmem_shared>>) dst(%dma_wait3A_227 : memref<640x128xf32, #tpu.memory_space<hbm>>)
      tpu.yield
    }) : () -> ()
    return
  }
}

module attributes {stable_mosaic.version = 14 : i64} {
  func.func @_tables_body(%arg0: i32, %arg1: i32, %arg2: memref<1000x128xf32, #tpu.memory_space<vmem>>, %arg3: memref<1000x64xf32, #tpu.memory_space<vmem>>, %arg4: memref<1x128x128xf32, #tpu.memory_space<vmem>>, %arg5: memref<1x1x128xf32, #tpu.memory_space<vmem>>, %arg6: memref<1x128x128xf32, #tpu.memory_space<vmem>>, %arg7: memref<1x1x128xf32, #tpu.memory_space<vmem>>, %arg8: memref<1x128x128xf32, #tpu.memory_space<vmem>>, %arg9: memref<1x1x128xf32, #tpu.memory_space<vmem>>, %arg10: memref<1x1x64xf32, #tpu.memory_space<vmem>>, %arg11: memref<1000x208xf32, #tpu.memory_space<vmem>>, %arg12: memref<1000x208xf32, #tpu.memory_space<vmem>>, %arg13: memref<1000x128xf32, #tpu.memory_space<vmem>>) attributes {dimension_semantics = [#tpu.dimension_semantics<arbitrary>, #tpu.dimension_semantics<arbitrary>], iteration_bounds = array<i64: 2, 10>, scalar_prefetch = 0 : i64, scratch_operands = 0 : i64, tpu.core_type = #tpu.core_type<tc>, window_params = [{transform_indices = @transform_0, window_bounds = array<i64: 1000, 128>}, {transform_indices = @transform_1, window_bounds = array<i64: 1000, 64>}, {transform_indices = @transform_2, window_bounds = array<i64: 1, 128, 128>}, {transform_indices = @transform_3, window_bounds = array<i64: 1, 1, 128>}, {transform_indices = @transform_4, window_bounds = array<i64: 1, 128, 128>}, {transform_indices = @transform_5, window_bounds = array<i64: 1, 1, 128>}, {transform_indices = @transform_6, window_bounds = array<i64: 1, 128, 128>}, {transform_indices = @transform_7, window_bounds = array<i64: 1, 1, 128>}, {transform_indices = @transform_8, window_bounds = array<i64: 1, 1, 64>}, {transform_indices = @transform_9, window_bounds = array<i64: 1000, 208>}, {transform_indices = @transform_10, window_bounds = array<i64: 1000, 208>}, {transform_indices = @transform_11, window_bounds = array<i64: 1000, 128>}]} {
    %get3A = arith.constant 0 : index
    %get3A_0 = arith.constant 0 : index
    %get3A_1 = vector.load %arg2[%get3A, %get3A_0] : memref<1000x128xf32, #tpu.memory_space<vmem>>, vector<1000x128xf32>
    %get3A_2 = arith.constant 0 : index
    %get3A_3 = arith.constant 0 : index
    %get3A_4 = vector.load %arg3[%get3A_2, %get3A_3] : memref<1000x64xf32, #tpu.memory_space<vmem>>, vector<1000x64xf32>
    %get3A_5 = arith.constant 0 : index
    %get3A_6 = arith.constant 0 : index
    %get3A_7 = arith.constant 0 : index
    %get3A_8 = vector.load %arg4[%get3A_5, %get3A_6, %get3A_7] : memref<1x128x128xf32, #tpu.memory_space<vmem>>, vector<1x128x128xf32>
    %get3A_9 = vector.shape_cast %get3A_8 : vector<1x128x128xf32> to vector<128x128xf32>
    %get3A_10 = arith.constant 0 : index
    %get3A_11 = arith.constant 0 : index
    %get3A_12 = arith.constant 0 : index
    %get3A_13 = vector.load %arg6[%get3A_10, %get3A_11, %get3A_12] : memref<1x128x128xf32, #tpu.memory_space<vmem>>, vector<1x128x128xf32>
    %get3A_14 = vector.shape_cast %get3A_13 : vector<1x128x128xf32> to vector<128x128xf32>
    %get3A_15 = arith.constant 0 : index
    %get3A_16 = arith.constant 0 : index
    %get3A_17 = arith.constant 0 : index
    %get3A_18 = vector.load %arg8[%get3A_15, %get3A_16, %get3A_17] : memref<1x128x128xf32, #tpu.memory_space<vmem>>, vector<1x128x128xf32>
    %get3A_19 = vector.shape_cast %get3A_18 : vector<1x128x128xf32> to vector<128x128xf32>
    %get3A_20 = arith.constant 0 : index
    %get3A_21 = arith.constant 0 : index
    %get3A_22 = arith.constant 0 : index
    %get3A_23 = vector.load %arg10[%get3A_20, %get3A_21, %get3A_22] : memref<1x1x64xf32, #tpu.memory_space<vmem>>, vector<1x1x64xf32>
    %get3A_24 = vector.shape_cast %get3A_23 : vector<1x1x64xf32> to vector<1x64xf32>
    %dot_general3A = arith.constant dense<0.000000e+00> : vector<1000x128xf32>
    %dot_general3A_25 = tpu.matmul %get3A_1, %get3A_9, %dot_general3A {dimension_numbers = #tpu.dot_dimension_numbers<[1], [0], [0], [1], [0, 0, 1, 1], [], []>, transpose_lhs_hint = false} : vector<1000x128xf32>, vector<128x128xf32>, vector<1000x128xf32> -> vector<1000x128xf32>
    %get3A_26 = arith.constant 0 : index
    %get3A_27 = arith.constant 0 : index
    %get3A_28 = arith.constant 0 : index
    %get3A_29 = vector.load %arg5[%get3A_26, %get3A_27, %get3A_28] : memref<1x1x128xf32, #tpu.memory_space<vmem>>, vector<1x1x128xf32>
    %get3A_30 = vector.shape_cast %get3A_29 : vector<1x1x128xf32> to vector<1x128xf32>
    %add3A = vector.broadcast %get3A_30 : vector<1x128xf32> to vector<1000x128xf32>
    %add3A_31 = arith.addf %dot_general3A_25, %add3A : vector<1000x128xf32>
    %dot_general3A_32 = arith.constant dense<0.000000e+00> : vector<1000x128xf32>
    %dot_general3A_33 = tpu.matmul %get3A_1, %get3A_14, %dot_general3A_32 {dimension_numbers = #tpu.dot_dimension_numbers<[1], [0], [0], [1], [0, 0, 1, 1], [], []>, transpose_lhs_hint = false} : vector<1000x128xf32>, vector<128x128xf32>, vector<1000x128xf32> -> vector<1000x128xf32>
    %get3A_34 = arith.constant 0 : index
    %get3A_35 = arith.constant 0 : index
    %get3A_36 = arith.constant 0 : index
    %get3A_37 = vector.load %arg7[%get3A_34, %get3A_35, %get3A_36] : memref<1x1x128xf32, #tpu.memory_space<vmem>>, vector<1x1x128xf32>
    %get3A_38 = vector.shape_cast %get3A_37 : vector<1x1x128xf32> to vector<1x128xf32>
    %add3A_39 = vector.broadcast %get3A_38 : vector<1x128xf32> to vector<1000x128xf32>
    %add3A_40 = arith.addf %dot_general3A_33, %add3A_39 : vector<1000x128xf32>
    %mul3A = vector.broadcast %get3A_24 : vector<1x64xf32> to vector<1000x64xf32>
    %mul3A_41 = arith.mulf %get3A_4, %mul3A : vector<1000x64xf32>
    %reduce_sum3A = arith.constant dense<0.000000e+00> : vector<1000xf32>
    %reduce_sum3A_42 = vector.multi_reduction <add>, %mul3A_41, %reduce_sum3A [1] : vector<1000x64xf32> to vector<1000xf32>
    %broadcast_in_dim3A = vector.shape_cast %reduce_sum3A_42 : vector<1000xf32> to vector<1000x1xf32>
    %broadcast_in_dim3A_43 = arith.constant 0.000000e+00 : f32
    %broadcast_in_dim3A_44 = vector.broadcast %broadcast_in_dim3A_43 : f32 to vector<1000x15xf32>
    %concatenate3A = tpu.concatenate %add3A_31, %get3A_4, %broadcast_in_dim3A, %broadcast_in_dim3A_44 in 1 : vector<1000x128xf32>, vector<1000x64xf32>, vector<1000x1xf32>, vector<1000x15xf32> -> vector<1000x208xf32>
    %swap3A = arith.constant 0 : index
    %swap3A_45 = arith.constant 0 : index
    %swap3A_46 = vector.load %arg11[%swap3A, %swap3A_45] : memref<1000x208xf32, #tpu.memory_space<vmem>>, vector<1000x208xf32>
    tpu.vector_store %arg11[%swap3A, %swap3A_45], %concatenate3A {strides = array<i32>} : memref<1000x208xf32, #tpu.memory_space<vmem>>, vector<1000x208xf32>,
    %concatenate3A_47 = tpu.concatenate %add3A_40, %get3A_4, %broadcast_in_dim3A, %broadcast_in_dim3A_44 in 1 : vector<1000x128xf32>, vector<1000x64xf32>, vector<1000x1xf32>, vector<1000x15xf32> -> vector<1000x208xf32>
    %swap3A_48 = arith.constant 0 : index
    %swap3A_49 = arith.constant 0 : index
    %swap3A_50 = vector.load %arg12[%swap3A_48, %swap3A_49] : memref<1000x208xf32, #tpu.memory_space<vmem>>, vector<1000x208xf32>
    tpu.vector_store %arg12[%swap3A_48, %swap3A_49], %concatenate3A_47 {strides = array<i32>} : memref<1000x208xf32, #tpu.memory_space<vmem>>, vector<1000x208xf32>,
    %dot_general3A_51 = arith.constant dense<0.000000e+00> : vector<1000x128xf32>
    %dot_general3A_52 = tpu.matmul %get3A_1, %get3A_19, %dot_general3A_51 {dimension_numbers = #tpu.dot_dimension_numbers<[1], [0], [0], [1], [0, 0, 1, 1], [], []>, transpose_lhs_hint = false} : vector<1000x128xf32>, vector<128x128xf32>, vector<1000x128xf32> -> vector<1000x128xf32>
    %get3A_53 = arith.constant 0 : index
    %get3A_54 = arith.constant 0 : index
    %get3A_55 = arith.constant 0 : index
    %get3A_56 = vector.load %arg9[%get3A_53, %get3A_54, %get3A_55] : memref<1x1x128xf32, #tpu.memory_space<vmem>>, vector<1x1x128xf32>
    %get3A_57 = vector.shape_cast %get3A_56 : vector<1x1x128xf32> to vector<1x128xf32>
    %add3A_58 = vector.broadcast %get3A_57 : vector<1x128xf32> to vector<1000x128xf32>
    %add3A_59 = arith.addf %dot_general3A_52, %add3A_58 : vector<1000x128xf32>
    %swap3A_60 = arith.constant 0 : index
    %swap3A_61 = arith.constant 0 : index
    %swap3A_62 = vector.load %arg13[%swap3A_60, %swap3A_61] : memref<1000x128xf32, #tpu.memory_space<vmem>>, vector<1000x128xf32>
    tpu.vector_store %arg13[%swap3A_60, %swap3A_61], %add3A_59 {strides = array<i32>} : memref<1000x128xf32, #tpu.memory_space<vmem>>, vector<1000x128xf32>,
    return
  }
  func.func @transform_0(%arg0: i32, %arg1: i32) -> (i32, i32) {
    %c0_i32 = arith.constant 0 : i32
    %c0_i32_0 = arith.constant 0 : i32
    return %arg1, %c0_i32 : i32, i32
  }
  func.func @transform_1(%arg0: i32, %arg1: i32) -> (i32, i32) {
    %c0_i32 = arith.constant 0 : i32
    %c0_i32_0 = arith.constant 0 : i32
    return %arg1, %c0_i32 : i32, i32
  }
  func.func @transform_2(%arg0: i32, %arg1: i32) -> (i32, i32, i32) {
    %c0_i32 = arith.constant 0 : i32
    %c0_i32_0 = arith.constant 0 : i32
    %c0_i32_1 = arith.constant 0 : i32
    return %arg0, %c0_i32, %c0_i32_0 : i32, i32, i32
  }
  func.func @transform_3(%arg0: i32, %arg1: i32) -> (i32, i32, i32) {
    %c0_i32 = arith.constant 0 : i32
    %c0_i32_0 = arith.constant 0 : i32
    %c0_i32_1 = arith.constant 0 : i32
    return %arg0, %c0_i32, %c0_i32_0 : i32, i32, i32
  }
  func.func @transform_4(%arg0: i32, %arg1: i32) -> (i32, i32, i32) {
    %c0_i32 = arith.constant 0 : i32
    %c0_i32_0 = arith.constant 0 : i32
    %c0_i32_1 = arith.constant 0 : i32
    return %arg0, %c0_i32, %c0_i32_0 : i32, i32, i32
  }
  func.func @transform_5(%arg0: i32, %arg1: i32) -> (i32, i32, i32) {
    %c0_i32 = arith.constant 0 : i32
    %c0_i32_0 = arith.constant 0 : i32
    %c0_i32_1 = arith.constant 0 : i32
    return %arg0, %c0_i32, %c0_i32_0 : i32, i32, i32
  }
  func.func @transform_6(%arg0: i32, %arg1: i32) -> (i32, i32, i32) {
    %c0_i32 = arith.constant 0 : i32
    %c0_i32_0 = arith.constant 0 : i32
    %c0_i32_1 = arith.constant 0 : i32
    return %arg0, %c0_i32, %c0_i32_0 : i32, i32, i32
  }
  func.func @transform_7(%arg0: i32, %arg1: i32) -> (i32, i32, i32) {
    %c0_i32 = arith.constant 0 : i32
    %c0_i32_0 = arith.constant 0 : i32
    %c0_i32_1 = arith.constant 0 : i32
    return %arg0, %c0_i32, %c0_i32_0 : i32, i32, i32
  }
  func.func @transform_8(%arg0: i32, %arg1: i32) -> (i32, i32, i32) {
    %c0_i32 = arith.constant 0 : i32
    %c0_i32_0 = arith.constant 0 : i32
    %c0_i32_1 = arith.constant 0 : i32
    return %arg0, %c0_i32, %c0_i32_0 : i32, i32, i32
  }
  func.func @transform_9(%arg0: i32, %arg1: i32) -> (i32, i32) {
    %mul3A = arith.constant 10 : i32
    %mul3A_0 = arith.muli %arg0, %mul3A : i32
    %add3A = arith.addi %mul3A_0, %arg1 : i32
    %c0_i32 = arith.constant 0 : i32
    %c0_i32_1 = arith.constant 0 : i32
    return %add3A, %c0_i32 : i32, i32
  }
  func.func @transform_10(%arg0: i32, %arg1: i32) -> (i32, i32) {
    %mul3A = arith.constant 10 : i32
    %mul3A_0 = arith.muli %arg0, %mul3A : i32
    %add3A = arith.addi %mul3A_0, %arg1 : i32
    %c0_i32 = arith.constant 0 : i32
    %c0_i32_1 = arith.constant 0 : i32
    return %add3A, %c0_i32 : i32, i32
  }
  func.func @transform_11(%arg0: i32, %arg1: i32) -> (i32, i32) {
    %mul3A = arith.constant 10 : i32
    %mul3A_0 = arith.muli %arg0, %mul3A : i32
    %add3A = arith.addi %mul3A_0, %arg1 : i32
    %c0_i32 = arith.constant 0 : i32
    %c0_i32_1 = arith.constant 0 : i32
    return %add3A, %c0_i32 : i32, i32
  }
}

module attributes {stable_mosaic.version = 14 : i64} {
  func.func @_combine_body(%arg0: i32, %arg1: memref<1000x128xf32, #tpu.memory_space<vmem>>, %arg2: memref<1000x128xf32, #tpu.memory_space<vmem>>, %arg3: memref<1000x128xf32, #tpu.memory_space<vmem>>, %arg4: memref<128x128xf32, #tpu.memory_space<vmem>>, %arg5: memref<1x128xf32, #tpu.memory_space<vmem>>, %arg6: memref<1000x128xf32, #tpu.memory_space<vmem>>) attributes {dimension_semantics = [#tpu.dimension_semantics<arbitrary>], iteration_bounds = array<i64: 10>, scalar_prefetch = 0 : i64, scratch_operands = 0 : i64, tpu.core_type = #tpu.core_type<tc>, window_params = [{transform_indices = @transform_0, window_bounds = array<i64: 1000, 128>}, {transform_indices = @transform_1, window_bounds = array<i64: 1000, 128>}, {transform_indices = @transform_2, window_bounds = array<i64: 1000, 128>}, {pipeline_mode = #tpu.pipeline_mode<synchronous>, transform_indices = @transform_3, window_bounds = array<i64: 128, 128>}, {pipeline_mode = #tpu.pipeline_mode<synchronous>, transform_indices = @transform_4, window_bounds = array<i64: 1, 128>}, {transform_indices = @transform_5, window_bounds = array<i64: 1000, 128>}]} {
    %get3A = arith.constant 0 : index
    %get3A_0 = arith.constant 0 : index
    %get3A_1 = vector.load %arg1[%get3A, %get3A_0] : memref<1000x128xf32, #tpu.memory_space<vmem>>, vector<1000x128xf32>
    %get3A_2 = arith.constant 0 : index
    %get3A_3 = arith.constant 0 : index
    %get3A_4 = vector.load %arg4[%get3A_2, %get3A_3] : memref<128x128xf32, #tpu.memory_space<vmem>>, vector<128x128xf32>
    %dot_general3A = arith.constant dense<0.000000e+00> : vector<1000x128xf32>
    %dot_general3A_5 = tpu.matmul %get3A_1, %get3A_4, %dot_general3A {dimension_numbers = #tpu.dot_dimension_numbers<[1], [0], [0], [1], [0, 0, 1, 1], [], []>, transpose_lhs_hint = false} : vector<1000x128xf32>, vector<128x128xf32>, vector<1000x128xf32> -> vector<1000x128xf32>
    %get3A_6 = arith.constant 0 : index
    %get3A_7 = arith.constant 0 : index
    %get3A_8 = vector.load %arg5[%get3A_6, %get3A_7] : memref<1x128xf32, #tpu.memory_space<vmem>>, vector<1x128xf32>
    %add3A = vector.broadcast %get3A_8 : vector<1x128xf32> to vector<1000x128xf32>
    %add3A_9 = arith.addf %dot_general3A_5, %add3A : vector<1000x128xf32>
    %get3A_10 = arith.constant 0 : index
    %get3A_11 = arith.constant 0 : index
    %get3A_12 = vector.load %arg2[%get3A_10, %get3A_11] : memref<1000x128xf32, #tpu.memory_space<vmem>>, vector<1000x128xf32>
    %get3A_13 = arith.constant 0 : index
    %get3A_14 = arith.constant 0 : index
    %get3A_15 = vector.load %arg3[%get3A_13, %get3A_14] : memref<1000x128xf32, #tpu.memory_space<vmem>>, vector<1000x128xf32>
    %add3A_16 = arith.addf %get3A_12, %get3A_15 : vector<1000x128xf32>
    %add3A_17 = arith.addf %add3A_16, %add3A_9 : vector<1000x128xf32>
    %max3A = arith.constant 0.000000e+00 : f32
    %max3A_18 = vector.broadcast %max3A : f32 to vector<1000x128xf32>
    %max3A_19 = arith.maximumf %add3A_17, %max3A_18 : vector<1000x128xf32>
    %swap3A = arith.constant 0 : index
    %swap3A_20 = arith.constant 0 : index
    %swap3A_21 = vector.load %arg6[%swap3A, %swap3A_20] : memref<1000x128xf32, #tpu.memory_space<vmem>>, vector<1000x128xf32>
    tpu.vector_store %arg6[%swap3A, %swap3A_20], %max3A_19 {strides = array<i32>} : memref<1000x128xf32, #tpu.memory_space<vmem>>, vector<1000x128xf32>,
    return
  }
  func.func @transform_0(%arg0: i32) -> (i32, i32) {
    %c0_i32 = arith.constant 0 : i32
    %c0_i32_0 = arith.constant 0 : i32
    return %arg0, %c0_i32 : i32, i32
  }
  func.func @transform_1(%arg0: i32) -> (i32, i32) {
    %c0_i32 = arith.constant 0 : i32
    %c0_i32_0 = arith.constant 0 : i32
    return %arg0, %c0_i32 : i32, i32
  }
  func.func @transform_2(%arg0: i32) -> (i32, i32) {
    %add3A = arith.constant 10 : i32
    %add3A_0 = arith.addi %add3A, %arg0 : i32
    %c0_i32 = arith.constant 0 : i32
    %c0_i32_1 = arith.constant 0 : i32
    return %add3A_0, %c0_i32 : i32, i32
  }
  func.func @transform_3(%arg0: i32) -> (i32, i32) {
    %c0_i32 = arith.constant 0 : i32
    %c0_i32_0 = arith.constant 0 : i32
    %c0_i32_1 = arith.constant 0 : i32
    return %c0_i32, %c0_i32_0 : i32, i32
  }
  func.func @transform_4(%arg0: i32) -> (i32, i32) {
    %c0_i32 = arith.constant 0 : i32
    %c0_i32_0 = arith.constant 0 : i32
    %c0_i32_1 = arith.constant 0 : i32
    return %c0_i32, %c0_i32_0 : i32, i32
  }
  func.func @transform_5(%arg0: i32) -> (i32, i32) {
    %c0_i32 = arith.constant 0 : i32
    %c0_i32_0 = arith.constant 0 : i32
    return %arg0, %c0_i32 : i32, i32
  }
}

</mosaic_0001>

<sc_bundles>
// kernel: kernel.5.cloned.1.call-start
scs
__scs_entry_jumppad:
0x0: {  	(pc) =	sbr.rel $0x88, $3  }
0x1: {  	(tag) =	ssettag $0x0;
	lr =	simm.s32 $0x1  }
0x2: {  	[smem:$0x3F8D] =	sst lr;
	_ =	strace $0xD0000000  }
0x3: {  	_ = 	snop  }
0x4: {  	_ = 	snop  }
0x5: {  	_ = 	snop  }
0x6: {  	_ = 	snop  }
0x7: {  	_ = 	snop  }
__scs_overlays_trampoline_lowered:
0x8: {  	[smem:$0x3F9C] =	sst s0  }
0x9: {  	[smem:$0x3F9D] =	sst s1  }
0xa: {  	[smem:$0x3F9E] =	sst s2  }
0xb: {  	[smem:$0x3F9F] =	sst s3  }
0xc: {  	[smem:$0x3FA0] =	sst s4  }
0xd: {  	[smem:$0x3FA1] =	sst s5  }
0xe: {  	[smem:$0x3FA2] =	sst s6  }
0xf: {  	[smem:$0x3FA3] =	sst s7  }
0x10: {  	[smem:$0x3FA4] =	sst s8  }
0x11: {  	[smem:$0x3FA5] =	sst s9;
	s0 =	simm.s32 @!p0 $0x0  }
0x12: {  	s1 =	sld [smem:$0x3F8B];
	s0 =	simm.s32 @p0 $0x1  }
0x13: {  	[smem:$0x3FA6] =	sst s0;
	s0 =	simm.s32 @!p1 $0x0  }
0x14: {  	s2 =	sld [smem:$0x3F8A];
	s0 =	simm.s32 @p1 $0x1  }
0x15: {  	[smem:$0x3FA7] =	sst s0;
	s0 =	simm.s32 @!p2 $0x0  }
0x16: {  	s3 =	sld [smem:$0x3FDB];
	s0 =	simm.s32 @p2 $0x1  }
0x17: {  	s4 =	simm.s32 $0x1BF5;
	[smem:$0x3FA9] =	sst s0  }
0x18: {  	s0 =	sld [smem:$0x3F8C];
	_ =	swait.ge [sflag:s4], $0x0  }
0x19: {  	s7 =	sld [smem:$0x3F8D]  }
0x1a: {  	s8 =	sadd.s32 $0xFFFFE003, lr  }
0x1b: {  	s9 =	sadd.s32 $0xFFFFFEF7, lr;
	s5 =	simm.s32 $0xFFFFFFFF;
	p2 =	slt.u32 s8, $0xFFFFF086  }
0x1c: {  	p1 =	slt.u32 s9, $0xF7A;
	s5 =	simm.s32 @!p2 $0x0  }
0x1d: {  	s5 =	simm.s32 @p1 $0x1;
	p0 =	seq.s32 s7, s2  }
0x1e: {  	s7 =	smul.u32 @!p0 $0xF7A, s2;
	p2 =	seq.s32 @!p0 s5, $0x0  }
0x1f: {  	s9 =	smul.u32 $0xF7A, s1;
	s8 =	simm.s32 @!p0 $0x1BF5;
	p2 =	por !p2, p0  }
0x20: {  	[sflag:s8] =	ssyncset.s32 @!p0 $0xFFFFF086;
	s6 =	sadd.s32 @!p0 s3, s7;
	s7 =	simm.s32 @!p0 $0x108  }
0x21: {  	s3 =	sadd.s32 s3, s9;
	s6 =	sadd.s32 @!p0 $0x88, s6;
	s7 =	simm.s32 @p2 $0x1082  }
0x22: {  	[simem:s7], [sflag:s8] =	dma.local @!p0 [hbm:s6], $0xF7A  }
0x23: {  	s9 =	sor.u32 $0xD0000000, s2;
	s6 =	simm.s32 $0x108;
	_ =	swait.ge @!p0 [sflag:s8], $0x0  }
0x24: {  	s3 =	sadd.s32 $0x88, s3;
	s6 =	simm.s32 @!p1 $0x1082;
	[sflag:s4] =	ssyncset.s32 $0xFFFFF086  }
0x25: {  	[simem:s6], [sflag:s4] =	dma.local [hbm:s3], $0xF7A  }
0x26: {  	[smem:$0x3F8D] =	sst s1;
	(tag) =	ssettag s2;
	_ =	strace s9  }
0x27: {  	s1 =	sld [smem:$0x3F9D]  }
0x28: {  	s2 =	sld [smem:$0x3F9E]  }
0x29: {  	s4 =	sld [smem:$0x3FA0]  }
0x2a: {  	p0 =	seq.s32 s5, $0x0;
	s5 =	sld [smem:$0x3FA1]  }
0x2b: {  	s6 =	sld [smem:$0x3FA2]  }
0x2c: {  	s7 =	sld [smem:$0x3FA3]  }
0x2d: {  	s3 =	simm.s32 $0x108;
	s8 =	sld [smem:$0x3FA4]  }
0x2e: {  	s3 =	simm.s32 @!p0 $0x1082;
	s9 =	sld [smem:$0x3FA5]  }
0x2f: {  	lr =	sadd.s32 s0, s3;
	s0 =	sld [smem:$0x3F9C]  }
0x30: {  	s3 =	sld [smem:$0x3F9F]  }
0x31: {  	[smem:$0x3FA8] =	sst s10  }
0x32: {  	s10 =	sld [smem:$0x3FA6];
	_ =	sdelay $0x3  }
0x33: {  	p0 =	seq.s32 s10, $0x1;
	s10 =	sld [smem:$0x3FA8];
	_ =	sdelay $0x3  }
0x34: {  	[smem:$0x3FA8] =	sst s10  }
0x35: {  	s10 =	sld [smem:$0x3FA7];
	_ =	sdelay $0x3  }
0x36: {  	p1 =	seq.s32 s10, $0x1;
	s10 =	sld [smem:$0x3FA8];
	_ =	sdelay $0x3  }
0x37: {  	[smem:$0x3FA8] =	sst s10  }
0x38: {  	s10 =	sld [smem:$0x3FA9]  }
0x39: {  	_ = 	snop;
	(pc) =	sbr.ind lr, $3  }
0x3a: {  	_ = 	snop  }
0x3b: {  	_ = 	snop  }
0x3c: {  	p2 =	seq.s32 s10, $0x1;
	s10 =	sld [smem:$0x3FA8]  }
0x3d: {  	_ =	shalt  }
0x3e: {  	_ =	shalt  }
0x3f: {  	_ =	shalt  }
0x40: {  	_ =	shalt  }
0x41: {  	_ =	shalt  }
0x42: {  	_ =	shalt  }
0x43: {  	_ =	shalt  }
0x44: {  	_ =	shalt  }
0x45: {  	_ =	shalt  }
0x46: {  	_ =	shalt  }
0x47: {  	_ =	shalt  }
0x48: {  	_ =	shalt  }
0x49: {  	_ =	shalt  }
0x4a: {  	_ =	shalt  }
0x4b: {  	_ =	shalt  }
0x4c: {  	_ =	shalt  }
0x4d: {  	_ =	shalt  }
0x4e: {  	_ =	shalt  }
0x4f: {  	_ =	shalt  }
0x50: {  	_ =	shalt  }
0x51: {  	_ =	shalt  }
0x52: {  	_ =	shalt  }
0x53: {  	_ =	shalt  }
0x54: {  	_ =	shalt  }
0x55: {  	_ =	shalt  }
0x56: {  	_ =	shalt  }
0x57: {  	_ =	shalt  }
0x58: {  	_ =	shalt  }
0x59: {  	_ =	shalt  }
0x5a: {  	_ =	shalt  }
0x5b: {  	_ =	shalt  }
0x5c: {  	_ =	shalt  }
0x5d: {  	_ =	shalt  }
0x5e: {  	_ =	shalt  }
0x5f: {  	_ =	shalt  }
0x60: {  	_ =	shalt  }
0x61: {  	_ =	shalt  }
0x62: {  	_ =	shalt  }
0x63: {  	_ =	shalt  }
0x64: {  	_ =	shalt  }
0x65: {  	_ =	shalt  }
0x66: {  	_ =	shalt  }
0x67: {  	_ =	shalt  }
0x68: {  	_ =	shalt  }
0x69: {  	_ =	shalt  }
0x6a: {  	_ =	shalt  }
0x6b: {  	_ =	shalt  }
0x6c: {  	_ =	shalt  }
0x6d: {  	_ =	shalt  }
0x6e: {  	_ =	shalt  }
0x6f: {  	_ =	shalt  }
0x70: {  	_ =	shalt  }
0x71: {  	_ =	shalt  }
0x72: {  	_ =	shalt  }
0x73: {  	_ =	shalt  }
0x74: {  	_ =	shalt  }
0x75: {  	_ =	shalt  }
0x76: {  	_ =	shalt  }
0x77: {  	_ =	shalt  }
0x78: {  	_ =	shalt  }
0x79: {  	_ =	shalt  }
0x7a: {  	_ =	shalt  }
0x7b: {  	_ =	shalt  }
0x7c: {  	_ =	shalt  }
0x7d: {  	_ =	shalt  }
0x7e: {  	_ =	shalt  }
0x7f: {  	_ =	shalt  }
0x80: {  	_ =	shalt  }
0x81: {  	_ =	shalt  }
0x82: {  	_ =	shalt  }
0x83: {  	_ =	shalt  }
0x84: {  	_ =	shalt  }
0x85: {  	_ =	shalt  }
0x86: {  	_ =	shalt  }
0x87: {  	_ =	shalt  }
.Lfunc_end0:
.L_simem_size_0:
called_computation_lowered:
.L_overlay_start_0:
0x88: {  	s2 =	sld [smem:$0x3FD9]  }
0x89: {  	s3 =	sld [smem:$0x3FFE];
	_ =	sdelay $0x1  }
0x8a: {  	s1 =	srdreg.scid  }
0x8b: {  	s0 =	sand.u32 $0x1, s1  }
0x8c: {  	s17 =	sshll.u32 s0, $0xA;
	s2 =	sadd.s32 s3, s2  }
0x8d: {  	s2 =	sadd.s32 s2, s17  }
0x8e: {  	[smem:$0x3FB4] =	sst s2  }
0x8f: {  	_ = 	snop  }
0x90: {  	s2 =	sld [smem:$0x3FD0];
	(tm) =	ssettm $0x1  }
0x91: {  	s18 =	sld [smem:$0x3FFB];
	_ =	sdelay $0x3  }
0x92: {  	_ =	strace s18  }
0x93: {  	s3 =	sld [smem:$0x3FFC];
	_ =	sdelay $0x3  }
0x94: {  	_ =	strace s3  }
0x95: {  	s3 =	sld [smem:$0x3FFD];
	_ =	sdelay $0x3  }
0x96: {  	_ =	strace s3  }
0x97: {  	_ =	strace $0x8FFFFFFF  }
0x98: {  	s19 =	sld [smem:$0x3FDB];
	_ =	sdelay $0x1  }
0x99: {  	s4 =	simm.s32 $_scs_section_size  }
0x9a: {  	s5 =	simm.s32 $_size__tile_overlayer_lowered;
	s6 =	simm.s32 $_tile_overlayer_lowered  }
0x9b: {  	s22 =	simm.s32 $0x1BFF;
	s21 =	sshll.u32 s6, $0x1;
	s3 =	sadd.s32 s4, s19  }
0x9c: {  	s7 =	simm.s32 $0x0;
	s20 =	sshll.u32 s5, $0x1;
	s5 =	sadd.s32 s21, s3  }
0x9d: {  	[timem:s7], [sflag:s22] =	dma.local [hbm:s5], s20  }
0x9e: {  	_ =	swait.ge [sflag:s22], s20  }
0x9f: {  	s4 =	ssub.s32 $0x0, s20;
	[sflag:s22] =	ssyncset.done $0x0  }
0xa0: {  	[sflag:s22] =	ssyncadd.s32 s4;
	_ =	sdelay $0x1  }
0xa1: {  	s23 =	simm.s32 $0x1B8B  }
0xa2: {  	_ =	swait.ge [sflag:s23], $0x1  }
0xa3: {  	[sflag:s23] =	ssyncset.done $0x0  }
0xa4: {  	s25 =	simm.s32 $0x1B8E;
	s24 =	sld [smem:$0x3FFE];
	[sflag:s23] =	ssyncadd.s32 $0xFFFFFFFF  }
0xa5: {  	s26 =	simm.s32 $execute0_lowered;
	[smem:$0x3FD2] =	sst s25  }
0xa6: {  	s5 =	sshll.u32 s26, $0x1;
	_ =	strace $0x80000046;
	[dreg:$0x1] =	wrdreg $0xFFFFFFFF  }
0xa7: {  	s28 =	simm.s32 $_size_execute0_lowered;
	s3 =	sadd.s32 s3, s5;
	[dreg:$0x0] =	wrdreg $0x0  }
0xa8: {  	s5 =	sshll.u32 s28, $0x1;
	[dreg:$0x2] =	wrdreg s3  }
0xa9: {  	[dreg:$0x3] =	wrdreg s5  }
0xaa: {  	[dreg:$0x4] =	wrdreg $0xC0  }
0xab: {  	_ =	task [dreg:s7], $0x5FFFF  }
0xac: {  	[dreg:$0x1] =	wrdreg $0xFFFFFFFF  }
0xad: {  	[dreg:$0x0] =	wrdreg $0x60  }
0xae: {  	[dreg:$0x2] =	wrdreg s2  }
0xaf: {  	[dreg:$0x3] =	wrdreg s24  }
0xb0: {  	[dreg:$0x4] =	wrdreg $0x93B00  }
0xb1: {  	[dreg:$0x5] =	wrdreg $0x1CC300  }
0xb2: {  	[dreg:$0x6] =	wrdreg $0x1CC400  }
0xb3: {  	[dreg:$0x7] =	wrdreg $0x9  }
0xb4: {  	_ =	task.clear_ibuf [dreg:s7], $0x8FFFF;
	_ =	strace $0x90000046  }
0xb5: {  	s29 =	simm.s32 $0x9;
	_ =	strace $0x80000048  }
0xb6: {  	_ =	swait.ge [sflag:s29], $0x1  }
0xb7: {  	[sflag:s29] =	ssyncadd.s32 $0xFFFFFFFF  }
0xb8: {  	_ =	strace $0x90000048  }
0xb9: {  	_ =	sfence  }
0xba: {  	s30 =	sld [smem:$0x0];
	_ =	sdelay $0x2  }
0xbb: {  	s31 =	sshll.u32 s1, $0xD;
	s1 =	sshrl.u32 s1, $0x2  }
0xbc: {  	s3 =	sand.u32 $0x4000, s31;
	s1 =	sadd.s32 s1, s30  }
0xbd: {  	s0 =	sor.u32 s3, s0;
	s1 =	sshll.u32 s1, $0x11  }
0xbe: {  	s0 =	sor.u32 s1, s0  }
0xbf: {  	s0 =	sadd.s32 $0x8F2B, s0  }
0xc0: {  	[sflag:s0] =	ssyncadd.remote.s32 $0x1  }
0xc1: {  	_ =	sfence.sel $0xFFFF  }
0xc2: {  	[dreg:$0x0] =	wrdreg $0xFFFFFFFF;
	(pc) =	sbr.abs _section_cstart, $3  }
0xc3: {  	[dreg:$0x1] =	wrdreg $0xFFFFFFFF  }
0xc4: {  	_ =	task.clear_ibuf [dreg:s7], $0x2FFFF;
	_ =	strace $0x9FFFFFFF  }
0xc5: {  	(tm) =	ssettm $0x7FFFFFFF  }
tec
execute0_lowered:
.L_overlay_start_1:
0x0: {  	(tag) =	ssettag $0x1  }
0x1: {  	s1 =	rddreg [dreg:$0x0]  }
0x2: {  	s0 =	rddreg [dreg:$0x1];
	v57 =	vlaneseq.u32  }
0x3: {  	s2 =	rddreg [dreg:$0x2];
	v1 =	vmul.u32 $0xD0, v57  }
0x4: {  	s13 =	rddreg [dreg:$0x3];
	s5 =	simm.s32 $0x0  }
0x5: {  	[smem:$0x7FF] =	sst s5;
	v0 =	vadd.s32 $0x1D, v1  }
0x6: {  	s14 =	rddreg [dreg:$0x4];
	_ =	strace $0x80000047;
	v16 =	vor.u32 $0x1, v1;
	[tilespmem:$0x1FC30] =	vst v0  }
0x7: {  	v17 =	vor.u32 $0x2, v1;
	[tilespmem:$0x1FD30] =	vst v16  }
0x8: {  	v18 =	vor.u32 $0x3, v1;
	[tilespmem:$0x1FD40] =	vst v17  }
0x9: {  	v19 =	vor.u32 $0x4, v1;
	[tilespmem:$0x1FD50] =	vst v18  }
0xa: {  	v20 =	vor.u32 $0x5, v1;
	[tilespmem:$0x1FD60] =	vst v19  }
0xb: {  	v21 =	vor.u32 $0x6, v1;
	[tilespmem:$0x1FD70] =	vst v20  }
0xc: {  	v23 =	vor.u32 $0x7, v1;
	[tilespmem:$0x1FD80] =	vst v21  }
0xd: {  	v24 =	vor.u32 $0x8, v1;
	[tilespmem:$0x1FD90] =	vst v23  }
0xe: {  	v25 =	vor.u32 $0x9, v1;
	[tilespmem:$0x1FDA0] =	vst v24  }
0xf: {  	v26 =	vor.u32 $0xA, v1;
	[tilespmem:$0x1FDB0] =	vst v25  }
0x10: {  	v27 =	vor.u32 $0xB, v1;
	[tilespmem:$0x1FDC0] =	vst v26  }
0x11: {  	v28 =	vor.u32 $0xC, v1;
	[tilespmem:$0x1FDD0] =	vst v27  }
0x12: {  	v29 =	vor.u32 $0xD, v1;
	[tilespmem:$0x1FDE0] =	vst v28  }
0x13: {  	v30 =	vor.u32 $0xE, v1;
	[tilespmem:$0x1FDF0] =	vst v29  }
0x14: {  	v31 =	vor.u32 $0xF, v1;
	[tilespmem:$0x1FE00] =	vst v30  }
0x15: {  	v32 =	vadd.s32 $0x10, v1;
	[tilespmem:$0x1FE10] =	vst v31  }
0x16: {  	v33 =	vadd.s32 $0x11, v1;
	[tilespmem:$0x1FE20] =	vst v32  }
0x17: {  	v34 =	vadd.s32 $0x12, v1;
	[tilespmem:$0x1FE30] =	vst v33  }
0x18: {  	v37 =	vadd.s32 $0x13, v1;
	[tilespmem:$0x1FE40] =	vst v34  }
0x19: {  	v39 =	vadd.s32 $0x14, v1;
	[tilespmem:$0x1FE50] =	vst v37  }
0x1a: {  	v35 =	vadd.s32 $0x15, v1;
	[tilespmem:$0x1FE60] =	vst v39  }
0x1b: {  	v41 =	vadd.s32 $0x16, v1;
	[tilespmem:$0x1FE70] =	vst v35  }
0x1c: {  	v59 =	vadd.s32 $0x17, v1;
	[tilespmem:$0x1FE80] =	vst v41  }
0x1d: {  	v44 =	vadd.s32 $0x18, v1;
	[tilespmem:$0x1FE90] =	vst v59  }
0x1e: {  	v47 =	vadd.s32 $0x19, v1;
	[tilespmem:$0x1FEA0] =	vst v44  }
0x1f: {  	v61 =	vadd.s32 $0x1A, v1;
	[tilespmem:$0x1FEB0] =	vst v47  }
0x20: {  	v60 =	vadd.s32 $0x1B, v1;
	[tilespmem:$0x1FEC0] =	vst v61  }
0x21: {  	v62 =	vadd.s32 $0x1E, v1;
	[tilespmem:$0x1FED0] =	vst v60  }
0x22: {  	v36 =	vadd.s32 $0x20, v1;
	[tilespmem:$0x1FEE0] =	vst v62  }
0x23: {  	v38 =	vadd.s32 $0x21, v1;
	[tilespmem:$0x1FEF0] =	vst v36  }
0x24: {  	v40 =	vadd.s32 $0x22, v1;
	[tilespmem:$0x1FF00] =	vst v38  }
0x25: {  	v42 =	vadd.s32 $0x23, v1;
	[tilespmem:$0x1FF10] =	vst v40  }
0x26: {  	v43 =	vadd.s32 $0x24, v1;
	[tilespmem:$0x1FF20] =	vst v42  }
0x27: {  	v45 =	vadd.s32 $0x25, v1;
	[tilespmem:$0x1FF30] =	vst v43  }
0x28: {  	v46 =	vadd.s32 $0x26, v1;
	[tilespmem:$0x1FF40] =	vst v45  }
0x29: {  	v48 =	vadd.s32 $0x27, v1;
	[tilespmem:$0x1FF50] =	vst v46  }
0x2a: {  	v49 =	vadd.s32 $0x28, v1;
	[tilespmem:$0x1FF60] =	vst v48  }
0x2b: {  	v50 =	vadd.s32 $0x29, v1;
	[tilespmem:$0x1FF70] =	vst v49  }
0x2c: {  	v51 =	vadd.s32 $0x2A, v1;
	[tilespmem:$0x1FF80] =	vst v50  }
0x2d: {  	v52 =	vadd.s32 $0x2B, v1;
	[tilespmem:$0x1FF90] =	vst v51  }
0x2e: {  	v53 =	vadd.s32 $0x2C, v1;
	[tilespmem:$0x1FFA0] =	vst v52  }
0x2f: {  	s3 =	srdreg.scid;
	v54 =	vadd.s32 $0x2D, v1;
	[tilespmem:$0x1FFB0] =	vst v53  }
0x30: {  	s3 =	sand.u32 $0x1, s3;
	v55 =	vadd.s32 $0x2E, v1;
	[tilespmem:$0x1FFC0] =	vst v54  }
0x31: {  	s4 =	smul.u32 $0x2710, s3;
	v58 =	vadd.s32 $0x2F, v1;
	[tilespmem:$0x1FFD0] =	vst v55  }
0x32: {  	s6 =	simm.f32 $1.000000010e-01;
	p0 =	seq.s32 s3, $0x0;
	v0 =	vadd.s32 $0x30, v1;
	[tilespmem:$0x1FFE0] =	vst v58  }
0x33: {  	v2 =	vimm.f32 $1.131370830e+01;
	s6 =	simm.s32 @!p0 $0xBDCCCCCD;
	v15 =	vmov s4;
	[tilespmem:$0x1FC40] =	vst v0  }
0x34: {  	s15 =	stileid.u32;
	s28 =	simm.s32 $0x93A0;
	s29 =	simm.s32 $0x92A0;
	(erf) = vrcp.f32 v2;
	v22 =	vmov s6;
	[tilespmem:$0x1FD10] =	vst v15  }
0x35: {  	s30 =	simm.s32 $0x3400;
	s31 =	simm.s32 $0x3;
	s18 =	smul.u32 $0x13800, s15;
	v0 =	vadd.s32 $0x31, v1;
	[tilespmem:$0x1FD20] =	vst v22  }
0x36: {  	s7 =	sadd.s32 $0x189A00, s0;
	s10 =	smul.u32 $0x270, s15;
	s8 =	sadd.s32 $0x3000, s0;
	[tilespmem:$0x1FC50] =	vst v0;
	v0 =	vadd.s32 $0x32, v1  }
0x37: {  	s9 =	sadd.s32 $0x13B800, s0;
	s12 =	smul.u32 $0x4E20, s15;
	s23 =	sshll.u32 s15, $0x6;
	[tilespmem:$0x1FC60] =	vst v0;
	v0 =	vadd.s32 $0x33, v1  }
0x38: {  	s24 =	sshll.u32 s15, $0x4;
	s19 =	smul.u32 $0x9C400, s3;
	s3 =	ssub.s32 $0x2, s3;
	[tilespmem:$0x1FC70] =	vst v0;
	v0 =	vadd.s32 $0x34, v1  }
0x39: {  	s25 =	sadd.s32 s24, s13;
	s26 =	sadd.s32 s24, s14;
	s24 =	simm.s32 $0x1A00;
	[tilespmem:$0x1FC80] =	vst v0;
	v0 =	vadd.s32 $0x35, v1  }
0x3a: {  	s11 =	sshrl.u32 s18, $0x3;
	s20 =	sshrl.u32 s3, $0x1;
	[dreg:$0x7] =	wrdreg s25;
	[tilespmem:$0x1FC90] =	vst v0;
	v0 =	vadd.s32 $0x36, v1  }
0x3b: {  	s21 =	sadd.s32 s18, s2;
	[dreg:$0x8] =	wrdreg s26;
	s18 =	simm.s32 $0x4;
	[tilespmem:$0x1FCA0] =	vst v0;
	v0 =	vadd.s32 $0x37, v1  }
0x3c: {  	s25 =	simm.s32 $0x1;
	s26 =	simm.s32 $0x2;
	s4 =	sadd.s32 s10, s4;
	[tilespmem:$0x1FCB0] =	vst v0;
	v0 =	vadd.s32 $0x38, v1  }
0x3d: {  	s11 =	sadd.s32 s11, s0;
	s3 =	ssub.s32 s3, s20;
	s10 =	sadd.s32 s12, s19;
	v6 =	vpop (erf);
	[tilespmem:$0x1FCC0] =	vst v0  }
0x3e: {  	s12 =	sor.u32 $0x1C04, s23;
	s17 =	sshrl.u32 s21, $0x3;
	s19 =	simm.s32 $0x9220;
	v0 =	vadd.s32 $0x39, v1;
	[tilespmem:$0x1FFF0] =	vst v6  }
0x3f: {  	s20 =	simm.s32 $0x9240;
	s21 =	simm.s32 $0x20;
	s23 =	simm.s32 $0x9280;
	[tilespmem:$0x1FCD0] =	vst v0;
	v0 =	vadd.s32 $0x3A, v1  }
0x40: {  	s6 =	simm.s32 $0x0;
	s4 =	sshll.u32 s4, $0x4;
	s22 =	sadd.s32 $0x82000, s11;
	[tilespmem:$0x1FCE0] =	vst v0;
	v0 =	vadd.s32 $0x3B, v1  }
0x41: {  	s16 =	smax.u32 s3, $0x1;
	s0 =	sadd.s32 s4, s0;
	[dreg:$0x6] =	wrdreg s22;
	[tilespmem:$0x1FCF0] =	vst v0;
	v0 =	vadd.s32 $0x3C, v1  }
0x42: {  	v56 =	vadd.s32 $0x1C, v1;
	v63 =	vadd.s32 $0x1F, v1;
	s22 =	simm.s32 $0x9260;
	s15 =	sadd.s32 $0xA9200, s0;
	s0 =	simm.s32 $0x4400;
	[tilespmem:$0x1FD00] =	vst v0  }
.LBB2_1:
0x43: {  	s3 =	rddreg [dreg:$0x6]  }
0x44: {  	[spmem:s17], [sflag:s12] =	dma.local [hbm:s3], $0x2800  }
0x45: {  	_ =	swait.ge [sflag:s18], $0x2800  }
0x46: {  	[sflag:s18] =	ssyncset.done $0x0  }
0x47: {  	s3 =	simm.s32 $0x0;
	[sflag:s18] =	ssyncadd.s32 $0xFFFFD800  }
.LBB2_2:
0x48: {  	s11 =	sshll.u32 s3, $0x5  }
0x49: {  	s4 =	sadd.s32 s10, s11  }
0x4a: {  	s4 =	sshrl.u32 s4, $0x3  }
0x4b: {  	s13 =	sadd.s32 s1, s4;
	s4 =	simm.s32 $0x0  }
0x4c: {  	[tilespmem:s19], [sflag:$0x4] =	stream.linear.gather [hbm4b:s13+s4], $0x20, $0x38;
	[tilespmem:$0x1CC50] =	vst v63  }
0x4d: {  	_ =	swait.ge [sflag:s18], $0x20  }
0x4e: {  	[sflag:s18] =	ssyncset.done $0x0  }
0x4f: {  	s13 =	sadd.s32 $0x9C40, s13;
	[sflag:s18] =	ssyncadd.s32 $0xFFFFFFE0  }
0x50: {  	[tilespmem:s20], [sflag:$0x4] =	stream.linear.gather [hbm4b:s13+s4], $0x20, $0x38;
	[tilespmem:$0x1CC50] =	vst v63  }
0x51: {  	_ =	swait.ge [sflag:s18], $0x20  }
0x52: {  	[sflag:s18] =	ssyncset.done $0x0  }
0x53: {  	[sflag:s18] =	ssyncadd.s32 $0xFFFFFFE0  }
0x54: {  	v2 =	vld [tilespmem:$0x9220]  }
0x55: {  	v3 =	vld [tilespmem:$0x9240]  }
0x56: {  	v4 =	vld [tilespmem:$0x9230]  }
0x57: {  	v5 =	vld [tilespmem:$0x9250];
	_ =	sdelay $0x1  }
0x58: {  	v2 =	vadd.s32 v15, v2  }
0x59: {  	[tilespmem:$0x9260] =	vst v2;
	v2 =	vadd.s32 v15, v3  }
0x5a: {  	[tilespmem:$0x9280] =	vst v2;
	v2 =	vadd.s32 v15, v4  }
0x5b: {  	[tilespmem:$0x9270] =	vst v2;
	v2 =	vadd.s32 v15, v5  }
0x5c: {  	[tilespmem:$0x9290] =	vst v2  }
0x5d: {  	[tilespmem:s4], [sflag:$0x1] =	stream.indirect.gather [hbm4b:s8+s21], $0xD0, s22, s21, $0xb8;
	[tilespmem:$0x1CC50] =	vst v63  }
0x5e: {  	_ = 	snop  }
0x5f: {  	[tilespmem:s24], [sflag:$0x2] =	stream.indirect.gather [hbm4b:s7+s21], $0xD0, s23, s21, $0xb8;
	[tilespmem:$0x1CC50] =	vst v63  }
0x60: {  	_ =	swait.ge [sflag:s25], $0x1A00  }
0x61: {  	[sflag:s25] =	ssyncset.done $0x0  }
0x62: {  	[sflag:s25] =	ssyncadd.s32 $0xFFFFE600  }
0x63: {  	s11 =	sadd.s32 $0x4400, s11;
	_ =	swait.ge [sflag:s26], $0x1A00  }
0x64: {  	v0 =	vmov s11;
	[sflag:s26] =	ssyncset.done $0x0  }
0x65: {  	p0 =	por $0x1, $0x1;
	[tilespmem:$0x1FC20] =	vst v0;
	[sflag:s26] =	ssyncadd.s32 $0xFFFFE600  }
.LBB2_3:
0x66: {  	v2 =	vmov s4;
	v0 =	vld [tilespmem:$0x1FE60]  }
0x67: {  	v2 =	vmul.u32 $0xD0, v2;
	_ =	sdelay $0x1  }
0x68: {  	v4 =	vbroadcast v2, $0x0;
	_ =	sdelay $0x1  }
0x69: {  	v39 =	vadd.s32 v0, v4;
	v0 =	vld [tilespmem:$0x1FE70];
	_ =	sdelay $0x4  }
0x6a: {  	v40 =	vadd.s32 v0, v4;
	v0 =	vld [tilespmem:$0x1FEA0];
	_ =	sdelay $0x4  }
0x6b: {  	v50 =	vadd.s32 v0, v4;
	v0 =	vld [tilespmem:$0x1FEB0]  }
0x6c: {  	v2 =	vadd.s32 v1, v4;
	_ =	sdelay $0x1  }
0x6d: {  	v3 =	vadd.s32 v16, v4;
	_ =	sdelay $0x1  }
0x6e: {  	v51 =	vadd.s32 v0, v4;
	v0 =	vld.idx.msk [tilespmem:v50+s5+$0x0], $0xffff  }
0x6f: {  	v6 =	vadd.s32 v17, v4;
	v7 =	vld.idx.msk [tilespmem:v2+s5+$0x0], $0xffff  }
0x70: {  	v5 =	vld.idx.msk [tilespmem:v2+s24+$0x0], $0xffff  }
0x71: {  	v8 =	vadd.s32 v19, v4;
	v36 =	vld.idx.msk [tilespmem:v3+s5+$0x0], $0xffff  }
0x72: {  	v17 =	vld.idx.msk [tilespmem:v3+s24+$0x0], $0xffff  }
0x73: {  	[tilespmem:$0x1F2D0] =	vst v0;
	v0 =	vld.idx.msk [tilespmem:v50+s24+$0x0], $0xffff  }
0x74: {  	v11 =	vadd.s32 v21, v4;
	v22 =	vld.idx.msk [tilespmem:v6+s5+$0x0], $0xffff  }
0x75: {  	v12 =	vld.idx.msk [tilespmem:v6+s24+$0x0], $0xffff  }
0x76: {  	v19 =	vadd.s32 v23, v4;
	v9 =	vld.idx.msk [tilespmem:v8+s5+$0x0], $0xffff  }
0x77: {  	v3 =	vld.idx.msk [tilespmem:v8+s24+$0x0], $0xffff  }
0x78: {  	[tilespmem:$0x1F2E0] =	vst v0;
	v0 =	vld.idx.msk [tilespmem:v51+s5+$0x0], $0xffff  }
0x79: {  	v58 =	vadd.s32 v20, v4;
	v20 =	vadd.s32 v24, v4;
	v24 =	vadd.s32 v28, v4;
	v10 =	vld.idx.msk [tilespmem:v11+s5+$0x0], $0xffff  }
0x7a: {  	v8 =	vld.idx.msk [tilespmem:v11+s24+$0x0], $0xffff  }
0x7b: {  	v2 =	vadd.s32 v18, v4;
	v18 =	vld.idx.msk [tilespmem:v19+s5+$0x0], $0xffff;
	v6 =	vadd.s32 v33, v4  }
0x7c: {  	v11 =	vld.idx.msk [tilespmem:v19+s24+$0x0], $0xffff  }
0x7d: {  	[tilespmem:$0x1F2F0] =	vst v0;
	v0 =	vld.idx.msk [tilespmem:v51+s24+$0x0], $0xffff  }
0x7e: {  	v21 =	vadd.s32 v25, v4;
	v25 =	vadd.s32 v29, v4;
	v42 =	vld.idx.msk [tilespmem:v24+s5+$0x0], $0xffff  }
0x7f: {  	v43 =	vld.idx.msk [tilespmem:v24+s24+$0x0], $0xffff  }
0x80: {  	v28 =	vadd.s32 v31, v4;
	v38 =	vadd.s32 v37, v4;
	v37 =	vld.idx.msk [tilespmem:v6+s5+$0x0], $0xffff  }
0x81: {  	v33 =	vld.idx.msk [tilespmem:v6+s24+$0x0], $0xffff  }
0x82: {  	v6 =	vadd.s32 v56, v4;
	[tilespmem:$0x1F300] =	vst v0;
	v0 =	vld [tilespmem:$0x1FC30]  }
0x83: {  	v31 =	vld.idx.msk [tilespmem:v25+s5+$0x0], $0xffff  }
0x84: {  	v44 =	vld.idx.msk [tilespmem:v25+s24+$0x0], $0xffff  }
0x85: {  	v59 =	vadd.s32 v59, v4;
	v19 =	vadd.s32 v26, v4;
	v26 =	vadd.s32 v30, v4;
	v30 =	vld.idx.msk [tilespmem:v28+s5+$0x0], $0xffff  }
0x86: {  	v29 =	vadd.s32 v32, v4;
	v32 =	vld.idx.msk [tilespmem:v38+s24+$0x0], $0xffff  }
0x87: {  	v54 =	vadd.s32 v61, v4;
	v61 =	vadd.s32 v0, v4;
	v0 =	vld.idx.msk [tilespmem:v6+s5+$0x0], $0xffff  }
0x88: {  	v55 =	vld.idx.msk [tilespmem:v39+s5+$0x0], $0xffff  }
0x89: {  	v52 =	vld.idx.msk [tilespmem:v39+s24+$0x0], $0xffff  }
0x8a: {  	v14 =	vadd.s32 v41, v4;
	v41 =	vld.idx.msk [tilespmem:v59+s5+$0x0], $0xffff  }
0x8b: {  	v39 =	vld.idx.msk [tilespmem:v59+s24+$0x0], $0xffff  }
0x8c: {  	[tilespmem:$0x1F310] =	vst v0;
	v0 =	vld.idx.msk [tilespmem:v6+s24+$0x0], $0xffff  }
0x8d: {  	v35 =	vld.idx.msk [tilespmem:v2+s5+$0x0], $0xffff  }
0x8e: {  	v13 =	vld.idx.msk [tilespmem:v2+s24+$0x0], $0xffff  }
0x8f: {  	v25 =	vld.idx.msk [tilespmem:v26+s5+$0x0], $0xffff  }
0x90: {  	v24 =	vld.idx.msk [tilespmem:v26+s24+$0x0], $0xffff  }
0x91: {  	[tilespmem:$0x1F320] =	vst v0;
	v0 =	vld.idx.msk [tilespmem:v61+s5+$0x0], $0xffff  }
0x92: {  	v26 =	vld.idx.msk [tilespmem:v28+s24+$0x0], $0xffff  }
0x93: {  	v28 =	vadd.s32 v34, v4;
	v34 =	vld.idx.msk [tilespmem:v38+s5+$0x0], $0xffff  }
0x94: {  	v53 =	vld.idx.msk [tilespmem:v40+s5+$0x0], $0xffff  }
0x95: {  	v47 =	vld.idx.msk [tilespmem:v40+s24+$0x0], $0xffff  }
0x96: {  	[tilespmem:$0x1F330] =	vst v0;
	v0 =	vld.idx.msk [tilespmem:v61+s24+$0x0], $0xffff  }
0x97: {  	v40 =	vld.idx.msk [tilespmem:v14+s5+$0x0], $0xffff  }
0x98: {  	v59 =	vadd.s32 v60, v4;
	v38 =	vld.idx.msk [tilespmem:v14+s24+$0x0], $0xffff  }
0x99: {  	v14 =	vld.idx.msk [tilespmem:v54+s5+$0x0], $0xffff  }
0x9a: {  	v2 =	vld [tilespmem:$0x1FF00];
	v6 =	vadd.s32 v63, v4  }
0x9b: {  	[tilespmem:$0x1F340] =	vst v0;
	v0 =	vld [tilespmem:$0x1FEF0]  }
0x9c: {  	v50 =	vld.idx.msk [tilespmem:v54+s24+$0x0], $0xffff  }
0x9d: {  	v54 =	vld.idx.msk [tilespmem:v59+s5+$0x0], $0xffff  }
0x9e: {  	v51 =	vld.idx.msk [tilespmem:v59+s24+$0x0], $0xffff  }
0x9f: {  	v59 =	vadd.s32 v62, v4;
	v62 =	vadd.s32 v2, v4;
	v2 =	vld.idx.msk [tilespmem:v6+s5+$0x0], $0xffff  }
0xa0: {  	v0 =	vadd.s32 v0, v4;
	_ =	sdelay $0x2  }
0xa1: {  	v60 =	vld.idx.msk [tilespmem:v6+s24+$0x0], $0xffff  }
0xa2: {  	[tilespmem:$0x1F350] =	vst v2;
	v2 =	vmov v63;
	v63 =	vld [tilespmem:$0x1FF10]  }
0xa3: {  	v6 =	vld.idx.msk [tilespmem:v0+s5+$0x0], $0xffff  }
0xa4: {  	v0 =	vld.idx.msk [tilespmem:v0+s24+$0x0], $0xffff;
	_ =	sdelay $0x3  }
0xa5: {  	v63 =	vadd.s32 v63, v4;
	[tilespmem:$0x1F360] =	vst v6;
	v6 =	vld.idx.msk [tilespmem:v62+s5+$0x0], $0xffff  }
0xa6: {  	[tilespmem:$0x1F370] =	vst v0;
	v0 =	vld [tilespmem:$0x1FF20]  }
0xa7: {  	v62 =	vld.idx.msk [tilespmem:v62+s24+$0x0], $0xffff;
	_ =	sdelay $0x2  }
0xa8: {  	[tilespmem:$0x1F380] =	vst v6;
	v6 =	vld.idx.msk [tilespmem:v63+s5+$0x0], $0xffff  }
0xa9: {  	v63 =	vld.idx.msk [tilespmem:v63+s24+$0x0], $0xffff  }
0xaa: {  	v0 =	vadd.s32 v0, v4;
	[tilespmem:$0x1F390] =	vst v62;
	v62 =	vld [tilespmem:$0x1FF30];
	_ =	sdelay $0x3  }
0xab: {  	[tilespmem:$0x1F3B0] =	vst v63;
	v63 =	vld [tilespmem:$0x1FF40]  }
0xac: {  	v62 =	vadd.s32 v62, v4;
	[tilespmem:$0x1F3A0] =	vst v6;
	v6 =	vld.idx.msk [tilespmem:v0+s5+$0x0], $0xffff  }
0xad: {  	v0 =	vld.idx.msk [tilespmem:v0+s24+$0x0], $0xffff;
	_ =	sdelay $0x3  }
0xae: {  	v63 =	vadd.s32 v63, v4;
	[tilespmem:$0x1F3C0] =	vst v6;
	v6 =	vld.idx.msk [tilespmem:v62+s5+$0x0], $0xffff  }
0xaf: {  	[tilespmem:$0x1F3D0] =	vst v0;
	v0 =	vld [tilespmem:$0x1FF50]  }
0xb0: {  	v62 =	vld.idx.msk [tilespmem:v62+s24+$0x0], $0xffff;
	_ =	sdelay $0x2  }
0xb1: {  	[tilespmem:$0x1F3E0] =	vst v6;
	v6 =	vld.idx.msk [tilespmem:v63+s5+$0x0], $0xffff  }
0xb2: {  	v63 =	vld.idx.msk [tilespmem:v63+s24+$0x0], $0xffff  }
0xb3: {  	v0 =	vadd.s32 v0, v4;
	[tilespmem:$0x1F3F0] =	vst v62;
	v62 =	vld [tilespmem:$0x1FF60];
	_ =	sdelay $0x3  }
0xb4: {  	[tilespmem:$0x1F410] =	vst v63;
	v63 =	vld [tilespmem:$0x1FF70]  }
0xb5: {  	v62 =	vadd.s32 v62, v4;
	[tilespmem:$0x1F400] =	vst v6;
	v6 =	vld.idx.msk [tilespmem:v0+s5+$0x0], $0xffff  }
0xb6: {  	v0 =	vld.idx.msk [tilespmem:v0+s24+$0x0], $0xffff;
	_ =	sdelay $0x3  }
0xb7: {  	v63 =	vadd.s32 v63, v4;
	[tilespmem:$0x1F420] =	vst v6;
	v6 =	vld.idx.msk [tilespmem:v62+s5+$0x0], $0xffff  }
0xb8: {  	[tilespmem:$0x1F430] =	vst v0;
	v0 =	vld [tilespmem:$0x1FF80]  }
0xb9: {  	v62 =	vld.idx.msk [tilespmem:v62+s24+$0x0], $0xffff;
	_ =	sdelay $0x2  }
0xba: {  	[tilespmem:$0x1F440] =	vst v6;
	v6 =	vld.idx.msk [tilespmem:v63+s5+$0x0], $0xffff  }
0xbb: {  	v63 =	vld.idx.msk [tilespmem:v63+s24+$0x0], $0xffff  }
0xbc: {  	v0 =	vadd.s32 v0, v4;
	[tilespmem:$0x1F450] =	vst v62;
	v62 =	vld [tilespmem:$0x1FF90];
	_ =	sdelay $0x3  }
0xbd: {  	[tilespmem:$0x1F470] =	vst v63;
	v63 =	vld [tilespmem:$0x1FFA0]  }
0xbe: {  	v62 =	vadd.s32 v62, v4;
	[tilespmem:$0x1F460] =	vst v6;
	v6 =	vld.idx.msk [tilespmem:v0+s5+$0x0], $0xffff  }
0xbf: {  	v0 =	vld.idx.msk [tilespmem:v0+s24+$0x0], $0xffff;
	_ =	sdelay $0x3  }
0xc0: {  	v63 =	vadd.s32 v63, v4;
	[tilespmem:$0x1F480] =	vst v6;
	v6 =	vld.idx.msk [tilespmem:v62+s5+$0x0], $0xffff  }
0xc1: {  	[tilespmem:$0x1F490] =	vst v0;
	v0 =	vld [tilespmem:$0x1FFB0]  }
0xc2: {  	v62 =	vld.idx.msk [tilespmem:v62+s24+$0x0], $0xffff;
	_ =	sdelay $0x2  }
0xc3: {  	[tilespmem:$0x1F4A0] =	vst v6;
	v6 =	vld.idx.msk [tilespmem:v63+s5+$0x0], $0xffff  }
0xc4: {  	v63 =	vld.idx.msk [tilespmem:v63+s24+$0x0], $0xffff  }
0xc5: {  	v0 =	vadd.s32 v0, v4;
	[tilespmem:$0x1F4B0] =	vst v62;
	v62 =	vld [tilespmem:$0x1FFC0];
	_ =	sdelay $0x3  }
0xc6: {  	[tilespmem:$0x1F4D0] =	vst v63;
	v63 =	vld [tilespmem:$0x1FFD0]  }
0xc7: {  	v62 =	vadd.s32 v62, v4;
	[tilespmem:$0x1F4C0] =	vst v6;
	v6 =	vld.idx.msk [tilespmem:v0+s5+$0x0], $0xffff  }
0xc8: {  	v0 =	vld.idx.msk [tilespmem:v0+s24+$0x0], $0xffff;
	_ =	sdelay $0x3  }
0xc9: {  	v63 =	vadd.s32 v63, v4;
	[tilespmem:$0x1F4E0] =	vst v6;
	v6 =	vld.idx.msk [tilespmem:v62+s5+$0x0], $0xffff  }
0xca: {  	[tilespmem:$0x1F4F0] =	vst v0;
	v0 =	vld [tilespmem:$0x1FFE0]  }
0xcb: {  	v62 =	vld.idx.msk [tilespmem:v62+s24+$0x0], $0xffff;
	_ =	sdelay $0x2  }
0xcc: {  	[tilespmem:$0x1F500] =	vst v6;
	v6 =	vld.idx.msk [tilespmem:v63+s5+$0x0], $0xffff  }
0xcd: {  	v63 =	vld.idx.msk [tilespmem:v63+s24+$0x0], $0xffff  }
0xce: {  	v0 =	vadd.s32 v0, v4;
	[tilespmem:$0x1F510] =	vst v62;
	v62 =	vld [tilespmem:$0x1FC40];
	_ =	sdelay $0x3  }
0xcf: {  	[tilespmem:$0x1F530] =	vst v63;
	v63 =	vld [tilespmem:$0x1FC50]  }
0xd0: {  	v62 =	vadd.s32 v62, v4;
	[tilespmem:$0x1F520] =	vst v6;
	v6 =	vld.idx.msk [tilespmem:v0+s5+$0x0], $0xffff  }
0xd1: {  	v0 =	vld.idx.msk [tilespmem:v0+s24+$0x0], $0xffff;
	_ =	sdelay $0x3  }
0xd2: {  	v63 =	vadd.s32 v63, v4;
	[tilespmem:$0x1F540] =	vst v6;
	v6 =	vld.idx.msk [tilespmem:v62+s5+$0x0], $0xffff  }
0xd3: {  	[tilespmem:$0x1F550] =	vst v0;
	v0 =	vld [tilespmem:$0x1FC60]  }
0xd4: {  	v62 =	vld.idx.msk [tilespmem:v62+s24+$0x0], $0xffff;
	_ =	sdelay $0x2  }
0xd5: {  	[tilespmem:$0x1F560] =	vst v6;
	v6 =	vld.idx.msk [tilespmem:v63+s5+$0x0], $0xffff  }
0xd6: {  	v63 =	vld.idx.msk [tilespmem:v63+s24+$0x0], $0xffff  }
0xd7: {  	v0 =	vadd.s32 v0, v4;
	[tilespmem:$0x1F570] =	vst v62;
	v62 =	vld [tilespmem:$0x1FC70];
	_ =	sdelay $0x3  }
0xd8: {  	[tilespmem:$0x1F590] =	vst v63;
	v63 =	vld [tilespmem:$0x1FC80]  }
0xd9: {  	v62 =	vadd.s32 v62, v4;
	[tilespmem:$0x1F580] =	vst v6;
	v6 =	vld.idx.msk [tilespmem:v0+s5+$0x0], $0xffff  }
0xda: {  	v0 =	vld.idx.msk [tilespmem:v0+s24+$0x0], $0xffff;
	_ =	sdelay $0x3  }
0xdb: {  	v63 =	vadd.s32 v63, v4;
	[tilespmem:$0x1F5A0] =	vst v6;
	v6 =	vld.idx.msk [tilespmem:v62+s5+$0x0], $0xffff  }
0xdc: {  	[tilespmem:$0x1F5B0] =	vst v0;
	v0 =	vld [tilespmem:$0x1FC90]  }
0xdd: {  	v62 =	vld.idx.msk [tilespmem:v62+s24+$0x0], $0xffff;
	_ =	sdelay $0x2  }
0xde: {  	[tilespmem:$0x1F5C0] =	vst v6;
	v6 =	vld.idx.msk [tilespmem:v63+s5+$0x0], $0xffff  }
0xdf: {  	v63 =	vld.idx.msk [tilespmem:v63+s24+$0x0], $0xffff  }
0xe0: {  	v0 =	vadd.s32 v0, v4;
	[tilespmem:$0x1F5D0] =	vst v62;
	v62 =	vld [tilespmem:$0x1FCA0];
	_ =	sdelay $0x3  }
0xe1: {  	[tilespmem:$0x1F5F0] =	vst v63;
	v63 =	vld [tilespmem:$0x1FCB0]  }
0xe2: {  	v62 =	vadd.s32 v62, v4;
	[tilespmem:$0x1F5E0] =	vst v6;
	v6 =	vld.idx.msk [tilespmem:v0+s5+$0x0], $0xffff  }
0xe3: {  	v0 =	vld.idx.msk [tilespmem:v0+s24+$0x0], $0xffff;
	_ =	sdelay $0x3  }
0xe4: {  	v63 =	vadd.s32 v63, v4;
	[tilespmem:$0x1F600] =	vst v6;
	v6 =	vld.idx.msk [tilespmem:v62+s5+$0x0], $0xffff  }
0xe5: {  	[tilespmem:$0x1F610] =	vst v0;
	v0 =	vld [tilespmem:$0x1FCC0]  }
0xe6: {  	v62 =	vld.idx.msk [tilespmem:v62+s24+$0x0], $0xffff;
	_ =	sdelay $0x2  }
0xe7: {  	[tilespmem:$0x1F620] =	vst v6;
	v6 =	vld.idx.msk [tilespmem:v63+s5+$0x0], $0xffff  }
0xe8: {  	v63 =	vld.idx.msk [tilespmem:v63+s24+$0x0], $0xffff  }
0xe9: {  	v0 =	vadd.s32 v0, v4;
	[tilespmem:$0x1F630] =	vst v62;
	v62 =	vld [tilespmem:$0x1FCD0];
	_ =	sdelay $0x3  }
0xea: {  	[tilespmem:$0x1F650] =	vst v63;
	v63 =	vld [tilespmem:$0x1FCE0]  }
0xeb: {  	v62 =	vadd.s32 v62, v4;
	[tilespmem:$0x1F640] =	vst v6;
	v6 =	vld.idx.msk [tilespmem:v0+s5+$0x0], $0xffff  }
0xec: {  	v0 =	vld.idx.msk [tilespmem:v0+s24+$0x0], $0xffff;
	_ =	sdelay $0x3  }
0xed: {  	v63 =	vadd.s32 v63, v4;
	[tilespmem:$0x1F660] =	vst v6;
	v6 =	vld.idx.msk [tilespmem:v62+s5+$0x0], $0xffff  }
0xee: {  	[tilespmem:$0x1F670] =	vst v0;
	v0 =	vld [tilespmem:$0x1FCF0]  }
0xef: {  	v62 =	vld.idx.msk [tilespmem:v62+s24+$0x0], $0xffff;
	_ =	sdelay $0x2  }
0xf0: {  	[tilespmem:$0x1F680] =	vst v6;
	v6 =	vld.idx.msk [tilespmem:v63+s5+$0x0], $0xffff  }
0xf1: {  	v0 =	vadd.s32 v0, v4;
	v63 =	vld.idx.msk [tilespmem:v63+s24+$0x0], $0xffff  }
0xf2: {  	[tilespmem:$0x1F690] =	vst v62;
	v62 =	vld [tilespmem:$0x1FD00];
	_ =	sdelay $0x3  }
0xf3: {  	[tilespmem:$0x1F6B0] =	vst v63;
	v63 =	vld.idx.msk [tilespmem:v0+s5+$0x0], $0xffff  }
0xf4: {  	v62 =	vadd.s32 v62, v4;
	v0 =	vld.idx.msk [tilespmem:v0+s24+$0x0], $0xffff;
	_ =	sdelay $0x2  }
0xf5: {  	[tilespmem:$0x1F6A0] =	vst v6  }
0xf6: {  	[tilespmem:$0x1F6C0] =	vst v63;
	v63 =	vadd.s32 $0x3E, v1  }
0xf7: {  	v6 =	vmov v56;
	v56 =	vadd.s32 $0x3D, v1;
	[tilespmem:$0x1F6D0] =	vst v0;
	v0 =	vadd.s32 v63, v4;
	v63 =	vld.idx.msk [tilespmem:v62+s5+$0x0], $0xffff  }
0xf8: {  	v56 =	vadd.s32 v56, v4;
	v62 =	vld.idx.msk [tilespmem:v62+s24+$0x0], $0xffff;
	_ =	sdelay $0x3  }
0xf9: {  	[tilespmem:$0x1F6E0] =	vst v63;
	v63 =	vadd.s32 $0x3F, v1  }
0xfa: {  	[tilespmem:$0x1F6F0] =	vst v62;
	v62 =	vadd.s32 v63, v4;
	v63 =	vld.idx.msk [tilespmem:v56+s5+$0x0], $0xffff  }
0xfb: {  	v56 =	vld.idx.msk [tilespmem:v56+s24+$0x0], $0xffff;
	_ =	sdelay $0x3  }
0xfc: {  	[tilespmem:$0x1F700] =	vst v63;
	v63 =	vadd.s32 $0x40, v1  }
0xfd: {  	[tilespmem:$0x1F710] =	vst v56;
	v56 =	vadd.s32 v63, v4;
	v63 =	vld.idx.msk [tilespmem:v0+s5+$0x0], $0xffff  }
0xfe: {  	v0 =	vld.idx.msk [tilespmem:v0+s24+$0x0], $0xffff;
	_ =	sdelay $0x3  }
0xff: {  	[tilespmem:$0x1F720] =	vst v63;
	v63 =	vadd.s32 $0x41, v1  }
0x100: {  	[tilespmem:$0x1F730] =	vst v0;
	v0 =	vadd.s32 v63, v4;
	v63 =	vld.idx.msk [tilespmem:v62+s5+$0x0], $0xffff  }
0x101: {  	v62 =	vld.idx.msk [tilespmem:v62+s24+$0x0], $0xffff;
	_ =	sdelay $0x3  }
0x102: {  	[tilespmem:$0x1F740] =	vst v63;
	v63 =	vadd.s32 $0x42, v1  }
0x103: {  	[tilespmem:$0x1F750] =	vst v62;
	v62 =	vadd.s32 v63, v4;
	v63 =	vld.idx.msk [tilespmem:v56+s5+$0x0], $0xffff  }
0x104: {  	v56 =	vld.idx.msk [tilespmem:v56+s24+$0x0], $0xffff;
	_ =	sdelay $0x1  }
0x105: {  	v16 =	vld.idx.msk [tilespmem:v58+s5+$0x0], $0xffff  }
0x106: {  	v15 =	vld.idx.msk [tilespmem:v58+s24+$0x0], $0xffff  }
0x107: {  	v48 =	vld.idx.msk [tilespmem:v20+s5+$0x0], $0xffff;
	[tilespmem:$0x1F760] =	vst v63;
	v63 =	vadd.s32 $0x43, v1  }
0x108: {  	[tilespmem:$0x1F770] =	vst v56;
	v56 =	vadd.s32 v63, v4;
	v63 =	vld.idx.msk [tilespmem:v0+s5+$0x0], $0xffff  }
0x109: {  	v0 =	vld.idx.msk [tilespmem:v0+s24+$0x0], $0xffff  }
0x10a: {  	v58 =	vld.idx.msk [tilespmem:v20+s24+$0x0], $0xffff  }
0x10b: {  	v49 =	vld.idx.msk [tilespmem:v21+s5+$0x0], $0xffff  }
0x10c: {  	v23 =	vld.idx.msk [tilespmem:v21+s24+$0x0], $0xffff  }
0x10d: {  	v46 =	vld.idx.msk [tilespmem:v29+s5+$0x0], $0xffff;
	[tilespmem:$0x1F780] =	vst v63;
	v63 =	vadd.s32 $0x44, v1  }
0x10e: {  	v20 =	vadd.s32 v27, v4;
	[tilespmem:$0x1F790] =	vst v0;
	v0 =	vadd.s32 v63, v4;
	v63 =	vld.idx.msk [tilespmem:v62+s5+$0x0], $0xffff  }
0x10f: {  	v62 =	vld.idx.msk [tilespmem:v62+s24+$0x0], $0xffff  }
0x110: {  	v45 =	vld.idx.msk [tilespmem:v29+s24+$0x0], $0xffff  }
0x111: {  	v21 =	vld.idx.msk [tilespmem:v19+s5+$0x0], $0xffff  }
0x112: {  	v19 =	vld.idx.msk [tilespmem:v19+s24+$0x0], $0xffff  }
0x113: {  	v27 =	vld.idx.msk [tilespmem:v20+s5+$0x0], $0xffff;
	[tilespmem:$0x1F7A0] =	vst v63;
	v63 =	vadd.s32 $0x45, v1  }
0x114: {  	[tilespmem:$0x1F7B0] =	vst v62;
	v62 =	vadd.s32 v63, v4;
	v63 =	vld.idx.msk [tilespmem:v56+s5+$0x0], $0xffff  }
0x115: {  	v20 =	vld.idx.msk [tilespmem:v20+s24+$0x0], $0xffff  }
0x116: {  	v29 =	vld.idx.msk [tilespmem:v28+s5+$0x0], $0xffff  }
0x117: {  	v28 =	vld.idx.msk [tilespmem:v28+s24+$0x0], $0xffff  }
0x118: {  	v61 =	vld.idx.msk [tilespmem:v59+s5+$0x0], $0xffff  }
0x119: {  	v59 =	vld.idx.msk [tilespmem:v59+s24+$0x0], $0xffff;
	[tilespmem:$0x1F7C0] =	vst v63  }
0x11a: {  	v56 =	vld.idx.msk [tilespmem:v56+s24+$0x0], $0xffff;
	_ =	sdelay $0x3  }
0x11b: {  	v63 =	vadd.s32 $0x46, v1  }
0x11c: {  	[tilespmem:$0x1F7D0] =	vst v56;
	v56 =	vadd.s32 v63, v4;
	v63 =	vld.idx.msk [tilespmem:v0+s5+$0x0], $0xffff  }
0x11d: {  	v0 =	vld.idx.msk [tilespmem:v0+s24+$0x0], $0xffff;
	_ =	sdelay $0x3  }
0x11e: {  	[tilespmem:$0x1F7E0] =	vst v63;
	v63 =	vadd.s32 $0x47, v1  }
0x11f: {  	[tilespmem:$0x1F7F0] =	vst v0;
	v0 =	vadd.s32 v63, v4;
	v63 =	vld.idx.msk [tilespmem:v62+s5+$0x0], $0xffff  }
0x120: {  	v62 =	vld.idx.msk [tilespmem:v62+s24+$0x0], $0xffff;
	_ =	sdelay $0x3  }
0x121: {  	[tilespmem:$0x1F800] =	vst v63;
	v63 =	vadd.s32 $0x48, v1  }
0x122: {  	[tilespmem:$0x1F810] =	vst v62;
	v62 =	vadd.s32 v63, v4;
	v63 =	vld.idx.msk [tilespmem:v56+s5+$0x0], $0xffff  }
0x123: {  	v56 =	vld.idx.msk [tilespmem:v56+s24+$0x0], $0xffff;
	_ =	sdelay $0x3  }
0x124: {  	[tilespmem:$0x1F820] =	vst v63;
	v63 =	vadd.s32 $0x49, v1  }
0x125: {  	[tilespmem:$0x1F830] =	vst v56;
	v56 =	vadd.s32 v63, v4;
	v63 =	vld.idx.msk [tilespmem:v0+s5+$0x0], $0xffff  }
0x126: {  	v0 =	vld.idx.msk [tilespmem:v0+s24+$0x0], $0xffff;
	_ =	sdelay $0x3  }
0x127: {  	[tilespmem:$0x1F840] =	vst v63;
	v63 =	vadd.s32 $0x4A, v1  }
0x128: {  	[tilespmem:$0x1F850] =	vst v0;
	v0 =	vadd.s32 v63, v4;
	v63 =	vld.idx.msk [tilespmem:v62+s5+$0x0], $0xffff  }
0x129: {  	v62 =	vld.idx.msk [tilespmem:v62+s24+$0x0], $0xffff;
	_ =	sdelay $0x3  }
0x12a: {  	[tilespmem:$0x1F860] =	vst v63;
	v63 =	vadd.s32 $0x4B, v1  }
0x12b: {  	[tilespmem:$0x1F870] =	vst v62;
	v62 =	vadd.s32 v63, v4;
	v63 =	vld.idx.msk [tilespmem:v56+s5+$0x0], $0xffff  }
0x12c: {  	v56 =	vld.idx.msk [tilespmem:v56+s24+$0x0], $0xffff;
	_ =	sdelay $0x3  }
0x12d: {  	[tilespmem:$0x1F880] =	vst v63;
	v63 =	vadd.s32 $0x4C, v1  }
0x12e: {  	[tilespmem:$0x1F890] =	vst v56;
	v56 =	vadd.s32 v63, v4;
	v63 =	vld.idx.msk [tilespmem:v0+s5+$0x0], $0xffff  }
0x12f: {  	v0 =	vld.idx.msk [tilespmem:v0+s24+$0x0], $0xffff;
	_ =	sdelay $0x3  }
0x130: {  	[tilespmem:$0x1F8A0] =	vst v63;
	v63 =	vadd.s32 $0x4D, v1  }
0x131: {  	[tilespmem:$0x1F8B0] =	vst v0;
	v0 =	vadd.s32 v63, v4;
	v63 =	vld.idx.msk [tilespmem:v62+s5+$0x0], $0xffff  }
0x132: {  	v62 =	vld.idx.msk [tilespmem:v62+s24+$0x0], $0xffff;
	_ =	sdelay $0x3  }
0x133: {  	[tilespmem:$0x1F8C0] =	vst v63;
	v63 =	vadd.s32 $0x4E, v1  }
0x134: {  	[tilespmem:$0x1F8D0] =	vst v62;
	v62 =	vadd.s32 v63, v4;
	v63 =	vld.idx.msk [tilespmem:v56+s5+$0x0], $0xffff  }
0x135: {  	v56 =	vld.idx.msk [tilespmem:v56+s24+$0x0], $0xffff;
	_ =	sdelay $0x3  }
0x136: {  	[tilespmem:$0x1F8E0] =	vst v63;
	v63 =	vadd.s32 $0x4F, v1  }
0x137: {  	[tilespmem:$0x1F8F0] =	vst v56;
	v56 =	vadd.s32 v63, v4;
	v63 =	vld.idx.msk [tilespmem:v0+s5+$0x0], $0xffff  }
0x138: {  	v0 =	vld.idx.msk [tilespmem:v0+s24+$0x0], $0xffff;
	_ =	sdelay $0x3  }
0x139: {  	[tilespmem:$0x1F900] =	vst v63;
	v63 =	vadd.s32 $0x50, v1  }
0x13a: {  	[tilespmem:$0x1F910] =	vst v0;
	v0 =	vadd.s32 v63, v4;
	v63 =	vld.idx.msk [tilespmem:v62+s5+$0x0], $0xffff  }
0x13b: {  	v62 =	vld.idx.msk [tilespmem:v62+s24+$0x0], $0xffff;
	_ =	sdelay $0x3  }
0x13c: {  	[tilespmem:$0x1F920] =	vst v63;
	v63 =	vadd.s32 $0x51, v1  }
0x13d: {  	[tilespmem:$0x1F930] =	vst v62;
	v62 =	vadd.s32 v63, v4;
	v63 =	vld.idx.msk [tilespmem:v56+s5+$0x0], $0xffff  }
0x13e: {  	v56 =	vld.idx.msk [tilespmem:v56+s24+$0x0], $0xffff;
	_ =	sdelay $0x3  }
0x13f: {  	[tilespmem:$0x1F940] =	vst v63;
	v63 =	vadd.s32 $0x52, v1  }
0x140: {  	[tilespmem:$0x1F950] =	vst v56;
	v56 =	vadd.s32 v63, v4;
	v63 =	vld.idx.msk [tilespmem:v0+s5+$0x0], $0xffff;
	_ =	sdelay $0x2  }
0x141: {  	v0 =	vld.idx.msk [tilespmem:v0+s24+$0x0], $0xffff;
	_ =	sdelay $0x1  }
0x142: {  	[tilespmem:$0x1F960] =	vst v63;
	v63 =	vadd.s32 $0x53, v1;
	_ =	sdelay $0x2  }
0x143: {  	[tilespmem:$0x1F970] =	vst v0;
	v0 =	vadd.s32 v63, v4;
	v63 =	vmov v2;
	v2 =	vld.idx.msk [tilespmem:v62+s5+$0x0], $0xffff;
	_ =	sdelay $0x2  }
0x144: {  	v5 =	vmul.f32 v5, v7;
	v7 =	vadd.s32 $0x54, v1  }
0x145: {  	v7 =	vadd.s32 v7, v4  }
0x146: {  	[tilespmem:$0x1F980] =	vst v2;
	v2 =	vld.idx.msk [tilespmem:v62+s24+$0x0], $0xffff;
	_ =	sdelay $0x3  }
0x147: {  	v13 =	vmul.f32 v13, v35;
	v35 =	vld.idx.msk [tilespmem:v7+s5+$0x0], $0xffff  }
0x148: {  	v7 =	vld.idx.msk [tilespmem:v7+s24+$0x0], $0xffff;
	[tilespmem:$0x1F990] =	vst v2;
	v2 =	vmul.f32 v3, v9;
	v3 =	vadd.f32 $0.0e+00, v5;
	v5 =	vadd.s32 $0x55, v1  }
0x149: {  	v62 =	vld.idx.msk [tilespmem:v56+s24+$0x0], $0xffff;
	v5 =	vadd.s32 v5, v4  }
0x14a: {  	v9 =	vld.idx.msk [tilespmem:v56+s5+$0x0], $0xffff  }
0x14b: {  	v2 =	vadd.f32 v2, v3;
	v3 =	vld.idx.msk [tilespmem:v0+s5+$0x0], $0xffff  }
0x14c: {  	[tilespmem:$0x1F9E0] =	vst v35;
	v0 =	vld.idx.msk [tilespmem:v0+s24+$0x0], $0xffff  }
0x14d: {  	v17 =	vmul.f32 v17, v36;
	v12 =	vmul.f32 v12, v22;
	v36 =	vadd.s32 $0x57, v1;
	[tilespmem:$0x1F9F0] =	vst v7  }
0x14e: {  	v11 =	vmul.f32 v11, v18;
	v7 =	vadd.s32 v36, v4;
	[tilespmem:$0x1F9B0] =	vst v62;
	v35 =	vld.idx.msk [tilespmem:v5+s5+$0x0], $0xffff  }
0x14f: {  	v36 =	vadd.s32 $0x58, v1;
	v56 =	vmov v6;
	v6 =	vmul.f32 v8, v10;
	[tilespmem:$0x1F9A0] =	vst v9;
	v5 =	vld.idx.msk [tilespmem:v5+s24+$0x0], $0xffff  }
0x150: {  	v8 =	vadd.f32 $0.0e+00, v12;
	v62 =	vadd.f32 $0.0e+00, v13;
	[tilespmem:$0x1F9C0] =	vst v3;
	v3 =	vadd.s32 $0x56, v1  }
0x151: {  	v9 =	vmul.f32 v15, v16;
	[tilespmem:$0x1F9D0] =	vst v0;
	v0 =	vadd.s32 v3, v4;
	v3 =	vadd.f32 $0.0e+00, v17  }
0x152: {  	v10 =	vmul.f32 v43, v42;
	v6 =	vadd.f32 v6, v8;
	v8 =	vmul.f32 v23, v49  }
0x153: {  	v3 =	vadd.f32 v9, v3;
	v9 =	vadd.f32 v11, v62;
	v62 =	vmul.f32 v58, v48;
	[tilespmem:$0x1FA00] =	vst v35  }
0x154: {  	v13 =	vadd.s32 $0x5A, v1;
	v49 =	vld.idx.msk [tilespmem:v7+s5+$0x0], $0xffff;
	[tilespmem:$0x1FA10] =	vst v5;
	v5 =	vadd.s32 v36, v4;
	v35 =	vmul.f32 v19, v21  }
0x155: {  	v15 =	vld [tilespmem:$0x1F5D0];
	v36 =	vadd.s32 $0x59, v1;
	v2 =	vadd.f32 v62, v2;
	v62 =	vmul.f32 v20, v27  }
0x156: {  	v3 =	vadd.f32 v8, v3;
	v58 =	vld.idx.msk [tilespmem:v0+s5+$0x0], $0xffff;
	v6 =	vadd.f32 v35, v6;
	v35 =	vmul.f32 v44, v31  }
0x157: {  	v42 =	vmul.f32 v33, v37;
	v48 =	vld.idx.msk [tilespmem:v0+s24+$0x0], $0xffff;
	v0 =	vadd.s32 v36, v4;
	v36 =	vmul.f32 v24, v25  }
0x158: {  	v37 =	vadd.s32 $0x5E, v1;
	v9 =	vadd.f32 v62, v9;
	v62 =	vld.idx.msk [tilespmem:v7+s24+$0x0], $0xffff;
	v8 =	vadd.f32 v35, v3  }
0x159: {  	v6 =	vadd.f32 v36, v6;
	v36 =	vmul.f32 v45, v46;
	v45 =	vmul.f32 v28, v29;
	v43 =	vld.idx.msk [tilespmem:v5+s5+$0x0], $0xffff  }
0x15a: {  	v7 =	vadd.s32 v13, v4;
	v13 =	vmul.f32 v26, v30;
	v31 =	vld.idx.msk [tilespmem:v5+s24+$0x0], $0xffff;
	v8 =	vadd.f32 v42, v8  }
0x15b: {  	v6 =	vadd.f32 v45, v6;
	v42 =	vmul.f32 v52, v55;
	v45 =	vadd.s32 v37, v4;
	v37 =	vld [tilespmem:$0x1F300]  }
0x15c: {  	v44 =	vadd.s32 $0x5B, v1;
	v55 =	vmul.f32 v39, v41;
	v41 =	vmul.f32 v51, v54;
	v51 =	vld [tilespmem:$0x1F330]  }
0x15d: {  	v34 =	vmul.f32 v32, v34;
	v5 =	vadd.s32 v44, v4;
	v44 =	vld.idx.msk [tilespmem:v0+s5+$0x0], $0xffff  }
0x15e: {  	v33 =	vadd.s32 $0x5D, v1;
	v35 =	vadd.s32 $0x5C, v1;
	v9 =	vadd.f32 v13, v9;
	v3 =	vld.idx.msk [tilespmem:v0+s24+$0x0], $0xffff  }
0x15f: {  	v0 =	vadd.s32 v35, v4;
	v35 =	vadd.s32 v33, v4;
	v33 =	vld [tilespmem:$0x1F2D0]  }
0x160: {  	v9 =	vadd.f32 v34, v9;
	v34 =	vld [tilespmem:$0x1F2E0]  }
0x161: {  	v2 =	vadd.f32 v10, v2;
	v46 =	vld.idx.msk [tilespmem:v7+s5+$0x0], $0xffff  }
0x162: {  	v7 =	vld.idx.msk [tilespmem:v7+s24+$0x0], $0xffff  }
0x163: {  	v2 =	vadd.f32 v36, v2;
	v36 =	vld.idx.msk [tilespmem:v5+s5+$0x0], $0xffff  }
0x164: {  	v5 =	vld.idx.msk [tilespmem:v5+s24+$0x0], $0xffff  }
0x165: {  	v39 =	vld.idx.msk [tilespmem:v45+s5+$0x0], $0xffff  }
0x166: {  	v52 =	vld.idx.msk [tilespmem:v0+s5+$0x0], $0xffff  }
0x167: {  	v0 =	vld.idx.msk [tilespmem:v0+s24+$0x0], $0xffff  }
0x168: {  	v13 =	vld.idx.msk [tilespmem:v35+s5+$0x0], $0xffff  }
0x169: {  	v10 =	vmul.f32 v34, v33;
	v34 =	vld [tilespmem:$0x1F360];
	[tilespmem:$0x1FA20] =	vst v46  }
0x16a: {  	[tilespmem:$0x1FA30] =	vst v7;
	v46 =	vmul.f32 v47, v53;
	v7 =	vld.idx.msk [tilespmem:v35+s24+$0x0], $0xffff  }
0x16b: {  	v47 =	vmul.f32 v38, v40;
	v38 =	vmul.f32 v50, v14;
	v40 =	vadd.s32 $0x61, v1;
	v50 =	vld [tilespmem:$0x1F320]  }
0x16c: {  	v2 =	vadd.f32 v42, v2;
	v42 =	vadd.s32 v40, v4;
	v40 =	vld [tilespmem:$0x1F3B0]  }
0x16d: {  	[tilespmem:$0x1FA40] =	vst v36;
	v36 =	vld [tilespmem:$0x1F2F0]  }
0x16e: {  	[tilespmem:$0x1FA50] =	vst v5;
	v5 =	vld.idx.msk [tilespmem:v45+s24+$0x0], $0xffff  }
0x16f: {  	v32 =	vadd.s32 $0x60, v1;
	v6 =	vadd.f32 v47, v6;
	v47 =	vld [tilespmem:$0x1F310]  }
0x170: {  	v35 =	vadd.s32 v32, v4;
	[tilespmem:$0x1FAA0] =	vst v39;
	v39 =	vld [tilespmem:$0x1F3A0]  }
0x171: {  	v53 =	vadd.s32 $0x5F, v1;
	[tilespmem:$0x1FA60] =	vst v52;
	v52 =	vld [tilespmem:$0x1F340]  }
0x172: {  	[tilespmem:$0x1FA70] =	vst v0;
	v0 =	vadd.s32 v53, v4;
	v53 =	vmul.f32 v59, v61;
	v59 =	vld [tilespmem:$0x1F350]  }
0x173: {  	v9 =	vadd.f32 v55, v9;
	v55 =	vadd.s32 $0x63, v1;
	v6 =	vadd.f32 v38, v6;
	v38 =	vld [tilespmem:$0x1F390]  }
0x174: {  	v61 =	vadd.s32 v55, v4;
	v55 =	vld [tilespmem:$0x1F410]  }
0x175: {  	v54 =	vld.idx.msk [tilespmem:v35+s5+$0x0], $0xffff  }
0x176: {  	[tilespmem:$0x1FA90] =	vst v7;
	v7 =	vld.idx.msk [tilespmem:v35+s24+$0x0], $0xffff  }
0x177: {  	v35 =	vld [tilespmem:$0x1F370]  }
0x178: {  	v32 =	vld.idx.msk [tilespmem:v42+s5+$0x0], $0xffff  }
0x179: {  	[tilespmem:$0x1FAB0] =	vst v5;
	v5 =	vld.idx.msk [tilespmem:v42+s24+$0x0], $0xffff  }
0x17a: {  	v33 =	vadd.s32 $0x64, v1;
	v11 =	vmul.f32 v37, v36;
	v37 =	vld [tilespmem:$0x1F380]  }
0x17b: {  	v36 =	vadd.s32 v33, v4;
	v33 =	vld [tilespmem:$0x1F440]  }
0x17c: {  	v12 =	vmul.f32 v40, v39;
	v39 =	vld [tilespmem:$0x1F470]  }
0x17d: {  	v2 =	vadd.f32 v10, v2;
	v10 =	vmul.f32 v50, v47;
	v50 =	vadd.s32 $0x66, v1;
	v40 =	vld [tilespmem:$0x1F480]  }
0x17e: {  	v6 =	vadd.f32 v53, v6;
	v53 =	vadd.s32 v50, v4;
	v50 =	vld [tilespmem:$0x1F4C0]  }
0x17f: {  	v45 =	vld.idx.msk [tilespmem:v0+s5+$0x0], $0xffff  }
0x180: {  	v8 =	vadd.f32 v46, v8;
	v0 =	vld.idx.msk [tilespmem:v0+s24+$0x0], $0xffff  }
0x181: {  	v47 =	vld.idx.msk [tilespmem:v61+s5+$0x0], $0xffff  }
0x182: {  	v8 =	vadd.f32 v11, v8;
	v11 =	vmul.f32 v52, v51;
	v51 =	vld [tilespmem:$0x1F3E0]  }
0x183: {  	v52 =	vld [tilespmem:$0x1F3F0]  }
0x184: {  	v2 =	vadd.f32 v10, v2;
	v10 =	vmul.f32 v60, v59;
	v59 =	vld [tilespmem:$0x1F420]  }
0x185: {  	v60 =	vld [tilespmem:$0x1F430];
	[tilespmem:$0x1FAE0] =	vst v54  }
0x186: {  	v9 =	vadd.f32 v41, v9;
	v46 =	vadd.s32 $0x62, v1;
	[tilespmem:$0x1FAF0] =	vst v7;
	v7 =	vld.idx.msk [tilespmem:v61+s24+$0x0], $0xffff  }
0x187: {  	v54 =	vld [tilespmem:$0x1F400];
	[tilespmem:$0x1FAD0] =	vst v0;
	v0 =	vadd.s32 v46, v4  }
0x188: {  	v9 =	vadd.f32 v10, v9;
	v10 =	vmul.f32 v35, v34;
	v34 =	vld [tilespmem:$0x1F450]  }
0x189: {  	v61 =	vld.idx.msk [tilespmem:v36+s5+$0x0], $0xffff  }
0x18a: {  	[tilespmem:$0x1FB10] =	vst v5;
	v5 =	vld.idx.msk [tilespmem:v36+s24+$0x0], $0xffff  }
0x18b: {  	v8 =	vadd.f32 v11, v8;
	v11 =	vmul.f32 v38, v37;
	v38 =	vld [tilespmem:$0x1F460]  }
0x18c: {  	v41 =	vld.idx.msk [tilespmem:v0+s5+$0x0], $0xffff  }
0x18d: {  	[tilespmem:$0x1FB00] =	vst v32;
	v32 =	vadd.s32 $0x67, v1;
	v0 =	vld.idx.msk [tilespmem:v0+s24+$0x0], $0xffff  }
0x18e: {  	v35 =	vadd.s32 v32, v4;
	v32 =	vld [tilespmem:$0x1F510]  }
0x18f: {  	[tilespmem:$0x1FAC0] =	vst v45;
	v45 =	vld [tilespmem:$0x1F3C0]  }
0x190: {  	v46 =	vld [tilespmem:$0x1F3D0]  }
0x191: {  	v42 =	vadd.s32 $0x65, v1;
	v6 =	vadd.f32 v12, v6;
	v12 =	vmul.f32 v60, v59;
	v59 =	vld [tilespmem:$0x1F4F0];
	[tilespmem:$0x1FB50] =	vst v7  }
0x192: {  	v7 =	vld.idx.msk [tilespmem:v53+s24+$0x0], $0xffff;
	[tilespmem:$0x1FB30] =	vst v0;
	v0 =	vadd.s32 v42, v4  }
0x193: {  	v8 =	vadd.f32 v11, v8;
	v11 =	vmul.f32 v55, v54;
	v55 =	vld [tilespmem:$0x1F4E0]  }
0x194: {  	[tilespmem:$0x1FB70] =	vst v5;
	v5 =	vld.idx.msk [tilespmem:v35+s24+$0x0], $0xffff  }
0x195: {  	[tilespmem:$0x1FB60] =	vst v61;
	v61 =	vld [tilespmem:$0x1F500]  }
0x196: {  	v2 =	vadd.f32 v10, v2;
	v10 =	vmul.f32 v46, v45;
	v46 =	vld.idx.msk [tilespmem:v53+s5+$0x0], $0xffff  }
0x197: {  	v36 =	vld.idx.msk [tilespmem:v0+s5+$0x0], $0xffff  }
0x198: {  	v9 =	vadd.f32 v10, v9;
	v10 =	vmul.f32 v52, v51;
	v0 =	vld.idx.msk [tilespmem:v0+s24+$0x0], $0xffff  }
0x199: {  	v51 =	vld [tilespmem:$0x1F4D0]  }
0x19a: {  	v53 =	vld.idx.msk [tilespmem:v35+s5+$0x0], $0xffff;
	v2 =	vadd.f32 v10, v2;
	v10 =	vmul.f32 v34, v33  }
0x19b: {  	v45 =	vld [tilespmem:$0x1F4B0]  }
0x19c: {  	v37 =	vadd.s32 $0x68, v1;
	[tilespmem:$0x1FB40] =	vst v47;
	v9 =	vadd.f32 v10, v9;
	v10 =	vmul.f32 v39, v38;
	v38 =	vld [tilespmem:$0x1F550]  }
0x19d: {  	[tilespmem:$0x1FB90] =	vst v0;
	v0 =	vadd.s32 v37, v4;
	v37 =	vld [tilespmem:$0x1F540]  }
0x19e: {  	[tilespmem:$0x1FB20] =	vst v41;
	v41 =	vld [tilespmem:$0x1F490];
	v2 =	vadd.f32 v10, v2;
	v10 =	vmul.f32 v51, v50  }
0x19f: {  	v47 =	vadd.s32 $0x69, v1;
	[tilespmem:$0x1FBC0] =	vst v53;
	v53 =	vld [tilespmem:$0x1F5C0]  }
0x1a0: {  	v52 =	vadd.s32 v47, v4;
	v47 =	vld [tilespmem:$0x1F590];
	v9 =	vadd.f32 v10, v9;
	v10 =	vmul.f32 v59, v55  }
0x1a1: {  	v33 =	vld [tilespmem:$0x1F520]  }
0x1a2: {  	v34 =	vld [tilespmem:$0x1F530];
	v2 =	vadd.f32 v10, v2;
	v10 =	vmul.f32 v38, v37  }
0x1a3: {  	v8 =	vadd.f32 v11, v8;
	v42 =	vld [tilespmem:$0x1F4A0];
	v11 =	vmul.f32 v41, v40  }
0x1a4: {  	[tilespmem:$0x1FBA0] =	vst v46;
	v46 =	vld [tilespmem:$0x1F580];
	v15 =	vmul.f32 v15, v53;
	v10 =	vadd.f32 v10, v9  }
0x1a5: {  	v8 =	vadd.f32 v11, v8;
	v11 =	vmul.f32 v32, v61;
	v32 =	vld [tilespmem:$0x1F600]  }
0x1a6: {  	v16 =	vadd.f32 v15, v10;
	v15 =	vld [tilespmem:$0x1F610]  }
0x1a7: {  	[tilespmem:$0x1FBB0] =	vst v7;
	v7 =	vld.idx.msk [tilespmem:v52+s24+$0x0], $0xffff  }
0x1a8: {  	v6 =	vadd.f32 v12, v6;
	v50 =	vld [tilespmem:$0x1F5A0];
	v12 =	vmul.f32 v45, v42  }
0x1a9: {  	v51 =	vld [tilespmem:$0x1F5B0]  }
0x1aa: {  	v6 =	vadd.f32 v12, v6;
	v12 =	vmul.f32 v34, v33;
	v33 =	vld [tilespmem:$0x1F620]  }
0x1ab: {  	v17 =	vmul.f32 v15, v32;
	v15 =	vld [tilespmem:$0x1F630]  }
0x1ac: {  	v54 =	vadd.s32 $0x80, v1;
	v41 =	vld [tilespmem:$0x1F560]  }
0x1ad: {  	v60 =	vadd.s32 v54, v4;
	v42 =	vld [tilespmem:$0x1F570]  }
0x1ae: {  	v34 =	vld [tilespmem:$0x1F640]  }
0x1af: {  	v35 =	vld.idx.msk [tilespmem:v0+s5+$0x0], $0xffff  }
0x1b0: {  	v18 =	vmul.f32 v15, v33;
	v15 =	vld [tilespmem:$0x1F650]  }
0x1b1: {  	[tilespmem:$0x1FC10] =	vst v7;
	v0 =	vld.idx.msk [tilespmem:v0+s24+$0x0], $0xffff  }
0x1b2: {  	v7 =	vld.idx.msk [tilespmem:v60+s5+$0x0], $0xffff;
	v8 =	vadd.f32 v11, v8;
	v11 =	vmul.f32 v47, v46;
	v9 =	vmul.f32 v42, v41  }
0x1b3: {  	[tilespmem:$0x1FA80] =	vst v13;
	v61 =	vld [tilespmem:$0x1F5F0];
	v13 =	vmul.f32 v51, v50;
	v6 =	vadd.f32 v12, v6  }
0x1b4: {  	v55 =	vadd.f32 v11, v8;
	v2 =	vadd.f32 v9, v2;
	v9 =	vld.idx.msk [tilespmem:v60+s24+$0x0], $0xffff  }
0x1b5: {  	[tilespmem:$0x1FB80] =	vst v36;
	v36 =	vadd.s32 $0x81, v1;
	v13 =	vadd.f32 v13, v6;
	v60 =	vld [tilespmem:$0x1F5E0];
	v20 =	vmul.f32 v15, v34  }
0x1b6: {  	[tilespmem:$0x1FBF0] =	vst v0;
	v0 =	vadd.s32 v36, v4;
	v36 =	vld [tilespmem:$0x1F660];
	v14 =	vadd.f32 v17, v55  }
0x1b7: {  	v17 =	vadd.f32 v18, v13;
	v18 =	vadd.f32 v20, v16;
	v16 =	vld [tilespmem:$0x1F670]  }
0x1b8: {  	v23 =	vld [tilespmem:$0x1F6D0]  }
0x1b9: {  	v39 =	vld.idx.msk [tilespmem:v52+s5+$0x0], $0xffff  }
0x1ba: {  	v38 =	vld [tilespmem:$0x1F680];
	v10 =	vmul.f32 v61, v60  }
0x1bb: {  	v6 =	vld.idx.msk [tilespmem:v0+s5+$0x0], $0xffff  }
0x1bc: {  	v59 =	vadd.s32 $0x84, v1;
	v8 =	vld.idx.msk [tilespmem:v0+s24+$0x0], $0xffff;
	v2 =	vadd.f32 v10, v2;
	v16 =	vmul.f32 v16, v36  }
0x1bd: {  	v0 =	vadd.s32 v59, v4;
	v20 =	vld [tilespmem:$0x1F690]  }
0x1be: {  	v2 =	vadd.f32 v16, v2;
	v16 =	vld [tilespmem:$0x1F6C0]  }
0x1bf: {  	v21 =	vld [tilespmem:$0x1F6B0]  }
0x1c0: {  	[tilespmem:$0x1FC00] =	vst v39;
	v39 =	vld [tilespmem:$0x1F6A0];
	_ =	sdelay $0x1  }
0x1c1: {  	v13 =	vld.idx.msk [tilespmem:v0+s5+$0x0], $0xffff;
	v20 =	vmul.f32 v20, v38  }
0x1c2: {  	v22 =	vadd.s32 $0x87, v1;
	v19 =	vadd.s32 $0x85, v1;
	v23 =	vmul.f32 v23, v16;
	v16 =	vld.idx.msk [tilespmem:v0+s24+$0x0], $0xffff  }
0x1c3: {  	v19 =	vadd.s32 v19, v4;
	v0 =	vadd.s32 v22, v4;
	v22 =	vadd.f32 v20, v14;
	v20 =	vld [tilespmem:$0x1F6F0]  }
0x1c4: {  	v21 =	vmul.f32 v21, v39;
	v23 =	vadd.f32 v23, v18;
	v18 =	vld [tilespmem:$0x1F6E0];
	_ =	sdelay $0x1  }
0x1c5: {  	v27 =	vld [tilespmem:$0x1F750];
	v21 =	vadd.f32 v21, v17;
	v17 =	vadd.s32 $0x88, v1  }
0x1c6: {  	v24 =	vadd.s32 v17, v4;
	v17 =	vld [tilespmem:$0x1F700]  }
0x1c7: {  	v14 =	vld.idx.msk [tilespmem:v19+s5+$0x0], $0xffff  }
0x1c8: {  	v20 =	vmul.f32 v20, v18;
	v18 =	vld.idx.msk [tilespmem:v19+s24+$0x0], $0xffff  }
0x1c9: {  	v19 =	vld [tilespmem:$0x1F710]  }
0x1ca: {  	v2 =	vadd.f32 v20, v2;
	v20 =	vld [tilespmem:$0x1F740];
	_ =	sdelay $0x3  }
0x1cb: {  	v25 =	vld [tilespmem:$0x1F730];
	v19 =	vmul.f32 v19, v17  }
0x1cc: {  	v26 =	vadd.s32 $0x89, v1;
	v40 =	vadd.s32 $0x82, v1;
	v17 =	vld [tilespmem:$0x1F720];
	v27 =	vmul.f32 v27, v20  }
0x1cd: {  	v45 =	vadd.s32 v40, v4;
	v40 =	vadd.s32 v26, v4;
	v26 =	vadd.f32 v19, v22;
	v22 =	vld [tilespmem:$0x1F760]  }
0x1ce: {  	v27 =	vadd.f32 v27, v23;
	v23 =	vld [tilespmem:$0x1F770];
	_ =	sdelay $0x2  }
0x1cf: {  	v28 =	vld [tilespmem:$0x1F790];
	v25 =	vmul.f32 v25, v17  }
0x1d0: {  	v19 =	vld.idx.msk [tilespmem:v0+s5+$0x0], $0xffff  }
0x1d1: {  	v25 =	vadd.f32 v25, v21;
	v21 =	vadd.s32 $0x8A, v1;
	v23 =	vmul.f32 v23, v22;
	v22 =	vld.idx.msk [tilespmem:v0+s24+$0x0], $0xffff  }
0x1d2: {  	v0 =	vadd.s32 v21, v4;
	v21 =	vld [tilespmem:$0x1F780];
	_ =	sdelay $0x3  }
0x1d3: {  	v29 =	vld [tilespmem:$0x1F7B0]  }
0x1d4: {  	v28 =	vmul.f32 v28, v21;
	v21 =	vld [tilespmem:$0x1F7A0]  }
0x1d5: {  	v30 =	vld [tilespmem:$0x1F7D0]  }
0x1d6: {  	v2 =	vadd.f32 v23, v2;
	v23 =	vld [tilespmem:$0x1F7C0];
	_ =	sdelay $0x2  }
0x1d7: {  	v11 =	vld.idx.msk [tilespmem:v45+s5+$0x0], $0xffff;
	v29 =	vmul.f32 v29, v21  }
0x1d8: {  	v15 =	vld.idx.msk [tilespmem:v45+s24+$0x0], $0xffff  }
0x1d9: {  	v42 =	vmul.f32 v30, v23;
	v30 =	vld [tilespmem:$0x1F810];
	v29 =	vadd.f32 v29, v25;
	v25 =	vadd.s32 $0x8C, v1  }
0x1da: {  	v45 =	vadd.s32 v25, v4;
	v25 =	vld [tilespmem:$0x1F800];
	_ =	sdelay $0x1  }
0x1db: {  	v28 =	vadd.f32 v28, v26;
	v26 =	vld [tilespmem:$0x1F7E0]  }
0x1dc: {  	v33 =	vadd.f32 v42, v27;
	v27 =	vld [tilespmem:$0x1F7F0];
	_ =	sdelay $0x1  }
0x1dd: {  	v46 =	vmul.f32 v30, v25;
	v25 =	vld [tilespmem:$0x1F820]  }
0x1de: {  	v30 =	vld [tilespmem:$0x1F830];
	_ =	sdelay $0x1  }
0x1df: {  	v27 =	vmul.f32 v27, v26;
	_ =	sdelay $0x1  }
0x1e0: {  	v2 =	vadd.f32 v27, v2;
	v27 =	vld [tilespmem:$0x1F840]  }
0x1e1: {  	v47 =	vmul.f32 v30, v25;
	v30 =	vld [tilespmem:$0x1F850]  }
0x1e2: {  	v52 =	vadd.s32 $0x83, v1  }
0x1e3: {  	v54 =	vadd.s32 v52, v4;
	_ =	sdelay $0x1  }
0x1e4: {  	v53 =	vld [tilespmem:$0x1F870]  }
0x1e5: {  	v51 =	vmul.f32 v30, v27;
	v30 =	vld [tilespmem:$0x1F860];
	_ =	sdelay $0x1  }
0x1e6: {  	v12 =	vld.idx.msk [tilespmem:v54+s24+$0x0], $0xffff;
	[tilespmem:$0x1FBE0] =	vst v35;
	v35 =	vadd.s32 $0x86, v1  }
0x1e7: {  	v37 =	vadd.s32 v35, v4;
	v10 =	vld.idx.msk [tilespmem:v54+s5+$0x0], $0xffff  }
0x1e8: {  	v54 =	vld [tilespmem:$0x1F890]  }
0x1e9: {  	v35 =	vmul.f32 v53, v30;
	v30 =	vld [tilespmem:$0x1F880];
	_ =	sdelay $0x1  }
0x1ea: {  	v55 =	vld [tilespmem:$0x1F8B0]  }
0x1eb: {  	v20 =	vld.idx.msk [tilespmem:v37+s24+$0x0], $0xffff  }
0x1ec: {  	v17 =	vld.idx.msk [tilespmem:v37+s5+$0x0], $0xffff  }
0x1ed: {  	v37 =	vmul.f32 v54, v30;
	v30 =	vld [tilespmem:$0x1F8A0];
	_ =	sdelay $0x3  }
0x1ee: {  	v60 =	vld [tilespmem:$0x1F8D0]  }
0x1ef: {  	v38 =	vmul.f32 v55, v30;
	v30 =	vld [tilespmem:$0x1F8C0];
	_ =	sdelay $0x3  }
0x1f0: {  	v28 =	vadd.f32 v46, v28;
	v46 =	vld [tilespmem:$0x1F8F0]  }
0x1f1: {  	v2 =	vadd.f32 v35, v2;
	v35 =	vmul.f32 v60, v30;
	v30 =	vld [tilespmem:$0x1F8E0];
	_ =	sdelay $0x2  }
0x1f2: {  	v33 =	vadd.f32 v51, v33  }
0x1f3: {  	v29 =	vadd.f32 v47, v29;
	v47 =	vld [tilespmem:$0x1F910]  }
0x1f4: {  	v33 =	vadd.f32 v35, v33;
	v35 =	vmul.f32 v46, v30;
	v30 =	vld [tilespmem:$0x1F900]  }
0x1f5: {  	v59 =	vadd.s32 $0x8F, v1  }
0x1f6: {  	v52 =	vadd.s32 $0x8E, v1;
	v61 =	vadd.s32 v59, v4;
	v59 =	vld [tilespmem:$0x1F9B0]  }
0x1f7: {  	v50 =	vadd.s32 $0x8D, v1;
	v41 =	vadd.s32 $0x8B, v1;
	v34 =	vadd.s32 v52, v4;
	v52 =	vld [tilespmem:$0x1F950]  }
0x1f8: {  	v32 =	vadd.s32 v41, v4;
	v36 =	vadd.s32 v50, v4;
	v50 =	vld [tilespmem:$0x1F930]  }
0x1f9: {  	v39 =	vmul.f32 v47, v30;
	v30 =	vld [tilespmem:$0x1F920]  }
0x1fa: {  	v23 =	vld.idx.msk [tilespmem:v40+s5+$0x0], $0xffff  }
0x1fb: {  	v25 =	vld.idx.msk [tilespmem:v0+s5+$0x0], $0xffff  }
0x1fc: {  	v0 =	vld.idx.msk [tilespmem:v0+s24+$0x0], $0xffff  }
0x1fd: {  	v27 =	vld.idx.msk [tilespmem:v32+s5+$0x0], $0xffff  }
0x1fe: {  	v42 =	vmul.f32 v50, v30;
	v30 =	vld [tilespmem:$0x1F940]  }
0x1ff: {  	v32 =	vld.idx.msk [tilespmem:v32+s24+$0x0], $0xffff  }
0x200: {  	v21 =	vld.idx.msk [tilespmem:v24+s5+$0x0], $0xffff  }
0x201: {  	v24 =	vld.idx.msk [tilespmem:v24+s24+$0x0], $0xffff  }
0x202: {  	v54 =	vld [tilespmem:$0x1F970]  }
0x203: {  	v2 =	vadd.f32 v35, v2;
	v35 =	vmul.f32 v52, v30;
	v30 =	vld [tilespmem:$0x1F960]  }
0x204: {  	v26 =	vld.idx.msk [tilespmem:v40+s24+$0x0], $0xffff;
	v0 =	vsub.f32 v0, v25;
	v25 =	vsub.f32 v32, v27  }
0x205: {  	v40 =	vld.idx.msk [tilespmem:v45+s5+$0x0], $0xffff;
	v27 =	vadd.s32 $0x9F, v1  }
0x206: {  	v31 =	vmul.f32 v31, v43;
	v41 =	vld.idx.msk [tilespmem:v45+s24+$0x0], $0xffff;
	v43 =	vmul.f32 v25, v25;
	v25 =	vadd.s32 v27, v4  }
0x207: {  	v55 =	vld [tilespmem:$0x1F990]  }
0x208: {  	v33 =	vadd.f32 v35, v33;
	v35 =	vmul.f32 v54, v30;
	v30 =	vld [tilespmem:$0x1F980]  }
0x209: {  	v28 =	vadd.f32 v37, v28;
	v37 =	vld.idx.msk [tilespmem:v36+s5+$0x0], $0xffff  }
0x20a: {  	v36 =	vld.idx.msk [tilespmem:v36+s24+$0x0], $0xffff  }
0x20b: {  	v41 =	vsub.f32 v41, v40;
	v40 =	vld.idx.msk [tilespmem:v25+s5+$0x0], $0xffff  }
0x20c: {  	v25 =	vld.idx.msk [tilespmem:v25+s24+$0x0], $0xffff  }
0x20d: {  	v45 =	vadd.s32 $0x90, v1;
	v28 =	vadd.f32 v39, v28;
	v39 =	vmul.f32 v55, v30;
	v30 =	vld [tilespmem:$0x1F9A0]  }
0x20e: {  	v29 =	vadd.f32 v38, v29;
	v38 =	vadd.s32 v45, v4;
	v45 =	vld.idx.msk [tilespmem:v34+s5+$0x0], $0xffff  }
0x20f: {  	v47 =	vld.idx.msk [tilespmem:v61+s24+$0x0], $0xffff  }
0x210: {  	v29 =	vadd.f32 v42, v29;
	v42 =	vld.idx.msk [tilespmem:v61+s5+$0x0], $0xffff  }
0x211: {  	v61 =	vld [tilespmem:$0x1F9D0]  }
0x212: {  	v50 =	vmul.f32 v59, v30;
	v30 =	vld [tilespmem:$0x1F9C0]  }
0x213: {  	v51 =	vadd.s32 $0x91, v1;
	v53 =	vadd.s32 $0x92, v1;
	v34 =	vld.idx.msk [tilespmem:v34+s24+$0x0], $0xffff  }
0x214: {  	[tilespmem:$0x1FBD0] =	vst v5;
	v5 =	vadd.s32 v53, v4;
	v53 =	vld.idx.msk [tilespmem:v38+s24+$0x0], $0xffff;
	v46 =	vadd.s32 v51, v4  }
0x215: {  	v51 =	vld.idx.msk [tilespmem:v38+s5+$0x0], $0xffff  }
0x216: {  	v54 =	vld [tilespmem:$0x1F9F0]  }
0x217: {  	v2 =	vadd.f32 v35, v2;
	v35 =	vmul.f32 v61, v30;
	v30 =	vld [tilespmem:$0x1F9E0]  }
0x218: {  	v48 =	vmul.f32 v48, v58;
	v55 =	vld [tilespmem:$0x1FA10]  }
0x219: {  	v58 =	vadd.s32 $0x98, v1;
	v60 =	vadd.s32 $0x93, v1;
	v29 =	vadd.f32 v50, v29;
	v50 =	vld.idx.msk [tilespmem:v46+s5+$0x0], $0xffff  }
0x21a: {  	v38 =	vadd.s32 v60, v4;
	v60 =	vadd.s32 v58, v4;
	v46 =	vld.idx.msk [tilespmem:v46+s24+$0x0], $0xffff  }
0x21b: {  	v61 =	vld [tilespmem:$0x1FEC0]  }
0x21c: {  	v52 =	vadd.s32 $0x94, v1;
	v33 =	vadd.f32 v35, v33;
	v35 =	vmul.f32 v54, v30;
	v30 =	vld [tilespmem:$0x1FA00]  }
0x21d: {  	v3 =	vmul.f32 v3, v44;
	v7 =	vsub.f32 v9, v7;
	v52 =	vadd.s32 v52, v4;
	v54 =	vld.idx.msk [tilespmem:v5+s5+$0x0], $0xffff  }
0x21e: {  	v59 =	vadd.s32 $0x95, v1;
	v35 =	vadd.f32 v35, v2;
	v2 =	vmul.f32 v62, v49;
	v62 =	vld [tilespmem:$0x1FEE0]  }
0x21f: {  	v6 =	vsub.f32 v8, v6;
	v49 =	vadd.s32 v59, v4;
	v59 =	vsub.f32 v12, v10;
	v12 =	vld.idx.msk [tilespmem:v60+s24+$0x0], $0xffff  }
0x220: {  	v44 =	vadd.s32 $0xA0, v1;
	v14 =	vsub.f32 v18, v14;
	v2 =	vadd.f32 v2, v33;
	v33 =	vld.idx.msk [tilespmem:v38+s24+$0x0], $0xffff  }
0x221: {  	v19 =	vsub.f32 v22, v19;
	v28 =	vadd.f32 v39, v28;
	v39 =	vmul.f32 v55, v30;
	v30 =	vld.idx.msk [tilespmem:v5+s24+$0x0], $0xffff  }
0x222: {  	v22 =	vadd.s32 $0x9C, v1;
	v8 =	vmul.f32 v59, v59;
	v55 =	vsub.f32 v15, v11;
	v11 =	vld.idx.msk [tilespmem:v52+s5+$0x0], $0xffff  }
0x223: {  	v59 =	vmul.f32 v19, v19;
	v19 =	vadd.s32 v22, v4;
	v5 =	vadd.f32 v39, v28;
	v28 =	vld.idx.msk [tilespmem:v38+s5+$0x0], $0xffff  }
0x224: {  	v6 =	vmul.f32 v6, v6;
	v27 =	vsub.f32 v36, v37;
	v38 =	vadd.f32 v31, v35;
	v31 =	vld.idx.msk [tilespmem:v52+s24+$0x0], $0xffff  }
0x225: {  	v45 =	vsub.f32 v34, v45;
	v34 =	vadd.s32 v44, v4;
	v15 =	vadd.s32 $0x97, v1;
	v35 =	vld.idx.msk [tilespmem:v49+s5+$0x0], $0xffff  }
0x226: {  	v22 =	vsub.f32 v26, v23;
	v15 =	vadd.s32 v15, v4;
	v6 =	vadd.f32 v8, v6;
	v10 =	vld.idx.msk [tilespmem:v49+s24+$0x0], $0xffff  }
0x227: {  	v39 =	vadd.f32 v48, v29;
	v9 =	vmul.f32 v55, v55;
	v55 =	vmul.f32 v14, v14;
	v14 =	vld.idx.msk [tilespmem:v60+s5+$0x0], $0xffff  }
0x228: {  	v29 =	vadd.s32 $0x96, v1;
	v49 =	vadd.s32 $0x9A, v1;
	v52 =	vsub.f32 v20, v17;
	v26 =	vld.idx.msk [tilespmem:v19+s5+$0x0], $0xffff  }
0x229: {  	v48 =	vsub.f32 v16, v13;
	v29 =	vadd.s32 v29, v4;
	v17 =	vadd.s32 v49, v4;
	v19 =	vld.idx.msk [tilespmem:v19+s24+$0x0], $0xffff  }
0x22a: {  	v49 =	vadd.s32 $0xA1, v1;
	v8 =	vmul.f32 v52, v52;
	v52 =	vsub.f32 v47, v42;
	v42 =	vld.idx.msk [tilespmem:v34+s5+$0x0], $0xffff  }
0x22b: {  	v16 =	vadd.s32 $0x99, v1;
	v36 =	vadd.s32 v49, v4;
	v49 =	vsub.f32 v30, v54;
	v30 =	vld.idx.msk [tilespmem:v34+s24+$0x0], $0xffff  }
0x22c: {  	v16 =	vadd.s32 v16, v4;
	v6 =	vadd.f32 v55, v6;
	v18 =	vld.idx.msk [tilespmem:v15+s5+$0x0], $0xffff  }
0x22d: {  	v15 =	vld.idx.msk [tilespmem:v15+s24+$0x0], $0xffff  }
0x22e: {  	v7 =	vmul.f32 v7, v7;
	v6 =	vadd.f32 v59, v6;
	v59 =	vld [tilespmem:$0x1FE90]  }
0x22f: {  	v20 =	vadd.s32 $0x9B, v1;
	v13 =	vld.idx.msk [tilespmem:v29+s5+$0x0], $0xffff  }
0x230: {  	v20 =	vadd.s32 v20, v4;
	v7 =	vadd.f32 v9, v7;
	v9 =	vmul.f32 v48, v48;
	v29 =	vld.idx.msk [tilespmem:v29+s24+$0x0], $0xffff  }
0x231: {  	v58 =	vsub.f32 v24, v21;
	v21 =	vld.idx.msk [tilespmem:v16+s5+$0x0], $0xffff  }
0x232: {  	v7 =	vadd.f32 v9, v7;
	v16 =	vld.idx.msk [tilespmem:v16+s24+$0x0], $0xffff  }
0x233: {  	v0 =	vmul.f32 v0, v0;
	v24 =	vadd.s32 $0x9D, v1;
	v23 =	vld.idx.msk [tilespmem:v17+s5+$0x0], $0xffff  }
0x234: {  	v53 =	vsub.f32 v53, v51;
	v60 =	vmul.f32 v22, v22;
	v7 =	vadd.f32 v8, v7;
	v8 =	vld.idx.msk [tilespmem:v17+s24+$0x0], $0xffff  }
0x235: {  	v48 =	vmul.f32 v27, v27;
	v55 =	vadd.s32 $0xA2, v1;
	v17 =	vadd.s32 v24, v4;
	v22 =	vld.idx.msk [tilespmem:v20+s5+$0x0], $0xffff  }
0x236: {  	v47 =	vsub.f32 v46, v50;
	v54 =	vsub.f32 v31, v11;
	v31 =	vadd.s32 $0xA5, v1;
	v20 =	vld.idx.msk [tilespmem:v20+s24+$0x0], $0xffff  }
0x237: {  	v9 =	vmul.f32 v58, v58;
	v6 =	vadd.f32 v60, v6;
	v60 =	vld [tilespmem:$0x1FED0];
	v31 =	vadd.s32 v31, v4  }
0x238: {  	v51 =	vmul.f32 v47, v47;
	v28 =	vsub.f32 v33, v28;
	v24 =	vadd.s32 $0x9E, v1;
	v33 =	vld.idx.msk [tilespmem:v36+s24+$0x0], $0xffff  }
0x239: {  	v24 =	vadd.s32 v24, v4;
	v7 =	vadd.f32 v9, v7;
	v9 =	vmul.f32 v41, v41;
	v41 =	vld.idx.msk [tilespmem:v36+s5+$0x0], $0xffff  }
0x23a: {  	v47 =	vadd.s32 $0xA8, v1;
	v46 =	vsub.f32 v12, v14;
	v6 =	vadd.f32 v43, v6;
	v32 =	vld.idx.msk [tilespmem:v17+s5+$0x0], $0xffff  }
0x23b: {  	v14 =	vadd.s32 v47, v4;
	v15 =	vsub.f32 v15, v18;
	v0 =	vadd.f32 v0, v7;
	v17 =	vld.idx.msk [tilespmem:v17+s24+$0x0], $0xffff  }
0x23c: {  	v7 =	vmul.f32 v45, v45;
	v6 =	vadd.f32 v48, v6;
	v48 =	vadd.s32 $0xA3, v1;
	v12 =	vld.idx.msk [tilespmem:v31+s5+$0x0], $0xffff  }
0x23d: {  	v45 =	vadd.s32 v55, v4;
	v50 =	vadd.s32 v48, v4;
	v48 =	vmul.f32 v15, v15;
	v15 =	vld.idx.msk [tilespmem:v31+s24+$0x0], $0xffff  }
0x23e: {  	v27 =	vld.idx.msk [tilespmem:v24+s5+$0x0], $0xffff  }
0x23f: {  	v58 =	vmul.f32 v52, v52;
	v52 =	vadd.s32 $0xA4, v1;
	v0 =	vadd.f32 v9, v0;
	v24 =	vld.idx.msk [tilespmem:v24+s24+$0x0], $0xffff  }
0x240: {  	v9 =	vmul.f32 v53, v53;
	v53 =	vadd.s32 v52, v4;
	v52 =	vsub.f32 v19, v26;
	v19 =	vld.idx.msk [tilespmem:v14+s5+$0x0], $0xffff  }
0x241: {  	v14 =	vld.idx.msk [tilespmem:v14+s24+$0x0], $0xffff  }
0x242: {  	v6 =	vadd.f32 v58, v6;
	v58 =	vadd.s32 $0xA6, v1;
	v11 =	vld.idx.msk [tilespmem:v45+s5+$0x0], $0xffff  }
0x243: {  	v55 =	vmul.f32 v28, v28;
	v43 =	vsub.f32 v29, v13;
	v29 =	vadd.s32 v58, v4;
	v28 =	vld.idx.msk [tilespmem:v45+s24+$0x0], $0xffff  }
0x244: {  	v10 =	vsub.f32 v10, v35;
	v31 =	vadd.s32 $0xA9, v1;
	v0 =	vadd.f32 v7, v0;
	v35 =	vld.idx.msk [tilespmem:v50+s5+$0x0], $0xffff  }
0x245: {  	v7 =	vmul.f32 v49, v49;
	v49 =	vsub.f32 v8, v23;
	v23 =	vadd.s32 v31, v4;
	v13 =	vld.idx.msk [tilespmem:v50+s24+$0x0], $0xffff  }
0x246: {  	v44 =	vmul.f32 v10, v10;
	v45 =	vadd.s32 $0xA7, v1;
	v10 =	vld.idx.msk [tilespmem:v53+s5+$0x0], $0xffff  }
0x247: {  	v16 =	vsub.f32 v16, v21;
	v34 =	vadd.s32 v45, v4;
	v18 =	vld.idx.msk [tilespmem:v53+s24+$0x0], $0xffff  }
0x248: {  	v20 =	vsub.f32 v20, v22;
	v26 =	vadd.s32 $0xAB, v1;
	v21 =	vld.idx.msk [tilespmem:v29+s5+$0x0], $0xffff  }
0x249: {  	v6 =	vadd.f32 v51, v6;
	v51 =	vmul.f32 v16, v16;
	v0 =	vadd.f32 v9, v0;
	v50 =	vld.idx.msk [tilespmem:v29+s24+$0x0], $0xffff  }
0x24a: {  	v31 =	vadd.s32 $0xAC, v1;
	v53 =	vmul.f32 v20, v20;
	v20 =	vadd.s32 v26, v4;
	v26 =	vld.idx.msk [tilespmem:v23+s5+$0x0], $0xffff  }
0x24b: {  	v9 =	vmul.f32 v54, v54;
	v6 =	vadd.f32 v55, v6;
	v0 =	vadd.f32 v7, v0;
	v23 =	vld.idx.msk [tilespmem:v23+s24+$0x0], $0xffff  }
0x24c: {  	v54 =	vsub.f32 v24, v27;
	v24 =	vadd.s32 v31, v4;
	v27 =	vadd.s32 $0xAD, v1;
	v16 =	vld.idx.msk [tilespmem:v34+s5+$0x0], $0xffff  }
0x24d: {  	v0 =	vadd.f32 v9, v0;
	v9 =	vmul.f32 v46, v46;
	v46 =	vadd.s32 $0xB1, v1;
	v22 =	vld.idx.msk [tilespmem:v34+s24+$0x0], $0xffff  }
0x24e: {  	v12 =	vsub.f32 v15, v12;
	v27 =	vadd.s32 v27, v4;
	v15 =	vadd.s32 v46, v4;
	v46 =	vld [tilespmem:$0x1FA60]  }
0x24f: {  	v25 =	vsub.f32 v25, v40;
	v29 =	vadd.s32 $0xAA, v1;
	v58 =	vld.idx.msk [tilespmem:v20+s5+$0x0], $0xffff  }
0x250: {  	v40 =	vadd.s32 $0xAF, v1;
	v6 =	vadd.f32 v44, v6;
	v29 =	vadd.s32 v29, v4;
	v20 =	vld.idx.msk [tilespmem:v20+s24+$0x0], $0xffff  }
0x251: {  	v5 =	vadd.f32 v3, v5;
	v36 =	vmul.f32 v25, v25;
	v37 =	vsub.f32 v30, v42;
	v31 =	vld.idx.msk [tilespmem:v24+s5+$0x0], $0xffff  }
0x252: {  	v17 =	vsub.f32 v17, v32;
	v6 =	vadd.f32 v48, v6;
	v42 =	vld.idx.msk [tilespmem:v24+s24+$0x0], $0xffff;
	v24 =	vadd.s32 v40, v4  }
0x253: {  	v30 =	vsub.f32 v33, v41;
	v14 =	vsub.f32 v14, v19;
	v7 =	vmul.f32 v43, v43;
	v44 =	vld.idx.msk [tilespmem:v27+s5+$0x0], $0xffff  }
0x254: {  	v55 =	vmul.f32 v17, v17;
	v34 =	vadd.s32 $0xAE, v1;
	v6 =	vadd.f32 v51, v6;
	v27 =	vld.idx.msk [tilespmem:v27+s24+$0x0], $0xffff  }
0x255: {  	v0 =	vadd.f32 v7, v0;
	v7 =	vmul.f32 v49, v49;
	v10 =	vsub.f32 v18, v10;
	v17 =	vld.idx.msk [tilespmem:v29+s5+$0x0], $0xffff  }
0x256: {  	v25 =	vadd.s32 v34, v4;
	v8 =	vsub.f32 v50, v21;
	v6 =	vadd.f32 v53, v6;
	v29 =	vld.idx.msk [tilespmem:v29+s24+$0x0], $0xffff  }
0x257: {  	v0 =	vadd.f32 v9, v0;
	v19 =	vsub.f32 v23, v26;
	v26 =	vadd.s32 $0xB6, v1;
	v18 =	vld.idx.msk [tilespmem:v24+s5+$0x0], $0xffff  }
0x258: {  	v3 =	vadd.f32 v55, v6;
	v16 =	vsub.f32 v22, v16;
	v22 =	vadd.s32 $0xB3, v1;
	v48 =	vld.idx.msk [tilespmem:v24+s24+$0x0], $0xffff  }
0x259: {  	v9 =	vmul.f32 v52, v52;
	v52 =	vadd.s32 v26, v4;
	v50 =	vadd.s32 v22, v4;
	v22 =	vld.idx.msk [tilespmem:v15+s5+$0x0], $0xffff  }
0x25a: {  	v30 =	vmul.f32 v30, v30;
	v15 =	vld.idx.msk [tilespmem:v15+s24+$0x0], $0xffff;
	v3 =	vadd.f32 v36, v3  }
0x25b: {  	v0 =	vadd.f32 v7, v0;
	v17 =	vsub.f32 v29, v17;
	v29 =	vld [tilespmem:$0x1FAC0]  }
0x25c: {  	v13 =	vsub.f32 v13, v35;
	v3 =	vadd.f32 v30, v3;
	v30 =	vld.idx.msk [tilespmem:v25+s5+$0x0], $0xffff  }
0x25d: {  	v43 =	vadd.s32 $0x6A, v1;
	v7 =	vmul.f32 v54, v54;
	v0 =	vadd.f32 v9, v0;
	v25 =	vld.idx.msk [tilespmem:v25+s24+$0x0], $0xffff  }
0x25e: {  	v41 =	vsub.f32 v28, v11;
	v13 =	vmul.f32 v13, v13;
	v6 =	vadd.s32 v43, v4;
	v54 =	vld.idx.msk [tilespmem:v52+s24+$0x0], $0xffff  }
0x25f: {  	v9 =	vsub.f32 v20, v58;
	v0 =	vadd.f32 v7, v0;
	v20 =	vld.idx.msk [tilespmem:v50+s5+$0x0], $0xffff  }
0x260: {  	v28 =	vmul.f32 v37, v37;
	v47 =	vadd.f32 v13, v3;
	v13 =	vsub.f32 v48, v18;
	v18 =	vld.idx.msk [tilespmem:v52+s5+$0x0], $0xffff  }
0x261: {  	v45 =	vadd.s32 $0xB0, v1;
	v12 =	vmul.f32 v12, v12;
	v48 =	vld [tilespmem:$0x1FA80]  }
0x262: {  	v7 =	vmul.f32 v41, v41;
	v0 =	vadd.f32 v28, v0;
	v3 =	vadd.s32 $0xB2, v1;
	v52 =	vld [tilespmem:$0x1FB00]  }
0x263: {  	v28 =	vadd.s32 v45, v4;
	v24 =	vadd.s32 v3, v4;
	v3 =	vld.idx.msk [tilespmem:v6+s5+$0x0], $0xffff  }
0x264: {  	v16 =	vmul.f32 v16, v16;
	v6 =	vld.idx.msk [tilespmem:v6+s24+$0x0], $0xffff;
	v0 =	vadd.f32 v7, v0;
	v7 =	vadd.f32 v12, v47  }
0x265: {  	v12 =	vld.idx.msk [tilespmem:v50+s24+$0x0], $0xffff  }
0x266: {  	v47 =	vld [tilespmem:$0x1FA70];
	v7 =	vadd.f32 v16, v7;
	v16 =	vadd.s32 $0xB5, v1  }
0x267: {  	v25 =	vsub.f32 v25, v30;
	v30 =	vld [tilespmem:$0x1FAD0];
	v16 =	vadd.s32 v16, v4  }
0x268: {  	v26 =	vadd.s32 $0xB7, v1;
	v19 =	vmul.f32 v19, v19;
	v21 =	vld.idx.msk [tilespmem:v28+s5+$0x0], $0xffff  }
0x269: {  	v10 =	vmul.f32 v10, v10;
	v26 =	vadd.s32 v26, v4;
	v49 =	vld.idx.msk [tilespmem:v28+s24+$0x0], $0xffff  }
0x26a: {  	v27 =	vsub.f32 v27, v44;
	v9 =	vmul.f32 v9, v9;
	v51 =	vld.idx.msk [tilespmem:v24+s5+$0x0], $0xffff;
	v7 =	vadd.f32 v19, v7  }
0x26b: {  	v8 =	vmul.f32 v8, v8;
	v0 =	vadd.f32 v10, v0;
	v28 =	vadd.s32 $0xB4, v1;
	v24 =	vld.idx.msk [tilespmem:v24+s24+$0x0], $0xffff  }
0x26c: {  	v27 =	vmul.f32 v27, v27;
	v23 =	vadd.s32 v28, v4;
	v7 =	vadd.f32 v9, v7;
	v53 =	vld.idx.msk [tilespmem:v16+s5+$0x0], $0xffff  }
0x26d: {  	v14 =	vmul.f32 v14, v14;
	v11 =	vsub.f32 v42, v31;
	v0 =	vadd.f32 v8, v0;
	v16 =	vld.idx.msk [tilespmem:v16+s24+$0x0], $0xffff  }
0x26e: {  	v17 =	vmul.f32 v17, v17;
	v28 =	vadd.s32 $0xB9, v1;
	v7 =	vadd.f32 v27, v7;
	v27 =	vld.idx.msk [tilespmem:v26+s5+$0x0], $0xffff  }
0x26f: {  	v55 =	vadd.s32 v28, v4;
	v0 =	vadd.f32 v14, v0;
	v10 =	vsub.f32 v49, v21;
	v21 =	vld.idx.msk [tilespmem:v26+s24+$0x0], $0xffff  }
0x270: {  	v26 =	vld [tilespmem:$0x1FA30]  }
0x271: {  	v11 =	vmul.f32 v11, v11;
	v28 =	vadd.s32 $0xBA, v1;
	v0 =	vadd.f32 v17, v0;
	v19 =	vld.idx.msk [tilespmem:v23+s5+$0x0], $0xffff  }
0x272: {  	v15 =	vsub.f32 v15, v22;
	v13 =	vmul.f32 v13, v13;
	v22 =	vadd.s32 v28, v4;
	v23 =	vld.idx.msk [tilespmem:v23+s24+$0x0], $0xffff  }
0x273: {  	v25 =	vmul.f32 v25, v25;
	v8 =	vsub.f32 v24, v51;
	v51 =	vld [tilespmem:$0x1FAF0];
	v0 =	vadd.f32 v11, v0  }
0x274: {  	v15 =	vmul.f32 v15, v15;
	v12 =	vsub.f32 v12, v20;
	v24 =	vadd.s32 $0xBC, v1;
	v20 =	vld.idx.msk [tilespmem:v55+s5+$0x0], $0xffff  }
0x275: {  	v7 =	vadd.f32 v13, v7;
	v32 =	vld.idx.msk [tilespmem:v55+s24+$0x0], $0xffff;
	v0 =	vadd.f32 v25, v0;
	v25 =	vadd.s32 $0xBB, v1  }
0x276: {  	v33 =	vadd.s32 v24, v4;
	v55 =	vld [tilespmem:$0x1FB30];
	v25 =	vadd.s32 v25, v4  }
0x277: {  	v24 =	vadd.s32 $0xBD, v1;
	v11 =	vsub.f32 v54, v18;
	v7 =	vadd.f32 v15, v7;
	v15 =	vld.idx.msk [tilespmem:v22+s5+$0x0], $0xffff  }
0x278: {  	v41 =	vadd.s32 $0x6C, v1;
	v9 =	vsub.f32 v16, v53;
	v16 =	vld.idx.msk [tilespmem:v22+s24+$0x0], $0xffff;
	v22 =	vadd.s32 v24, v4  }
0x279: {  	v17 =	vadd.s32 $0xB8, v1;
	v36 =	vmul.f32 v11, v11;
	v11 =	vadd.s32 v41, v4;
	v41 =	vld [tilespmem:$0x1FB60]  }
0x27a: {  	v17 =	vadd.s32 v17, v4;
	v53 =	vld [tilespmem:$0x1FB10]  }
0x27b: {  	v12 =	vmul.f32 v12, v12;
	v18 =	vsub.f32 v21, v27;
	v34 =	vld.idx.msk [tilespmem:v25+s5+$0x0], $0xffff  }
0x27c: {  	v10 =	vmul.f32 v10, v10;
	v19 =	vsub.f32 v23, v19;
	v23 =	vld.idx.msk [tilespmem:v25+s24+$0x0], $0xffff  }
0x27d: {  	v7 =	vadd.f32 v12, v7;
	v9 =	vmul.f32 v9, v9;
	v37 =	vmul.f32 v18, v18;
	v18 =	vld.idx.msk [tilespmem:v22+s5+$0x0], $0xffff  }
0x27e: {  	v8 =	vmul.f32 v8, v8;
	v0 =	vadd.f32 v10, v0;
	v10 =	vsub.f32 v32, v20;
	v20 =	vld.idx.msk [tilespmem:v22+s24+$0x0], $0xffff  }
0x27f: {  	v35 =	vadd.s32 $0xBE, v1;
	v58 =	vld.idx.msk [tilespmem:v17+s5+$0x0], $0xffff;
	v7 =	vadd.f32 v9, v7  }
0x280: {  	v12 =	vadd.s32 v35, v4;
	v21 =	vld.idx.msk [tilespmem:v33+s5+$0x0], $0xffff;
	v0 =	vadd.f32 v8, v0  }
0x281: {  	v14 =	vld.idx.msk [tilespmem:v33+s24+$0x0], $0xffff;
	v10 =	vmul.f32 v10, v10;
	v7 =	vadd.f32 v37, v7;
	v8 =	vsub.f32 v23, v34  }
0x282: {  	v29 =	vmul.f32 v30, v29;
	v30 =	vadd.s32 $0x75, v1;
	v17 =	vld.idx.msk [tilespmem:v17+s24+$0x0], $0xffff  }
0x283: {  	v25 =	vld [tilespmem:$0x1FA20];
	v7 =	vadd.f32 v10, v7;
	v18 =	vsub.f32 v20, v18;
	v8 =	vmul.f32 v8, v8  }
0x284: {  	v30 =	vadd.s32 v30, v4;
	v19 =	vmul.f32 v19, v19;
	v32 =	vmul.f32 v53, v52;
	v52 =	vld [tilespmem:$0x1FC10]  }
0x285: {  	v24 =	vadd.s32 $0xBF, v1;
	v40 =	vld.idx.msk [tilespmem:v12+s5+$0x0], $0xffff;
	v18 =	vmul.f32 v18, v18;
	v7 =	vadd.f32 v8, v7  }
0x286: {  	v0 =	vadd.f32 v19, v0;
	v19 =	vadd.s32 v24, v4;
	v14 =	vsub.f32 v14, v21;
	v21 =	vld [tilespmem:$0x1FA50]  }
0x287: {  	v7 =	vadd.f32 v18, v7;
	v18 =	vld [tilespmem:$0x1FA40]  }
0x288: {  	v13 =	vsub.f32 v17, v58;
	v12 =	vld.idx.msk [tilespmem:v12+s24+$0x0], $0xffff  }
0x289: {  	v15 =	vsub.f32 v16, v15;
	v37 =	vld.idx.msk [tilespmem:v30+s5+$0x0], $0xffff  }
0x28a: {  	v17 =	vadd.s32 $0x6B, v1;
	v30 =	vld.idx.msk [tilespmem:v30+s24+$0x0], $0xffff;
	v0 =	vadd.f32 v36, v0;
	v13 =	vmul.f32 v13, v13  }
0x28b: {  	v42 =	vadd.s32 $0x6D, v1;
	v58 =	vadd.s32 $0x77, v1;
	v17 =	vadd.s32 v17, v4;
	v16 =	vld.idx.msk [tilespmem:v19+s5+$0x0], $0xffff  }
0x28c: {  	v15 =	vmul.f32 v15, v15;
	v0 =	vadd.f32 v13, v0;
	v43 =	vld.idx.msk [tilespmem:v19+s24+$0x0], $0xffff;
	v18 =	vmul.f32 v21, v18  }
0x28d: {  	v35 =	vadd.s32 v58, v4;
	v10 =	vadd.s32 v42, v4;
	v42 =	vld [tilespmem:$0x1FB70];
	v9 =	vsub.f32 v12, v40  }
0x28e: {  	v14 =	vmul.f32 v14, v14;
	v23 =	vld [tilespmem:$0x1FA90];
	v0 =	vadd.f32 v15, v0;
	v2 =	vadd.f32 v18, v2  }
0x28f: {  	v40 =	vld [tilespmem:$0x1FB50]  }
0x290: {  	v9 =	vmul.f32 v9, v9;
	v0 =	vadd.f32 v14, v0;
	v2 =	vadd.f32 v29, v2;
	v29 =	vld [tilespmem:$0x1FAE0]  }
0x291: {  	v19 =	vld.idx.msk [tilespmem:v17+s5+$0x0], $0xffff;
	v44 =	vsub.f32 v43, v16  }
0x292: {  	v25 =	vmul.f32 v26, v25;
	v17 =	vld.idx.msk [tilespmem:v17+s24+$0x0], $0xffff;
	v0 =	vadd.f32 v9, v0;
	v9 =	vmul.f32 v47, v46  }
0x293: {  	v36 =	vmul.f32 v42, v41;
	v41 =	vld.idx.msk [tilespmem:v35+s5+$0x0], $0xffff;
	v12 =	vmul.f32 v44, v44  }
0x294: {  	v24 =	vadd.s32 $0x72, v1;
	v16 =	vadd.f32 v25, v39;
	v25 =	vld [tilespmem:$0x1FAB0];
	v49 =	vadd.f32 v9, v38  }
0x295: {  	v7 =	vadd.f32 v12, v7;
	v18 =	vadd.s32 v24, v4;
	v24 =	vld [tilespmem:$0x1FAA0];
	v29 =	vmul.f32 v51, v29  }
0x296: {  	v35 =	vld.idx.msk [tilespmem:v35+s24+$0x0], $0xffff  }
0x297: {  	v0 =	vadd.f32 v7, v0;
	v7 =	vadd.f32 v29, v49;
	v29 =	vld [tilespmem:$0x1FB20]  }
0x298: {  	v8 =	vld.idx.msk [tilespmem:v11+s5+$0x0], $0xffff  }
0x299: {  	v11 =	vld.idx.msk [tilespmem:v11+s24+$0x0], $0xffff  }
0x29a: {  	v15 =	vadd.s32 $0x6F, v1;
	v14 =	vld.idx.msk [tilespmem:v10+s5+$0x0], $0xffff;
	v24 =	vmul.f32 v25, v24  }
0x29b: {  	v45 =	vadd.s32 v15, v4;
	v10 =	vld.idx.msk [tilespmem:v10+s24+$0x0], $0xffff  }
0x29c: {  	v15 =	vadd.s32 $0x70, v1;
	v43 =	vld [tilespmem:$0x1FB90];
	v16 =	vadd.f32 v24, v16;
	v29 =	vmul.f32 v55, v29  }
0x29d: {  	v15 =	vadd.s32 v15, v4;
	v46 =	vld [tilespmem:$0x1FBB0]  }
0x29e: {  	v16 =	vadd.f32 v29, v16;
	v29 =	vld [tilespmem:$0x1FB40]  }
0x29f: {  	v47 =	vld [tilespmem:$0x1FBC0]  }
0x2a0: {  	v20 =	vadd.s32 $0x6E, v1;
	v13 =	vld.idx.msk [tilespmem:v45+s24+$0x0], $0xffff  }
0x2a1: {  	v20 =	vadd.s32 v20, v4;
	v12 =	vmul.f32 v23, v48;
	v23 =	vld.idx.msk [tilespmem:v45+s5+$0x0], $0xffff  }
0x2a2: {  	v9 =	vld.idx.msk [tilespmem:v15+s5+$0x0], $0xffff  }
0x2a3: {  	v26 =	vadd.s32 $0x74, v1;
	v15 =	vld.idx.msk [tilespmem:v15+s24+$0x0], $0xffff;
	v29 =	vmul.f32 v40, v29  }
0x2a4: {  	v26 =	vadd.s32 v26, v4;
	v48 =	vld [tilespmem:$0x1FBD0]  }
0x2a5: {  	v44 =	vadd.s32 $0x79, v1;
	v2 =	vadd.f32 v29, v2;
	v29 =	vld [tilespmem:$0x1FB80]  }
0x2a6: {  	v50 =	vadd.s32 $0x73, v1;
	v38 =	vadd.s32 v44, v4;
	v21 =	vld.idx.msk [tilespmem:v20+s5+$0x0], $0xffff;
	v0 =	vmax.f32 v0, $1.000000000e-30  }
0x2a7: {  	v20 =	vld.idx.msk [tilespmem:v20+s24+$0x0], $0xffff;
	v5 =	vadd.f32 v12, v5;
	v27 =	vshra.s32 v0, $0x1;
	v28 =	vmul.f32 $5.000000000e-01, v0  }
0x2a8: {  	v12 =	vadd.s32 v50, v4;
	v50 =	vld [tilespmem:$0x1FBF0];
	v27 =	vsub.s32 $0x5F3759DF, v27  }
0x2a9: {  	v5 =	vadd.f32 v32, v5;
	v32 =	vld.idx.msk [tilespmem:v26+s5+$0x0], $0xffff;
	v31 =	vmul.f32 v27, v28  }
0x2aa: {  	v22 =	vadd.s32 $0x71, v1;
	v26 =	vld.idx.msk [tilespmem:v26+s24+$0x0], $0xffff;
	v29 =	vmul.f32 v43, v29  }
0x2ab: {  	v3 =	vmul.f32 v6, v3;
	v22 =	vadd.s32 v22, v4;
	v6 =	vld.idx.msk [tilespmem:v38+s5+$0x0], $0xffff;
	v31 =	vmul.f32 v27, v31  }
0x2ac: {  	v5 =	vadd.f32 v29, v5;
	v29 =	vld [tilespmem:$0x1FBA0]  }
0x2ad: {  	v17 =	vmul.f32 v17, v19;
	v19 =	vld.idx.msk [tilespmem:v38+s24+$0x0], $0xffff;
	v31 =	vsub.f32 $1.500000000e+00, v31  }
0x2ae: {  	v33 =	vld.idx.msk [tilespmem:v12+s5+$0x0], $0xffff  }
0x2af: {  	v12 =	vld.idx.msk [tilespmem:v12+s24+$0x0], $0xffff;
	v27 =	vmul.f32 v27, v31  }
0x2b0: {  	v25 =	vld.idx.msk [tilespmem:v22+s5+$0x0], $0xffff  }
0x2b1: {  	v54 =	vadd.s32 $0x76, v1;
	v22 =	vld.idx.msk [tilespmem:v22+s24+$0x0], $0xffff;
	v45 =	vmul.f32 v27, v28;
	v29 =	vmul.f32 v46, v29  }
0x2b2: {  	v34 =	vadd.s32 v54, v4;
	v6 =	vmul.f32 v19, v6;
	v19 =	vld [tilespmem:$0x1FD60]  }
0x2b3: {  	v49 =	vadd.s32 $0xC0, v1;
	v39 =	vmul.f32 v45, v27;
	v16 =	vadd.f32 v29, v16;
	v29 =	vld [tilespmem:$0x1FBE0]  }
0x2b4: {  	v24 =	vld.idx.msk [tilespmem:v18+s5+$0x0], $0xffff;
	v42 =	vadd.s32 v49, v4  }
0x2b5: {  	v9 =	vmul.f32 v15, v9;
	v18 =	vld.idx.msk [tilespmem:v18+s24+$0x0], $0xffff;
	v31 =	vadd.s32 $0x78, v1;
	v39 =	vsub.f32 $1.500000000e+00, v39  }
0x2b6: {  	v31 =	vadd.s32 v31, v4;
	v15 =	vmul.f32 v22, v25;
	v22 =	vld [tilespmem:$0x1FD20];
	v40 =	vmul.f32 v48, v47  }
0x2b7: {  	v44 =	vmul.f32 v20, v21;
	v7 =	vadd.f32 v36, v7;
	v36 =	vld.idx.msk [tilespmem:v34+s5+$0x0], $0xffff;
	v27 =	vmul.f32 v39, v27  }
0x2b8: {  	v21 =	vadd.s32 $0x7E, v1;
	v34 =	vld.idx.msk [tilespmem:v34+s24+$0x0], $0xffff;
	v2 =	vadd.f32 v40, v2;
	v29 =	vmul.f32 v50, v29  }
0x2b9: {  	v21 =	vadd.s32 v21, v4;
	v51 =	vadd.s32 $0x7A, v1;
	v54 =	vld.idx.msk [tilespmem:v42+s5+$0x0], $0xffff;
	v28 =	vmul.f32 v27, v28  }
0x2ba: {  	v2 =	vadd.f32 v17, v2;
	v43 =	vadd.s32 v51, v4;
	v7 =	vadd.f32 v29, v7;
	v29 =	vld [tilespmem:$0x1FC00]  }
0x2bb: {  	v40 =	vld.idx.msk [tilespmem:v31+s5+$0x0], $0xffff;
	v17 =	vadd.s32 $0x7D, v1;
	v3 =	vadd.f32 v3, v16;
	v16 =	vadd.s32 $0x7C, v1  }
0x2bc: {  	v28 =	vmul.f32 v28, v27;
	v17 =	vadd.s32 v17, v4;
	v55 =	vadd.s32 v16, v4;
	v16 =	vld.idx.msk [tilespmem:v42+s24+$0x0], $0xffff  }
0x2bd: {  	v31 =	vld.idx.msk [tilespmem:v31+s24+$0x0], $0xffff  }
0x2be: {  	v28 =	vsub.f32 $1.500000000e+00, v28;
	v51 =	vld.idx.msk [tilespmem:v21+s24+$0x0], $0xffff  }
0x2bf: {  	v58 =	vld.idx.msk [tilespmem:v43+s5+$0x0], $0xffff;
	v29 =	vmul.f32 v52, v29  }
0x2c0: {  	v53 =	vadd.s32 $0x7B, v1;
	v8 =	vmul.f32 v11, v8;
	v27 =	vmul.f32 v28, v27;
	v20 =	vld.idx.msk [tilespmem:v43+s24+$0x0], $0xffff  }
0x2c1: {  	v48 =	vld.idx.msk [tilespmem:v17+s5+$0x0], $0xffff;
	v16 =	vsub.f32 v16, v54;
	v5 =	vadd.f32 v29, v5;
	v29 =	vadd.s32 v53, v4  }
0x2c2: {  	v10 =	vmul.f32 v10, v14;
	v28 =	vadd.s32 $0x7F, v1;
	v17 =	vld.idx.msk [tilespmem:v17+s24+$0x0], $0xffff;
	v46 =	vmul.f32 v13, v23  }
0x2c3: {  	v0 =	vmul.f32 v27, v0;
	v23 =	vld.idx.msk [tilespmem:v55+s5+$0x0], $0xffff;
	v16 =	vmul.f32 v16, v22;
	v4 =	vadd.s32 v28, v4  }
0x2c4: {  	v12 =	vmul.f32 v12, v33;
	v2 =	vadd.f32 v46, v2;
	v11 =	vld.idx.msk [tilespmem:v55+s24+$0x0], $0xffff;
	v7 =	vadd.f32 v8, v7  }
0x2c5: {  	v49 =	vmul.f32 v18, v24;
	v0 =	vadd.f32 v0, v16;
	v16 =	vld.idx.msk [tilespmem:v21+s5+$0x0], $0xffff;
	v5 =	vadd.f32 v10, v5  }
0x2c6: {  	v2 =	vadd.f32 v12, v2;
	v3 =	vadd.f32 v44, v3;
	v50 =	vmul.f32 v30, v37;
	v45 =	vld.idx.msk [tilespmem:v29+s5+$0x0], $0xffff  }
0x2c7: {  	v7 =	vadd.f32 v9, v7;
	v5 =	vadd.f32 v15, v5;
	v15 =	vmul.f32 v26, v32;
	v47 =	vld.idx.msk [tilespmem:v29+s24+$0x0], $0xffff  }
0x2c8: {  	v3 =	vadd.f32 v49, v3;
	v52 =	vmul.f32 v35, v41;
	v0 =	vsub.f32 $0.0e+00, v0;
	v18 =	vld.idx.msk [tilespmem:v4+s5+$0x0], $0xffff  }
0x2c9: {  	v8 =	vmul.f32 v17, v48;
	v4 =	vld.idx.msk [tilespmem:v4+s24+$0x0], $0xffff;
	v7 =	vadd.f32 v15, v7;
	v15 =	vmul.f32 v34, v36  }
0x2ca: {  	v33 =	vld [tilespmem:$0x1FE30];
	v21 =	vmul.f32 v31, v40;
	v2 =	vadd.f32 v52, v2;
	v0 =	vmul.f32 $1.442695020e+00, v0  }
0x2cb: {  	v25 =	vld [tilespmem:$0x1FDB0];
	v53 =	vmul.f32 v20, v58;
	v5 =	vadd.f32 v50, v5;
	v3 =	vadd.f32 v15, v3  }
0x2cc: {  	v24 =	vld [tilespmem:$0x1FDA0];
	(erf) = vpow2.f32 v0;
	v7 =	vadd.f32 v21, v7;
	v54 =	vmul.f32 v47, v45  }
0x2cd: {  	v27 =	vld [tilespmem:$0x1FDD0];
	v5 =	vadd.f32 v6, v5;
	v0 =	vadd.f32 v53, v3;
	v3 =	vmul.f32 v11, v23  }
0x2ce: {  	v37 =	vld [tilespmem:$0x1FE50];
	v55 =	vmul.f32 v51, v16;
	v4 =	vmul.f32 v4, v18;
	v2 =	vadd.f32 v54, v2  }
0x2cf: {  	v30 =	vld [tilespmem:$0x1FE00];
	v5 =	vadd.f32 v8, v5;
	v3 =	vadd.f32 v3, v7  }
0x2d0: {  	v17 =	vld [tilespmem:$0x1FD40];
	v0 =	vadd.f32 v55, v0;
	v2 =	vadd.f32 v4, v2  }
0x2d1: {  	v41 =	vld [tilespmem:$0x1FE80]  }
0x2d2: {  	v31 =	vld [tilespmem:$0x1FE10];
	v3 =	vadd.f32 v5, v3;
	v0 =	vadd.f32 v2, v0  }
0x2d3: {  	v28 =	vld [tilespmem:$0x1FDE0]  }
0x2d4: {  	v20 =	vld [tilespmem:$0x1FD70];
	v0 =	vadd.f32 v0, v3  }
0x2d5: {  	v58 =	vld [tilespmem:$0x1FFF0];
	v2 =	vpop (erf)  }
0x2d6: {  	v0 =	vmul.f32 v2, v0;
	v2 =	vld [tilespmem:$0x1FC20]  }
0x2d7: {  	v16 =	vld [tilespmem:$0x1FD30]  }
0x2d8: {  	v32 =	vld [tilespmem:$0x1FE20]  }
0x2d9: {  	p1 =	por p0, p0;
	v26 =	vld [tilespmem:$0x1FDC0]  }
.Ltmp0:
0x2da: {  	v29 =	vld [tilespmem:$0x1FDF0];
	(pc) =	sbr.rel @p1 .LBB2_3-.Ltmp0, $4  }
0x2db: {  	v34 =	vld [tilespmem:$0x1FE40]  }
0x2dc: {  	v21 =	vld [tilespmem:$0x1FD80];
	v0 =	vmul.f32 v0, v58  }
0x2dd: {  	v23 =	vld [tilespmem:$0x1FD90]  }
0x2de: {  	p0 =	por $0x0, $0x0;
	v18 =	vld [tilespmem:$0x1FD50];
	[tilespmem:v2+s4+$0x0 ss:$0x1] =	vst.idx.msk $0xffff, v0;
	s4 =	simm.s32 $0x10  }
0x2df: {  	s3 =	sadd.s32 $0x1, s3  }
0x2e0: {  	p0 =	sne.s32 s3, $0x271  }
.Ltmp1:
0x2e1: {  	_ = 	snop;
	(pc) =	sbr.rel @p0 .LBB2_2-.Ltmp1, $2  }
0x2e2: {  	_ =	sdelay $0x2  }
0x2e3: {  	v15 =	vld [tilespmem:$0x1FD10]  }
0x2e4: {  	s4 =	simm.s32 $0x0  }
0x2e5: {  	v2 =	vimm.f32 $-3.000000010e+38;
	s3 =	simm.s32 $0x40;
	v3 =	vld [tilespmem:s4+$0x4400]  }
.LBB2_6:
0x2e6: {  	p0 =	sne.s32 s3, $0x13840  }
.Ltmp2:
0x2e7: {  	_ = 	snop;
	(pc) =	sbr.rel @p0 .LBB2_6-.Ltmp2, $3  }
0x2e8: {  	_ =	sdelay $0x1  }
0x2e9: {  	s4 =	sshra.s32 s3, $0x2;
	s3 =	sadd.s32 $0x40, s3;
	v2 =	vmax.f32 v2, v3  }
0x2ea: {  	v3 =	vld [tilespmem:s4+$0x4400]  }
0x2eb: {  	_ =	sdelay $0x3  }
0x2ec: {  	v0 =	vmax.f32 v2, v3  }
0x2ed: {  	(xrf0) =	vmax.scan.msk.f32 $0xffff, v0;
	_ =	sdelay $0x5  }
0x2ee: {  	v0, _, _ =	vpop (xrf0)  }
0x2ef: {  	v0 =	vbroadcast v0, $0xF;
	_ =	sdelay $0x1  }
0x2f0: {  	s3 =	rddreg [dreg:$0x7];
	[tilespmem:$0x93A0] =	vst v0  }
0x2f1: {  	[spmem:s3] =	stream.linear.scatter [tilespmem:s28], [sflag:$0x4], $0x10, $0x38;
	[tilespmem:$0x1CC50] =	vst v63  }
0x2f2: {  	_ =	swait.ge [sflag:s18], $0x10  }
0x2f3: {  	[sflag:s18] =	ssyncset.done $0x0  }
0x2f4: {  	[sflag:s18] =	ssyncadd.s32 $0xFFFFFFF0  }
0x2f5: {  	[bflag:$0x0] =	sbarrier.arrive $0xFFFF  }
0x2f6: {  	s11 =	rddreg [dreg:$0x3]  }
0x2f7: {  	[tilespmem:s29], [sflag:$0x4] =	stream.linear.gather [spmem:s11], $0x100, $0x38;
	[tilespmem:$0x1CC50] =	vst v63  }
0x2f8: {  	_ =	swait.ge [sflag:s18], $0x100  }
0x2f9: {  	[sflag:s18] =	ssyncset.done $0x0  }
0x2fa: {  	[sflag:s18] =	ssyncadd.s32 $0xFFFFFF00  }
0x2fb: {  	v0 =	vld [tilespmem:$0x92A0]  }
0x2fc: {  	v2 =	vld [tilespmem:$0x92B0]  }
0x2fd: {  	v3 =	vld [tilespmem:$0x92C0]  }
0x2fe: {  	v4 =	vld [tilespmem:$0x92D0]  }
0x2ff: {  	v5 =	vld [tilespmem:$0x92E0]  }
0x300: {  	v6 =	vld [tilespmem:$0x92F0];
	v0 =	vmax.f32 v0, $-3.000000010e+38  }
0x301: {  	v0 =	vmax.f32 v0, v2;
	v2 =	vld [tilespmem:$0x9300]  }
0x302: {  	v0 =	vmax.f32 v0, v3;
	v3 =	vld [tilespmem:$0x9310]  }
0x303: {  	v0 =	vmax.f32 v0, v4;
	v4 =	vld [tilespmem:$0x9320]  }
0x304: {  	v0 =	vmax.f32 v0, v5;
	v5 =	vld [tilespmem:$0x9330]  }
0x305: {  	v0 =	vmax.f32 v0, v6;
	v6 =	vld [tilespmem:$0x9340]  }
0x306: {  	v0 =	vmax.f32 v0, v2;
	v2 =	vld [tilespmem:$0x9350]  }
0x307: {  	v0 =	vmax.f32 v0, v3;
	v3 =	vld [tilespmem:$0x9360]  }
0x308: {  	v0 =	vmax.f32 v0, v4;
	v4 =	vld [tilespmem:$0x9370]  }
0x309: {  	v0 =	vmax.f32 v0, v5;
	v5 =	vld [tilespmem:$0x9380]  }
0x30a: {  	s13 =	simm.s32 $0x0;
	v0 =	vmax.f32 v0, v6;
	v6 =	vld [tilespmem:$0x9390]  }
0x30b: {  	v7 =	vld [tilespmem:s13+$0x4400];
	v0 =	vmax.f32 v0, v2  }
0x30c: {  	v0 =	vmax.f32 v0, v3  }
0x30d: {  	s14 =	simm.s32 $0x10;
	v0 =	vmax.f32 v0, v4  }
0x30e: {  	v3 =	vld [tilespmem:s14+$0x4400];
	v0 =	vmax.f32 v0, v5  }
0x30f: {  	v2 =	vmax.f32 v0, v6  }
0x310: {  	v0 =	vsub.f32 v7, v2;
	_ =	sdelay $0x1  }
0x311: {  	v0 =	vmul.f32 $1.442695020e+00, v0  }
0x312: {  	v3 =	vsub.f32 v3, v2  }
0x313: {  	(erf) = vpow2.f32 v0  }
0x314: {  	v5 =	vmul.f32 $1.442695020e+00, v3  }
0x315: {  	s4 =	simm.s32 $0x20  }
0x316: {  	v4 =	vld [tilespmem:s4+$0x4400];
	(erf) = vpow2.f32 v5;
	_ =	sdelay $0x2  }
0x317: {  	s3 =	simm.s32 $0xC0;
	v3 =	vimm.f32 $0.0e+00  }
.LBB2_8:
0x318: {  	p0 =	sne.s32 s3, $0x13840  }
.Ltmp3:
0x319: {  	s4 =	sshra.s32 s3, $0x2;
	s3 =	sadd.s32 $0x40, s3;
	v0 =	vsub.f32 v4, v2;
	(pc) =	sbr.rel @p0 .LBB2_8-.Ltmp3, $3  }
0x31a: {  	v4 =	vld [tilespmem:s4+$0x4400];
	v5 =	vpop (erf)  }
0x31b: {  	v0 =	vmul.f32 $1.442695020e+00, v0;
	v3 =	vadd.f32 v5, v3;
	_ =	sdelay $0x1  }
0x31c: {  	(erf) = vpow2.f32 v0  }
0x31d: {  	_ = 	snop  }
0x31e: {  	v0 =	vsub.f32 v4, v2;
	_ =	sdelay $0x1  }
0x31f: {  	v0 =	vmul.f32 $1.442695020e+00, v0;
	_ =	sdelay $0x1  }
0x320: {  	(erf) = vpow2.f32 v0;
	_ =	sdelay $0x4  }
0x321: {  	v0 =	vpop (erf)  }
0x322: {  	v0 =	vadd.f32 v0, v3  }
0x323: {  	v3 =	vpop (erf)  }
0x324: {  	v0 =	vadd.f32 v3, v0  }
0x325: {  	v3 =	vpop (erf)  }
0x326: {  	v0 =	vadd.f32 v3, v0;
	_ =	sdelay $0x1  }
0x327: {  	(xrf2) =	vadd.scan.msk.f32 $0xffff, v0;
	_ =	sdelay $0x9  }
0x328: {  	v0, _, _ =	vpop (xrf2)  }
0x329: {  	v0 =	vbroadcast v0, $0xF;
	_ =	sdelay $0x1  }
0x32a: {  	s3 =	rddreg [dreg:$0x8];
	[tilespmem:$0x93A0] =	vst v0  }
0x32b: {  	[spmem:s3] =	stream.linear.scatter [tilespmem:s28], [sflag:$0x4], $0x10, $0x38;
	[tilespmem:$0x1CC50] =	vst v63  }
0x32c: {  	_ =	swait.ge [sflag:s18], $0x10  }
0x32d: {  	[sflag:s18] =	ssyncset.done $0x0  }
0x32e: {  	[sflag:s18] =	ssyncadd.s32 $0xFFFFFFF0  }
0x32f: {  	[bflag:$0x0] =	sbarrier.arrive $0xFFFF  }
0x330: {  	s14 =	rddreg [dreg:$0x4]  }
0x331: {  	[tilespmem:s29], [sflag:$0x4] =	stream.linear.gather [spmem:s14], $0x100, $0x38;
	[tilespmem:$0x1CC50] =	vst v63  }
0x332: {  	_ =	swait.ge [sflag:s18], $0x100  }
0x333: {  	[sflag:s18] =	ssyncset.done $0x0  }
0x334: {  	[sflag:s18] =	ssyncadd.s32 $0xFFFFFF00  }
0x335: {  	v0 =	vld [tilespmem:$0x92A0];
	_ =	sdelay $0x1  }
0x336: {  	v3 =	vld [tilespmem:$0x92B0];
	_ =	sdelay $0x1  }
0x337: {  	v4 =	vld [tilespmem:$0x92C0]  }
0x338: {  	v0 =	vadd.f32 $0.0e+00, v0  }
0x339: {  	v5 =	vld [tilespmem:$0x92D0]  }
0x33a: {  	v0 =	vadd.f32 v3, v0  }
0x33b: {  	v3 =	vld [tilespmem:$0x92E0]  }
0x33c: {  	v0 =	vadd.f32 v4, v0  }
0x33d: {  	v4 =	vld [tilespmem:$0x92F0]  }
0x33e: {  	v0 =	vadd.f32 v5, v0  }
0x33f: {  	v5 =	vld [tilespmem:$0x9300]  }
0x340: {  	v0 =	vadd.f32 v3, v0  }
0x341: {  	v3 =	vld [tilespmem:$0x9310]  }
0x342: {  	v0 =	vadd.f32 v4, v0  }
0x343: {  	v4 =	vld [tilespmem:$0x9320]  }
0x344: {  	v0 =	vadd.f32 v5, v0  }
0x345: {  	v5 =	vld [tilespmem:$0x9330]  }
0x346: {  	v0 =	vadd.f32 v3, v0  }
0x347: {  	v3 =	vld [tilespmem:$0x9340]  }
0x348: {  	v0 =	vadd.f32 v4, v0  }
0x349: {  	v4 =	vld [tilespmem:$0x9350]  }
0x34a: {  	v0 =	vadd.f32 v5, v0  }
0x34b: {  	v5 =	vld [tilespmem:$0x9360]  }
0x34c: {  	v0 =	vadd.f32 v3, v0  }
0x34d: {  	v3 =	vld [tilespmem:$0x9370]  }
0x34e: {  	v0 =	vadd.f32 v4, v0  }
0x34f: {  	v4 =	vld [tilespmem:$0x9380]  }
0x350: {  	v0 =	vadd.f32 v5, v0  }
0x351: {  	v5 =	vld [tilespmem:$0x9390]  }
0x352: {  	v0 =	vadd.f32 v3, v0;
	_ =	sdelay $0x1  }
0x353: {  	v0 =	vadd.f32 v4, v0;
	_ =	sdelay $0x1  }
0x354: {  	v0 =	vadd.f32 v5, v0;
	_ =	sdelay $0x1  }
0x355: {  	(erf) = vrcp.f32 v0;
	_ =	sdelay $0x8  }
0x356: {  	s4 =	simm.s32 $0x0;
	s11 =	simm.s32 $0x40;
	s3 =	simm.s32 $0x0;
	v3 =	vpop (erf)  }
.LBB2_10:
0x357: {  	p0 =	sne.s32 s11, $0x13840;
	v0 =	vld [tilespmem:s4+$0x4400];
	_ =	sdelay $0x4  }
0x358: {  	v0 =	vsub.f32 v0, v2;
	_ =	sdelay $0x1  }
0x359: {  	v0 =	vmul.f32 $1.442695020e+00, v0;
	_ =	sdelay $0x1  }
0x35a: {  	(erf) = vpow2.f32 v0;
	_ =	sdelay $0x7  }
.Ltmp4:
0x35b: {  	(pc) =	sbr.rel @p0 .LBB2_10-.Ltmp4, $3  }
0x35c: {  	v0 =	vpop (erf)  }
0x35d: {  	v0 =	vmul.f32 v0, v3;
	_ =	sdelay $0x1  }
0x35e: {  	[tilespmem:s4+$0x4400] =	vst v0;
	s4 =	sshra.s32 s11, $0x2;
	s11 =	sadd.s32 $0x40, s11  }
0x35f: {  	v0 =	vld [tilespmem:s4+$0x4400];
	_ =	sdelay $0x4  }
0x360: {  	v0 =	vsub.f32 v0, v2;
	_ =	sdelay $0x1  }
0x361: {  	v0 =	vmul.f32 $1.442695020e+00, v0;
	_ =	sdelay $0x1  }
0x362: {  	(erf) = vpow2.f32 v0;
	_ =	sdelay $0x8  }
0x363: {  	v0 =	vpop (erf)  }
0x364: {  	v0 =	vmul.f32 v0, v3;
	_ =	sdelay $0x1  }
0x365: {  	[tilespmem:s4+$0x4400] =	vst v0;
	s4 =	simm.s32 $0x0  }
.LBB2_12:
0x366: {  	s11 =	sshll.u32 s4, $0x5  }
0x367: {  	s11 =	sadd.s32 s10, s11  }
0x368: {  	s11 =	sshrl.u32 s11, $0x3  }
0x369: {  	s13 =	simm.s32 $0x0;
	s11 =	sadd.s32 s1, s11  }
0x36a: {  	[tilespmem:s19], [sflag:$0x4] =	stream.linear.gather [hbm4b:s11+s13], $0x20, $0x38;
	[tilespmem:$0x1CC50] =	vst v63  }
0x36b: {  	_ =	swait.ge [sflag:s18], $0x20  }
0x36c: {  	[sflag:s18] =	ssyncset.done $0x0  }
0x36d: {  	s11 =	sadd.s32 $0x9C40, s11;
	[sflag:s18] =	ssyncadd.s32 $0xFFFFFFE0  }
0x36e: {  	[tilespmem:s20], [sflag:$0x4] =	stream.linear.gather [hbm4b:s11+s13], $0x20, $0x38;
	[tilespmem:$0x1CC50] =	vst v63  }
0x36f: {  	_ =	swait.ge [sflag:s18], $0x20  }
0x370: {  	[sflag:s18] =	ssyncset.done $0x0  }
0x371: {  	[sflag:s18] =	ssyncadd.s32 $0xFFFFFFE0  }
0x372: {  	v0 =	vld [tilespmem:$0x9220]  }
0x373: {  	v2 =	vld [tilespmem:$0x9230];
	_ =	sdelay $0x3  }
0x374: {  	v0 =	vadd.s32 v15, v0  }
0x375: {  	s14 =	sadd.s32 $0x0, s3;
	[tilespmem:$0x9260] =	vst v0;
	v0 =	vadd.s32 v15, v2  }
0x376: {  	s13 =	simm.s32 $0x0;
	[tilespmem:$0x9270] =	vst v0;
	v0 =	vmov s14  }
0x377: {  	v3 =	vor.u32 s13, v57;
	[tilespmem:s30], [sflag:$0x3] =	stream.indirect.gather [hbm4b:s9+s21], $0x80, s22, s21, $0xb8;
	[tilespmem:$0x1CC50] =	vst v63  }
0x378: {  	_ =	swait.ge [sflag:s31], $0x1000  }
0x379: {  	[sflag:s31] =	ssyncset.done $0x0  }
0x37a: {  	[sflag:s31] =	ssyncadd.s32 $0xFFFFF000  }
0x37b: {  	v0 =	vld.idx.msk [tilespmem:v0+s0+$0x0], $0xffff  }
0x37c: {  	v4 =	vld.idx.msk [tilespmem:v3+s30+$0x0], $0xffff;
	_ =	sdelay $0x1  }
0x37d: {  	v2 =	vor.u32 $0x10, v57  }
0x37e: {  	v5 =	vor.u32 s13, v2;
	_ =	sdelay $0x1  }
0x37f: {  	v4 =	vmul.f32 v4, v0;
	_ =	sdelay $0x1  }
0x380: {  	[tilespmem:v3+s30+$0x0] =	vst.idx.msk $0xffff, v4  }
0x381: {  	v3 =	vld.idx.msk [tilespmem:v5+s30+$0x0], $0xffff;
	_ =	sdelay $0x1  }
0x382: {  	v7 =	vor.u32 $0x20, v57  }
0x383: {  	v4 =	vor.u32 s13, v7;
	_ =	sdelay $0x1  }
0x384: {  	v3 =	vmul.f32 v3, v0;
	_ =	sdelay $0x1  }
0x385: {  	[tilespmem:v5+s30+$0x0] =	vst.idx.msk $0xffff, v3  }
0x386: {  	v3 =	vld.idx.msk [tilespmem:v4+s30+$0x0], $0xffff;
	_ =	sdelay $0x1  }
0x387: {  	v8 =	vor.u32 $0x30, v57  }
0x388: {  	v5 =	vor.u32 s13, v8;
	_ =	sdelay $0x1  }
0x389: {  	v3 =	vmul.f32 v3, v0;
	_ =	sdelay $0x1  }
0x38a: {  	[tilespmem:v4+s30+$0x0] =	vst.idx.msk $0xffff, v3  }
0x38b: {  	v4 =	vld.idx.msk [tilespmem:v5+s30+$0x0], $0xffff;
	_ =	sdelay $0x1  }
0x38c: {  	v3 =	vor.u32 $0x40, v57  }
0x38d: {  	v6 =	vor.u32 s13, v3;
	_ =	sdelay $0x1  }
0x38e: {  	v4 =	vmul.f32 v4, v0;
	_ =	sdelay $0x1  }
0x38f: {  	[tilespmem:v5+s30+$0x0] =	vst.idx.msk $0xffff, v4  }
0x390: {  	v5 =	vld.idx.msk [tilespmem:v6+s30+$0x0], $0xffff;
	_ =	sdelay $0x1  }
0x391: {  	v4 =	vor.u32 $0x50, v57  }
0x392: {  	v9 =	vor.u32 s13, v4;
	_ =	sdelay $0x1  }
0x393: {  	v5 =	vmul.f32 v5, v0;
	_ =	sdelay $0x1  }
0x394: {  	[tilespmem:v6+s30+$0x0] =	vst.idx.msk $0xffff, v5  }
0x395: {  	v6 =	vld.idx.msk [tilespmem:v9+s30+$0x0], $0xffff;
	_ =	sdelay $0x1  }
0x396: {  	v5 =	vor.u32 $0x60, v57  }
0x397: {  	v10 =	vor.u32 s13, v5;
	_ =	sdelay $0x1  }
0x398: {  	v6 =	vmul.f32 v6, v0;
	_ =	sdelay $0x1  }
0x399: {  	[tilespmem:v9+s30+$0x0] =	vst.idx.msk $0xffff, v6  }
0x39a: {  	v9 =	vld.idx.msk [tilespmem:v10+s30+$0x0], $0xffff;
	_ =	sdelay $0x1  }
0x39b: {  	v6 =	vor.u32 $0x70, v57  }
0x39c: {  	v11 =	vor.u32 s13, v6;
	_ =	sdelay $0x1  }
0x39d: {  	v9 =	vmul.f32 v9, v0;
	_ =	sdelay $0x1  }
0x39e: {  	[tilespmem:v10+s30+$0x0] =	vst.idx.msk $0xffff, v9  }
0x39f: {  	v14 =	vld.idx.msk [tilespmem:v11+s30+$0x0], $0xffff;
	_ =	sdelay $0x1  }
0x3a0: {  	s14 =	sadd.s32 $0x1, s3  }
0x3a1: {  	s11 =	simm.s32 $0x80;
	v13 =	vmov s14  }
0x3a2: {  	v12 =	vor.u32 s11, v57  }
0x3a3: {  	s13 =	simm.s32 $0x2;
	v10 =	vor.u32 s11, v7;
	v9 =	vor.u32 s11, v8;
	v14 =	vmul.f32 v14, v0  }
.LBB2_13:
0x3a4: {  	_ = 	snop  }
0x3a5: {  	p0 =	sne.s32 s13, $0x1F;
	s14 =	smov.u32 s13;
	s13 =	sadd.s32 $0x1, s13;
	[tilespmem:v11+s30+$0x0] =	vst.idx.msk $0xffff, v14  }
0x3a6: {  	v0 =	vld.idx.msk [tilespmem:v13+s0+$0x0], $0xffff  }
0x3a7: {  	v11 =	vld.idx.msk [tilespmem:v12+s30+$0x0], $0xffff;
	_ =	sdelay $0x3  }
0x3a8: {  	v13 =	vor.u32 s11, v2;
	_ =	sdelay $0x1  }
0x3a9: {  	v11 =	vmul.f32 v11, v0;
	_ =	sdelay $0x1  }
0x3aa: {  	[tilespmem:v12+s30+$0x0] =	vst.idx.msk $0xffff, v11  }
0x3ab: {  	v11 =	vld.idx.msk [tilespmem:v13+s30+$0x0], $0xffff;
	_ =	sdelay $0x5  }
0x3ac: {  	v11 =	vmul.f32 v11, v0;
	_ =	sdelay $0x1  }
0x3ad: {  	[tilespmem:v13+s30+$0x0] =	vst.idx.msk $0xffff, v11  }
0x3ae: {  	v11 =	vld.idx.msk [tilespmem:v10+s30+$0x0], $0xffff;
	_ =	sdelay $0x5  }
0x3af: {  	v11 =	vmul.f32 v11, v0;
	_ =	sdelay $0x1  }
0x3b0: {  	[tilespmem:v10+s30+$0x0] =	vst.idx.msk $0xffff, v11  }
0x3b1: {  	v10 =	vld.idx.msk [tilespmem:v9+s30+$0x0], $0xffff;
	_ =	sdelay $0x3  }
0x3b2: {  	v11 =	vor.u32 s11, v3;
	_ =	sdelay $0x1  }
0x3b3: {  	v10 =	vmul.f32 v10, v0;
	_ =	sdelay $0x1  }
0x3b4: {  	[tilespmem:v9+s30+$0x0] =	vst.idx.msk $0xffff, v10  }
0x3b5: {  	v9 =	vld.idx.msk [tilespmem:v11+s30+$0x0], $0xffff;
	_ =	sdelay $0x3  }
0x3b6: {  	v10 =	vor.u32 s11, v4;
	_ =	sdelay $0x1  }
0x3b7: {  	v9 =	vmul.f32 v9, v0;
	_ =	sdelay $0x1  }
0x3b8: {  	[tilespmem:v11+s30+$0x0] =	vst.idx.msk $0xffff, v9  }
0x3b9: {  	v9 =	vld.idx.msk [tilespmem:v10+s30+$0x0], $0xffff;
	_ =	sdelay $0x3  }
0x3ba: {  	v12 =	vor.u32 s11, v5;
	_ =	sdelay $0x1  }
0x3bb: {  	v9 =	vmul.f32 v9, v0;
	_ =	sdelay $0x1  }
0x3bc: {  	[tilespmem:v10+s30+$0x0] =	vst.idx.msk $0xffff, v9  }
0x3bd: {  	v9 =	vld.idx.msk [tilespmem:v12+s30+$0x0], $0xffff;
	_ =	sdelay $0x3  }
0x3be: {  	v11 =	vor.u32 s11, v6;
	_ =	sdelay $0x1  }
0x3bf: {  	v9 =	vmul.f32 v9, v0;
	_ =	sdelay $0x1  }
0x3c0: {  	[tilespmem:v12+s30+$0x0] =	vst.idx.msk $0xffff, v9  }
0x3c1: {  	v14 =	vld.idx.msk [tilespmem:v11+s30+$0x0], $0xffff;
	_ =	sdelay $0x1  }
.Ltmp5:
0x3c2: {  	(pc) =	sbr.rel @p0 .LBB2_13-.Ltmp5, $4  }
0x3c3: {  	s11 =	sadd.s32 s14, s3  }
0x3c4: {  	v13 =	vmov s11;
	s11 =	sshll.u32 s14, $0x7  }
0x3c5: {  	v10 =	vor.u32 s11, v7;
	v12 =	vor.u32 s11, v57;
	v9 =	vor.u32 s11, v8  }
0x3c6: {  	v14 =	vmul.f32 v14, v0  }
0x3c7: {  	_ =	sdelay $0x3  }
0x3c8: {  	[tilespmem:v11+s30+$0x0] =	vst.idx.msk $0xffff, v14  }
0x3c9: {  	v0 =	vld.idx.msk [tilespmem:v13+s0+$0x0], $0xffff  }
0x3ca: {  	v7 =	vld.idx.msk [tilespmem:v12+s30+$0x0], $0xffff;
	_ =	sdelay $0x2  }
0x3cb: {  	v2 =	vor.u32 s11, v2;
	_ =	sdelay $0x1  }
0x3cc: {  	v7 =	vmul.f32 v7, v0;
	_ =	sdelay $0x1  }
0x3cd: {  	[tilespmem:v12+s30+$0x0] =	vst.idx.msk $0xffff, v7  }
0x3ce: {  	v7 =	vld.idx.msk [tilespmem:v2+s30+$0x0], $0xffff;
	_ =	sdelay $0x4  }
0x3cf: {  	v7 =	vmul.f32 v7, v0;
	_ =	sdelay $0x1  }
0x3d0: {  	[tilespmem:v2+s30+$0x0] =	vst.idx.msk $0xffff, v7  }
0x3d1: {  	v2 =	vld.idx.msk [tilespmem:v10+s30+$0x0], $0xffff;
	_ =	sdelay $0x4  }
0x3d2: {  	v2 =	vmul.f32 v2, v0;
	_ =	sdelay $0x1  }
0x3d3: {  	[tilespmem:v10+s30+$0x0] =	vst.idx.msk $0xffff, v2  }
0x3d4: {  	v2 =	vld.idx.msk [tilespmem:v9+s30+$0x0], $0xffff;
	_ =	sdelay $0x2  }
0x3d5: {  	v3 =	vor.u32 s11, v3;
	_ =	sdelay $0x1  }
0x3d6: {  	v2 =	vmul.f32 v2, v0;
	_ =	sdelay $0x1  }
0x3d7: {  	[tilespmem:v9+s30+$0x0] =	vst.idx.msk $0xffff, v2  }
0x3d8: {  	v2 =	vld.idx.msk [tilespmem:v3+s30+$0x0], $0xffff;
	_ =	sdelay $0x2  }
0x3d9: {  	v4 =	vor.u32 s11, v4;
	_ =	sdelay $0x1  }
0x3da: {  	v2 =	vmul.f32 v2, v0;
	_ =	sdelay $0x1  }
0x3db: {  	[tilespmem:v3+s30+$0x0] =	vst.idx.msk $0xffff, v2  }
0x3dc: {  	v2 =	vld.idx.msk [tilespmem:v4+s30+$0x0], $0xffff;
	_ =	sdelay $0x2  }
0x3dd: {  	v3 =	vor.u32 s11, v5;
	_ =	sdelay $0x1  }
0x3de: {  	v2 =	vmul.f32 v2, v0;
	_ =	sdelay $0x1  }
0x3df: {  	[tilespmem:v4+s30+$0x0] =	vst.idx.msk $0xffff, v2  }
0x3e0: {  	v2 =	vld.idx.msk [tilespmem:v3+s30+$0x0], $0xffff;
	_ =	sdelay $0x2  }
0x3e1: {  	v58 =	vor.u32 s11, v6;
	_ =	sdelay $0x1  }
0x3e2: {  	v2 =	vmul.f32 v2, v0;
	_ =	sdelay $0x1  }
0x3e3: {  	[tilespmem:v3+s30+$0x0] =	vst.idx.msk $0xffff, v2  }
0x3e4: {  	v2 =	vld.idx.msk [tilespmem:v58+s30+$0x0], $0xffff;
	_ =	sdelay $0x4  }
0x3e5: {  	s4 =	sadd.s32 $0x1, s4;
	v0 =	vmul.f32 v2, v0  }
0x3e6: {  	p0 =	sne.s32 s4, $0x271  }
.Ltmp6:
0x3e7: {  	[tilespmem:v58+s30+$0x0] =	vst.idx.msk $0xffff, v0;
	(pc) =	sbr.rel @p0 .LBB2_12-.Ltmp6, $4  }
0x3e8: {  	[spmem:s2] =	stream.indirect.scatter.add.f32 [tilespmem:s30], [sflag:$0x4], $0x80, s20, s21, $0xb8;
	[tilespmem:$0x1CC50] =	vst v63  }
0x3e9: {  	_ =	swait.ge [sflag:s18], $0x1000  }
0x3ea: {  	[sflag:s18] =	ssyncset.done $0x0  }
0x3eb: {  	s3 =	sadd.s32 $0x20, s3;
	[sflag:s18] =	ssyncadd.s32 $0xFFFFF000  }
0x3ec: {  	s6 =	sadd.s32 $0x1, s6  }
0x3ed: {  	p0 =	sne.s32 s6, s16  }
.Ltmp7:
0x3ee: {  	[bflag:$0x0] =	sbarrier.arrive $0xFFFF;
	(pc) =	sbr.rel @p0 .LBB2_1-.Ltmp7, $4  }
0x3ef: {  	[hbm:s15], [sflag:s12] =	dma.local [spmem:s17], $0x2800  }
0x3f0: {  	_ =	swait.ge [sflag:s18], $0x2800  }
0x3f1: {  	[sflag:s18] =	ssyncset.done $0x0  }
0x3f2: {  	[sflag:s18] =	ssyncadd.s32 $0xFFFFD800  }
0x3f3: {  	_ =	sfence.sel $0x180000  }
0x3f4: {  	[bflag:$0x0] =	sbarrier.arrive $0xFFFF  }
0x3f5: {  	_ =	strace $0x90000047  }
0x3f6: {  	s0 =	stileid.u32;
	[bflag:$0x2] =	sbarrier.arrive $0xFFFF  }
0x3f7: {  	p0 =	sne.s32 s0, $0x0;
	s0 =	rddreg [dreg:$0x5]  }
0x3f8: {  	s0 =	sadd.s32 @!p0 $0x100000, s0  }
0x3f9: {  	[sflag:s0] =	ssyncadd.tile.s32 @!p0 $0x1;
	_ =	shalt  }
.Lfunc_end2:
_tile_overlayer_lowered:
.L_overlay_start_2:
0x3fa: {  	(tag) =	ssettag $0x2  }
0x3fb: {  	s0 =	rddreg [dreg:$0x0];
	s2 =	stileid.u32  }
0x3fc: {  	s1 =	rddreg [dreg:$0x1];
	p0 =	sne.s32 s2, $0x0  }
0x3fd: {  	s3 =	rddreg [dreg:$0x2];
	[bflag:$0x3] =	sbarrier.arrive $0xFFFF;
	s2 =	simm.s32 @!p0 $0x1C04  }
0x3fe: {  	[timem:s3], [sflag:s2] =	dma.local @!p0 [hbm:s0], s1  }
0x3ff: {  	s0 =	simm.s32 @!p0 $0x4  }
0x400: {  	_ =	swait.ge @!p0 [sflag:s0], s1  }
0x401: {  	s1 =	ssub.s32 @!p0 $0x0, s1;
	[sflag:s0] =	ssyncset.done @!p0 $0x0  }
0x402: {  	[sflag:s0] =	ssyncadd.s32 @!p0 s1  }
0x403: {  	[bflag:$0x3] =	sbarrier.arrive $0xFFFF  }
0x404: {  	_ =	shalt  }

</sc_bundles>
